<compile_context>
chip_gen: v7x
topology: tpu7x:2x2x1
jax: 0.10.2.dev20260603
libtpu: 0.0.44.dev20260713+nightly
codegen_flags: <defaults>
</compile_context>

<pallas_src>
import functools

import jax
import jax.numpy as jnp
from jax import lax
from jax.experimental import pallas as pl
from jax.experimental.pallas import tpu as pltpu
from jax.experimental.pallas import tpu_sc as plsc

PAD = 1
BATCH = 4
SEQ = 8192
DIM = 1024
TOKENS = BATCH * SEQ
NC, NS, L = 2, 16, 16
NW = NC * NS
CHUNK = TOKENS // NW
WPR = SEQ // CHUNK
GROUPS = CHUNK // L
PADF = CHUNK
SBUF = PADF + CHUNK + L
R = 32
NSUB = CHUNK // R
NBUF = 3


def _emb_body(ids_hbm, table_hbm, out_hbm, ids_v, pos_v, tot_v, all_v,
              shared, sa, sb, rows0, rows1, rows2,
              gs0, gs1, gs2, os0, os1, os2):
    c = lax.axis_index("c")
    s = lax.axis_index("s")
    wid = c * NS + s
    off = wid * CHUNK

    pltpu.sync_copy(ids_hbm.at[pl.ds(off, CHUNK)], ids_v)

    zero = jnp.zeros((L,), jnp.int32)

    sa[pl.ds(PADF - L, L)] = zero
    sb[pl.ds(PADF - L, L)] = zero

    def seed_body(j, _):
        v = ids_v[pl.ds(j * L, L)]
        sa[pl.ds(PADF + j * L, L)] = jnp.minimum(jnp.abs(v - PAD), 1)
        return 0

    lax.fori_loop(0, GROUPS, seed_body, 0)
    sa[pl.ds(PADF + CHUNK, L)] = zero

    bufs = [sa, sb]
    k = 1
    for r in range(4):
        cur, nxt = bufs[r % 2], bufs[(r + 1) % 2]

        def d_body(j, _, cur=cur, nxt=nxt, kk=k):
            p = PADF + j * L
            nxt[pl.ds(p, L)] = cur[pl.ds(p, L)] + cur[pl.ds(p - kk, L)]
            return 0

        lax.fori_loop(0, GROUPS + 1, d_body, 0)
        k *= 2

    def chain_body(j, _):
        p = PADF + j * L
        sa[pl.ds(p, L)] = sa[pl.ds(p, L)] + sa[pl.ds(p - L, L)]
        return 0

    lax.fori_loop(0, GROUPS + 1, chain_body, 0)

    res = sa

    tot_v[...] = res[pl.ds(PADF + CHUNK, L)]
    pltpu.sync_copy(tot_v, shared.at[s])
    plsc.subcore_barrier()
    pltpu.sync_copy(shared, all_v)

    row_start = (s // WPR) * WPR
    base = jnp.zeros((L,), jnp.int32)
    for i in range(NS):
        cond = jnp.logical_and(i >= row_start, i < s).astype(jnp.int32)
        base = base + all_v[i] * cond

    def fin_body(j, _):
        v = ids_v[pl.ds(j * L, L)]
        m = jnp.minimum(jnp.abs(v - PAD), 1)
        pos_v[pl.ds(j * L, L)] = (res[pl.ds(PADF + j * L, L)] + base) * m + 1
        return 0

    lax.fori_loop(0, GROUPS, fin_body, 0)

    rows = (rows0, rows1, rows2)
    gsem = (gs0, gs1, gs2)
    osem = (os0, os1, os2)

    def start_g(i):
        b = i % NBUF
        return pltpu.async_copy(
            table_hbm.at[pos_v.at[pl.ds(i * R, R)]], rows[b], gsem[b])

    def start_o(i):
        b = i % NBUF
        return pltpu.async_copy(
            rows[b], out_hbm.at[pl.ds(off + i * R, R)], osem[b])

    hg = [None] * NSUB
    ho = [None] * NSUB
    for p in range(NBUF - 1):
        hg[p] = start_g(p)
    for i in range(NSUB):
        hg[i].wait()
        nx = i + NBUF - 1
        if nx < NSUB:
            if nx - NBUF >= 0:
                ho[nx - NBUF].wait()
            hg[nx] = start_g(nx)
        ho[i] = start_o(i)
    for i in range(max(0, NSUB - NBUF), NSUB):
        ho[i].wait()


@jax.jit
def kernel(input_ids, weights):
    ids_flat = input_ids.reshape(TOKENS).astype(jnp.int32)
    mesh = plsc.VectorSubcoreMesh(core_axis_name="c", subcore_axis_name="s")
    run = functools.partial(
        pl.kernel,
        mesh=mesh,
        out_type=jax.ShapeDtypeStruct((TOKENS, DIM), jnp.float32),
        scratch_types=[
            pltpu.VMEM((CHUNK,), jnp.int32),
            pltpu.VMEM((CHUNK,), jnp.int32),
            pltpu.VMEM((L,), jnp.int32),
            pltpu.VMEM((NS, L), jnp.int32),
            pltpu.VMEM_SHARED((NS, L), jnp.int32),
            pltpu.VMEM((SBUF,), jnp.int32),
            pltpu.VMEM((SBUF,), jnp.int32),
            pltpu.VMEM((R, DIM), jnp.float32),
            pltpu.VMEM((R, DIM), jnp.float32),
            pltpu.VMEM((R, DIM), jnp.float32),
            pltpu.SemaphoreType.DMA,
            pltpu.SemaphoreType.DMA,
            pltpu.SemaphoreType.DMA,
            pltpu.SemaphoreType.DMA,
            pltpu.SemaphoreType.DMA,
            pltpu.SemaphoreType.DMA,
        ],
    )(_emb_body)
    out = run(ids_flat, weights)
    return out.reshape(BATCH, SEQ, DIM)

# --- scband reference (transcript-rebuilt; emitter-appended) ---
"""Pipeline reference for scband-m2-m100-sinusoidal-positional-embedding-55327768708095 (READ-ONLY COPY).

The authoritative reference and input builder live on the scoring server;
editing this copy changes nothing except your own understanding.
"""

import math
import jax, jax.numpy as jnp
import numpy as np

PADDING_IDX = 1
NUM_POSITIONS = 8192
EMBED_DIM = 1024
OFFSET = 2
BATCH = 4
SEQ_LEN = 8192
VOCAB = 128112
PAST_KV_LEN = 0


def get_embedding(num_embeddings, embedding_dim, padding_idx):
    half_dim = embedding_dim // 2
    emb_scale = math.log(10000.0) / (half_dim - 1)
    emb = jnp.exp(jnp.arange(half_dim, dtype=jnp.float32) * -emb_scale)
    emb = jnp.arange(num_embeddings, dtype=jnp.float32)[:, None] * emb[None, :]
    emb = jnp.concatenate([jnp.sin(emb), jnp.cos(emb)], axis=1).reshape(num_embeddings, -1)
    if embedding_dim % 2 == 1:
        emb = jnp.concatenate([emb, jnp.zeros((num_embeddings, 1), dtype=jnp.float32)], axis=1)
    if padding_idx is not None:
        emb = emb.at[padding_idx, :].set(0.0)
    return emb.astype(jnp.float32)


def setup_inputs(seed: int = 0) -> dict:
    key = jax.random.key(seed)
    k1, _ = jax.random.split(key)
    input_ids = jax.random.randint(k1, (BATCH, SEQ_LEN), 0, VOCAB, dtype=jnp.int32)
    weights = get_embedding(NUM_POSITIONS + OFFSET, EMBED_DIM, PADDING_IDX)
    return {"input_ids": input_ids, "weights": weights}


def reference(input_ids, weights):
    bsz, seq_len = input_ids.shape
    # create_position_ids_from_input_ids
    mask = (input_ids != PADDING_IDX).astype(jnp.int32)
    incremental_indices = (jnp.cumsum(mask, axis=1).astype(jnp.int32) + PAST_KV_LEN) * mask
    position_ids = incremental_indices.astype(jnp.int32) + PADDING_IDX
    # gather from sinusoidal table
    out = jnp.take(weights, position_ids.reshape(-1), axis=0)
    return out.reshape(bsz, seq_len, weights.shape[-1])

if __name__ == "__main__":
    import jax
    _d = setup_inputs()
    print(jax.jit(kernel)(*tuple(_d.values())))

</pallas_src>

<mosaic_0001>
#map = affine_map<(d0, d1) -> (0)>
#map1 = affine_map<(d0, d1) -> (0, 0)>
module attributes {stable_mosaic.version = 14 : i64} {
  func.func @_emb_body(%arg0: i32, %arg1: i32, %arg2: memref<32768xi32, #tpu.memory_space<hbm>>, %arg3: memref<8194x1024xf32, #tpu.memory_space<hbm>>, %arg4: memref<32768x1024xf32, #tpu.memory_space<hbm>>, %arg5: memref<1024xi32, #tpu.memory_space<vmem>>, %arg6: memref<1024xi32, #tpu.memory_space<vmem>>, %arg7: memref<16xi32, #tpu.memory_space<vmem>>, %arg8: memref<16x16xi32, #tpu.memory_space<vmem>>, %arg9: memref<16x16xi32, #tpu.memory_space<vmem_shared>>, %arg10: memref<2064xi32, #tpu.memory_space<vmem>>, %arg11: memref<2064xi32, #tpu.memory_space<vmem>>, %arg12: memref<32x1024xf32, #tpu.memory_space<vmem>>, %arg13: memref<32x1024xf32, #tpu.memory_space<vmem>>, %arg14: memref<32x1024xf32, #tpu.memory_space<vmem>>, %arg15: memref<!tpu.dma_semaphore, #tpu.memory_space<semaphore_mem>>, %arg16: memref<!tpu.dma_semaphore, #tpu.memory_space<semaphore_mem>>, %arg17: memref<!tpu.dma_semaphore, #tpu.memory_space<semaphore_mem>>, %arg18: memref<!tpu.dma_semaphore, #tpu.memory_space<semaphore_mem>>, %arg19: memref<!tpu.dma_semaphore, #tpu.memory_space<semaphore_mem>>, %arg20: memref<!tpu.dma_semaphore, #tpu.memory_space<semaphore_mem>>) attributes {dimension_semantics = [#tpu.dimension_semantics<core_parallel>, #tpu.dimension_semantics<subcore_parallel>], iteration_bounds = array<i64: 2, 16>, scalar_prefetch = 0 : i64, scratch_operands = 16 : i64, tpu.core_type = #tpu.core_type<sc_vector_subcore>, window_params = [{transform_indices = #map}, {transform_indices = #map1}, {transform_indices = #map1}]} {
    %mul3A = arith.constant 16 : i32
    %mul3A_0 = arith.muli %arg0, %mul3A : i32
    %add3A = arith.addi %mul3A_0, %arg1 : i32
    %mul3A_1 = arith.constant 1024 : i32
    %mul3A_2 = arith.muli %add3A, %mul3A_1 : i32
    "tpu.region"() ({
      %run_scoped3A = tpu.sem_alloc : memref<!tpu.dma_semaphore, #tpu.memory_space<semaphore_mem>>
      %dma_start3A_948 = tpu.memref_slice %arg2[%mul3A_2] : memref<32768xi32, #tpu.memory_space<hbm>> -> memref<1024xi32, #tpu.memory_space<hbm>>
      %dma_start3A_949 = tpu.memref_slice %arg2[%mul3A_2] : memref<32768xi32, #tpu.memory_space<hbm>> -> memref<1024xi32, #tpu.memory_space<hbm>>
      tpu.enqueue_dma source(%dma_start3A_949 : memref<1024xi32, #tpu.memory_space<hbm>>) target(%arg5 : memref<1024xi32, #tpu.memory_space<vmem>>) target_semaphore(%run_scoped3A : memref<!tpu.dma_semaphore, #tpu.memory_space<semaphore_mem>>)
      %dma_wait3A_950 = tpu.memref_slice %arg2[%mul3A_2] : memref<32768xi32, #tpu.memory_space<hbm>> -> memref<1024xi32, #tpu.memory_space<hbm>>
      %dma_wait3A_951 = tpu.memref_slice %arg2[%mul3A_2] : memref<32768xi32, #tpu.memory_space<hbm>> -> memref<1024xi32, #tpu.memory_space<hbm>>
      tpu.wait_dma2 semaphore(%run_scoped3A : memref<!tpu.dma_semaphore, #tpu.memory_space<semaphore_mem>>) src(%dma_wait3A_951 : memref<1024xi32, #tpu.memory_space<hbm>>) dst(%arg5 : memref<1024xi32, #tpu.memory_space<vmem>>)
      tpu.yield
    }) : () -> ()
    %broadcast_in_dim3A = arith.constant 0 : i32
    %broadcast_in_dim3A_3 = vector.broadcast %broadcast_in_dim3A : i32 to vector<16xi32>
    %swap3A = arith.constant 1008 : index
    %swap3A_4 = tpu.vector_load %arg10[%swap3A] {strides = array<i32>} : memref<2064xi32, #tpu.memory_space<vmem>>, vector<16xi32>,
    %swap3A_5 = vector.shape_cast %swap3A_4 : vector<16xi32> to vector<16xi32>
    %swap3A_6 = vector.shape_cast %broadcast_in_dim3A_3 : vector<16xi32> to vector<16xi32>
    tpu.vector_store %arg10[%swap3A], %swap3A_6 {strides = array<i32>} : memref<2064xi32, #tpu.memory_space<vmem>>, vector<16xi32>,
    %swap3A_7 = arith.constant 1008 : index
    %swap3A_8 = tpu.vector_load %arg11[%swap3A_7] {strides = array<i32>} : memref<2064xi32, #tpu.memory_space<vmem>>, vector<16xi32>,
    %swap3A_9 = vector.shape_cast %swap3A_8 : vector<16xi32> to vector<16xi32>
    %swap3A_10 = vector.shape_cast %broadcast_in_dim3A_3 : vector<16xi32> to vector<16xi32>
    tpu.vector_store %arg11[%swap3A_7], %swap3A_10 {strides = array<i32>} : memref<2064xi32, #tpu.memory_space<vmem>>, vector<16xi32>,
    %scan3A = arith.constant 0 : i32
    %scan3A_11 = arith.constant 0 : i32
    %scan3A_12 = arith.constant 64 : i32
    %scan3A_13 = arith.addi %scan3A_11, %scan3A_12 : i32
    %scan3A_14 = arith.constant 1 : i32
    %scan3A_15 = scf.for %scan3A_948 = %scan3A_11 to %scan3A_13 step %scan3A_14 iter_args(%scan3A_949 = %scan3A) -> (i32)  : i32 {
      %mul3A_950 = arith.constant 16 : i32
      %mul3A_951 = arith.muli %scan3A_948, %mul3A_950 : i32
      %get3A_952 = arith.index_cast %mul3A_951 : i32 to index
      %get3A_953 = tpu.vector_load %arg5[%get3A_952] {strides = array<i32>} : memref<1024xi32, #tpu.memory_space<vmem>>, vector<16xi32>,
      %get3A_954 = vector.shape_cast %get3A_953 : vector<16xi32> to vector<16xi32>
      %sub3A_955 = arith.constant 1 : i32
      %sub3A_956 = vector.broadcast %sub3A_955 : i32 to vector<16xi32>
      %sub3A_957 = arith.subi %get3A_954, %sub3A_956 : vector<16xi32>
      %abs3A = math.absi %sub3A_957 : vector<16xi32>
      %min3A = arith.constant 1 : i32
      %min3A_958 = vector.broadcast %min3A : i32 to vector<16xi32>
      %min3A_959 = arith.minsi %abs3A, %min3A_958 : vector<16xi32>
      %mul3A_960 = arith.constant 16 : i32
      %mul3A_961 = arith.muli %scan3A_948, %mul3A_960 : i32
      %add3A_962 = arith.constant 1024 : i32
      %add3A_963 = arith.addi %add3A_962, %mul3A_961 : i32
      %swap3A_964 = arith.index_cast %add3A_963 : i32 to index
      %swap3A_965 = tpu.vector_load %arg10[%swap3A_964] {strides = array<i32>} : memref<2064xi32, #tpu.memory_space<vmem>>, vector<16xi32>,
      %swap3A_966 = vector.shape_cast %swap3A_965 : vector<16xi32> to vector<16xi32>
      %swap3A_967 = vector.shape_cast %min3A_959 : vector<16xi32> to vector<16xi32>
      tpu.vector_store %arg10[%swap3A_964], %swap3A_967 {strides = array<i32>} : memref<2064xi32, #tpu.memory_space<vmem>>, vector<16xi32>,
      %scan3A_968 = arith.constant 0 : i32
      scf.yield %scan3A_968 : i32
    }
    %scan3A_16 = arith.constant 64 : i32
    %swap3A_17 = arith.constant 2048 : index
    %swap3A_18 = tpu.vector_load %arg10[%swap3A_17] {strides = array<i32>} : memref<2064xi32, #tpu.memory_space<vmem>>, vector<16xi32>,
    %swap3A_19 = vector.shape_cast %swap3A_18 : vector<16xi32> to vector<16xi32>
    %swap3A_20 = vector.shape_cast %broadcast_in_dim3A_3 : vector<16xi32> to vector<16xi32>
    tpu.vector_store %arg10[%swap3A_17], %swap3A_20 {strides = array<i32>} : memref<2064xi32, #tpu.memory_space<vmem>>, vector<16xi32>,
    %scan3A_21 = arith.constant 0 : i32
    %scan3A_22 = arith.constant 0 : i32
    %scan3A_23 = arith.constant 65 : i32
    %scan3A_24 = arith.addi %scan3A_22, %scan3A_23 : i32
    %scan3A_25 = arith.constant 1 : i32
    %scan3A_26 = scf.for %scan3A_948 = %scan3A_22 to %scan3A_24 step %scan3A_25 iter_args(%scan3A_949 = %scan3A_21) -> (i32)  : i32 {
      %mul3A_950 = arith.constant 16 : i32
      %mul3A_951 = arith.muli %scan3A_948, %mul3A_950 : i32
      %add3A_952 = arith.constant 1024 : i32
      %add3A_953 = arith.addi %add3A_952, %mul3A_951 : i32
      %get3A_954 = arith.index_cast %add3A_953 : i32 to index
      %get3A_955 = tpu.vector_load %arg10[%get3A_954] {strides = array<i32>} : memref<2064xi32, #tpu.memory_space<vmem>>, vector<16xi32>,
      %get3A_956 = vector.shape_cast %get3A_955 : vector<16xi32> to vector<16xi32>
      %sub3A_957 = arith.constant 1 : i32
      %sub3A_958 = arith.subi %add3A_953, %sub3A_957 : i32
      %get3A_959 = arith.index_cast %sub3A_958 : i32 to index
      %get3A_960 = tpu.vector_load %arg10[%get3A_959] {strides = array<i32>} : memref<2064xi32, #tpu.memory_space<vmem>>, vector<16xi32>,
      %get3A_961 = vector.shape_cast %get3A_960 : vector<16xi32> to vector<16xi32>
      %add3A_962 = arith.addi %get3A_956, %get3A_961 : vector<16xi32>
      %swap3A_963 = arith.index_cast %add3A_953 : i32 to index
      %swap3A_964 = tpu.vector_load %arg11[%swap3A_963] {strides = array<i32>} : memref<2064xi32, #tpu.memory_space<vmem>>, vector<16xi32>,
      %swap3A_965 = vector.shape_cast %swap3A_964 : vector<16xi32> to vector<16xi32>
      %swap3A_966 = vector.shape_cast %add3A_962 : vector<16xi32> to vector<16xi32>
      tpu.vector_store %arg11[%swap3A_963], %swap3A_966 {strides = array<i32>} : memref<2064xi32, #tpu.memory_space<vmem>>, vector<16xi32>,
      %scan3A_967 = arith.constant 0 : i32
      scf.yield %scan3A_967 : i32
    }
    %scan3A_27 = arith.constant 65 : i32
    %scan3A_28 = arith.constant 0 : i32
    %scan3A_29 = arith.constant 0 : i32
    %scan3A_30 = arith.constant 65 : i32
    %scan3A_31 = arith.addi %scan3A_29, %scan3A_30 : i32
    %scan3A_32 = arith.constant 1 : i32
    %scan3A_33 = scf.for %scan3A_948 = %scan3A_29 to %scan3A_31 step %scan3A_32 iter_args(%scan3A_949 = %scan3A_28) -> (i32)  : i32 {
      %mul3A_950 = arith.constant 16 : i32
      %mul3A_951 = arith.muli %scan3A_948, %mul3A_950 : i32
      %add3A_952 = arith.constant 1024 : i32
      %add3A_953 = arith.addi %add3A_952, %mul3A_951 : i32
      %get3A_954 = arith.index_cast %add3A_953 : i32 to index
      %get3A_955 = tpu.vector_load %arg11[%get3A_954] {strides = array<i32>} : memref<2064xi32, #tpu.memory_space<vmem>>, vector<16xi32>,
      %get3A_956 = vector.shape_cast %get3A_955 : vector<16xi32> to vector<16xi32>
      %sub3A_957 = arith.constant 2 : i32
      %sub3A_958 = arith.subi %add3A_953, %sub3A_957 : i32
      %get3A_959 = arith.index_cast %sub3A_958 : i32 to index
      %get3A_960 = tpu.vector_load %arg11[%get3A_959] {strides = array<i32>} : memref<2064xi32, #tpu.memory_space<vmem>>, vector<16xi32>,
      %get3A_961 = vector.shape_cast %get3A_960 : vector<16xi32> to vector<16xi32>
      %add3A_962 = arith.addi %get3A_956, %get3A_961 : vector<16xi32>
      %swap3A_963 = arith.index_cast %add3A_953 : i32 to index
      %swap3A_964 = tpu.vector_load %arg10[%swap3A_963] {strides = array<i32>} : memref<2064xi32, #tpu.memory_space<vmem>>, vector<16xi32>,
      %swap3A_965 = vector.shape_cast %swap3A_964 : vector<16xi32> to vector<16xi32>
      %swap3A_966 = vector.shape_cast %add3A_962 : vector<16xi32> to vector<16xi32>
      tpu.vector_store %arg10[%swap3A_963], %swap3A_966 {strides = array<i32>} : memref<2064xi32, #tpu.memory_space<vmem>>, vector<16xi32>,
      %scan3A_967 = arith.constant 0 : i32
      scf.yield %scan3A_967 : i32
    }
    %scan3A_34 = arith.constant 65 : i32
    %scan3A_35 = arith.constant 0 : i32
    %scan3A_36 = arith.constant 0 : i32
    %scan3A_37 = arith.constant 65 : i32
    %scan3A_38 = arith.addi %scan3A_36, %scan3A_37 : i32
    %scan3A_39 = arith.constant 1 : i32
    %scan3A_40 = scf.for %scan3A_948 = %scan3A_36 to %scan3A_38 step %scan3A_39 iter_args(%scan3A_949 = %scan3A_35) -> (i32)  : i32 {
      %mul3A_950 = arith.constant 16 : i32
      %mul3A_951 = arith.muli %scan3A_948, %mul3A_950 : i32
      %add3A_952 = arith.constant 1024 : i32
      %add3A_953 = arith.addi %add3A_952, %mul3A_951 : i32
      %get3A_954 = arith.index_cast %add3A_953 : i32 to index
      %get3A_955 = tpu.vector_load %arg10[%get3A_954] {strides = array<i32>} : memref<2064xi32, #tpu.memory_space<vmem>>, vector<16xi32>,
      %get3A_956 = vector.shape_cast %get3A_955 : vector<16xi32> to vector<16xi32>
      %sub3A_957 = arith.constant 4 : i32
      %sub3A_958 = arith.subi %add3A_953, %sub3A_957 : i32
      %get3A_959 = arith.index_cast %sub3A_958 : i32 to index
      %get3A_960 = tpu.vector_load %arg10[%get3A_959] {strides = array<i32>} : memref<2064xi32, #tpu.memory_space<vmem>>, vector<16xi32>,
      %get3A_961 = vector.shape_cast %get3A_960 : vector<16xi32> to vector<16xi32>
      %add3A_962 = arith.addi %get3A_956, %get3A_961 : vector<16xi32>
      %swap3A_963 = arith.index_cast %add3A_953 : i32 to index
      %swap3A_964 = tpu.vector_load %arg11[%swap3A_963] {strides = array<i32>} : memref<2064xi32, #tpu.memory_space<vmem>>, vector<16xi32>,
      %swap3A_965 = vector.shape_cast %swap3A_964 : vector<16xi32> to vector<16xi32>
      %swap3A_966 = vector.shape_cast %add3A_962 : vector<16xi32> to vector<16xi32>
      tpu.vector_store %arg11[%swap3A_963], %swap3A_966 {strides = array<i32>} : memref<2064xi32, #tpu.memory_space<vmem>>, vector<16xi32>,
      %scan3A_967 = arith.constant 0 : i32
      scf.yield %scan3A_967 : i32
    }
    %scan3A_41 = arith.constant 65 : i32
    %scan3A_42 = arith.constant 0 : i32
    %scan3A_43 = arith.constant 0 : i32
    %scan3A_44 = arith.constant 65 : i32
    %scan3A_45 = arith.addi %scan3A_43, %scan3A_44 : i32
    %scan3A_46 = arith.constant 1 : i32
    %scan3A_47 = scf.for %scan3A_948 = %scan3A_43 to %scan3A_45 step %scan3A_46 iter_args(%scan3A_949 = %scan3A_42) -> (i32)  : i32 {
      %mul3A_950 = arith.constant 16 : i32
      %mul3A_951 = arith.muli %scan3A_948, %mul3A_950 : i32
      %add3A_952 = arith.constant 1024 : i32
      %add3A_953 = arith.addi %add3A_952, %mul3A_951 : i32
      %get3A_954 = arith.index_cast %add3A_953 : i32 to index
      %get3A_955 = tpu.vector_load %arg11[%get3A_954] {strides = array<i32>} : memref<2064xi32, #tpu.memory_space<vmem>>, vector<16xi32>,
      %get3A_956 = vector.shape_cast %get3A_955 : vector<16xi32> to vector<16xi32>
      %sub3A_957 = arith.constant 8 : i32
      %sub3A_958 = arith.subi %add3A_953, %sub3A_957 : i32
      %get3A_959 = arith.index_cast %sub3A_958 : i32 to index
      %get3A_960 = tpu.vector_load %arg11[%get3A_959] {strides = array<i32>} : memref<2064xi32, #tpu.memory_space<vmem>>, vector<16xi32>,
      %get3A_961 = vector.shape_cast %get3A_960 : vector<16xi32> to vector<16xi32>
      %add3A_962 = arith.addi %get3A_956, %get3A_961 : vector<16xi32>
      %swap3A_963 = arith.index_cast %add3A_953 : i32 to index
      %swap3A_964 = tpu.vector_load %arg10[%swap3A_963] {strides = array<i32>} : memref<2064xi32, #tpu.memory_space<vmem>>, vector<16xi32>,
      %swap3A_965 = vector.shape_cast %swap3A_964 : vector<16xi32> to vector<16xi32>
      %swap3A_966 = vector.shape_cast %add3A_962 : vector<16xi32> to vector<16xi32>
      tpu.vector_store %arg10[%swap3A_963], %swap3A_966 {strides = array<i32>} : memref<2064xi32, #tpu.memory_space<vmem>>, vector<16xi32>,
      %scan3A_967 = arith.constant 0 : i32
      scf.yield %scan3A_967 : i32
    }
    %scan3A_48 = arith.constant 65 : i32
    %scan3A_49 = arith.constant 0 : i32
    %scan3A_50 = arith.constant 0 : i32
    %scan3A_51 = arith.constant 65 : i32
    %scan3A_52 = arith.addi %scan3A_50, %scan3A_51 : i32
    %scan3A_53 = arith.constant 1 : i32
    %scan3A_54 = scf.for %scan3A_948 = %scan3A_50 to %scan3A_52 step %scan3A_53 iter_args(%scan3A_949 = %scan3A_49) -> (i32)  : i32 {
      %mul3A_950 = arith.constant 16 : i32
      %mul3A_951 = arith.muli %scan3A_948, %mul3A_950 : i32
      %add3A_952 = arith.constant 1024 : i32
      %add3A_953 = arith.addi %add3A_952, %mul3A_951 : i32
      %get3A_954 = arith.index_cast %add3A_953 : i32 to index
      %get3A_955 = tpu.vector_load %arg10[%get3A_954] {strides = array<i32>} : memref<2064xi32, #tpu.memory_space<vmem>>, vector<16xi32>,
      %get3A_956 = vector.shape_cast %get3A_955 : vector<16xi32> to vector<16xi32>
      %sub3A_957 = arith.constant 16 : i32
      %sub3A_958 = arith.subi %add3A_953, %sub3A_957 : i32
      %get3A_959 = arith.index_cast %sub3A_958 : i32 to index
      %get3A_960 = tpu.vector_load %arg10[%get3A_959] {strides = array<i32>} : memref<2064xi32, #tpu.memory_space<vmem>>, vector<16xi32>,
      %get3A_961 = vector.shape_cast %get3A_960 : vector<16xi32> to vector<16xi32>
      %add3A_962 = arith.addi %get3A_956, %get3A_961 : vector<16xi32>
      %swap3A_963 = arith.index_cast %add3A_953 : i32 to index
      %swap3A_964 = tpu.vector_load %arg10[%swap3A_963] {strides = array<i32>} : memref<2064xi32, #tpu.memory_space<vmem>>, vector<16xi32>,
      %swap3A_965 = vector.shape_cast %swap3A_964 : vector<16xi32> to vector<16xi32>
      %swap3A_966 = vector.shape_cast %add3A_962 : vector<16xi32> to vector<16xi32>
      tpu.vector_store %arg10[%swap3A_963], %swap3A_966 {strides = array<i32>} : memref<2064xi32, #tpu.memory_space<vmem>>, vector<16xi32>,
      %scan3A_967 = arith.constant 0 : i32
      scf.yield %scan3A_967 : i32
    }
    %scan3A_55 = arith.constant 65 : i32
    %get3A = arith.constant 2048 : index
    %get3A_56 = tpu.vector_load %arg10[%get3A] {strides = array<i32>} : memref<2064xi32, #tpu.memory_space<vmem>>, vector<16xi32>,
    %get3A_57 = vector.shape_cast %get3A_56 : vector<16xi32> to vector<16xi32>
    %swap3A_58 = arith.constant 0 : index
    %swap3A_59 = tpu.vector_load %arg7[%swap3A_58] {strides = array<i32>} : memref<16xi32, #tpu.memory_space<vmem>>, vector<16xi32>,
    %swap3A_60 = vector.shape_cast %swap3A_59 : vector<16xi32> to vector<16xi32>
    %swap3A_61 = vector.shape_cast %get3A_57 : vector<16xi32> to vector<16xi32>
    tpu.vector_store %arg7[%swap3A_58], %swap3A_61 {strides = array<i32>} : memref<16xi32, #tpu.memory_space<vmem>>, vector<16xi32>,
    "tpu.region"() ({
      %run_scoped3A = tpu.sem_alloc : memref<!tpu.dma_semaphore, #tpu.memory_space<semaphore_mem>>
      %dma_start3A_948 = arith.constant 0 : i32
      %dma_start3A_949 = tpu.memref_slice %arg9[%arg1, %dma_start3A_948] : memref<16x16xi32, #tpu.memory_space<vmem_shared>> -> memref<1x16xi32, #tpu.memory_space<vmem_shared>>
      %dma_start3A_950 = tpu.memref_squeeze %dma_start3A_949 : memref<1x16xi32, #tpu.memory_space<vmem_shared>> -> memref<16xi32, #tpu.memory_space<vmem_shared>>
      %dma_start3A_951 = arith.constant 0 : i32
      %dma_start3A_952 = tpu.memref_slice %arg9[%arg1, %dma_start3A_951] : memref<16x16xi32, #tpu.memory_space<vmem_shared>> -> memref<1x16xi32, #tpu.memory_space<vmem_shared>>
      %dma_start3A_953 = tpu.memref_squeeze %dma_start3A_952 : memref<1x16xi32, #tpu.memory_space<vmem_shared>> -> memref<16xi32, #tpu.memory_space<vmem_shared>>
      tpu.enqueue_dma source(%arg7 : memref<16xi32, #tpu.memory_space<vmem>>) target(%dma_start3A_953 : memref<16xi32, #tpu.memory_space<vmem_shared>>) target_semaphore(%run_scoped3A : memref<!tpu.dma_semaphore, #tpu.memory_space<semaphore_mem>>)
      %dma_wait3A_954 = arith.constant 0 : i32
      %dma_wait3A_955 = tpu.memref_slice %arg9[%arg1, %dma_wait3A_954] : memref<16x16xi32, #tpu.memory_space<vmem_shared>> -> memref<1x16xi32, #tpu.memory_space<vmem_shared>>
      %dma_wait3A_956 = tpu.memref_squeeze %dma_wait3A_955 : memref<1x16xi32, #tpu.memory_space<vmem_shared>> -> memref<16xi32, #tpu.memory_space<vmem_shared>>
      %dma_wait3A_957 = arith.constant 0 : i32
      %dma_wait3A_958 = tpu.memref_slice %arg9[%arg1, %dma_wait3A_957] : memref<16x16xi32, #tpu.memory_space<vmem_shared>> -> memref<1x16xi32, #tpu.memory_space<vmem_shared>>
      %dma_wait3A_959 = tpu.memref_squeeze %dma_wait3A_958 : memref<1x16xi32, #tpu.memory_space<vmem_shared>> -> memref<16xi32, #tpu.memory_space<vmem_shared>>
      tpu.wait_dma2 semaphore(%run_scoped3A : memref<!tpu.dma_semaphore, #tpu.memory_space<semaphore_mem>>) src(%arg7 : memref<16xi32, #tpu.memory_space<vmem>>) dst(%dma_wait3A_959 : memref<16xi32, #tpu.memory_space<vmem_shared>>)
      tpu.yield
    }) : () -> ()
    %barrier3A = arith.constant 0 : index
    tpu.barrier barrier_id(%barrier3A)
    "tpu.region"() ({
      %run_scoped3A = tpu.sem_alloc : memref<!tpu.dma_semaphore, #tpu.memory_space<semaphore_mem>>
      tpu.enqueue_dma source(%arg9 : memref<16x16xi32, #tpu.memory_space<vmem_shared>>) target(%arg8 : memref<16x16xi32, #tpu.memory_space<vmem>>) target_semaphore(%run_scoped3A : memref<!tpu.dma_semaphore, #tpu.memory_space<semaphore_mem>>)
      tpu.wait_dma2 semaphore(%run_scoped3A : memref<!tpu.dma_semaphore, #tpu.memory_space<semaphore_mem>>) src(%arg9 : memref<16x16xi32, #tpu.memory_space<vmem_shared>>) dst(%arg8 : memref<16x16xi32, #tpu.memory_space<vmem>>)
      tpu.yield
    }) : () -> ()
    %jit3A = arith.constant 8 : i32
    %div3A = arith.divsi %arg1, %jit3A : i32
    %sign3A = arith.constant 0 : i32
    %sign3A_62 = arith.cmpi sgt, %arg1, %sign3A : i32
    %sign3A_63 = arith.extui %sign3A_62 : i1 to i32
    %sign3A_64 = arith.constant 0 : i32
    %sign3A_65 = arith.cmpi slt, %arg1, %sign3A_64 : i32
    %sign3A_66 = arith.extui %sign3A_65 : i1 to i32
    %sign3A_67 = arith.subi %sign3A_63, %sign3A_66 : i32
    %sign3A_68 = arith.constant 0 : i32
    %sign3A_69 = arith.cmpi sgt, %jit3A, %sign3A_68 : i32
    %sign3A_70 = arith.extui %sign3A_69 : i1 to i32
    %sign3A_71 = arith.constant 0 : i32
    %sign3A_72 = arith.cmpi slt, %jit3A, %sign3A_71 : i32
    %sign3A_73 = arith.extui %sign3A_72 : i1 to i32
    %sign3A_74 = arith.subi %sign3A_70, %sign3A_73 : i32
    %ne3A = arith.cmpi ne, %sign3A_67, %sign3A_74 : i32
    %rem3A = arith.remsi %arg1, %jit3A : i32
    %ne3A_75 = arith.constant 0 : i32
    %ne3A_76 = arith.cmpi ne, %rem3A, %ne3A_75 : i32
    %and3A = arith.andi %ne3A, %ne3A_76 : i1
    %sub3A = arith.constant 1 : i32
    %sub3A_77 = arith.subi %div3A, %sub3A : i32
    %select_n3A = arith.select %and3A, %sub3A_77, %div3A : i32
    %mul3A_78 = arith.constant 8 : i32
    %mul3A_79 = arith.muli %select_n3A, %mul3A_78 : i32
    %broadcast_in_dim3A_80 = arith.constant 0 : i32
    %broadcast_in_dim3A_81 = vector.broadcast %broadcast_in_dim3A_80 : i32 to vector<16xi32>
    %le3A = arith.constant 0 : i32
    %le3A_82 = arith.cmpi sle, %mul3A_79, %le3A : i32
    %gt3A = arith.constant 0 : i32
    %gt3A_83 = arith.cmpi sgt, %arg1, %gt3A : i32
    %and3A_84 = arith.andi %le3A_82, %gt3A_83 : i1
    %convert_element_type3A = arith.extui %and3A_84 : i1 to i32
    %get3A_85 = arith.constant 0 : i32
    %get3A_86 = arith.index_cast %get3A_85 : i32 to index
    %get3A_87 = arith.constant 0 : index
    %get3A_88 = tpu.vector_load %arg8[%get3A_86, %get3A_87] {strides = array<i32>} : memref<16x16xi32, #tpu.memory_space<vmem>>, vector<1x16xi32>,
    %get3A_89 = vector.shape_cast %get3A_88 : vector<1x16xi32> to vector<16xi32>
    %mul3A_90 = vector.broadcast %convert_element_type3A : i32 to vector<16xi32>
    %mul3A_91 = arith.muli %get3A_89, %mul3A_90 : vector<16xi32>
    %add3A_92 = arith.addi %broadcast_in_dim3A_81, %mul3A_91 : vector<16xi32>
    %le3A_93 = arith.constant 1 : i32
    %le3A_94 = arith.cmpi sle, %mul3A_79, %le3A_93 : i32
    %gt3A_95 = arith.constant 1 : i32
    %gt3A_96 = arith.cmpi sgt, %arg1, %gt3A_95 : i32
    %and3A_97 = arith.andi %le3A_94, %gt3A_96 : i1
    %convert_element_type3A_98 = arith.extui %and3A_97 : i1 to i32
    %get3A_99 = arith.constant 1 : i32
    %get3A_100 = arith.index_cast %get3A_99 : i32 to index
    %get3A_101 = arith.constant 0 : index
    %get3A_102 = tpu.vector_load %arg8[%get3A_100, %get3A_101] {strides = array<i32>} : memref<16x16xi32, #tpu.memory_space<vmem>>, vector<1x16xi32>,
    %get3A_103 = vector.shape_cast %get3A_102 : vector<1x16xi32> to vector<16xi32>
    %mul3A_104 = vector.broadcast %convert_element_type3A_98 : i32 to vector<16xi32>
    %mul3A_105 = arith.muli %get3A_103, %mul3A_104 : vector<16xi32>
    %add3A_106 = arith.addi %add3A_92, %mul3A_105 : vector<16xi32>
    %le3A_107 = arith.constant 2 : i32
    %le3A_108 = arith.cmpi sle, %mul3A_79, %le3A_107 : i32
    %gt3A_109 = arith.constant 2 : i32
    %gt3A_110 = arith.cmpi sgt, %arg1, %gt3A_109 : i32
    %and3A_111 = arith.andi %le3A_108, %gt3A_110 : i1
    %convert_element_type3A_112 = arith.extui %and3A_111 : i1 to i32
    %get3A_113 = arith.constant 2 : i32
    %get3A_114 = arith.index_cast %get3A_113 : i32 to index
    %get3A_115 = arith.constant 0 : index
    %get3A_116 = tpu.vector_load %arg8[%get3A_114, %get3A_115] {strides = array<i32>} : memref<16x16xi32, #tpu.memory_space<vmem>>, vector<1x16xi32>,
    %get3A_117 = vector.shape_cast %get3A_116 : vector<1x16xi32> to vector<16xi32>
    %mul3A_118 = vector.broadcast %convert_element_type3A_112 : i32 to vector<16xi32>
    %mul3A_119 = arith.muli %get3A_117, %mul3A_118 : vector<16xi32>
    %add3A_120 = arith.addi %add3A_106, %mul3A_119 : vector<16xi32>
    %le3A_121 = arith.constant 3 : i32
    %le3A_122 = arith.cmpi sle, %mul3A_79, %le3A_121 : i32
    %gt3A_123 = arith.constant 3 : i32
    %gt3A_124 = arith.cmpi sgt, %arg1, %gt3A_123 : i32
    %and3A_125 = arith.andi %le3A_122, %gt3A_124 : i1
    %convert_element_type3A_126 = arith.extui %and3A_125 : i1 to i32
    %get3A_127 = arith.constant 3 : i32
    %get3A_128 = arith.index_cast %get3A_127 : i32 to index
    %get3A_129 = arith.constant 0 : index
    %get3A_130 = tpu.vector_load %arg8[%get3A_128, %get3A_129] {strides = array<i32>} : memref<16x16xi32, #tpu.memory_space<vmem>>, vector<1x16xi32>,
    %get3A_131 = vector.shape_cast %get3A_130 : vector<1x16xi32> to vector<16xi32>
    %mul3A_132 = vector.broadcast %convert_element_type3A_126 : i32 to vector<16xi32>
    %mul3A_133 = arith.muli %get3A_131, %mul3A_132 : vector<16xi32>
    %add3A_134 = arith.addi %add3A_120, %mul3A_133 : vector<16xi32>
    %le3A_135 = arith.constant 4 : i32
    %le3A_136 = arith.cmpi sle, %mul3A_79, %le3A_135 : i32
    %gt3A_137 = arith.constant 4 : i32
    %gt3A_138 = arith.cmpi sgt, %arg1, %gt3A_137 : i32
    %and3A_139 = arith.andi %le3A_136, %gt3A_138 : i1
    %convert_element_type3A_140 = arith.extui %and3A_139 : i1 to i32
    %get3A_141 = arith.constant 4 : i32
    %get3A_142 = arith.index_cast %get3A_141 : i32 to index
    %get3A_143 = arith.constant 0 : index
    %get3A_144 = tpu.vector_load %arg8[%get3A_142, %get3A_143] {strides = array<i32>} : memref<16x16xi32, #tpu.memory_space<vmem>>, vector<1x16xi32>,
    %get3A_145 = vector.shape_cast %get3A_144 : vector<1x16xi32> to vector<16xi32>
    %mul3A_146 = vector.broadcast %convert_element_type3A_140 : i32 to vector<16xi32>
    %mul3A_147 = arith.muli %get3A_145, %mul3A_146 : vector<16xi32>
    %add3A_148 = arith.addi %add3A_134, %mul3A_147 : vector<16xi32>
    %le3A_149 = arith.constant 5 : i32
    %le3A_150 = arith.cmpi sle, %mul3A_79, %le3A_149 : i32
    %gt3A_151 = arith.constant 5 : i32
    %gt3A_152 = arith.cmpi sgt, %arg1, %gt3A_151 : i32
    %and3A_153 = arith.andi %le3A_150, %gt3A_152 : i1
    %convert_element_type3A_154 = arith.extui %and3A_153 : i1 to i32
    %get3A_155 = arith.constant 5 : i32
    %get3A_156 = arith.index_cast %get3A_155 : i32 to index
    %get3A_157 = arith.constant 0 : index
    %get3A_158 = tpu.vector_load %arg8[%get3A_156, %get3A_157] {strides = array<i32>} : memref<16x16xi32, #tpu.memory_space<vmem>>, vector<1x16xi32>,
    %get3A_159 = vector.shape_cast %get3A_158 : vector<1x16xi32> to vector<16xi32>
    %mul3A_160 = vector.broadcast %convert_element_type3A_154 : i32 to vector<16xi32>
    %mul3A_161 = arith.muli %get3A_159, %mul3A_160 : vector<16xi32>
    %add3A_162 = arith.addi %add3A_148, %mul3A_161 : vector<16xi32>
    %le3A_163 = arith.constant 6 : i32
    %le3A_164 = arith.cmpi sle, %mul3A_79, %le3A_163 : i32
    %gt3A_165 = arith.constant 6 : i32
    %gt3A_166 = arith.cmpi sgt, %arg1, %gt3A_165 : i32
    %and3A_167 = arith.andi %le3A_164, %gt3A_166 : i1
    %convert_element_type3A_168 = arith.extui %and3A_167 : i1 to i32
    %get3A_169 = arith.constant 6 : i32
    %get3A_170 = arith.index_cast %get3A_169 : i32 to index
    %get3A_171 = arith.constant 0 : index
    %get3A_172 = tpu.vector_load %arg8[%get3A_170, %get3A_171] {strides = array<i32>} : memref<16x16xi32, #tpu.memory_space<vmem>>, vector<1x16xi32>,
    %get3A_173 = vector.shape_cast %get3A_172 : vector<1x16xi32> to vector<16xi32>
    %mul3A_174 = vector.broadcast %convert_element_type3A_168 : i32 to vector<16xi32>
    %mul3A_175 = arith.muli %get3A_173, %mul3A_174 : vector<16xi32>
    %add3A_176 = arith.addi %add3A_162, %mul3A_175 : vector<16xi32>
    %le3A_177 = arith.constant 7 : i32
    %le3A_178 = arith.cmpi sle, %mul3A_79, %le3A_177 : i32
    %gt3A_179 = arith.constant 7 : i32
    %gt3A_180 = arith.cmpi sgt, %arg1, %gt3A_179 : i32
    %and3A_181 = arith.andi %le3A_178, %gt3A_180 : i1
    %convert_element_type3A_182 = arith.extui %and3A_181 : i1 to i32
    %get3A_183 = arith.constant 7 : i32
    %get3A_184 = arith.index_cast %get3A_183 : i32 to index
    %get3A_185 = arith.constant 0 : index
    %get3A_186 = tpu.vector_load %arg8[%get3A_184, %get3A_185] {strides = array<i32>} : memref<16x16xi32, #tpu.memory_space<vmem>>, vector<1x16xi32>,
    %get3A_187 = vector.shape_cast %get3A_186 : vector<1x16xi32> to vector<16xi32>
    %mul3A_188 = vector.broadcast %convert_element_type3A_182 : i32 to vector<16xi32>
    %mul3A_189 = arith.muli %get3A_187, %mul3A_188 : vector<16xi32>
    %add3A_190 = arith.addi %add3A_176, %mul3A_189 : vector<16xi32>
    %le3A_191 = arith.constant 8 : i32
    %le3A_192 = arith.cmpi sle, %mul3A_79, %le3A_191 : i32
    %gt3A_193 = arith.constant 8 : i32
    %gt3A_194 = arith.cmpi sgt, %arg1, %gt3A_193 : i32
    %and3A_195 = arith.andi %le3A_192, %gt3A_194 : i1
    %convert_element_type3A_196 = arith.extui %and3A_195 : i1 to i32
    %get3A_197 = arith.constant 8 : i32
    %get3A_198 = arith.index_cast %get3A_197 : i32 to index
    %get3A_199 = arith.constant 0 : index
    %get3A_200 = tpu.vector_load %arg8[%get3A_198, %get3A_199] {strides = array<i32>} : memref<16x16xi32, #tpu.memory_space<vmem>>, vector<1x16xi32>,
    %get3A_201 = vector.shape_cast %get3A_200 : vector<1x16xi32> to vector<16xi32>
    %mul3A_202 = vector.broadcast %convert_element_type3A_196 : i32 to vector<16xi32>
    %mul3A_203 = arith.muli %get3A_201, %mul3A_202 : vector<16xi32>
    %add3A_204 = arith.addi %add3A_190, %mul3A_203 : vector<16xi32>
    %le3A_205 = arith.constant 9 : i32
    %le3A_206 = arith.cmpi sle, %mul3A_79, %le3A_205 : i32
    %gt3A_207 = arith.constant 9 : i32
    %gt3A_208 = arith.cmpi sgt, %arg1, %gt3A_207 : i32
    %and3A_209 = arith.andi %le3A_206, %gt3A_208 : i1
    %convert_element_type3A_210 = arith.extui %and3A_209 : i1 to i32
    %get3A_211 = arith.constant 9 : i32
    %get3A_212 = arith.index_cast %get3A_211 : i32 to index
    %get3A_213 = arith.constant 0 : index
    %get3A_214 = tpu.vector_load %arg8[%get3A_212, %get3A_213] {strides = array<i32>} : memref<16x16xi32, #tpu.memory_space<vmem>>, vector<1x16xi32>,
    %get3A_215 = vector.shape_cast %get3A_214 : vector<1x16xi32> to vector<16xi32>
    %mul3A_216 = vector.broadcast %convert_element_type3A_210 : i32 to vector<16xi32>
    %mul3A_217 = arith.muli %get3A_215, %mul3A_216 : vector<16xi32>
    %add3A_218 = arith.addi %add3A_204, %mul3A_217 : vector<16xi32>
    %le3A_219 = arith.constant 10 : i32
    %le3A_220 = arith.cmpi sle, %mul3A_79, %le3A_219 : i32
    %gt3A_221 = arith.constant 10 : i32
    %gt3A_222 = arith.cmpi sgt, %arg1, %gt3A_221 : i32
    %and3A_223 = arith.andi %le3A_220, %gt3A_222 : i1
    %convert_element_type3A_224 = arith.extui %and3A_223 : i1 to i32
    %get3A_225 = arith.constant 10 : i32
    %get3A_226 = arith.index_cast %get3A_225 : i32 to index
    %get3A_227 = arith.constant 0 : index
    %get3A_228 = tpu.vector_load %arg8[%get3A_226, %get3A_227] {strides = array<i32>} : memref<16x16xi32, #tpu.memory_space<vmem>>, vector<1x16xi32>,
    %get3A_229 = vector.shape_cast %get3A_228 : vector<1x16xi32> to vector<16xi32>
    %mul3A_230 = vector.broadcast %convert_element_type3A_224 : i32 to vector<16xi32>
    %mul3A_231 = arith.muli %get3A_229, %mul3A_230 : vector<16xi32>
    %add3A_232 = arith.addi %add3A_218, %mul3A_231 : vector<16xi32>
    %le3A_233 = arith.constant 11 : i32
    %le3A_234 = arith.cmpi sle, %mul3A_79, %le3A_233 : i32
    %gt3A_235 = arith.constant 11 : i32
    %gt3A_236 = arith.cmpi sgt, %arg1, %gt3A_235 : i32
    %and3A_237 = arith.andi %le3A_234, %gt3A_236 : i1
    %convert_element_type3A_238 = arith.extui %and3A_237 : i1 to i32
    %get3A_239 = arith.constant 11 : i32
    %get3A_240 = arith.index_cast %get3A_239 : i32 to index
    %get3A_241 = arith.constant 0 : index
    %get3A_242 = tpu.vector_load %arg8[%get3A_240, %get3A_241] {strides = array<i32>} : memref<16x16xi32, #tpu.memory_space<vmem>>, vector<1x16xi32>,
    %get3A_243 = vector.shape_cast %get3A_242 : vector<1x16xi32> to vector<16xi32>
    %mul3A_244 = vector.broadcast %convert_element_type3A_238 : i32 to vector<16xi32>
    %mul3A_245 = arith.muli %get3A_243, %mul3A_244 : vector<16xi32>
    %add3A_246 = arith.addi %add3A_232, %mul3A_245 : vector<16xi32>
    %le3A_247 = arith.constant 12 : i32
    %le3A_248 = arith.cmpi sle, %mul3A_79, %le3A_247 : i32
    %gt3A_249 = arith.constant 12 : i32
    %gt3A_250 = arith.cmpi sgt, %arg1, %gt3A_249 : i32
    %and3A_251 = arith.andi %le3A_248, %gt3A_250 : i1
    %convert_element_type3A_252 = arith.extui %and3A_251 : i1 to i32
    %get3A_253 = arith.constant 12 : i32
    %get3A_254 = arith.index_cast %get3A_253 : i32 to index
    %get3A_255 = arith.constant 0 : index
    %get3A_256 = tpu.vector_load %arg8[%get3A_254, %get3A_255] {strides = array<i32>} : memref<16x16xi32, #tpu.memory_space<vmem>>, vector<1x16xi32>,
    %get3A_257 = vector.shape_cast %get3A_256 : vector<1x16xi32> to vector<16xi32>
    %mul3A_258 = vector.broadcast %convert_element_type3A_252 : i32 to vector<16xi32>
    %mul3A_259 = arith.muli %get3A_257, %mul3A_258 : vector<16xi32>
    %add3A_260 = arith.addi %add3A_246, %mul3A_259 : vector<16xi32>
    %le3A_261 = arith.constant 13 : i32
    %le3A_262 = arith.cmpi sle, %mul3A_79, %le3A_261 : i32
    %gt3A_263 = arith.constant 13 : i32
    %gt3A_264 = arith.cmpi sgt, %arg1, %gt3A_263 : i32
    %and3A_265 = arith.andi %le3A_262, %gt3A_264 : i1
    %convert_element_type3A_266 = arith.extui %and3A_265 : i1 to i32
    %get3A_267 = arith.constant 13 : i32
    %get3A_268 = arith.index_cast %get3A_267 : i32 to index
    %get3A_269 = arith.constant 0 : index
    %get3A_270 = tpu.vector_load %arg8[%get3A_268, %get3A_269] {strides = array<i32>} : memref<16x16xi32, #tpu.memory_space<vmem>>, vector<1x16xi32>,
    %get3A_271 = vector.shape_cast %get3A_270 : vector<1x16xi32> to vector<16xi32>
    %mul3A_272 = vector.broadcast %convert_element_type3A_266 : i32 to vector<16xi32>
    %mul3A_273 = arith.muli %get3A_271, %mul3A_272 : vector<16xi32>
    %add3A_274 = arith.addi %add3A_260, %mul3A_273 : vector<16xi32>
    %le3A_275 = arith.constant 14 : i32
    %le3A_276 = arith.cmpi sle, %mul3A_79, %le3A_275 : i32
    %gt3A_277 = arith.constant 14 : i32
    %gt3A_278 = arith.cmpi sgt, %arg1, %gt3A_277 : i32
    %and3A_279 = arith.andi %le3A_276, %gt3A_278 : i1
    %convert_element_type3A_280 = arith.extui %and3A_279 : i1 to i32
    %get3A_281 = arith.constant 14 : i32
    %get3A_282 = arith.index_cast %get3A_281 : i32 to index
    %get3A_283 = arith.constant 0 : index
    %get3A_284 = tpu.vector_load %arg8[%get3A_282, %get3A_283] {strides = array<i32>} : memref<16x16xi32, #tpu.memory_space<vmem>>, vector<1x16xi32>,
    %get3A_285 = vector.shape_cast %get3A_284 : vector<1x16xi32> to vector<16xi32>
    %mul3A_286 = vector.broadcast %convert_element_type3A_280 : i32 to vector<16xi32>
    %mul3A_287 = arith.muli %get3A_285, %mul3A_286 : vector<16xi32>
    %add3A_288 = arith.addi %add3A_274, %mul3A_287 : vector<16xi32>
    %le3A_289 = arith.constant 15 : i32
    %le3A_290 = arith.cmpi sle, %mul3A_79, %le3A_289 : i32
    %gt3A_291 = arith.constant 15 : i32
    %gt3A_292 = arith.cmpi sgt, %arg1, %gt3A_291 : i32
    %and3A_293 = arith.andi %le3A_290, %gt3A_292 : i1
    %convert_element_type3A_294 = arith.extui %and3A_293 : i1 to i32
    %get3A_295 = arith.constant 15 : i32
    %get3A_296 = arith.index_cast %get3A_295 : i32 to index
    %get3A_297 = arith.constant 0 : index
    %get3A_298 = tpu.vector_load %arg8[%get3A_296, %get3A_297] {strides = array<i32>} : memref<16x16xi32, #tpu.memory_space<vmem>>, vector<1x16xi32>,
    %get3A_299 = vector.shape_cast %get3A_298 : vector<1x16xi32> to vector<16xi32>
    %mul3A_300 = vector.broadcast %convert_element_type3A_294 : i32 to vector<16xi32>
    %mul3A_301 = arith.muli %get3A_299, %mul3A_300 : vector<16xi32>
    %add3A_302 = arith.addi %add3A_288, %mul3A_301 : vector<16xi32>
    %scan3A_303 = arith.constant 0 : i32
    %scan3A_304 = arith.constant 0 : i32
    %scan3A_305 = arith.constant 64 : i32
    %scan3A_306 = arith.addi %scan3A_304, %scan3A_305 : i32
    %scan3A_307 = arith.constant 1 : i32
    %scan3A_308 = scf.for %scan3A_948 = %scan3A_304 to %scan3A_306 step %scan3A_307 iter_args(%scan3A_949 = %scan3A_303) -> (i32)  : i32 {
      %mul3A_950 = arith.constant 16 : i32
      %mul3A_951 = arith.muli %scan3A_948, %mul3A_950 : i32
      %get3A_952 = arith.index_cast %mul3A_951 : i32 to index
      %get3A_953 = tpu.vector_load %arg5[%get3A_952] {strides = array<i32>} : memref<1024xi32, #tpu.memory_space<vmem>>, vector<16xi32>,
      %get3A_954 = vector.shape_cast %get3A_953 : vector<16xi32> to vector<16xi32>
      %sub3A_955 = arith.constant 1 : i32
      %sub3A_956 = vector.broadcast %sub3A_955 : i32 to vector<16xi32>
      %sub3A_957 = arith.subi %get3A_954, %sub3A_956 : vector<16xi32>
      %abs3A = math.absi %sub3A_957 : vector<16xi32>
      %min3A = arith.constant 1 : i32
      %min3A_958 = vector.broadcast %min3A : i32 to vector<16xi32>
      %min3A_959 = arith.minsi %abs3A, %min3A_958 : vector<16xi32>
      %mul3A_960 = arith.constant 16 : i32
      %mul3A_961 = arith.muli %scan3A_948, %mul3A_960 : i32
      %add3A_962 = arith.constant 1024 : i32
      %add3A_963 = arith.addi %add3A_962, %mul3A_961 : i32
      %get3A_964 = arith.index_cast %add3A_963 : i32 to index
      %get3A_965 = tpu.vector_load %arg10[%get3A_964] {strides = array<i32>} : memref<2064xi32, #tpu.memory_space<vmem>>, vector<16xi32>,
      %get3A_966 = vector.shape_cast %get3A_965 : vector<16xi32> to vector<16xi32>
      %add3A_967 = arith.addi %get3A_966, %add3A_302 : vector<16xi32>
      %mul3A_968 = arith.muli %add3A_967, %min3A_959 : vector<16xi32>
      %add3A_969 = arith.constant 1 : i32
      %add3A_970 = vector.broadcast %add3A_969 : i32 to vector<16xi32>
      %add3A_971 = arith.addi %mul3A_968, %add3A_970 : vector<16xi32>
      %mul3A_972 = arith.constant 16 : i32
      %mul3A_973 = arith.muli %scan3A_948, %mul3A_972 : i32
      %swap3A_974 = arith.index_cast %mul3A_973 : i32 to index
      %swap3A_975 = tpu.vector_load %arg6[%swap3A_974] {strides = array<i32>} : memref<1024xi32, #tpu.memory_space<vmem>>, vector<16xi32>,
      %swap3A_976 = vector.shape_cast %swap3A_975 : vector<16xi32> to vector<16xi32>
      %swap3A_977 = vector.shape_cast %add3A_971 : vector<16xi32> to vector<16xi32>
      tpu.vector_store %arg6[%swap3A_974], %swap3A_977 {strides = array<i32>} : memref<1024xi32, #tpu.memory_space<vmem>>, vector<16xi32>,
      %scan3A_978 = arith.constant 0 : i32
      scf.yield %scan3A_978 : i32
    }
    %scan3A_309 = arith.constant 64 : i32
    %dma_start3A = arith.constant 0 : i32
    %dma_start3A_310 = tpu.memref_slice %arg6[%dma_start3A] : memref<1024xi32, #tpu.memory_space<vmem>> -> memref<32xi32, #tpu.memory_space<vmem>>
    %dma_start3A_311 = arith.constant 0 : i32
    %dma_start3A_312 = arith.constant 0 : i32
    %dma_start3A_313 = tpu.memref_slice %arg3[%dma_start3A_311, %dma_start3A_312] : memref<8194x1024xf32, #tpu.memory_space<hbm>> -> memref<8194x1024xf32, #tpu.memory_space<hbm>>
    tpu.enqueue_indirect_dma source(%dma_start3A_313 : memref<8194x1024xf32, #tpu.memory_space<hbm>>) target(%arg12 : memref<32x1024xf32, #tpu.memory_space<vmem>>) offsets(%dma_start3A_310 : memref<32xi32, #tpu.memory_space<vmem>>) semaphore(%arg15 : memref<!tpu.dma_semaphore, #tpu.memory_space<semaphore_mem>>)
    %dma_start3A_314 = arith.constant 32 : i32
    %dma_start3A_315 = tpu.memref_slice %arg6[%dma_start3A_314] : memref<1024xi32, #tpu.memory_space<vmem>> -> memref<32xi32, #tpu.memory_space<vmem>>
    %dma_start3A_316 = arith.constant 0 : i32
    %dma_start3A_317 = arith.constant 0 : i32
    %dma_start3A_318 = tpu.memref_slice %arg3[%dma_start3A_316, %dma_start3A_317] : memref<8194x1024xf32, #tpu.memory_space<hbm>> -> memref<8194x1024xf32, #tpu.memory_space<hbm>>
    tpu.enqueue_indirect_dma source(%dma_start3A_318 : memref<8194x1024xf32, #tpu.memory_space<hbm>>) target(%arg13 : memref<32x1024xf32, #tpu.memory_space<vmem>>) offsets(%dma_start3A_315 : memref<32xi32, #tpu.memory_space<vmem>>) semaphore(%arg16 : memref<!tpu.dma_semaphore, #tpu.memory_space<semaphore_mem>>)
    %dma_wait3A = arith.constant 0 : i32
    %dma_wait3A_319 = tpu.memref_slice %arg6[%dma_wait3A] : memref<1024xi32, #tpu.memory_space<vmem>> -> memref<32xi32, #tpu.memory_space<vmem>>
    %dma_wait3A_320 = arith.constant 0 : i32
    %dma_wait3A_321 = arith.constant 0 : i32
    %dma_wait3A_322 = tpu.memref_slice %arg3[%dma_wait3A_320, %dma_wait3A_321] : memref<8194x1024xf32, #tpu.memory_space<hbm>> -> memref<8194x1024xf32, #tpu.memory_space<hbm>>
    tpu.wait_indirect_dma semaphore(%arg15 : memref<!tpu.dma_semaphore, #tpu.memory_space<semaphore_mem>>) src(%dma_wait3A_322 : memref<8194x1024xf32, #tpu.memory_space<hbm>>) dst(%arg12 : memref<32x1024xf32, #tpu.memory_space<vmem>>)
    %dma_start3A_323 = arith.constant 64 : i32
    %dma_start3A_324 = tpu.memref_slice %arg6[%dma_start3A_323] : memref<1024xi32, #tpu.memory_space<vmem>> -> memref<32xi32, #tpu.memory_space<vmem>>
    %dma_start3A_325 = arith.constant 0 : i32
    %dma_start3A_326 = arith.constant 0 : i32
    %dma_start3A_327 = tpu.memref_slice %arg3[%dma_start3A_325, %dma_start3A_326] : memref<8194x1024xf32, #tpu.memory_space<hbm>> -> memref<8194x1024xf32, #tpu.memory_space<hbm>>
    tpu.enqueue_indirect_dma source(%dma_start3A_327 : memref<8194x1024xf32, #tpu.memory_space<hbm>>) target(%arg14 : memref<32x1024xf32, #tpu.memory_space<vmem>>) offsets(%dma_start3A_324 : memref<32xi32, #tpu.memory_space<vmem>>) semaphore(%arg17 : memref<!tpu.dma_semaphore, #tpu.memory_space<semaphore_mem>>)
    %add3A_328 = arith.constant 0 : i32
    %add3A_329 = arith.addi %mul3A_2, %add3A_328 : i32
    %dma_start3A_330 = arith.constant 0 : i32
    %dma_start3A_331 = tpu.memref_slice %arg4[%add3A_329, %dma_start3A_330] : memref<32768x1024xf32, #tpu.memory_space<hbm>> -> memref<32x1024xf32, #tpu.memory_space<hbm>>
    %dma_start3A_332 = arith.constant 0 : i32
    %dma_start3A_333 = tpu.memref_slice %arg4[%add3A_329, %dma_start3A_332] : memref<32768x1024xf32, #tpu.memory_space<hbm>> -> memref<32x1024xf32, #tpu.memory_space<hbm>>
    tpu.enqueue_dma source(%arg12 : memref<32x1024xf32, #tpu.memory_space<vmem>>) target(%dma_start3A_333 : memref<32x1024xf32, #tpu.memory_space<hbm>>) target_semaphore(%arg18 : memref<!tpu.dma_semaphore, #tpu.memory_space<semaphore_mem>>)
    %dma_wait3A_334 = arith.constant 32 : i32
    %dma_wait3A_335 = tpu.memref_slice %arg6[%dma_wait3A_334] : memref<1024xi32, #tpu.memory_space<vmem>> -> memref<32xi32, #tpu.memory_space<vmem>>
    %dma_wait3A_336 = arith.constant 0 : i32
    %dma_wait3A_337 = arith.constant 0 : i32
    %dma_wait3A_338 = tpu.memref_slice %arg3[%dma_wait3A_336, %dma_wait3A_337] : memref<8194x1024xf32, #tpu.memory_space<hbm>> -> memref<8194x1024xf32, #tpu.memory_space<hbm>>
    tpu.wait_indirect_dma semaphore(%arg16 : memref<!tpu.dma_semaphore, #tpu.memory_space<semaphore_mem>>) src(%dma_wait3A_338 : memref<8194x1024xf32, #tpu.memory_space<hbm>>) dst(%arg13 : memref<32x1024xf32, #tpu.memory_space<vmem>>)
    %dma_wait3A_339 = arith.constant 0 : i32
    %dma_wait3A_340 = tpu.memref_slice %arg4[%add3A_329, %dma_wait3A_339] : memref<32768x1024xf32, #tpu.memory_space<hbm>> -> memref<32x1024xf32, #tpu.memory_space<hbm>>
    %dma_wait3A_341 = arith.constant 0 : i32
    %dma_wait3A_342 = tpu.memref_slice %arg4[%add3A_329, %dma_wait3A_341] : memref<32768x1024xf32, #tpu.memory_space<hbm>> -> memref<32x1024xf32, #tpu.memory_space<hbm>>
    tpu.wait_dma2 semaphore(%arg18 : memref<!tpu.dma_semaphore, #tpu.memory_space<semaphore_mem>>) src(%arg12 : memref<32x1024xf32, #tpu.memory_space<vmem>>) dst(%dma_wait3A_342 : memref<32x1024xf32, #tpu.memory_space<hbm>>)
    %dma_start3A_343 = arith.constant 96 : i32
    %dma_start3A_344 = tpu.memref_slice %arg6[%dma_start3A_343] : memref<1024xi32, #tpu.memory_space<vmem>> -> memref<32xi32, #tpu.memory_space<vmem>>
    %dma_start3A_345 = arith.constant 0 : i32
    %dma_start3A_346 = arith.constant 0 : i32
    %dma_start3A_347 = tpu.memref_slice %arg3[%dma_start3A_345, %dma_start3A_346] : memref<8194x1024xf32, #tpu.memory_space<hbm>> -> memref<8194x1024xf32, #tpu.memory_space<hbm>>
    tpu.enqueue_indirect_dma source(%dma_start3A_347 : memref<8194x1024xf32, #tpu.memory_space<hbm>>) target(%arg12 : memref<32x1024xf32, #tpu.memory_space<vmem>>) offsets(%dma_start3A_344 : memref<32xi32, #tpu.memory_space<vmem>>) semaphore(%arg15 : memref<!tpu.dma_semaphore, #tpu.memory_space<semaphore_mem>>)
    %add3A_348 = arith.constant 32 : i32
    %add3A_349 = arith.addi %mul3A_2, %add3A_348 : i32
    %dma_start3A_350 = arith.constant 0 : i32
    %dma_start3A_351 = tpu.memref_slice %arg4[%add3A_349, %dma_start3A_350] : memref<32768x1024xf32, #tpu.memory_space<hbm>> -> memref<32x1024xf32, #tpu.memory_space<hbm>>
    %dma_start3A_352 = arith.constant 0 : i32
    %dma_start3A_353 = tpu.memref_slice %arg4[%add3A_349, %dma_start3A_352] : memref<32768x1024xf32, #tpu.memory_space<hbm>> -> memref<32x1024xf32, #tpu.memory_space<hbm>>
    tpu.enqueue_dma source(%arg13 : memref<32x1024xf32, #tpu.memory_space<vmem>>) target(%dma_start3A_353 : memref<32x1024xf32, #tpu.memory_space<hbm>>) target_semaphore(%arg19 : memref<!tpu.dma_semaphore, #tpu.memory_space<semaphore_mem>>)
    %dma_wait3A_354 = arith.constant 64 : i32
    %dma_wait3A_355 = tpu.memref_slice %arg6[%dma_wait3A_354] : memref<1024xi32, #tpu.memory_space<vmem>> -> memref<32xi32, #tpu.memory_space<vmem>>
    %dma_wait3A_356 = arith.constant 0 : i32
    %dma_wait3A_357 = arith.constant 0 : i32
    %dma_wait3A_358 = tpu.memref_slice %arg3[%dma_wait3A_356, %dma_wait3A_357] : memref<8194x1024xf32, #tpu.memory_space<hbm>> -> memref<8194x1024xf32, #tpu.memory_space<hbm>>
    tpu.wait_indirect_dma semaphore(%arg17 : memref<!tpu.dma_semaphore, #tpu.memory_space<semaphore_mem>>) src(%dma_wait3A_358 : memref<8194x1024xf32, #tpu.memory_space<hbm>>) dst(%arg14 : memref<32x1024xf32, #tpu.memory_space<vmem>>)
    %dma_wait3A_359 = arith.constant 0 : i32
    %dma_wait3A_360 = tpu.memref_slice %arg4[%add3A_349, %dma_wait3A_359] : memref<32768x1024xf32, #tpu.memory_space<hbm>> -> memref<32x1024xf32, #tpu.memory_space<hbm>>
    %dma_wait3A_361 = arith.constant 0 : i32
    %dma_wait3A_362 = tpu.memref_slice %arg4[%add3A_349, %dma_wait3A_361] : memref<32768x1024xf32, #tpu.memory_space<hbm>> -> memref<32x1024xf32, #tpu.memory_space<hbm>>
    tpu.wait_dma2 semaphore(%arg19 : memref<!tpu.dma_semaphore, #tpu.memory_space<semaphore_mem>>) src(%arg13 : memref<32x1024xf32, #tpu.memory_space<vmem>>) dst(%dma_wait3A_362 : memref<32x1024xf32, #tpu.memory_space<hbm>>)
    %dma_start3A_363 = arith.constant 128 : i32
    %dma_start3A_364 = tpu.memref_slice %arg6[%dma_start3A_363] : memref<1024xi32, #tpu.memory_space<vmem>> -> memref<32xi32, #tpu.memory_space<vmem>>
    %dma_start3A_365 = arith.constant 0 : i32
    %dma_start3A_366 = arith.constant 0 : i32
    %dma_start3A_367 = tpu.memref_slice %arg3[%dma_start3A_365, %dma_start3A_366] : memref<8194x1024xf32, #tpu.memory_space<hbm>> -> memref<8194x1024xf32, #tpu.memory_space<hbm>>
    tpu.enqueue_indirect_dma source(%dma_start3A_367 : memref<8194x1024xf32, #tpu.memory_space<hbm>>) target(%arg13 : memref<32x1024xf32, #tpu.memory_space<vmem>>) offsets(%dma_start3A_364 : memref<32xi32, #tpu.memory_space<vmem>>) semaphore(%arg16 : memref<!tpu.dma_semaphore, #tpu.memory_space<semaphore_mem>>)
    %add3A_368 = arith.constant 64 : i32
    %add3A_369 = arith.addi %mul3A_2, %add3A_368 : i32
    %dma_start3A_370 = arith.constant 0 : i32
    %dma_start3A_371 = tpu.memref_slice %arg4[%add3A_369, %dma_start3A_370] : memref<32768x1024xf32, #tpu.memory_space<hbm>> -> memref<32x1024xf32, #tpu.memory_space<hbm>>
    %dma_start3A_372 = arith.constant 0 : i32
    %dma_start3A_373 = tpu.memref_slice %arg4[%add3A_369, %dma_start3A_372] : memref<32768x1024xf32, #tpu.memory_space<hbm>> -> memref<32x1024xf32, #tpu.memory_space<hbm>>
    tpu.enqueue_dma source(%arg14 : memref<32x1024xf32, #tpu.memory_space<vmem>>) target(%dma_start3A_373 : memref<32x1024xf32, #tpu.memory_space<hbm>>) target_semaphore(%arg20 : memref<!tpu.dma_semaphore, #tpu.memory_space<semaphore_mem>>)
    %dma_wait3A_374 = arith.constant 96 : i32
    %dma_wait3A_375 = tpu.memref_slice %arg6[%dma_wait3A_374] : memref<1024xi32, #tpu.memory_space<vmem>> -> memref<32xi32, #tpu.memory_space<vmem>>
    %dma_wait3A_376 = arith.constant 0 : i32
    %dma_wait3A_377 = arith.constant 0 : i32
    %dma_wait3A_378 = tpu.memref_slice %arg3[%dma_wait3A_376, %dma_wait3A_377] : memref<8194x1024xf32, #tpu.memory_space<hbm>> -> memref<8194x1024xf32, #tpu.memory_space<hbm>>
    tpu.wait_indirect_dma semaphore(%arg15 : memref<!tpu.dma_semaphore, #tpu.memory_space<semaphore_mem>>) src(%dma_wait3A_378 : memref<8194x1024xf32, #tpu.memory_space<hbm>>) dst(%arg12 : memref<32x1024xf32, #tpu.memory_space<vmem>>)
    %dma_wait3A_379 = arith.constant 0 : i32
    %dma_wait3A_380 = tpu.memref_slice %arg4[%add3A_369, %dma_wait3A_379] : memref<32768x1024xf32, #tpu.memory_space<hbm>> -> memref<32x1024xf32, #tpu.memory_space<hbm>>
    %dma_wait3A_381 = arith.constant 0 : i32
    %dma_wait3A_382 = tpu.memref_slice %arg4[%add3A_369, %dma_wait3A_381] : memref<32768x1024xf32, #tpu.memory_space<hbm>> -> memref<32x1024xf32, #tpu.memory_space<hbm>>
    tpu.wait_dma2 semaphore(%arg20 : memref<!tpu.dma_semaphore, #tpu.memory_space<semaphore_mem>>) src(%arg14 : memref<32x1024xf32, #tpu.memory_space<vmem>>) dst(%dma_wait3A_382 : memref<32x1024xf32, #tpu.memory_space<hbm>>)
    %dma_start3A_383 = arith.constant 160 : i32
    %dma_start3A_384 = tpu.memref_slice %arg6[%dma_start3A_383] : memref<1024xi32, #tpu.memory_space<vmem>> -> memref<32xi32, #tpu.memory_space<vmem>>
    %dma_start3A_385 = arith.constant 0 : i32
    %dma_start3A_386 = arith.constant 0 : i32
    %dma_start3A_387 = tpu.memref_slice %arg3[%dma_start3A_385, %dma_start3A_386] : memref<8194x1024xf32, #tpu.memory_space<hbm>> -> memref<8194x1024xf32, #tpu.memory_space<hbm>>
    tpu.enqueue_indirect_dma source(%dma_start3A_387 : memref<8194x1024xf32, #tpu.memory_space<hbm>>) target(%arg14 : memref<32x1024xf32, #tpu.memory_space<vmem>>) offsets(%dma_start3A_384 : memref<32xi32, #tpu.memory_space<vmem>>) semaphore(%arg17 : memref<!tpu.dma_semaphore, #tpu.memory_space<semaphore_mem>>)
    %add3A_388 = arith.constant 96 : i32
    %add3A_389 = arith.addi %mul3A_2, %add3A_388 : i32
    %dma_start3A_390 = arith.constant 0 : i32
    %dma_start3A_391 = tpu.memref_slice %arg4[%add3A_389, %dma_start3A_390] : memref<32768x1024xf32, #tpu.memory_space<hbm>> -> memref<32x1024xf32, #tpu.memory_space<hbm>>
    %dma_start3A_392 = arith.constant 0 : i32
    %dma_start3A_393 = tpu.memref_slice %arg4[%add3A_389, %dma_start3A_392] : memref<32768x1024xf32, #tpu.memory_space<hbm>> -> memref<32x1024xf32, #tpu.memory_space<hbm>>
    tpu.enqueue_dma source(%arg12 : memref<32x1024xf32, #tpu.memory_space<vmem>>) target(%dma_start3A_393 : memref<32x1024xf32, #tpu.memory_space<hbm>>) target_semaphore(%arg18 : memref<!tpu.dma_semaphore, #tpu.memory_space<semaphore_mem>>)
    %dma_wait3A_394 = arith.constant 128 : i32
    %dma_wait3A_395 = tpu.memref_slice %arg6[%dma_wait3A_394] : memref<1024xi32, #tpu.memory_space<vmem>> -> memref<32xi32, #tpu.memory_space<vmem>>
    %dma_wait3A_396 = arith.constant 0 : i32
    %dma_wait3A_397 = arith.constant 0 : i32
    %dma_wait3A_398 = tpu.memref_slice %arg3[%dma_wait3A_396, %dma_wait3A_397] : memref<8194x1024xf32, #tpu.memory_space<hbm>> -> memref<8194x1024xf32, #tpu.memory_space<hbm>>
    tpu.wait_indirect_dma semaphore(%arg16 : memref<!tpu.dma_semaphore, #tpu.memory_space<semaphore_mem>>) src(%dma_wait3A_398 : memref<8194x1024xf32, #tpu.memory_space<hbm>>) dst(%arg13 : memref<32x1024xf32, #tpu.memory_space<vmem>>)
    %dma_wait3A_399 = arith.constant 0 : i32
    %dma_wait3A_400 = tpu.memref_slice %arg4[%add3A_389, %dma_wait3A_399] : memref<32768x1024xf32, #tpu.memory_space<hbm>> -> memref<32x1024xf32, #tpu.memory_space<hbm>>
    %dma_wait3A_401 = arith.constant 0 : i32
    %dma_wait3A_402 = tpu.memref_slice %arg4[%add3A_389, %dma_wait3A_401] : memref<32768x1024xf32, #tpu.memory_space<hbm>> -> memref<32x1024xf32, #tpu.memory_space<hbm>>
    tpu.wait_dma2 semaphore(%arg18 : memref<!tpu.dma_semaphore, #tpu.memory_space<semaphore_mem>>) src(%arg12 : memref<32x1024xf32, #tpu.memory_space<vmem>>) dst(%dma_wait3A_402 : memref<32x1024xf32, #tpu.memory_space<hbm>>)
    %dma_start3A_403 = arith.constant 192 : i32
    %dma_start3A_404 = tpu.memref_slice %arg6[%dma_start3A_403] : memref<1024xi32, #tpu.memory_space<vmem>> -> memref<32xi32, #tpu.memory_space<vmem>>
    %dma_start3A_405 = arith.constant 0 : i32
    %dma_start3A_406 = arith.constant 0 : i32
    %dma_start3A_407 = tpu.memref_slice %arg3[%dma_start3A_405, %dma_start3A_406] : memref<8194x1024xf32, #tpu.memory_space<hbm>> -> memref<8194x1024xf32, #tpu.memory_space<hbm>>
    tpu.enqueue_indirect_dma source(%dma_start3A_407 : memref<8194x1024xf32, #tpu.memory_space<hbm>>) target(%arg12 : memref<32x1024xf32, #tpu.memory_space<vmem>>) offsets(%dma_start3A_404 : memref<32xi32, #tpu.memory_space<vmem>>) semaphore(%arg15 : memref<!tpu.dma_semaphore, #tpu.memory_space<semaphore_mem>>)
    %add3A_408 = arith.constant 128 : i32
    %add3A_409 = arith.addi %mul3A_2, %add3A_408 : i32
    %dma_start3A_410 = arith.constant 0 : i32
    %dma_start3A_411 = tpu.memref_slice %arg4[%add3A_409, %dma_start3A_410] : memref<32768x1024xf32, #tpu.memory_space<hbm>> -> memref<32x1024xf32, #tpu.memory_space<hbm>>
    %dma_start3A_412 = arith.constant 0 : i32
    %dma_start3A_413 = tpu.memref_slice %arg4[%add3A_409, %dma_start3A_412] : memref<32768x1024xf32, #tpu.memory_space<hbm>> -> memref<32x1024xf32, #tpu.memory_space<hbm>>
    tpu.enqueue_dma source(%arg13 : memref<32x1024xf32, #tpu.memory_space<vmem>>) target(%dma_start3A_413 : memref<32x1024xf32, #tpu.memory_space<hbm>>) target_semaphore(%arg19 : memref<!tpu.dma_semaphore, #tpu.memory_space<semaphore_mem>>)
    %dma_wait3A_414 = arith.constant 160 : i32
    %dma_wait3A_415 = tpu.memref_slice %arg6[%dma_wait3A_414] : memref<1024xi32, #tpu.memory_space<vmem>> -> memref<32xi32, #tpu.memory_space<vmem>>
    %dma_wait3A_416 = arith.constant 0 : i32
    %dma_wait3A_417 = arith.constant 0 : i32
    %dma_wait3A_418 = tpu.memref_slice %arg3[%dma_wait3A_416, %dma_wait3A_417] : memref<8194x1024xf32, #tpu.memory_space<hbm>> -> memref<8194x1024xf32, #tpu.memory_space<hbm>>
    tpu.wait_indirect_dma semaphore(%arg17 : memref<!tpu.dma_semaphore, #tpu.memory_space<semaphore_mem>>) src(%dma_wait3A_418 : memref<8194x1024xf32, #tpu.memory_space<hbm>>) dst(%arg14 : memref<32x1024xf32, #tpu.memory_space<vmem>>)
    %dma_wait3A_419 = arith.constant 0 : i32
    %dma_wait3A_420 = tpu.memref_slice %arg4[%add3A_409, %dma_wait3A_419] : memref<32768x1024xf32, #tpu.memory_space<hbm>> -> memref<32x1024xf32, #tpu.memory_space<hbm>>
    %dma_wait3A_421 = arith.constant 0 : i32
    %dma_wait3A_422 = tpu.memref_slice %arg4[%add3A_409, %dma_wait3A_421] : memref<32768x1024xf32, #tpu.memory_space<hbm>> -> memref<32x1024xf32, #tpu.memory_space<hbm>>
    tpu.wait_dma2 semaphore(%arg19 : memref<!tpu.dma_semaphore, #tpu.memory_space<semaphore_mem>>) src(%arg13 : memref<32x1024xf32, #tpu.memory_space<vmem>>) dst(%dma_wait3A_422 : memref<32x1024xf32, #tpu.memory_space<hbm>>)
    %dma_start3A_423 = arith.constant 224 : i32
    %dma_start3A_424 = tpu.memref_slice %arg6[%dma_start3A_423] : memref<1024xi32, #tpu.memory_space<vmem>> -> memref<32xi32, #tpu.memory_space<vmem>>
    %dma_start3A_425 = arith.constant 0 : i32
    %dma_start3A_426 = arith.constant 0 : i32
    %dma_start3A_427 = tpu.memref_slice %arg3[%dma_start3A_425, %dma_start3A_426] : memref<8194x1024xf32, #tpu.memory_space<hbm>> -> memref<8194x1024xf32, #tpu.memory_space<hbm>>
    tpu.enqueue_indirect_dma source(%dma_start3A_427 : memref<8194x1024xf32, #tpu.memory_space<hbm>>) target(%arg13 : memref<32x1024xf32, #tpu.memory_space<vmem>>) offsets(%dma_start3A_424 : memref<32xi32, #tpu.memory_space<vmem>>) semaphore(%arg16 : memref<!tpu.dma_semaphore, #tpu.memory_space<semaphore_mem>>)
    %add3A_428 = arith.constant 160 : i32
    %add3A_429 = arith.addi %mul3A_2, %add3A_428 : i32
    %dma_start3A_430 = arith.constant 0 : i32
    %dma_start3A_431 = tpu.memref_slice %arg4[%add3A_429, %dma_start3A_430] : memref<32768x1024xf32, #tpu.memory_space<hbm>> -> memref<32x1024xf32, #tpu.memory_space<hbm>>
    %dma_start3A_432 = arith.constant 0 : i32
    %dma_start3A_433 = tpu.memref_slice %arg4[%add3A_429, %dma_start3A_432] : memref<32768x1024xf32, #tpu.memory_space<hbm>> -> memref<32x1024xf32, #tpu.memory_space<hbm>>
    tpu.enqueue_dma source(%arg14 : memref<32x1024xf32, #tpu.memory_space<vmem>>) target(%dma_start3A_433 : memref<32x1024xf32, #tpu.memory_space<hbm>>) target_semaphore(%arg20 : memref<!tpu.dma_semaphore, #tpu.memory_space<semaphore_mem>>)
    %dma_wait3A_434 = arith.constant 192 : i32
    %dma_wait3A_435 = tpu.memref_slice %arg6[%dma_wait3A_434] : memref<1024xi32, #tpu.memory_space<vmem>> -> memref<32xi32, #tpu.memory_space<vmem>>
    %dma_wait3A_436 = arith.constant 0 : i32
    %dma_wait3A_437 = arith.constant 0 : i32
    %dma_wait3A_438 = tpu.memref_slice %arg3[%dma_wait3A_436, %dma_wait3A_437] : memref<8194x1024xf32, #tpu.memory_space<hbm>> -> memref<8194x1024xf32, #tpu.memory_space<hbm>>
    tpu.wait_indirect_dma semaphore(%arg15 : memref<!tpu.dma_semaphore, #tpu.memory_space<semaphore_mem>>) src(%dma_wait3A_438 : memref<8194x1024xf32, #tpu.memory_space<hbm>>) dst(%arg12 : memref<32x1024xf32, #tpu.memory_space<vmem>>)
    %dma_wait3A_439 = arith.constant 0 : i32
    %dma_wait3A_440 = tpu.memref_slice %arg4[%add3A_429, %dma_wait3A_439] : memref<32768x1024xf32, #tpu.memory_space<hbm>> -> memref<32x1024xf32, #tpu.memory_space<hbm>>
    %dma_wait3A_441 = arith.constant 0 : i32
    %dma_wait3A_442 = tpu.memref_slice %arg4[%add3A_429, %dma_wait3A_441] : memref<32768x1024xf32, #tpu.memory_space<hbm>> -> memref<32x1024xf32, #tpu.memory_space<hbm>>
    tpu.wait_dma2 semaphore(%arg20 : memref<!tpu.dma_semaphore, #tpu.memory_space<semaphore_mem>>) src(%arg14 : memref<32x1024xf32, #tpu.memory_space<vmem>>) dst(%dma_wait3A_442 : memref<32x1024xf32, #tpu.memory_space<hbm>>)
    %dma_start3A_443 = arith.constant 256 : i32
    %dma_start3A_444 = tpu.memref_slice %arg6[%dma_start3A_443] : memref<1024xi32, #tpu.memory_space<vmem>> -> memref<32xi32, #tpu.memory_space<vmem>>
    %dma_start3A_445 = arith.constant 0 : i32
    %dma_start3A_446 = arith.constant 0 : i32
    %dma_start3A_447 = tpu.memref_slice %arg3[%dma_start3A_445, %dma_start3A_446] : memref<8194x1024xf32, #tpu.memory_space<hbm>> -> memref<8194x1024xf32, #tpu.memory_space<hbm>>
    tpu.enqueue_indirect_dma source(%dma_start3A_447 : memref<8194x1024xf32, #tpu.memory_space<hbm>>) target(%arg14 : memref<32x1024xf32, #tpu.memory_space<vmem>>) offsets(%dma_start3A_444 : memref<32xi32, #tpu.memory_space<vmem>>) semaphore(%arg17 : memref<!tpu.dma_semaphore, #tpu.memory_space<semaphore_mem>>)
    %add3A_448 = arith.constant 192 : i32
    %add3A_449 = arith.addi %mul3A_2, %add3A_448 : i32
    %dma_start3A_450 = arith.constant 0 : i32
    %dma_start3A_451 = tpu.memref_slice %arg4[%add3A_449, %dma_start3A_450] : memref<32768x1024xf32, #tpu.memory_space<hbm>> -> memref<32x1024xf32, #tpu.memory_space<hbm>>
    %dma_start3A_452 = arith.constant 0 : i32
    %dma_start3A_453 = tpu.memref_slice %arg4[%add3A_449, %dma_start3A_452] : memref<32768x1024xf32, #tpu.memory_space<hbm>> -> memref<32x1024xf32, #tpu.memory_space<hbm>>
    tpu.enqueue_dma source(%arg12 : memref<32x1024xf32, #tpu.memory_space<vmem>>) target(%dma_start3A_453 : memref<32x1024xf32, #tpu.memory_space<hbm>>) target_semaphore(%arg18 : memref<!tpu.dma_semaphore, #tpu.memory_space<semaphore_mem>>)
    %dma_wait3A_454 = arith.constant 224 : i32
    %dma_wait3A_455 = tpu.memref_slice %arg6[%dma_wait3A_454] : memref<1024xi32, #tpu.memory_space<vmem>> -> memref<32xi32, #tpu.memory_space<vmem>>
    %dma_wait3A_456 = arith.constant 0 : i32
    %dma_wait3A_457 = arith.constant 0 : i32
    %dma_wait3A_458 = tpu.memref_slice %arg3[%dma_wait3A_456, %dma_wait3A_457] : memref<8194x1024xf32, #tpu.memory_space<hbm>> -> memref<8194x1024xf32, #tpu.memory_space<hbm>>
    tpu.wait_indirect_dma semaphore(%arg16 : memref<!tpu.dma_semaphore, #tpu.memory_space<semaphore_mem>>) src(%dma_wait3A_458 : memref<8194x1024xf32, #tpu.memory_space<hbm>>) dst(%arg13 : memref<32x1024xf32, #tpu.memory_space<vmem>>)
    %dma_wait3A_459 = arith.constant 0 : i32
    %dma_wait3A_460 = tpu.memref_slice %arg4[%add3A_449, %dma_wait3A_459] : memref<32768x1024xf32, #tpu.memory_space<hbm>> -> memref<32x1024xf32, #tpu.memory_space<hbm>>
    %dma_wait3A_461 = arith.constant 0 : i32
    %dma_wait3A_462 = tpu.memref_slice %arg4[%add3A_449, %dma_wait3A_461] : memref<32768x1024xf32, #tpu.memory_space<hbm>> -> memref<32x1024xf32, #tpu.memory_space<hbm>>
    tpu.wait_dma2 semaphore(%arg18 : memref<!tpu.dma_semaphore, #tpu.memory_space<semaphore_mem>>) src(%arg12 : memref<32x1024xf32, #tpu.memory_space<vmem>>) dst(%dma_wait3A_462 : memref<32x1024xf32, #tpu.memory_space<hbm>>)
    %dma_start3A_463 = arith.constant 288 : i32
    %dma_start3A_464 = tpu.memref_slice %arg6[%dma_start3A_463] : memref<1024xi32, #tpu.memory_space<vmem>> -> memref<32xi32, #tpu.memory_space<vmem>>
    %dma_start3A_465 = arith.constant 0 : i32
    %dma_start3A_466 = arith.constant 0 : i32
    %dma_start3A_467 = tpu.memref_slice %arg3[%dma_start3A_465, %dma_start3A_466] : memref<8194x1024xf32, #tpu.memory_space<hbm>> -> memref<8194x1024xf32, #tpu.memory_space<hbm>>
    tpu.enqueue_indirect_dma source(%dma_start3A_467 : memref<8194x1024xf32, #tpu.memory_space<hbm>>) target(%arg12 : memref<32x1024xf32, #tpu.memory_space<vmem>>) offsets(%dma_start3A_464 : memref<32xi32, #tpu.memory_space<vmem>>) semaphore(%arg15 : memref<!tpu.dma_semaphore, #tpu.memory_space<semaphore_mem>>)
    %add3A_468 = arith.constant 224 : i32
    %add3A_469 = arith.addi %mul3A_2, %add3A_468 : i32
    %dma_start3A_470 = arith.constant 0 : i32
    %dma_start3A_471 = tpu.memref_slice %arg4[%add3A_469, %dma_start3A_470] : memref<32768x1024xf32, #tpu.memory_space<hbm>> -> memref<32x1024xf32, #tpu.memory_space<hbm>>
    %dma_start3A_472 = arith.constant 0 : i32
    %dma_start3A_473 = tpu.memref_slice %arg4[%add3A_469, %dma_start3A_472] : memref<32768x1024xf32, #tpu.memory_space<hbm>> -> memref<32x1024xf32, #tpu.memory_space<hbm>>
    tpu.enqueue_dma source(%arg13 : memref<32x1024xf32, #tpu.memory_space<vmem>>) target(%dma_start3A_473 : memref<32x1024xf32, #tpu.memory_space<hbm>>) target_semaphore(%arg19 : memref<!tpu.dma_semaphore, #tpu.memory_space<semaphore_mem>>)
    %dma_wait3A_474 = arith.constant 256 : i32
    %dma_wait3A_475 = tpu.memref_slice %arg6[%dma_wait3A_474] : memref<1024xi32, #tpu.memory_space<vmem>> -> memref<32xi32, #tpu.memory_space<vmem>>
    %dma_wait3A_476 = arith.constant 0 : i32
    %dma_wait3A_477 = arith.constant 0 : i32
    %dma_wait3A_478 = tpu.memref_slice %arg3[%dma_wait3A_476, %dma_wait3A_477] : memref<8194x1024xf32, #tpu.memory_space<hbm>> -> memref<8194x1024xf32, #tpu.memory_space<hbm>>
    tpu.wait_indirect_dma semaphore(%arg17 : memref<!tpu.dma_semaphore, #tpu.memory_space<semaphore_mem>>) src(%dma_wait3A_478 : memref<8194x1024xf32, #tpu.memory_space<hbm>>) dst(%arg14 : memref<32x1024xf32, #tpu.memory_space<vmem>>)
    %dma_wait3A_479 = arith.constant 0 : i32
    %dma_wait3A_480 = tpu.memref_slice %arg4[%add3A_469, %dma_wait3A_479] : memref<32768x1024xf32, #tpu.memory_space<hbm>> -> memref<32x1024xf32, #tpu.memory_space<hbm>>
    %dma_wait3A_481 = arith.constant 0 : i32
    %dma_wait3A_482 = tpu.memref_slice %arg4[%add3A_469, %dma_wait3A_481] : memref<32768x1024xf32, #tpu.memory_space<hbm>> -> memref<32x1024xf32, #tpu.memory_space<hbm>>
    tpu.wait_dma2 semaphore(%arg19 : memref<!tpu.dma_semaphore, #tpu.memory_space<semaphore_mem>>) src(%arg13 : memref<32x1024xf32, #tpu.memory_space<vmem>>) dst(%dma_wait3A_482 : memref<32x1024xf32, #tpu.memory_space<hbm>>)
    %dma_start3A_483 = arith.constant 320 : i32
    %dma_start3A_484 = tpu.memref_slice %arg6[%dma_start3A_483] : memref<1024xi32, #tpu.memory_space<vmem>> -> memref<32xi32, #tpu.memory_space<vmem>>
    %dma_start3A_485 = arith.constant 0 : i32
    %dma_start3A_486 = arith.constant 0 : i32
    %dma_start3A_487 = tpu.memref_slice %arg3[%dma_start3A_485, %dma_start3A_486] : memref<8194x1024xf32, #tpu.memory_space<hbm>> -> memref<8194x1024xf32, #tpu.memory_space<hbm>>
    tpu.enqueue_indirect_dma source(%dma_start3A_487 : memref<8194x1024xf32, #tpu.memory_space<hbm>>) target(%arg13 : memref<32x1024xf32, #tpu.memory_space<vmem>>) offsets(%dma_start3A_484 : memref<32xi32, #tpu.memory_space<vmem>>) semaphore(%arg16 : memref<!tpu.dma_semaphore, #tpu.memory_space<semaphore_mem>>)
    %add3A_488 = arith.constant 256 : i32
    %add3A_489 = arith.addi %mul3A_2, %add3A_488 : i32
    %dma_start3A_490 = arith.constant 0 : i32
    %dma_start3A_491 = tpu.memref_slice %arg4[%add3A_489, %dma_start3A_490] : memref<32768x1024xf32, #tpu.memory_space<hbm>> -> memref<32x1024xf32, #tpu.memory_space<hbm>>
    %dma_start3A_492 = arith.constant 0 : i32
    %dma_start3A_493 = tpu.memref_slice %arg4[%add3A_489, %dma_start3A_492] : memref<32768x1024xf32, #tpu.memory_space<hbm>> -> memref<32x1024xf32, #tpu.memory_space<hbm>>
    tpu.enqueue_dma source(%arg14 : memref<32x1024xf32, #tpu.memory_space<vmem>>) target(%dma_start3A_493 : memref<32x1024xf32, #tpu.memory_space<hbm>>) target_semaphore(%arg20 : memref<!tpu.dma_semaphore, #tpu.memory_space<semaphore_mem>>)
    %dma_wait3A_494 = arith.constant 288 : i32
    %dma_wait3A_495 = tpu.memref_slice %arg6[%dma_wait3A_494] : memref<1024xi32, #tpu.memory_space<vmem>> -> memref<32xi32, #tpu.memory_space<vmem>>
    %dma_wait3A_496 = arith.constant 0 : i32
    %dma_wait3A_497 = arith.constant 0 : i32
    %dma_wait3A_498 = tpu.memref_slice %arg3[%dma_wait3A_496, %dma_wait3A_497] : memref<8194x1024xf32, #tpu.memory_space<hbm>> -> memref<8194x1024xf32, #tpu.memory_space<hbm>>
    tpu.wait_indirect_dma semaphore(%arg15 : memref<!tpu.dma_semaphore, #tpu.memory_space<semaphore_mem>>) src(%dma_wait3A_498 : memref<8194x1024xf32, #tpu.memory_space<hbm>>) dst(%arg12 : memref<32x1024xf32, #tpu.memory_space<vmem>>)
    %dma_wait3A_499 = arith.constant 0 : i32
    %dma_wait3A_500 = tpu.memref_slice %arg4[%add3A_489, %dma_wait3A_499] : memref<32768x1024xf32, #tpu.memory_space<hbm>> -> memref<32x1024xf32, #tpu.memory_space<hbm>>
    %dma_wait3A_501 = arith.constant 0 : i32
    %dma_wait3A_502 = tpu.memref_slice %arg4[%add3A_489, %dma_wait3A_501] : memref<32768x1024xf32, #tpu.memory_space<hbm>> -> memref<32x1024xf32, #tpu.memory_space<hbm>>
    tpu.wait_dma2 semaphore(%arg20 : memref<!tpu.dma_semaphore, #tpu.memory_space<semaphore_mem>>) src(%arg14 : memref<32x1024xf32, #tpu.memory_space<vmem>>) dst(%dma_wait3A_502 : memref<32x1024xf32, #tpu.memory_space<hbm>>)
    %dma_start3A_503 = arith.constant 352 : i32
    %dma_start3A_504 = tpu.memref_slice %arg6[%dma_start3A_503] : memref<1024xi32, #tpu.memory_space<vmem>> -> memref<32xi32, #tpu.memory_space<vmem>>
    %dma_start3A_505 = arith.constant 0 : i32
    %dma_start3A_506 = arith.constant 0 : i32
    %dma_start3A_507 = tpu.memref_slice %arg3[%dma_start3A_505, %dma_start3A_506] : memref<8194x1024xf32, #tpu.memory_space<hbm>> -> memref<8194x1024xf32, #tpu.memory_space<hbm>>
    tpu.enqueue_indirect_dma source(%dma_start3A_507 : memref<8194x1024xf32, #tpu.memory_space<hbm>>) target(%arg14 : memref<32x1024xf32, #tpu.memory_space<vmem>>) offsets(%dma_start3A_504 : memref<32xi32, #tpu.memory_space<vmem>>) semaphore(%arg17 : memref<!tpu.dma_semaphore, #tpu.memory_space<semaphore_mem>>)
    %add3A_508 = arith.constant 288 : i32
    %add3A_509 = arith.addi %mul3A_2, %add3A_508 : i32
    %dma_start3A_510 = arith.constant 0 : i32
    %dma_start3A_511 = tpu.memref_slice %arg4[%add3A_509, %dma_start3A_510] : memref<32768x1024xf32, #tpu.memory_space<hbm>> -> memref<32x1024xf32, #tpu.memory_space<hbm>>
    %dma_start3A_512 = arith.constant 0 : i32
    %dma_start3A_513 = tpu.memref_slice %arg4[%add3A_509, %dma_start3A_512] : memref<32768x1024xf32, #tpu.memory_space<hbm>> -> memref<32x1024xf32, #tpu.memory_space<hbm>>
    tpu.enqueue_dma source(%arg12 : memref<32x1024xf32, #tpu.memory_space<vmem>>) target(%dma_start3A_513 : memref<32x1024xf32, #tpu.memory_space<hbm>>) target_semaphore(%arg18 : memref<!tpu.dma_semaphore, #tpu.memory_space<semaphore_mem>>)
    %dma_wait3A_514 = arith.constant 320 : i32
    %dma_wait3A_515 = tpu.memref_slice %arg6[%dma_wait3A_514] : memref<1024xi32, #tpu.memory_space<vmem>> -> memref<32xi32, #tpu.memory_space<vmem>>
    %dma_wait3A_516 = arith.constant 0 : i32
    %dma_wait3A_517 = arith.constant 0 : i32
    %dma_wait3A_518 = tpu.memref_slice %arg3[%dma_wait3A_516, %dma_wait3A_517] : memref<8194x1024xf32, #tpu.memory_space<hbm>> -> memref<8194x1024xf32, #tpu.memory_space<hbm>>
    tpu.wait_indirect_dma semaphore(%arg16 : memref<!tpu.dma_semaphore, #tpu.memory_space<semaphore_mem>>) src(%dma_wait3A_518 : memref<8194x1024xf32, #tpu.memory_space<hbm>>) dst(%arg13 : memref<32x1024xf32, #tpu.memory_space<vmem>>)
    %dma_wait3A_519 = arith.constant 0 : i32
    %dma_wait3A_520 = tpu.memref_slice %arg4[%add3A_509, %dma_wait3A_519] : memref<32768x1024xf32, #tpu.memory_space<hbm>> -> memref<32x1024xf32, #tpu.memory_space<hbm>>
    %dma_wait3A_521 = arith.constant 0 : i32
    %dma_wait3A_522 = tpu.memref_slice %arg4[%add3A_509, %dma_wait3A_521] : memref<32768x1024xf32, #tpu.memory_space<hbm>> -> memref<32x1024xf32, #tpu.memory_space<hbm>>
    tpu.wait_dma2 semaphore(%arg18 : memref<!tpu.dma_semaphore, #tpu.memory_space<semaphore_mem>>) src(%arg12 : memref<32x1024xf32, #tpu.memory_space<vmem>>) dst(%dma_wait3A_522 : memref<32x1024xf32, #tpu.memory_space<hbm>>)
    %dma_start3A_523 = arith.constant 384 : i32
    %dma_start3A_524 = tpu.memref_slice %arg6[%dma_start3A_523] : memref<1024xi32, #tpu.memory_space<vmem>> -> memref<32xi32, #tpu.memory_space<vmem>>
    %dma_start3A_525 = arith.constant 0 : i32
    %dma_start3A_526 = arith.constant 0 : i32
    %dma_start3A_527 = tpu.memref_slice %arg3[%dma_start3A_525, %dma_start3A_526] : memref<8194x1024xf32, #tpu.memory_space<hbm>> -> memref<8194x1024xf32, #tpu.memory_space<hbm>>
    tpu.enqueue_indirect_dma source(%dma_start3A_527 : memref<8194x1024xf32, #tpu.memory_space<hbm>>) target(%arg12 : memref<32x1024xf32, #tpu.memory_space<vmem>>) offsets(%dma_start3A_524 : memref<32xi32, #tpu.memory_space<vmem>>) semaphore(%arg15 : memref<!tpu.dma_semaphore, #tpu.memory_space<semaphore_mem>>)
    %add3A_528 = arith.constant 320 : i32
    %add3A_529 = arith.addi %mul3A_2, %add3A_528 : i32
    %dma_start3A_530 = arith.constant 0 : i32
    %dma_start3A_531 = tpu.memref_slice %arg4[%add3A_529, %dma_start3A_530] : memref<32768x1024xf32, #tpu.memory_space<hbm>> -> memref<32x1024xf32, #tpu.memory_space<hbm>>
    %dma_start3A_532 = arith.constant 0 : i32
    %dma_start3A_533 = tpu.memref_slice %arg4[%add3A_529, %dma_start3A_532] : memref<32768x1024xf32, #tpu.memory_space<hbm>> -> memref<32x1024xf32, #tpu.memory_space<hbm>>
    tpu.enqueue_dma source(%arg13 : memref<32x1024xf32, #tpu.memory_space<vmem>>) target(%dma_start3A_533 : memref<32x1024xf32, #tpu.memory_space<hbm>>) target_semaphore(%arg19 : memref<!tpu.dma_semaphore, #tpu.memory_space<semaphore_mem>>)
    %dma_wait3A_534 = arith.constant 352 : i32
    %dma_wait3A_535 = tpu.memref_slice %arg6[%dma_wait3A_534] : memref<1024xi32, #tpu.memory_space<vmem>> -> memref<32xi32, #tpu.memory_space<vmem>>
    %dma_wait3A_536 = arith.constant 0 : i32
    %dma_wait3A_537 = arith.constant 0 : i32
    %dma_wait3A_538 = tpu.memref_slice %arg3[%dma_wait3A_536, %dma_wait3A_537] : memref<8194x1024xf32, #tpu.memory_space<hbm>> -> memref<8194x1024xf32, #tpu.memory_space<hbm>>
    tpu.wait_indirect_dma semaphore(%arg17 : memref<!tpu.dma_semaphore, #tpu.memory_space<semaphore_mem>>) src(%dma_wait3A_538 : memref<8194x1024xf32, #tpu.memory_space<hbm>>) dst(%arg14 : memref<32x1024xf32, #tpu.memory_space<vmem>>)
    %dma_wait3A_539 = arith.constant 0 : i32
    %dma_wait3A_540 = tpu.memref_slice %arg4[%add3A_529, %dma_wait3A_539] : memref<32768x1024xf32, #tpu.memory_space<hbm>> -> memref<32x1024xf32, #tpu.memory_space<hbm>>
    %dma_wait3A_541 = arith.constant 0 : i32
    %dma_wait3A_542 = tpu.memref_slice %arg4[%add3A_529, %dma_wait3A_541] : memref<32768x1024xf32, #tpu.memory_space<hbm>> -> memref<32x1024xf32, #tpu.memory_space<hbm>>
    tpu.wait_dma2 semaphore(%arg19 : memref<!tpu.dma_semaphore, #tpu.memory_space<semaphore_mem>>) src(%arg13 : memref<32x1024xf32, #tpu.memory_space<vmem>>) dst(%dma_wait3A_542 : memref<32x1024xf32, #tpu.memory_space<hbm>>)
    %dma_start3A_543 = arith.constant 416 : i32
    %dma_start3A_544 = tpu.memref_slice %arg6[%dma_start3A_543] : memref<1024xi32, #tpu.memory_space<vmem>> -> memref<32xi32, #tpu.memory_space<vmem>>
    %dma_start3A_545 = arith.constant 0 : i32
    %dma_start3A_546 = arith.constant 0 : i32
    %dma_start3A_547 = tpu.memref_slice %arg3[%dma_start3A_545, %dma_start3A_546] : memref<8194x1024xf32, #tpu.memory_space<hbm>> -> memref<8194x1024xf32, #tpu.memory_space<hbm>>
    tpu.enqueue_indirect_dma source(%dma_start3A_547 : memref<8194x1024xf32, #tpu.memory_space<hbm>>) target(%arg13 : memref<32x1024xf32, #tpu.memory_space<vmem>>) offsets(%dma_start3A_544 : memref<32xi32, #tpu.memory_space<vmem>>) semaphore(%arg16 : memref<!tpu.dma_semaphore, #tpu.memory_space<semaphore_mem>>)
    %add3A_548 = arith.constant 352 : i32
    %add3A_549 = arith.addi %mul3A_2, %add3A_548 : i32
    %dma_start3A_550 = arith.constant 0 : i32
    %dma_start3A_551 = tpu.memref_slice %arg4[%add3A_549, %dma_start3A_550] : memref<32768x1024xf32, #tpu.memory_space<hbm>> -> memref<32x1024xf32, #tpu.memory_space<hbm>>
    %dma_start3A_552 = arith.constant 0 : i32
    %dma_start3A_553 = tpu.memref_slice %arg4[%add3A_549, %dma_start3A_552] : memref<32768x1024xf32, #tpu.memory_space<hbm>> -> memref<32x1024xf32, #tpu.memory_space<hbm>>
    tpu.enqueue_dma source(%arg14 : memref<32x1024xf32, #tpu.memory_space<vmem>>) target(%dma_start3A_553 : memref<32x1024xf32, #tpu.memory_space<hbm>>) target_semaphore(%arg20 : memref<!tpu.dma_semaphore, #tpu.memory_space<semaphore_mem>>)
    %dma_wait3A_554 = arith.constant 384 : i32
    %dma_wait3A_555 = tpu.memref_slice %arg6[%dma_wait3A_554] : memref<1024xi32, #tpu.memory_space<vmem>> -> memref<32xi32, #tpu.memory_space<vmem>>
    %dma_wait3A_556 = arith.constant 0 : i32
    %dma_wait3A_557 = arith.constant 0 : i32
    %dma_wait3A_558 = tpu.memref_slice %arg3[%dma_wait3A_556, %dma_wait3A_557] : memref<8194x1024xf32, #tpu.memory_space<hbm>> -> memref<8194x1024xf32, #tpu.memory_space<hbm>>
    tpu.wait_indirect_dma semaphore(%arg15 : memref<!tpu.dma_semaphore, #tpu.memory_space<semaphore_mem>>) src(%dma_wait3A_558 : memref<8194x1024xf32, #tpu.memory_space<hbm>>) dst(%arg12 : memref<32x1024xf32, #tpu.memory_space<vmem>>)
    %dma_wait3A_559 = arith.constant 0 : i32
    %dma_wait3A_560 = tpu.memref_slice %arg4[%add3A_549, %dma_wait3A_559] : memref<32768x1024xf32, #tpu.memory_space<hbm>> -> memref<32x1024xf32, #tpu.memory_space<hbm>>
    %dma_wait3A_561 = arith.constant 0 : i32
    %dma_wait3A_562 = tpu.memref_slice %arg4[%add3A_549, %dma_wait3A_561] : memref<32768x1024xf32, #tpu.memory_space<hbm>> -> memref<32x1024xf32, #tpu.memory_space<hbm>>
    tpu.wait_dma2 semaphore(%arg20 : memref<!tpu.dma_semaphore, #tpu.memory_space<semaphore_mem>>) src(%arg14 : memref<32x1024xf32, #tpu.memory_space<vmem>>) dst(%dma_wait3A_562 : memref<32x1024xf32, #tpu.memory_space<hbm>>)
    %dma_start3A_563 = arith.constant 448 : i32
    %dma_start3A_564 = tpu.memref_slice %arg6[%dma_start3A_563] : memref<1024xi32, #tpu.memory_space<vmem>> -> memref<32xi32, #tpu.memory_space<vmem>>
    %dma_start3A_565 = arith.constant 0 : i32
    %dma_start3A_566 = arith.constant 0 : i32
    %dma_start3A_567 = tpu.memref_slice %arg3[%dma_start3A_565, %dma_start3A_566] : memref<8194x1024xf32, #tpu.memory_space<hbm>> -> memref<8194x1024xf32, #tpu.memory_space<hbm>>
    tpu.enqueue_indirect_dma source(%dma_start3A_567 : memref<8194x1024xf32, #tpu.memory_space<hbm>>) target(%arg14 : memref<32x1024xf32, #tpu.memory_space<vmem>>) offsets(%dma_start3A_564 : memref<32xi32, #tpu.memory_space<vmem>>) semaphore(%arg17 : memref<!tpu.dma_semaphore, #tpu.memory_space<semaphore_mem>>)
    %add3A_568 = arith.constant 384 : i32
    %add3A_569 = arith.addi %mul3A_2, %add3A_568 : i32
    %dma_start3A_570 = arith.constant 0 : i32
    %dma_start3A_571 = tpu.memref_slice %arg4[%add3A_569, %dma_start3A_570] : memref<32768x1024xf32, #tpu.memory_space<hbm>> -> memref<32x1024xf32, #tpu.memory_space<hbm>>
    %dma_start3A_572 = arith.constant 0 : i32
    %dma_start3A_573 = tpu.memref_slice %arg4[%add3A_569, %dma_start3A_572] : memref<32768x1024xf32, #tpu.memory_space<hbm>> -> memref<32x1024xf32, #tpu.memory_space<hbm>>
    tpu.enqueue_dma source(%arg12 : memref<32x1024xf32, #tpu.memory_space<vmem>>) target(%dma_start3A_573 : memref<32x1024xf32, #tpu.memory_space<hbm>>) target_semaphore(%arg18 : memref<!tpu.dma_semaphore, #tpu.memory_space<semaphore_mem>>)
    %dma_wait3A_574 = arith.constant 416 : i32
    %dma_wait3A_575 = tpu.memref_slice %arg6[%dma_wait3A_574] : memref<1024xi32, #tpu.memory_space<vmem>> -> memref<32xi32, #tpu.memory_space<vmem>>
    %dma_wait3A_576 = arith.constant 0 : i32
    %dma_wait3A_577 = arith.constant 0 : i32
    %dma_wait3A_578 = tpu.memref_slice %arg3[%dma_wait3A_576, %dma_wait3A_577] : memref<8194x1024xf32, #tpu.memory_space<hbm>> -> memref<8194x1024xf32, #tpu.memory_space<hbm>>
    tpu.wait_indirect_dma semaphore(%arg16 : memref<!tpu.dma_semaphore, #tpu.memory_space<semaphore_mem>>) src(%dma_wait3A_578 : memref<8194x1024xf32, #tpu.memory_space<hbm>>) dst(%arg13 : memref<32x1024xf32, #tpu.memory_space<vmem>>)
    %dma_wait3A_579 = arith.constant 0 : i32
    %dma_wait3A_580 = tpu.memref_slice %arg4[%add3A_569, %dma_wait3A_579] : memref<32768x1024xf32, #tpu.memory_space<hbm>> -> memref<32x1024xf32, #tpu.memory_space<hbm>>
    %dma_wait3A_581 = arith.constant 0 : i32
    %dma_wait3A_582 = tpu.memref_slice %arg4[%add3A_569, %dma_wait3A_581] : memref<32768x1024xf32, #tpu.memory_space<hbm>> -> memref<32x1024xf32, #tpu.memory_space<hbm>>
    tpu.wait_dma2 semaphore(%arg18 : memref<!tpu.dma_semaphore, #tpu.memory_space<semaphore_mem>>) src(%arg12 : memref<32x1024xf32, #tpu.memory_space<vmem>>) dst(%dma_wait3A_582 : memref<32x1024xf32, #tpu.memory_space<hbm>>)
    %dma_start3A_583 = arith.constant 480 : i32
    %dma_start3A_584 = tpu.memref_slice %arg6[%dma_start3A_583] : memref<1024xi32, #tpu.memory_space<vmem>> -> memref<32xi32, #tpu.memory_space<vmem>>
    %dma_start3A_585 = arith.constant 0 : i32
    %dma_start3A_586 = arith.constant 0 : i32
    %dma_start3A_587 = tpu.memref_slice %arg3[%dma_start3A_585, %dma_start3A_586] : memref<8194x1024xf32, #tpu.memory_space<hbm>> -> memref<8194x1024xf32, #tpu.memory_space<hbm>>
    tpu.enqueue_indirect_dma source(%dma_start3A_587 : memref<8194x1024xf32, #tpu.memory_space<hbm>>) target(%arg12 : memref<32x1024xf32, #tpu.memory_space<vmem>>) offsets(%dma_start3A_584 : memref<32xi32, #tpu.memory_space<vmem>>) semaphore(%arg15 : memref<!tpu.dma_semaphore, #tpu.memory_space<semaphore_mem>>)
    %add3A_588 = arith.constant 416 : i32
    %add3A_589 = arith.addi %mul3A_2, %add3A_588 : i32
    %dma_start3A_590 = arith.constant 0 : i32
    %dma_start3A_591 = tpu.memref_slice %arg4[%add3A_589, %dma_start3A_590] : memref<32768x1024xf32, #tpu.memory_space<hbm>> -> memref<32x1024xf32, #tpu.memory_space<hbm>>
    %dma_start3A_592 = arith.constant 0 : i32
    %dma_start3A_593 = tpu.memref_slice %arg4[%add3A_589, %dma_start3A_592] : memref<32768x1024xf32, #tpu.memory_space<hbm>> -> memref<32x1024xf32, #tpu.memory_space<hbm>>
    tpu.enqueue_dma source(%arg13 : memref<32x1024xf32, #tpu.memory_space<vmem>>) target(%dma_start3A_593 : memref<32x1024xf32, #tpu.memory_space<hbm>>) target_semaphore(%arg19 : memref<!tpu.dma_semaphore, #tpu.memory_space<semaphore_mem>>)
    %dma_wait3A_594 = arith.constant 448 : i32
    %dma_wait3A_595 = tpu.memref_slice %arg6[%dma_wait3A_594] : memref<1024xi32, #tpu.memory_space<vmem>> -> memref<32xi32, #tpu.memory_space<vmem>>
    %dma_wait3A_596 = arith.constant 0 : i32
    %dma_wait3A_597 = arith.constant 0 : i32
    %dma_wait3A_598 = tpu.memref_slice %arg3[%dma_wait3A_596, %dma_wait3A_597] : memref<8194x1024xf32, #tpu.memory_space<hbm>> -> memref<8194x1024xf32, #tpu.memory_space<hbm>>
    tpu.wait_indirect_dma semaphore(%arg17 : memref<!tpu.dma_semaphore, #tpu.memory_space<semaphore_mem>>) src(%dma_wait3A_598 : memref<8194x1024xf32, #tpu.memory_space<hbm>>) dst(%arg14 : memref<32x1024xf32, #tpu.memory_space<vmem>>)
    %dma_wait3A_599 = arith.constant 0 : i32
    %dma_wait3A_600 = tpu.memref_slice %arg4[%add3A_589, %dma_wait3A_599] : memref<32768x1024xf32, #tpu.memory_space<hbm>> -> memref<32x1024xf32, #tpu.memory_space<hbm>>
    %dma_wait3A_601 = arith.constant 0 : i32
    %dma_wait3A_602 = tpu.memref_slice %arg4[%add3A_589, %dma_wait3A_601] : memref<32768x1024xf32, #tpu.memory_space<hbm>> -> memref<32x1024xf32, #tpu.memory_space<hbm>>
    tpu.wait_dma2 semaphore(%arg19 : memref<!tpu.dma_semaphore, #tpu.memory_space<semaphore_mem>>) src(%arg13 : memref<32x1024xf32, #tpu.memory_space<vmem>>) dst(%dma_wait3A_602 : memref<32x1024xf32, #tpu.memory_space<hbm>>)
    %dma_start3A_603 = arith.constant 512 : i32
    %dma_start3A_604 = tpu.memref_slice %arg6[%dma_start3A_603] : memref<1024xi32, #tpu.memory_space<vmem>> -> memref<32xi32, #tpu.memory_space<vmem>>
    %dma_start3A_605 = arith.constant 0 : i32
    %dma_start3A_606 = arith.constant 0 : i32
    %dma_start3A_607 = tpu.memref_slice %arg3[%dma_start3A_605, %dma_start3A_606] : memref<8194x1024xf32, #tpu.memory_space<hbm>> -> memref<8194x1024xf32, #tpu.memory_space<hbm>>
    tpu.enqueue_indirect_dma source(%dma_start3A_607 : memref<8194x1024xf32, #tpu.memory_space<hbm>>) target(%arg13 : memref<32x1024xf32, #tpu.memory_space<vmem>>) offsets(%dma_start3A_604 : memref<32xi32, #tpu.memory_space<vmem>>) semaphore(%arg16 : memref<!tpu.dma_semaphore, #tpu.memory_space<semaphore_mem>>)
    %add3A_608 = arith.constant 448 : i32
    %add3A_609 = arith.addi %mul3A_2, %add3A_608 : i32
    %dma_start3A_610 = arith.constant 0 : i32
    %dma_start3A_611 = tpu.memref_slice %arg4[%add3A_609, %dma_start3A_610] : memref<32768x1024xf32, #tpu.memory_space<hbm>> -> memref<32x1024xf32, #tpu.memory_space<hbm>>
    %dma_start3A_612 = arith.constant 0 : i32
    %dma_start3A_613 = tpu.memref_slice %arg4[%add3A_609, %dma_start3A_612] : memref<32768x1024xf32, #tpu.memory_space<hbm>> -> memref<32x1024xf32, #tpu.memory_space<hbm>>
    tpu.enqueue_dma source(%arg14 : memref<32x1024xf32, #tpu.memory_space<vmem>>) target(%dma_start3A_613 : memref<32x1024xf32, #tpu.memory_space<hbm>>) target_semaphore(%arg20 : memref<!tpu.dma_semaphore, #tpu.memory_space<semaphore_mem>>)
    %dma_wait3A_614 = arith.constant 480 : i32
    %dma_wait3A_615 = tpu.memref_slice %arg6[%dma_wait3A_614] : memref<1024xi32, #tpu.memory_space<vmem>> -> memref<32xi32, #tpu.memory_space<vmem>>
    %dma_wait3A_616 = arith.constant 0 : i32
    %dma_wait3A_617 = arith.constant 0 : i32
    %dma_wait3A_618 = tpu.memref_slice %arg3[%dma_wait3A_616, %dma_wait3A_617] : memref<8194x1024xf32, #tpu.memory_space<hbm>> -> memref<8194x1024xf32, #tpu.memory_space<hbm>>
    tpu.wait_indirect_dma semaphore(%arg15 : memref<!tpu.dma_semaphore, #tpu.memory_space<semaphore_mem>>) src(%dma_wait3A_618 : memref<8194x1024xf32, #tpu.memory_space<hbm>>) dst(%arg12 : memref<32x1024xf32, #tpu.memory_space<vmem>>)
    %dma_wait3A_619 = arith.constant 0 : i32
    %dma_wait3A_620 = tpu.memref_slice %arg4[%add3A_609, %dma_wait3A_619] : memref<32768x1024xf32, #tpu.memory_space<hbm>> -> memref<32x1024xf32, #tpu.memory_space<hbm>>
    %dma_wait3A_621 = arith.constant 0 : i32
    %dma_wait3A_622 = tpu.memref_slice %arg4[%add3A_609, %dma_wait3A_621] : memref<32768x1024xf32, #tpu.memory_space<hbm>> -> memref<32x1024xf32, #tpu.memory_space<hbm>>
    tpu.wait_dma2 semaphore(%arg20 : memref<!tpu.dma_semaphore, #tpu.memory_space<semaphore_mem>>) src(%arg14 : memref<32x1024xf32, #tpu.memory_space<vmem>>) dst(%dma_wait3A_622 : memref<32x1024xf32, #tpu.memory_space<hbm>>)
    %dma_start3A_623 = arith.constant 544 : i32
    %dma_start3A_624 = tpu.memref_slice %arg6[%dma_start3A_623] : memref<1024xi32, #tpu.memory_space<vmem>> -> memref<32xi32, #tpu.memory_space<vmem>>
    %dma_start3A_625 = arith.constant 0 : i32
    %dma_start3A_626 = arith.constant 0 : i32
    %dma_start3A_627 = tpu.memref_slice %arg3[%dma_start3A_625, %dma_start3A_626] : memref<8194x1024xf32, #tpu.memory_space<hbm>> -> memref<8194x1024xf32, #tpu.memory_space<hbm>>
    tpu.enqueue_indirect_dma source(%dma_start3A_627 : memref<8194x1024xf32, #tpu.memory_space<hbm>>) target(%arg14 : memref<32x1024xf32, #tpu.memory_space<vmem>>) offsets(%dma_start3A_624 : memref<32xi32, #tpu.memory_space<vmem>>) semaphore(%arg17 : memref<!tpu.dma_semaphore, #tpu.memory_space<semaphore_mem>>)
    %add3A_628 = arith.constant 480 : i32
    %add3A_629 = arith.addi %mul3A_2, %add3A_628 : i32
    %dma_start3A_630 = arith.constant 0 : i32
    %dma_start3A_631 = tpu.memref_slice %arg4[%add3A_629, %dma_start3A_630] : memref<32768x1024xf32, #tpu.memory_space<hbm>> -> memref<32x1024xf32, #tpu.memory_space<hbm>>
    %dma_start3A_632 = arith.constant 0 : i32
    %dma_start3A_633 = tpu.memref_slice %arg4[%add3A_629, %dma_start3A_632] : memref<32768x1024xf32, #tpu.memory_space<hbm>> -> memref<32x1024xf32, #tpu.memory_space<hbm>>
    tpu.enqueue_dma source(%arg12 : memref<32x1024xf32, #tpu.memory_space<vmem>>) target(%dma_start3A_633 : memref<32x1024xf32, #tpu.memory_space<hbm>>) target_semaphore(%arg18 : memref<!tpu.dma_semaphore, #tpu.memory_space<semaphore_mem>>)
    %dma_wait3A_634 = arith.constant 512 : i32
    %dma_wait3A_635 = tpu.memref_slice %arg6[%dma_wait3A_634] : memref<1024xi32, #tpu.memory_space<vmem>> -> memref<32xi32, #tpu.memory_space<vmem>>
    %dma_wait3A_636 = arith.constant 0 : i32
    %dma_wait3A_637 = arith.constant 0 : i32
    %dma_wait3A_638 = tpu.memref_slice %arg3[%dma_wait3A_636, %dma_wait3A_637] : memref<8194x1024xf32, #tpu.memory_space<hbm>> -> memref<8194x1024xf32, #tpu.memory_space<hbm>>
    tpu.wait_indirect_dma semaphore(%arg16 : memref<!tpu.dma_semaphore, #tpu.memory_space<semaphore_mem>>) src(%dma_wait3A_638 : memref<8194x1024xf32, #tpu.memory_space<hbm>>) dst(%arg13 : memref<32x1024xf32, #tpu.memory_space<vmem>>)
    %dma_wait3A_639 = arith.constant 0 : i32
    %dma_wait3A_640 = tpu.memref_slice %arg4[%add3A_629, %dma_wait3A_639] : memref<32768x1024xf32, #tpu.memory_space<hbm>> -> memref<32x1024xf32, #tpu.memory_space<hbm>>
    %dma_wait3A_641 = arith.constant 0 : i32
    %dma_wait3A_642 = tpu.memref_slice %arg4[%add3A_629, %dma_wait3A_641] : memref<32768x1024xf32, #tpu.memory_space<hbm>> -> memref<32x1024xf32, #tpu.memory_space<hbm>>
    tpu.wait_dma2 semaphore(%arg18 : memref<!tpu.dma_semaphore, #tpu.memory_space<semaphore_mem>>) src(%arg12 : memref<32x1024xf32, #tpu.memory_space<vmem>>) dst(%dma_wait3A_642 : memref<32x1024xf32, #tpu.memory_space<hbm>>)
    %dma_start3A_643 = arith.constant 576 : i32
    %dma_start3A_644 = tpu.memref_slice %arg6[%dma_start3A_643] : memref<1024xi32, #tpu.memory_space<vmem>> -> memref<32xi32, #tpu.memory_space<vmem>>
    %dma_start3A_645 = arith.constant 0 : i32
    %dma_start3A_646 = arith.constant 0 : i32
    %dma_start3A_647 = tpu.memref_slice %arg3[%dma_start3A_645, %dma_start3A_646] : memref<8194x1024xf32, #tpu.memory_space<hbm>> -> memref<8194x1024xf32, #tpu.memory_space<hbm>>
    tpu.enqueue_indirect_dma source(%dma_start3A_647 : memref<8194x1024xf32, #tpu.memory_space<hbm>>) target(%arg12 : memref<32x1024xf32, #tpu.memory_space<vmem>>) offsets(%dma_start3A_644 : memref<32xi32, #tpu.memory_space<vmem>>) semaphore(%arg15 : memref<!tpu.dma_semaphore, #tpu.memory_space<semaphore_mem>>)
    %add3A_648 = arith.constant 512 : i32
    %add3A_649 = arith.addi %mul3A_2, %add3A_648 : i32
    %dma_start3A_650 = arith.constant 0 : i32
    %dma_start3A_651 = tpu.memref_slice %arg4[%add3A_649, %dma_start3A_650] : memref<32768x1024xf32, #tpu.memory_space<hbm>> -> memref<32x1024xf32, #tpu.memory_space<hbm>>
    %dma_start3A_652 = arith.constant 0 : i32
    %dma_start3A_653 = tpu.memref_slice %arg4[%add3A_649, %dma_start3A_652] : memref<32768x1024xf32, #tpu.memory_space<hbm>> -> memref<32x1024xf32, #tpu.memory_space<hbm>>
    tpu.enqueue_dma source(%arg13 : memref<32x1024xf32, #tpu.memory_space<vmem>>) target(%dma_start3A_653 : memref<32x1024xf32, #tpu.memory_space<hbm>>) target_semaphore(%arg19 : memref<!tpu.dma_semaphore, #tpu.memory_space<semaphore_mem>>)
    %dma_wait3A_654 = arith.constant 544 : i32
    %dma_wait3A_655 = tpu.memref_slice %arg6[%dma_wait3A_654] : memref<1024xi32, #tpu.memory_space<vmem>> -> memref<32xi32, #tpu.memory_space<vmem>>
    %dma_wait3A_656 = arith.constant 0 : i32
    %dma_wait3A_657 = arith.constant 0 : i32
    %dma_wait3A_658 = tpu.memref_slice %arg3[%dma_wait3A_656, %dma_wait3A_657] : memref<8194x1024xf32, #tpu.memory_space<hbm>> -> memref<8194x1024xf32, #tpu.memory_space<hbm>>
    tpu.wait_indirect_dma semaphore(%arg17 : memref<!tpu.dma_semaphore, #tpu.memory_space<semaphore_mem>>) src(%dma_wait3A_658 : memref<8194x1024xf32, #tpu.memory_space<hbm>>) dst(%arg14 : memref<32x1024xf32, #tpu.memory_space<vmem>>)
    %dma_wait3A_659 = arith.constant 0 : i32
    %dma_wait3A_660 = tpu.memref_slice %arg4[%add3A_649, %dma_wait3A_659] : memref<32768x1024xf32, #tpu.memory_space<hbm>> -> memref<32x1024xf32, #tpu.memory_space<hbm>>
    %dma_wait3A_661 = arith.constant 0 : i32
    %dma_wait3A_662 = tpu.memref_slice %arg4[%add3A_649, %dma_wait3A_661] : memref<32768x1024xf32, #tpu.memory_space<hbm>> -> memref<32x1024xf32, #tpu.memory_space<hbm>>
    tpu.wait_dma2 semaphore(%arg19 : memref<!tpu.dma_semaphore, #tpu.memory_space<semaphore_mem>>) src(%arg13 : memref<32x1024xf32, #tpu.memory_space<vmem>>) dst(%dma_wait3A_662 : memref<32x1024xf32, #tpu.memory_space<hbm>>)
    %dma_start3A_663 = arith.constant 608 : i32
    %dma_start3A_664 = tpu.memref_slice %arg6[%dma_start3A_663] : memref<1024xi32, #tpu.memory_space<vmem>> -> memref<32xi32, #tpu.memory_space<vmem>>
    %dma_start3A_665 = arith.constant 0 : i32
    %dma_start3A_666 = arith.constant 0 : i32
    %dma_start3A_667 = tpu.memref_slice %arg3[%dma_start3A_665, %dma_start3A_666] : memref<8194x1024xf32, #tpu.memory_space<hbm>> -> memref<8194x1024xf32, #tpu.memory_space<hbm>>
    tpu.enqueue_indirect_dma source(%dma_start3A_667 : memref<8194x1024xf32, #tpu.memory_space<hbm>>) target(%arg13 : memref<32x1024xf32, #tpu.memory_space<vmem>>) offsets(%dma_start3A_664 : memref<32xi32, #tpu.memory_space<vmem>>) semaphore(%arg16 : memref<!tpu.dma_semaphore, #tpu.memory_space<semaphore_mem>>)
    %add3A_668 = arith.constant 544 : i32
    %add3A_669 = arith.addi %mul3A_2, %add3A_668 : i32
    %dma_start3A_670 = arith.constant 0 : i32
    %dma_start3A_671 = tpu.memref_slice %arg4[%add3A_669, %dma_start3A_670] : memref<32768x1024xf32, #tpu.memory_space<hbm>> -> memref<32x1024xf32, #tpu.memory_space<hbm>>
    %dma_start3A_672 = arith.constant 0 : i32
    %dma_start3A_673 = tpu.memref_slice %arg4[%add3A_669, %dma_start3A_672] : memref<32768x1024xf32, #tpu.memory_space<hbm>> -> memref<32x1024xf32, #tpu.memory_space<hbm>>
    tpu.enqueue_dma source(%arg14 : memref<32x1024xf32, #tpu.memory_space<vmem>>) target(%dma_start3A_673 : memref<32x1024xf32, #tpu.memory_space<hbm>>) target_semaphore(%arg20 : memref<!tpu.dma_semaphore, #tpu.memory_space<semaphore_mem>>)
    %dma_wait3A_674 = arith.constant 576 : i32
    %dma_wait3A_675 = tpu.memref_slice %arg6[%dma_wait3A_674] : memref<1024xi32, #tpu.memory_space<vmem>> -> memref<32xi32, #tpu.memory_space<vmem>>
    %dma_wait3A_676 = arith.constant 0 : i32
    %dma_wait3A_677 = arith.constant 0 : i32
    %dma_wait3A_678 = tpu.memref_slice %arg3[%dma_wait3A_676, %dma_wait3A_677] : memref<8194x1024xf32, #tpu.memory_space<hbm>> -> memref<8194x1024xf32, #tpu.memory_space<hbm>>
    tpu.wait_indirect_dma semaphore(%arg15 : memref<!tpu.dma_semaphore, #tpu.memory_space<semaphore_mem>>) src(%dma_wait3A_678 : memref<8194x1024xf32, #tpu.memory_space<hbm>>) dst(%arg12 : memref<32x1024xf32, #tpu.memory_space<vmem>>)
    %dma_wait3A_679 = arith.constant 0 : i32
    %dma_wait3A_680 = tpu.memref_slice %arg4[%add3A_669, %dma_wait3A_679] : memref<32768x1024xf32, #tpu.memory_space<hbm>> -> memref<32x1024xf32, #tpu.memory_space<hbm>>
    %dma_wait3A_681 = arith.constant 0 : i32
    %dma_wait3A_682 = tpu.memref_slice %arg4[%add3A_669, %dma_wait3A_681] : memref<32768x1024xf32, #tpu.memory_space<hbm>> -> memref<32x1024xf32, #tpu.memory_space<hbm>>
    tpu.wait_dma2 semaphore(%arg20 : memref<!tpu.dma_semaphore, #tpu.memory_space<semaphore_mem>>) src(%arg14 : memref<32x1024xf32, #tpu.memory_space<vmem>>) dst(%dma_wait3A_682 : memref<32x1024xf32, #tpu.memory_space<hbm>>)
    %dma_start3A_683 = arith.constant 640 : i32
    %dma_start3A_684 = tpu.memref_slice %arg6[%dma_start3A_683] : memref<1024xi32, #tpu.memory_space<vmem>> -> memref<32xi32, #tpu.memory_space<vmem>>
    %dma_start3A_685 = arith.constant 0 : i32
    %dma_start3A_686 = arith.constant 0 : i32
    %dma_start3A_687 = tpu.memref_slice %arg3[%dma_start3A_685, %dma_start3A_686] : memref<8194x1024xf32, #tpu.memory_space<hbm>> -> memref<8194x1024xf32, #tpu.memory_space<hbm>>
    tpu.enqueue_indirect_dma source(%dma_start3A_687 : memref<8194x1024xf32, #tpu.memory_space<hbm>>) target(%arg14 : memref<32x1024xf32, #tpu.memory_space<vmem>>) offsets(%dma_start3A_684 : memref<32xi32, #tpu.memory_space<vmem>>) semaphore(%arg17 : memref<!tpu.dma_semaphore, #tpu.memory_space<semaphore_mem>>)
    %add3A_688 = arith.constant 576 : i32
    %add3A_689 = arith.addi %mul3A_2, %add3A_688 : i32
    %dma_start3A_690 = arith.constant 0 : i32
    %dma_start3A_691 = tpu.memref_slice %arg4[%add3A_689, %dma_start3A_690] : memref<32768x1024xf32, #tpu.memory_space<hbm>> -> memref<32x1024xf32, #tpu.memory_space<hbm>>
    %dma_start3A_692 = arith.constant 0 : i32
    %dma_start3A_693 = tpu.memref_slice %arg4[%add3A_689, %dma_start3A_692] : memref<32768x1024xf32, #tpu.memory_space<hbm>> -> memref<32x1024xf32, #tpu.memory_space<hbm>>
    tpu.enqueue_dma source(%arg12 : memref<32x1024xf32, #tpu.memory_space<vmem>>) target(%dma_start3A_693 : memref<32x1024xf32, #tpu.memory_space<hbm>>) target_semaphore(%arg18 : memref<!tpu.dma_semaphore, #tpu.memory_space<semaphore_mem>>)
    %dma_wait3A_694 = arith.constant 608 : i32
    %dma_wait3A_695 = tpu.memref_slice %arg6[%dma_wait3A_694] : memref<1024xi32, #tpu.memory_space<vmem>> -> memref<32xi32, #tpu.memory_space<vmem>>
    %dma_wait3A_696 = arith.constant 0 : i32
    %dma_wait3A_697 = arith.constant 0 : i32
    %dma_wait3A_698 = tpu.memref_slice %arg3[%dma_wait3A_696, %dma_wait3A_697] : memref<8194x1024xf32, #tpu.memory_space<hbm>> -> memref<8194x1024xf32, #tpu.memory_space<hbm>>
    tpu.wait_indirect_dma semaphore(%arg16 : memref<!tpu.dma_semaphore, #tpu.memory_space<semaphore_mem>>) src(%dma_wait3A_698 : memref<8194x1024xf32, #tpu.memory_space<hbm>>) dst(%arg13 : memref<32x1024xf32, #tpu.memory_space<vmem>>)
    %dma_wait3A_699 = arith.constant 0 : i32
    %dma_wait3A_700 = tpu.memref_slice %arg4[%add3A_689, %dma_wait3A_699] : memref<32768x1024xf32, #tpu.memory_space<hbm>> -> memref<32x1024xf32, #tpu.memory_space<hbm>>
    %dma_wait3A_701 = arith.constant 0 : i32
    %dma_wait3A_702 = tpu.memref_slice %arg4[%add3A_689, %dma_wait3A_701] : memref<32768x1024xf32, #tpu.memory_space<hbm>> -> memref<32x1024xf32, #tpu.memory_space<hbm>>
    tpu.wait_dma2 semaphore(%arg18 : memref<!tpu.dma_semaphore, #tpu.memory_space<semaphore_mem>>) src(%arg12 : memref<32x1024xf32, #tpu.memory_space<vmem>>) dst(%dma_wait3A_702 : memref<32x1024xf32, #tpu.memory_space<hbm>>)
    %dma_start3A_703 = arith.constant 672 : i32
    %dma_start3A_704 = tpu.memref_slice %arg6[%dma_start3A_703] : memref<1024xi32, #tpu.memory_space<vmem>> -> memref<32xi32, #tpu.memory_space<vmem>>
    %dma_start3A_705 = arith.constant 0 : i32
    %dma_start3A_706 = arith.constant 0 : i32
    %dma_start3A_707 = tpu.memref_slice %arg3[%dma_start3A_705, %dma_start3A_706] : memref<8194x1024xf32, #tpu.memory_space<hbm>> -> memref<8194x1024xf32, #tpu.memory_space<hbm>>
    tpu.enqueue_indirect_dma source(%dma_start3A_707 : memref<8194x1024xf32, #tpu.memory_space<hbm>>) target(%arg12 : memref<32x1024xf32, #tpu.memory_space<vmem>>) offsets(%dma_start3A_704 : memref<32xi32, #tpu.memory_space<vmem>>) semaphore(%arg15 : memref<!tpu.dma_semaphore, #tpu.memory_space<semaphore_mem>>)
    %add3A_708 = arith.constant 608 : i32
    %add3A_709 = arith.addi %mul3A_2, %add3A_708 : i32
    %dma_start3A_710 = arith.constant 0 : i32
    %dma_start3A_711 = tpu.memref_slice %arg4[%add3A_709, %dma_start3A_710] : memref<32768x1024xf32, #tpu.memory_space<hbm>> -> memref<32x1024xf32, #tpu.memory_space<hbm>>
    %dma_start3A_712 = arith.constant 0 : i32
    %dma_start3A_713 = tpu.memref_slice %arg4[%add3A_709, %dma_start3A_712] : memref<32768x1024xf32, #tpu.memory_space<hbm>> -> memref<32x1024xf32, #tpu.memory_space<hbm>>
    tpu.enqueue_dma source(%arg13 : memref<32x1024xf32, #tpu.memory_space<vmem>>) target(%dma_start3A_713 : memref<32x1024xf32, #tpu.memory_space<hbm>>) target_semaphore(%arg19 : memref<!tpu.dma_semaphore, #tpu.memory_space<semaphore_mem>>)
    %dma_wait3A_714 = arith.constant 640 : i32
    %dma_wait3A_715 = tpu.memref_slice %arg6[%dma_wait3A_714] : memref<1024xi32, #tpu.memory_space<vmem>> -> memref<32xi32, #tpu.memory_space<vmem>>
    %dma_wait3A_716 = arith.constant 0 : i32
    %dma_wait3A_717 = arith.constant 0 : i32
    %dma_wait3A_718 = tpu.memref_slice %arg3[%dma_wait3A_716, %dma_wait3A_717] : memref<8194x1024xf32, #tpu.memory_space<hbm>> -> memref<8194x1024xf32, #tpu.memory_space<hbm>>
    tpu.wait_indirect_dma semaphore(%arg17 : memref<!tpu.dma_semaphore, #tpu.memory_space<semaphore_mem>>) src(%dma_wait3A_718 : memref<8194x1024xf32, #tpu.memory_space<hbm>>) dst(%arg14 : memref<32x1024xf32, #tpu.memory_space<vmem>>)
    %dma_wait3A_719 = arith.constant 0 : i32
    %dma_wait3A_720 = tpu.memref_slice %arg4[%add3A_709, %dma_wait3A_719] : memref<32768x1024xf32, #tpu.memory_space<hbm>> -> memref<32x1024xf32, #tpu.memory_space<hbm>>
    %dma_wait3A_721 = arith.constant 0 : i32
    %dma_wait3A_722 = tpu.memref_slice %arg4[%add3A_709, %dma_wait3A_721] : memref<32768x1024xf32, #tpu.memory_space<hbm>> -> memref<32x1024xf32, #tpu.memory_space<hbm>>
    tpu.wait_dma2 semaphore(%arg19 : memref<!tpu.dma_semaphore, #tpu.memory_space<semaphore_mem>>) src(%arg13 : memref<32x1024xf32, #tpu.memory_space<vmem>>) dst(%dma_wait3A_722 : memref<32x1024xf32, #tpu.memory_space<hbm>>)
    %dma_start3A_723 = arith.constant 704 : i32
    %dma_start3A_724 = tpu.memref_slice %arg6[%dma_start3A_723] : memref<1024xi32, #tpu.memory_space<vmem>> -> memref<32xi32, #tpu.memory_space<vmem>>
    %dma_start3A_725 = arith.constant 0 : i32
    %dma_start3A_726 = arith.constant 0 : i32
    %dma_start3A_727 = tpu.memref_slice %arg3[%dma_start3A_725, %dma_start3A_726] : memref<8194x1024xf32, #tpu.memory_space<hbm>> -> memref<8194x1024xf32, #tpu.memory_space<hbm>>
    tpu.enqueue_indirect_dma source(%dma_start3A_727 : memref<8194x1024xf32, #tpu.memory_space<hbm>>) target(%arg13 : memref<32x1024xf32, #tpu.memory_space<vmem>>) offsets(%dma_start3A_724 : memref<32xi32, #tpu.memory_space<vmem>>) semaphore(%arg16 : memref<!tpu.dma_semaphore, #tpu.memory_space<semaphore_mem>>)
    %add3A_728 = arith.constant 640 : i32
    %add3A_729 = arith.addi %mul3A_2, %add3A_728 : i32
    %dma_start3A_730 = arith.constant 0 : i32
    %dma_start3A_731 = tpu.memref_slice %arg4[%add3A_729, %dma_start3A_730] : memref<32768x1024xf32, #tpu.memory_space<hbm>> -> memref<32x1024xf32, #tpu.memory_space<hbm>>
    %dma_start3A_732 = arith.constant 0 : i32
    %dma_start3A_733 = tpu.memref_slice %arg4[%add3A_729, %dma_start3A_732] : memref<32768x1024xf32, #tpu.memory_space<hbm>> -> memref<32x1024xf32, #tpu.memory_space<hbm>>
    tpu.enqueue_dma source(%arg14 : memref<32x1024xf32, #tpu.memory_space<vmem>>) target(%dma_start3A_733 : memref<32x1024xf32, #tpu.memory_space<hbm>>) target_semaphore(%arg20 : memref<!tpu.dma_semaphore, #tpu.memory_space<semaphore_mem>>)
    %dma_wait3A_734 = arith.constant 672 : i32
    %dma_wait3A_735 = tpu.memref_slice %arg6[%dma_wait3A_734] : memref<1024xi32, #tpu.memory_space<vmem>> -> memref<32xi32, #tpu.memory_space<vmem>>
    %dma_wait3A_736 = arith.constant 0 : i32
    %dma_wait3A_737 = arith.constant 0 : i32
    %dma_wait3A_738 = tpu.memref_slice %arg3[%dma_wait3A_736, %dma_wait3A_737] : memref<8194x1024xf32, #tpu.memory_space<hbm>> -> memref<8194x1024xf32, #tpu.memory_space<hbm>>
    tpu.wait_indirect_dma semaphore(%arg15 : memref<!tpu.dma_semaphore, #tpu.memory_space<semaphore_mem>>) src(%dma_wait3A_738 : memref<8194x1024xf32, #tpu.memory_space<hbm>>) dst(%arg12 : memref<32x1024xf32, #tpu.memory_space<vmem>>)
    %dma_wait3A_739 = arith.constant 0 : i32
    %dma_wait3A_740 = tpu.memref_slice %arg4[%add3A_729, %dma_wait3A_739] : memref<32768x1024xf32, #tpu.memory_space<hbm>> -> memref<32x1024xf32, #tpu.memory_space<hbm>>
    %dma_wait3A_741 = arith.constant 0 : i32
    %dma_wait3A_742 = tpu.memref_slice %arg4[%add3A_729, %dma_wait3A_741] : memref<32768x1024xf32, #tpu.memory_space<hbm>> -> memref<32x1024xf32, #tpu.memory_space<hbm>>
    tpu.wait_dma2 semaphore(%arg20 : memref<!tpu.dma_semaphore, #tpu.memory_space<semaphore_mem>>) src(%arg14 : memref<32x1024xf32, #tpu.memory_space<vmem>>) dst(%dma_wait3A_742 : memref<32x1024xf32, #tpu.memory_space<hbm>>)
    %dma_start3A_743 = arith.constant 736 : i32
    %dma_start3A_744 = tpu.memref_slice %arg6[%dma_start3A_743] : memref<1024xi32, #tpu.memory_space<vmem>> -> memref<32xi32, #tpu.memory_space<vmem>>
    %dma_start3A_745 = arith.constant 0 : i32
    %dma_start3A_746 = arith.constant 0 : i32
    %dma_start3A_747 = tpu.memref_slice %arg3[%dma_start3A_745, %dma_start3A_746] : memref<8194x1024xf32, #tpu.memory_space<hbm>> -> memref<8194x1024xf32, #tpu.memory_space<hbm>>
    tpu.enqueue_indirect_dma source(%dma_start3A_747 : memref<8194x1024xf32, #tpu.memory_space<hbm>>) target(%arg14 : memref<32x1024xf32, #tpu.memory_space<vmem>>) offsets(%dma_start3A_744 : memref<32xi32, #tpu.memory_space<vmem>>) semaphore(%arg17 : memref<!tpu.dma_semaphore, #tpu.memory_space<semaphore_mem>>)
    %add3A_748 = arith.constant 672 : i32
    %add3A_749 = arith.addi %mul3A_2, %add3A_748 : i32
    %dma_start3A_750 = arith.constant 0 : i32
    %dma_start3A_751 = tpu.memref_slice %arg4[%add3A_749, %dma_start3A_750] : memref<32768x1024xf32, #tpu.memory_space<hbm>> -> memref<32x1024xf32, #tpu.memory_space<hbm>>
    %dma_start3A_752 = arith.constant 0 : i32
    %dma_start3A_753 = tpu.memref_slice %arg4[%add3A_749, %dma_start3A_752] : memref<32768x1024xf32, #tpu.memory_space<hbm>> -> memref<32x1024xf32, #tpu.memory_space<hbm>>
    tpu.enqueue_dma source(%arg12 : memref<32x1024xf32, #tpu.memory_space<vmem>>) target(%dma_start3A_753 : memref<32x1024xf32, #tpu.memory_space<hbm>>) target_semaphore(%arg18 : memref<!tpu.dma_semaphore, #tpu.memory_space<semaphore_mem>>)
    %dma_wait3A_754 = arith.constant 704 : i32
    %dma_wait3A_755 = tpu.memref_slice %arg6[%dma_wait3A_754] : memref<1024xi32, #tpu.memory_space<vmem>> -> memref<32xi32, #tpu.memory_space<vmem>>
    %dma_wait3A_756 = arith.constant 0 : i32
    %dma_wait3A_757 = arith.constant 0 : i32
    %dma_wait3A_758 = tpu.memref_slice %arg3[%dma_wait3A_756, %dma_wait3A_757] : memref<8194x1024xf32, #tpu.memory_space<hbm>> -> memref<8194x1024xf32, #tpu.memory_space<hbm>>
    tpu.wait_indirect_dma semaphore(%arg16 : memref<!tpu.dma_semaphore, #tpu.memory_space<semaphore_mem>>) src(%dma_wait3A_758 : memref<8194x1024xf32, #tpu.memory_space<hbm>>) dst(%arg13 : memref<32x1024xf32, #tpu.memory_space<vmem>>)
    %dma_wait3A_759 = arith.constant 0 : i32
    %dma_wait3A_760 = tpu.memref_slice %arg4[%add3A_749, %dma_wait3A_759] : memref<32768x1024xf32, #tpu.memory_space<hbm>> -> memref<32x1024xf32, #tpu.memory_space<hbm>>
    %dma_wait3A_761 = arith.constant 0 : i32
    %dma_wait3A_762 = tpu.memref_slice %arg4[%add3A_749, %dma_wait3A_761] : memref<32768x1024xf32, #tpu.memory_space<hbm>> -> memref<32x1024xf32, #tpu.memory_space<hbm>>
    tpu.wait_dma2 semaphore(%arg18 : memref<!tpu.dma_semaphore, #tpu.memory_space<semaphore_mem>>) src(%arg12 : memref<32x1024xf32, #tpu.memory_space<vmem>>) dst(%dma_wait3A_762 : memref<32x1024xf32, #tpu.memory_space<hbm>>)
    %dma_start3A_763 = arith.constant 768 : i32
    %dma_start3A_764 = tpu.memref_slice %arg6[%dma_start3A_763] : memref<1024xi32, #tpu.memory_space<vmem>> -> memref<32xi32, #tpu.memory_space<vmem>>
    %dma_start3A_765 = arith.constant 0 : i32
    %dma_start3A_766 = arith.constant 0 : i32
    %dma_start3A_767 = tpu.memref_slice %arg3[%dma_start3A_765, %dma_start3A_766] : memref<8194x1024xf32, #tpu.memory_space<hbm>> -> memref<8194x1024xf32, #tpu.memory_space<hbm>>
    tpu.enqueue_indirect_dma source(%dma_start3A_767 : memref<8194x1024xf32, #tpu.memory_space<hbm>>) target(%arg12 : memref<32x1024xf32, #tpu.memory_space<vmem>>) offsets(%dma_start3A_764 : memref<32xi32, #tpu.memory_space<vmem>>) semaphore(%arg15 : memref<!tpu.dma_semaphore, #tpu.memory_space<semaphore_mem>>)
    %add3A_768 = arith.constant 704 : i32
    %add3A_769 = arith.addi %mul3A_2, %add3A_768 : i32
    %dma_start3A_770 = arith.constant 0 : i32
    %dma_start3A_771 = tpu.memref_slice %arg4[%add3A_769, %dma_start3A_770] : memref<32768x1024xf32, #tpu.memory_space<hbm>> -> memref<32x1024xf32, #tpu.memory_space<hbm>>
    %dma_start3A_772 = arith.constant 0 : i32
    %dma_start3A_773 = tpu.memref_slice %arg4[%add3A_769, %dma_start3A_772] : memref<32768x1024xf32, #tpu.memory_space<hbm>> -> memref<32x1024xf32, #tpu.memory_space<hbm>>
    tpu.enqueue_dma source(%arg13 : memref<32x1024xf32, #tpu.memory_space<vmem>>) target(%dma_start3A_773 : memref<32x1024xf32, #tpu.memory_space<hbm>>) target_semaphore(%arg19 : memref<!tpu.dma_semaphore, #tpu.memory_space<semaphore_mem>>)
    %dma_wait3A_774 = arith.constant 736 : i32
    %dma_wait3A_775 = tpu.memref_slice %arg6[%dma_wait3A_774] : memref<1024xi32, #tpu.memory_space<vmem>> -> memref<32xi32, #tpu.memory_space<vmem>>
    %dma_wait3A_776 = arith.constant 0 : i32
    %dma_wait3A_777 = arith.constant 0 : i32
    %dma_wait3A_778 = tpu.memref_slice %arg3[%dma_wait3A_776, %dma_wait3A_777] : memref<8194x1024xf32, #tpu.memory_space<hbm>> -> memref<8194x1024xf32, #tpu.memory_space<hbm>>
    tpu.wait_indirect_dma semaphore(%arg17 : memref<!tpu.dma_semaphore, #tpu.memory_space<semaphore_mem>>) src(%dma_wait3A_778 : memref<8194x1024xf32, #tpu.memory_space<hbm>>) dst(%arg14 : memref<32x1024xf32, #tpu.memory_space<vmem>>)
    %dma_wait3A_779 = arith.constant 0 : i32
    %dma_wait3A_780 = tpu.memref_slice %arg4[%add3A_769, %dma_wait3A_779] : memref<32768x1024xf32, #tpu.memory_space<hbm>> -> memref<32x1024xf32, #tpu.memory_space<hbm>>
    %dma_wait3A_781 = arith.constant 0 : i32
    %dma_wait3A_782 = tpu.memref_slice %arg4[%add3A_769, %dma_wait3A_781] : memref<32768x1024xf32, #tpu.memory_space<hbm>> -> memref<32x1024xf32, #tpu.memory_space<hbm>>
    tpu.wait_dma2 semaphore(%arg19 : memref<!tpu.dma_semaphore, #tpu.memory_space<semaphore_mem>>) src(%arg13 : memref<32x1024xf32, #tpu.memory_space<vmem>>) dst(%dma_wait3A_782 : memref<32x1024xf32, #tpu.memory_space<hbm>>)
    %dma_start3A_783 = arith.constant 800 : i32
    %dma_start3A_784 = tpu.memref_slice %arg6[%dma_start3A_783] : memref<1024xi32, #tpu.memory_space<vmem>> -> memref<32xi32, #tpu.memory_space<vmem>>
    %dma_start3A_785 = arith.constant 0 : i32
    %dma_start3A_786 = arith.constant 0 : i32
    %dma_start3A_787 = tpu.memref_slice %arg3[%dma_start3A_785, %dma_start3A_786] : memref<8194x1024xf32, #tpu.memory_space<hbm>> -> memref<8194x1024xf32, #tpu.memory_space<hbm>>
    tpu.enqueue_indirect_dma source(%dma_start3A_787 : memref<8194x1024xf32, #tpu.memory_space<hbm>>) target(%arg13 : memref<32x1024xf32, #tpu.memory_space<vmem>>) offsets(%dma_start3A_784 : memref<32xi32, #tpu.memory_space<vmem>>) semaphore(%arg16 : memref<!tpu.dma_semaphore, #tpu.memory_space<semaphore_mem>>)
    %add3A_788 = arith.constant 736 : i32
    %add3A_789 = arith.addi %mul3A_2, %add3A_788 : i32
    %dma_start3A_790 = arith.constant 0 : i32
    %dma_start3A_791 = tpu.memref_slice %arg4[%add3A_789, %dma_start3A_790] : memref<32768x1024xf32, #tpu.memory_space<hbm>> -> memref<32x1024xf32, #tpu.memory_space<hbm>>
    %dma_start3A_792 = arith.constant 0 : i32
    %dma_start3A_793 = tpu.memref_slice %arg4[%add3A_789, %dma_start3A_792] : memref<32768x1024xf32, #tpu.memory_space<hbm>> -> memref<32x1024xf32, #tpu.memory_space<hbm>>
    tpu.enqueue_dma source(%arg14 : memref<32x1024xf32, #tpu.memory_space<vmem>>) target(%dma_start3A_793 : memref<32x1024xf32, #tpu.memory_space<hbm>>) target_semaphore(%arg20 : memref<!tpu.dma_semaphore, #tpu.memory_space<semaphore_mem>>)
    %dma_wait3A_794 = arith.constant 768 : i32
    %dma_wait3A_795 = tpu.memref_slice %arg6[%dma_wait3A_794] : memref<1024xi32, #tpu.memory_space<vmem>> -> memref<32xi32, #tpu.memory_space<vmem>>
    %dma_wait3A_796 = arith.constant 0 : i32
    %dma_wait3A_797 = arith.constant 0 : i32
    %dma_wait3A_798 = tpu.memref_slice %arg3[%dma_wait3A_796, %dma_wait3A_797] : memref<8194x1024xf32, #tpu.memory_space<hbm>> -> memref<8194x1024xf32, #tpu.memory_space<hbm>>
    tpu.wait_indirect_dma semaphore(%arg15 : memref<!tpu.dma_semaphore, #tpu.memory_space<semaphore_mem>>) src(%dma_wait3A_798 : memref<8194x1024xf32, #tpu.memory_space<hbm>>) dst(%arg12 : memref<32x1024xf32, #tpu.memory_space<vmem>>)
    %dma_wait3A_799 = arith.constant 0 : i32
    %dma_wait3A_800 = tpu.memref_slice %arg4[%add3A_789, %dma_wait3A_799] : memref<32768x1024xf32, #tpu.memory_space<hbm>> -> memref<32x1024xf32, #tpu.memory_space<hbm>>
    %dma_wait3A_801 = arith.constant 0 : i32
    %dma_wait3A_802 = tpu.memref_slice %arg4[%add3A_789, %dma_wait3A_801] : memref<32768x1024xf32, #tpu.memory_space<hbm>> -> memref<32x1024xf32, #tpu.memory_space<hbm>>
    tpu.wait_dma2 semaphore(%arg20 : memref<!tpu.dma_semaphore, #tpu.memory_space<semaphore_mem>>) src(%arg14 : memref<32x1024xf32, #tpu.memory_space<vmem>>) dst(%dma_wait3A_802 : memref<32x1024xf32, #tpu.memory_space<hbm>>)
    %dma_start3A_803 = arith.constant 832 : i32
    %dma_start3A_804 = tpu.memref_slice %arg6[%dma_start3A_803] : memref<1024xi32, #tpu.memory_space<vmem>> -> memref<32xi32, #tpu.memory_space<vmem>>
    %dma_start3A_805 = arith.constant 0 : i32
    %dma_start3A_806 = arith.constant 0 : i32
    %dma_start3A_807 = tpu.memref_slice %arg3[%dma_start3A_805, %dma_start3A_806] : memref<8194x1024xf32, #tpu.memory_space<hbm>> -> memref<8194x1024xf32, #tpu.memory_space<hbm>>
    tpu.enqueue_indirect_dma source(%dma_start3A_807 : memref<8194x1024xf32, #tpu.memory_space<hbm>>) target(%arg14 : memref<32x1024xf32, #tpu.memory_space<vmem>>) offsets(%dma_start3A_804 : memref<32xi32, #tpu.memory_space<vmem>>) semaphore(%arg17 : memref<!tpu.dma_semaphore, #tpu.memory_space<semaphore_mem>>)
    %add3A_808 = arith.constant 768 : i32
    %add3A_809 = arith.addi %mul3A_2, %add3A_808 : i32
    %dma_start3A_810 = arith.constant 0 : i32
    %dma_start3A_811 = tpu.memref_slice %arg4[%add3A_809, %dma_start3A_810] : memref<32768x1024xf32, #tpu.memory_space<hbm>> -> memref<32x1024xf32, #tpu.memory_space<hbm>>
    %dma_start3A_812 = arith.constant 0 : i32
    %dma_start3A_813 = tpu.memref_slice %arg4[%add3A_809, %dma_start3A_812] : memref<32768x1024xf32, #tpu.memory_space<hbm>> -> memref<32x1024xf32, #tpu.memory_space<hbm>>
    tpu.enqueue_dma source(%arg12 : memref<32x1024xf32, #tpu.memory_space<vmem>>) target(%dma_start3A_813 : memref<32x1024xf32, #tpu.memory_space<hbm>>) target_semaphore(%arg18 : memref<!tpu.dma_semaphore, #tpu.memory_space<semaphore_mem>>)
    %dma_wait3A_814 = arith.constant 800 : i32
    %dma_wait3A_815 = tpu.memref_slice %arg6[%dma_wait3A_814] : memref<1024xi32, #tpu.memory_space<vmem>> -> memref<32xi32, #tpu.memory_space<vmem>>
    %dma_wait3A_816 = arith.constant 0 : i32
    %dma_wait3A_817 = arith.constant 0 : i32
    %dma_wait3A_818 = tpu.memref_slice %arg3[%dma_wait3A_816, %dma_wait3A_817] : memref<8194x1024xf32, #tpu.memory_space<hbm>> -> memref<8194x1024xf32, #tpu.memory_space<hbm>>
    tpu.wait_indirect_dma semaphore(%arg16 : memref<!tpu.dma_semaphore, #tpu.memory_space<semaphore_mem>>) src(%dma_wait3A_818 : memref<8194x1024xf32, #tpu.memory_space<hbm>>) dst(%arg13 : memref<32x1024xf32, #tpu.memory_space<vmem>>)
    %dma_wait3A_819 = arith.constant 0 : i32
    %dma_wait3A_820 = tpu.memref_slice %arg4[%add3A_809, %dma_wait3A_819] : memref<32768x1024xf32, #tpu.memory_space<hbm>> -> memref<32x1024xf32, #tpu.memory_space<hbm>>
    %dma_wait3A_821 = arith.constant 0 : i32
    %dma_wait3A_822 = tpu.memref_slice %arg4[%add3A_809, %dma_wait3A_821] : memref<32768x1024xf32, #tpu.memory_space<hbm>> -> memref<32x1024xf32, #tpu.memory_space<hbm>>
    tpu.wait_dma2 semaphore(%arg18 : memref<!tpu.dma_semaphore, #tpu.memory_space<semaphore_mem>>) src(%arg12 : memref<32x1024xf32, #tpu.memory_space<vmem>>) dst(%dma_wait3A_822 : memref<32x1024xf32, #tpu.memory_space<hbm>>)
    %dma_start3A_823 = arith.constant 864 : i32
    %dma_start3A_824 = tpu.memref_slice %arg6[%dma_start3A_823] : memref<1024xi32, #tpu.memory_space<vmem>> -> memref<32xi32, #tpu.memory_space<vmem>>
    %dma_start3A_825 = arith.constant 0 : i32
    %dma_start3A_826 = arith.constant 0 : i32
    %dma_start3A_827 = tpu.memref_slice %arg3[%dma_start3A_825, %dma_start3A_826] : memref<8194x1024xf32, #tpu.memory_space<hbm>> -> memref<8194x1024xf32, #tpu.memory_space<hbm>>
    tpu.enqueue_indirect_dma source(%dma_start3A_827 : memref<8194x1024xf32, #tpu.memory_space<hbm>>) target(%arg12 : memref<32x1024xf32, #tpu.memory_space<vmem>>) offsets(%dma_start3A_824 : memref<32xi32, #tpu.memory_space<vmem>>) semaphore(%arg15 : memref<!tpu.dma_semaphore, #tpu.memory_space<semaphore_mem>>)
    %add3A_828 = arith.constant 800 : i32
    %add3A_829 = arith.addi %mul3A_2, %add3A_828 : i32
    %dma_start3A_830 = arith.constant 0 : i32
    %dma_start3A_831 = tpu.memref_slice %arg4[%add3A_829, %dma_start3A_830] : memref<32768x1024xf32, #tpu.memory_space<hbm>> -> memref<32x1024xf32, #tpu.memory_space<hbm>>
    %dma_start3A_832 = arith.constant 0 : i32
    %dma_start3A_833 = tpu.memref_slice %arg4[%add3A_829, %dma_start3A_832] : memref<32768x1024xf32, #tpu.memory_space<hbm>> -> memref<32x1024xf32, #tpu.memory_space<hbm>>
    tpu.enqueue_dma source(%arg13 : memref<32x1024xf32, #tpu.memory_space<vmem>>) target(%dma_start3A_833 : memref<32x1024xf32, #tpu.memory_space<hbm>>) target_semaphore(%arg19 : memref<!tpu.dma_semaphore, #tpu.memory_space<semaphore_mem>>)
    %dma_wait3A_834 = arith.constant 832 : i32
    %dma_wait3A_835 = tpu.memref_slice %arg6[%dma_wait3A_834] : memref<1024xi32, #tpu.memory_space<vmem>> -> memref<32xi32, #tpu.memory_space<vmem>>
    %dma_wait3A_836 = arith.constant 0 : i32
    %dma_wait3A_837 = arith.constant 0 : i32
    %dma_wait3A_838 = tpu.memref_slice %arg3[%dma_wait3A_836, %dma_wait3A_837] : memref<8194x1024xf32, #tpu.memory_space<hbm>> -> memref<8194x1024xf32, #tpu.memory_space<hbm>>
    tpu.wait_indirect_dma semaphore(%arg17 : memref<!tpu.dma_semaphore, #tpu.memory_space<semaphore_mem>>) src(%dma_wait3A_838 : memref<8194x1024xf32, #tpu.memory_space<hbm>>) dst(%arg14 : memref<32x1024xf32, #tpu.memory_space<vmem>>)
    %dma_wait3A_839 = arith.constant 0 : i32
    %dma_wait3A_840 = tpu.memref_slice %arg4[%add3A_829, %dma_wait3A_839] : memref<32768x1024xf32, #tpu.memory_space<hbm>> -> memref<32x1024xf32, #tpu.memory_space<hbm>>
    %dma_wait3A_841 = arith.constant 0 : i32
    %dma_wait3A_842 = tpu.memref_slice %arg4[%add3A_829, %dma_wait3A_841] : memref<32768x1024xf32, #tpu.memory_space<hbm>> -> memref<32x1024xf32, #tpu.memory_space<hbm>>
    tpu.wait_dma2 semaphore(%arg19 : memref<!tpu.dma_semaphore, #tpu.memory_space<semaphore_mem>>) src(%arg13 : memref<32x1024xf32, #tpu.memory_space<vmem>>) dst(%dma_wait3A_842 : memref<32x1024xf32, #tpu.memory_space<hbm>>)
    %dma_start3A_843 = arith.constant 896 : i32
    %dma_start3A_844 = tpu.memref_slice %arg6[%dma_start3A_843] : memref<1024xi32, #tpu.memory_space<vmem>> -> memref<32xi32, #tpu.memory_space<vmem>>
    %dma_start3A_845 = arith.constant 0 : i32
    %dma_start3A_846 = arith.constant 0 : i32
    %dma_start3A_847 = tpu.memref_slice %arg3[%dma_start3A_845, %dma_start3A_846] : memref<8194x1024xf32, #tpu.memory_space<hbm>> -> memref<8194x1024xf32, #tpu.memory_space<hbm>>
    tpu.enqueue_indirect_dma source(%dma_start3A_847 : memref<8194x1024xf32, #tpu.memory_space<hbm>>) target(%arg13 : memref<32x1024xf32, #tpu.memory_space<vmem>>) offsets(%dma_start3A_844 : memref<32xi32, #tpu.memory_space<vmem>>) semaphore(%arg16 : memref<!tpu.dma_semaphore, #tpu.memory_space<semaphore_mem>>)
    %add3A_848 = arith.constant 832 : i32
    %add3A_849 = arith.addi %mul3A_2, %add3A_848 : i32
    %dma_start3A_850 = arith.constant 0 : i32
    %dma_start3A_851 = tpu.memref_slice %arg4[%add3A_849, %dma_start3A_850] : memref<32768x1024xf32, #tpu.memory_space<hbm>> -> memref<32x1024xf32, #tpu.memory_space<hbm>>
    %dma_start3A_852 = arith.constant 0 : i32
    %dma_start3A_853 = tpu.memref_slice %arg4[%add3A_849, %dma_start3A_852] : memref<32768x1024xf32, #tpu.memory_space<hbm>> -> memref<32x1024xf32, #tpu.memory_space<hbm>>
    tpu.enqueue_dma source(%arg14 : memref<32x1024xf32, #tpu.memory_space<vmem>>) target(%dma_start3A_853 : memref<32x1024xf32, #tpu.memory_space<hbm>>) target_semaphore(%arg20 : memref<!tpu.dma_semaphore, #tpu.memory_space<semaphore_mem>>)
    %dma_wait3A_854 = arith.constant 864 : i32
    %dma_wait3A_855 = tpu.memref_slice %arg6[%dma_wait3A_854] : memref<1024xi32, #tpu.memory_space<vmem>> -> memref<32xi32, #tpu.memory_space<vmem>>
    %dma_wait3A_856 = arith.constant 0 : i32
    %dma_wait3A_857 = arith.constant 0 : i32
    %dma_wait3A_858 = tpu.memref_slice %arg3[%dma_wait3A_856, %dma_wait3A_857] : memref<8194x1024xf32, #tpu.memory_space<hbm>> -> memref<8194x1024xf32, #tpu.memory_space<hbm>>
    tpu.wait_indirect_dma semaphore(%arg15 : memref<!tpu.dma_semaphore, #tpu.memory_space<semaphore_mem>>) src(%dma_wait3A_858 : memref<8194x1024xf32, #tpu.memory_space<hbm>>) dst(%arg12 : memref<32x1024xf32, #tpu.memory_space<vmem>>)
    %dma_wait3A_859 = arith.constant 0 : i32
    %dma_wait3A_860 = tpu.memref_slice %arg4[%add3A_849, %dma_wait3A_859] : memref<32768x1024xf32, #tpu.memory_space<hbm>> -> memref<32x1024xf32, #tpu.memory_space<hbm>>
    %dma_wait3A_861 = arith.constant 0 : i32
    %dma_wait3A_862 = tpu.memref_slice %arg4[%add3A_849, %dma_wait3A_861] : memref<32768x1024xf32, #tpu.memory_space<hbm>> -> memref<32x1024xf32, #tpu.memory_space<hbm>>
    tpu.wait_dma2 semaphore(%arg20 : memref<!tpu.dma_semaphore, #tpu.memory_space<semaphore_mem>>) src(%arg14 : memref<32x1024xf32, #tpu.memory_space<vmem>>) dst(%dma_wait3A_862 : memref<32x1024xf32, #tpu.memory_space<hbm>>)
    %dma_start3A_863 = arith.constant 928 : i32
    %dma_start3A_864 = tpu.memref_slice %arg6[%dma_start3A_863] : memref<1024xi32, #tpu.memory_space<vmem>> -> memref<32xi32, #tpu.memory_space<vmem>>
    %dma_start3A_865 = arith.constant 0 : i32
    %dma_start3A_866 = arith.constant 0 : i32
    %dma_start3A_867 = tpu.memref_slice %arg3[%dma_start3A_865, %dma_start3A_866] : memref<8194x1024xf32, #tpu.memory_space<hbm>> -> memref<8194x1024xf32, #tpu.memory_space<hbm>>
    tpu.enqueue_indirect_dma source(%dma_start3A_867 : memref<8194x1024xf32, #tpu.memory_space<hbm>>) target(%arg14 : memref<32x1024xf32, #tpu.memory_space<vmem>>) offsets(%dma_start3A_864 : memref<32xi32, #tpu.memory_space<vmem>>) semaphore(%arg17 : memref<!tpu.dma_semaphore, #tpu.memory_space<semaphore_mem>>)
    %add3A_868 = arith.constant 864 : i32
    %add3A_869 = arith.addi %mul3A_2, %add3A_868 : i32
    %dma_start3A_870 = arith.constant 0 : i32
    %dma_start3A_871 = tpu.memref_slice %arg4[%add3A_869, %dma_start3A_870] : memref<32768x1024xf32, #tpu.memory_space<hbm>> -> memref<32x1024xf32, #tpu.memory_space<hbm>>
    %dma_start3A_872 = arith.constant 0 : i32
    %dma_start3A_873 = tpu.memref_slice %arg4[%add3A_869, %dma_start3A_872] : memref<32768x1024xf32, #tpu.memory_space<hbm>> -> memref<32x1024xf32, #tpu.memory_space<hbm>>
    tpu.enqueue_dma source(%arg12 : memref<32x1024xf32, #tpu.memory_space<vmem>>) target(%dma_start3A_873 : memref<32x1024xf32, #tpu.memory_space<hbm>>) target_semaphore(%arg18 : memref<!tpu.dma_semaphore, #tpu.memory_space<semaphore_mem>>)
    %dma_wait3A_874 = arith.constant 896 : i32
    %dma_wait3A_875 = tpu.memref_slice %arg6[%dma_wait3A_874] : memref<1024xi32, #tpu.memory_space<vmem>> -> memref<32xi32, #tpu.memory_space<vmem>>
    %dma_wait3A_876 = arith.constant 0 : i32
    %dma_wait3A_877 = arith.constant 0 : i32
    %dma_wait3A_878 = tpu.memref_slice %arg3[%dma_wait3A_876, %dma_wait3A_877] : memref<8194x1024xf32, #tpu.memory_space<hbm>> -> memref<8194x1024xf32, #tpu.memory_space<hbm>>
    tpu.wait_indirect_dma semaphore(%arg16 : memref<!tpu.dma_semaphore, #tpu.memory_space<semaphore_mem>>) src(%dma_wait3A_878 : memref<8194x1024xf32, #tpu.memory_space<hbm>>) dst(%arg13 : memref<32x1024xf32, #tpu.memory_space<vmem>>)
    %dma_wait3A_879 = arith.constant 0 : i32
    %dma_wait3A_880 = tpu.memref_slice %arg4[%add3A_869, %dma_wait3A_879] : memref<32768x1024xf32, #tpu.memory_space<hbm>> -> memref<32x1024xf32, #tpu.memory_space<hbm>>
    %dma_wait3A_881 = arith.constant 0 : i32
    %dma_wait3A_882 = tpu.memref_slice %arg4[%add3A_869, %dma_wait3A_881] : memref<32768x1024xf32, #tpu.memory_space<hbm>> -> memref<32x1024xf32, #tpu.memory_space<hbm>>
    tpu.wait_dma2 semaphore(%arg18 : memref<!tpu.dma_semaphore, #tpu.memory_space<semaphore_mem>>) src(%arg12 : memref<32x1024xf32, #tpu.memory_space<vmem>>) dst(%dma_wait3A_882 : memref<32x1024xf32, #tpu.memory_space<hbm>>)
    %dma_start3A_883 = arith.constant 960 : i32
    %dma_start3A_884 = tpu.memref_slice %arg6[%dma_start3A_883] : memref<1024xi32, #tpu.memory_space<vmem>> -> memref<32xi32, #tpu.memory_space<vmem>>
    %dma_start3A_885 = arith.constant 0 : i32
    %dma_start3A_886 = arith.constant 0 : i32
    %dma_start3A_887 = tpu.memref_slice %arg3[%dma_start3A_885, %dma_start3A_886] : memref<8194x1024xf32, #tpu.memory_space<hbm>> -> memref<8194x1024xf32, #tpu.memory_space<hbm>>
    tpu.enqueue_indirect_dma source(%dma_start3A_887 : memref<8194x1024xf32, #tpu.memory_space<hbm>>) target(%arg12 : memref<32x1024xf32, #tpu.memory_space<vmem>>) offsets(%dma_start3A_884 : memref<32xi32, #tpu.memory_space<vmem>>) semaphore(%arg15 : memref<!tpu.dma_semaphore, #tpu.memory_space<semaphore_mem>>)
    %add3A_888 = arith.constant 896 : i32
    %add3A_889 = arith.addi %mul3A_2, %add3A_888 : i32
    %dma_start3A_890 = arith.constant 0 : i32
    %dma_start3A_891 = tpu.memref_slice %arg4[%add3A_889, %dma_start3A_890] : memref<32768x1024xf32, #tpu.memory_space<hbm>> -> memref<32x1024xf32, #tpu.memory_space<hbm>>
    %dma_start3A_892 = arith.constant 0 : i32
    %dma_start3A_893 = tpu.memref_slice %arg4[%add3A_889, %dma_start3A_892] : memref<32768x1024xf32, #tpu.memory_space<hbm>> -> memref<32x1024xf32, #tpu.memory_space<hbm>>
    tpu.enqueue_dma source(%arg13 : memref<32x1024xf32, #tpu.memory_space<vmem>>) target(%dma_start3A_893 : memref<32x1024xf32, #tpu.memory_space<hbm>>) target_semaphore(%arg19 : memref<!tpu.dma_semaphore, #tpu.memory_space<semaphore_mem>>)
    %dma_wait3A_894 = arith.constant 928 : i32
    %dma_wait3A_895 = tpu.memref_slice %arg6[%dma_wait3A_894] : memref<1024xi32, #tpu.memory_space<vmem>> -> memref<32xi32, #tpu.memory_space<vmem>>
    %dma_wait3A_896 = arith.constant 0 : i32
    %dma_wait3A_897 = arith.constant 0 : i32
    %dma_wait3A_898 = tpu.memref_slice %arg3[%dma_wait3A_896, %dma_wait3A_897] : memref<8194x1024xf32, #tpu.memory_space<hbm>> -> memref<8194x1024xf32, #tpu.memory_space<hbm>>
    tpu.wait_indirect_dma semaphore(%arg17 : memref<!tpu.dma_semaphore, #tpu.memory_space<semaphore_mem>>) src(%dma_wait3A_898 : memref<8194x1024xf32, #tpu.memory_space<hbm>>) dst(%arg14 : memref<32x1024xf32, #tpu.memory_space<vmem>>)
    %dma_wait3A_899 = arith.constant 0 : i32
    %dma_wait3A_900 = tpu.memref_slice %arg4[%add3A_889, %dma_wait3A_899] : memref<32768x1024xf32, #tpu.memory_space<hbm>> -> memref<32x1024xf32, #tpu.memory_space<hbm>>
    %dma_wait3A_901 = arith.constant 0 : i32
    %dma_wait3A_902 = tpu.memref_slice %arg4[%add3A_889, %dma_wait3A_901] : memref<32768x1024xf32, #tpu.memory_space<hbm>> -> memref<32x1024xf32, #tpu.memory_space<hbm>>
    tpu.wait_dma2 semaphore(%arg19 : memref<!tpu.dma_semaphore, #tpu.memory_space<semaphore_mem>>) src(%arg13 : memref<32x1024xf32, #tpu.memory_space<vmem>>) dst(%dma_wait3A_902 : memref<32x1024xf32, #tpu.memory_space<hbm>>)
    %dma_start3A_903 = arith.constant 992 : i32
    %dma_start3A_904 = tpu.memref_slice %arg6[%dma_start3A_903] : memref<1024xi32, #tpu.memory_space<vmem>> -> memref<32xi32, #tpu.memory_space<vmem>>
    %dma_start3A_905 = arith.constant 0 : i32
    %dma_start3A_906 = arith.constant 0 : i32
    %dma_start3A_907 = tpu.memref_slice %arg3[%dma_start3A_905, %dma_start3A_906] : memref<8194x1024xf32, #tpu.memory_space<hbm>> -> memref<8194x1024xf32, #tpu.memory_space<hbm>>
    tpu.enqueue_indirect_dma source(%dma_start3A_907 : memref<8194x1024xf32, #tpu.memory_space<hbm>>) target(%arg13 : memref<32x1024xf32, #tpu.memory_space<vmem>>) offsets(%dma_start3A_904 : memref<32xi32, #tpu.memory_space<vmem>>) semaphore(%arg16 : memref<!tpu.dma_semaphore, #tpu.memory_space<semaphore_mem>>)
    %add3A_908 = arith.constant 928 : i32
    %add3A_909 = arith.addi %mul3A_2, %add3A_908 : i32
    %dma_start3A_910 = arith.constant 0 : i32
    %dma_start3A_911 = tpu.memref_slice %arg4[%add3A_909, %dma_start3A_910] : memref<32768x1024xf32, #tpu.memory_space<hbm>> -> memref<32x1024xf32, #tpu.memory_space<hbm>>
    %dma_start3A_912 = arith.constant 0 : i32
    %dma_start3A_913 = tpu.memref_slice %arg4[%add3A_909, %dma_start3A_912] : memref<32768x1024xf32, #tpu.memory_space<hbm>> -> memref<32x1024xf32, #tpu.memory_space<hbm>>
    tpu.enqueue_dma source(%arg14 : memref<32x1024xf32, #tpu.memory_space<vmem>>) target(%dma_start3A_913 : memref<32x1024xf32, #tpu.memory_space<hbm>>) target_semaphore(%arg20 : memref<!tpu.dma_semaphore, #tpu.memory_space<semaphore_mem>>)
    %dma_wait3A_914 = arith.constant 960 : i32
    %dma_wait3A_915 = tpu.memref_slice %arg6[%dma_wait3A_914] : memref<1024xi32, #tpu.memory_space<vmem>> -> memref<32xi32, #tpu.memory_space<vmem>>
    %dma_wait3A_916 = arith.constant 0 : i32
    %dma_wait3A_917 = arith.constant 0 : i32
    %dma_wait3A_918 = tpu.memref_slice %arg3[%dma_wait3A_916, %dma_wait3A_917] : memref<8194x1024xf32, #tpu.memory_space<hbm>> -> memref<8194x1024xf32, #tpu.memory_space<hbm>>
    tpu.wait_indirect_dma semaphore(%arg15 : memref<!tpu.dma_semaphore, #tpu.memory_space<semaphore_mem>>) src(%dma_wait3A_918 : memref<8194x1024xf32, #tpu.memory_space<hbm>>) dst(%arg12 : memref<32x1024xf32, #tpu.memory_space<vmem>>)
    %add3A_919 = arith.constant 960 : i32
    %add3A_920 = arith.addi %mul3A_2, %add3A_919 : i32
    %dma_start3A_921 = arith.constant 0 : i32
    %dma_start3A_922 = tpu.memref_slice %arg4[%add3A_920, %dma_start3A_921] : memref<32768x1024xf32, #tpu.memory_space<hbm>> -> memref<32x1024xf32, #tpu.memory_space<hbm>>
    %dma_start3A_923 = arith.constant 0 : i32
    %dma_start3A_924 = tpu.memref_slice %arg4[%add3A_920, %dma_start3A_923] : memref<32768x1024xf32, #tpu.memory_space<hbm>> -> memref<32x1024xf32, #tpu.memory_space<hbm>>
    tpu.enqueue_dma source(%arg12 : memref<32x1024xf32, #tpu.memory_space<vmem>>) target(%dma_start3A_924 : memref<32x1024xf32, #tpu.memory_space<hbm>>) target_semaphore(%arg18 : memref<!tpu.dma_semaphore, #tpu.memory_space<semaphore_mem>>)
    %dma_wait3A_925 = arith.constant 992 : i32
    %dma_wait3A_926 = tpu.memref_slice %arg6[%dma_wait3A_925] : memref<1024xi32, #tpu.memory_space<vmem>> -> memref<32xi32, #tpu.memory_space<vmem>>
    %dma_wait3A_927 = arith.constant 0 : i32
    %dma_wait3A_928 = arith.constant 0 : i32
    %dma_wait3A_929 = tpu.memref_slice %arg3[%dma_wait3A_927, %dma_wait3A_928] : memref<8194x1024xf32, #tpu.memory_space<hbm>> -> memref<8194x1024xf32, #tpu.memory_space<hbm>>
    tpu.wait_indirect_dma semaphore(%arg16 : memref<!tpu.dma_semaphore, #tpu.memory_space<semaphore_mem>>) src(%dma_wait3A_929 : memref<8194x1024xf32, #tpu.memory_space<hbm>>) dst(%arg13 : memref<32x1024xf32, #tpu.memory_space<vmem>>)
    %add3A_930 = arith.constant 992 : i32
    %add3A_931 = arith.addi %mul3A_2, %add3A_930 : i32
    %dma_start3A_932 = arith.constant 0 : i32
    %dma_start3A_933 = tpu.memref_slice %arg4[%add3A_931, %dma_start3A_932] : memref<32768x1024xf32, #tpu.memory_space<hbm>> -> memref<32x1024xf32, #tpu.memory_space<hbm>>
    %dma_start3A_934 = arith.constant 0 : i32
    %dma_start3A_935 = tpu.memref_slice %arg4[%add3A_931, %dma_start3A_934] : memref<32768x1024xf32, #tpu.memory_space<hbm>> -> memref<32x1024xf32, #tpu.memory_space<hbm>>
    tpu.enqueue_dma source(%arg13 : memref<32x1024xf32, #tpu.memory_space<vmem>>) target(%dma_start3A_935 : memref<32x1024xf32, #tpu.memory_space<hbm>>) target_semaphore(%arg19 : memref<!tpu.dma_semaphore, #tpu.memory_space<semaphore_mem>>)
    %dma_wait3A_936 = arith.constant 0 : i32
    %dma_wait3A_937 = tpu.memref_slice %arg4[%add3A_909, %dma_wait3A_936] : memref<32768x1024xf32, #tpu.memory_space<hbm>> -> memref<32x1024xf32, #tpu.memory_space<hbm>>
    %dma_wait3A_938 = arith.constant 0 : i32
    %dma_wait3A_939 = tpu.memref_slice %arg4[%add3A_909, %dma_wait3A_938] : memref<32768x1024xf32, #tpu.memory_space<hbm>> -> memref<32x1024xf32, #tpu.memory_space<hbm>>
    tpu.wait_dma2 semaphore(%arg20 : memref<!tpu.dma_semaphore, #tpu.memory_space<semaphore_mem>>) src(%arg14 : memref<32x1024xf32, #tpu.memory_space<vmem>>) dst(%dma_wait3A_939 : memref<32x1024xf32, #tpu.memory_space<hbm>>)
    %dma_wait3A_940 = arith.constant 0 : i32
    %dma_wait3A_941 = tpu.memref_slice %arg4[%add3A_920, %dma_wait3A_940] : memref<32768x1024xf32, #tpu.memory_space<hbm>> -> memref<32x1024xf32, #tpu.memory_space<hbm>>
    %dma_wait3A_942 = arith.constant 0 : i32
    %dma_wait3A_943 = tpu.memref_slice %arg4[%add3A_920, %dma_wait3A_942] : memref<32768x1024xf32, #tpu.memory_space<hbm>> -> memref<32x1024xf32, #tpu.memory_space<hbm>>
    tpu.wait_dma2 semaphore(%arg18 : memref<!tpu.dma_semaphore, #tpu.memory_space<semaphore_mem>>) src(%arg12 : memref<32x1024xf32, #tpu.memory_space<vmem>>) dst(%dma_wait3A_943 : memref<32x1024xf32, #tpu.memory_space<hbm>>)
    %dma_wait3A_944 = arith.constant 0 : i32
    %dma_wait3A_945 = tpu.memref_slice %arg4[%add3A_931, %dma_wait3A_944] : memref<32768x1024xf32, #tpu.memory_space<hbm>> -> memref<32x1024xf32, #tpu.memory_space<hbm>>
    %dma_wait3A_946 = arith.constant 0 : i32
    %dma_wait3A_947 = tpu.memref_slice %arg4[%add3A_931, %dma_wait3A_946] : memref<32768x1024xf32, #tpu.memory_space<hbm>> -> memref<32x1024xf32, #tpu.memory_space<hbm>>
    tpu.wait_dma2 semaphore(%arg19 : memref<!tpu.dma_semaphore, #tpu.memory_space<semaphore_mem>>) src(%arg13 : memref<32x1024xf32, #tpu.memory_space<vmem>>) dst(%dma_wait3A_947 : memref<32x1024xf32, #tpu.memory_space<hbm>>)
    return
  }
}

</mosaic_0001>

<sc_bundles>
// kernel: kernel.3.cloned.1.call-start
scs
__scs_entry_jumppad:
0x0: {  	(pc) =	sbr.rel $0x88, $3  }
0x1: {  	(tag) =	ssettag $0x0;
	lr =	simm.s32 $0x1  }
0x2: {  	[smem:$0x3F9F] =	sst lr;
	_ =	strace $0xD0000000  }
0x3: {  	_ = 	snop  }
0x4: {  	_ = 	snop  }
0x5: {  	_ = 	snop  }
0x6: {  	_ = 	snop  }
0x7: {  	_ = 	snop  }
__scs_overlays_trampoline_lowered:
0x8: {  	[smem:$0x3FAE] =	sst s0  }
0x9: {  	[smem:$0x3FAF] =	sst s1  }
0xa: {  	[smem:$0x3FB0] =	sst s2  }
0xb: {  	[smem:$0x3FB1] =	sst s3  }
0xc: {  	[smem:$0x3FB2] =	sst s4  }
0xd: {  	[smem:$0x3FB3] =	sst s5  }
0xe: {  	[smem:$0x3FB4] =	sst s6  }
0xf: {  	[smem:$0x3FB5] =	sst s7  }
0x10: {  	[smem:$0x3FB6] =	sst s8  }
0x11: {  	[smem:$0x3FB7] =	sst s9;
	s0 =	simm.s32 @!p0 $0x0  }
0x12: {  	s1 =	sld [smem:$0x3F9D];
	s0 =	simm.s32 @p0 $0x1  }
0x13: {  	[smem:$0x3FB8] =	sst s0;
	s0 =	simm.s32 @!p1 $0x0  }
0x14: {  	s2 =	sld [smem:$0x3F9C];
	s0 =	simm.s32 @p1 $0x1  }
0x15: {  	[smem:$0x3FB9] =	sst s0;
	s0 =	simm.s32 @!p2 $0x0  }
0x16: {  	s3 =	sld [smem:$0x3FDB];
	s0 =	simm.s32 @p2 $0x1  }
0x17: {  	s4 =	simm.s32 $0x1BF5;
	[smem:$0x3FBB] =	sst s0  }
0x18: {  	s0 =	sld [smem:$0x3F9E];
	_ =	swait.ge [sflag:s4], $0x0  }
0x19: {  	s7 =	sld [smem:$0x3F9F]  }
0x1a: {  	s8 =	sadd.s32 $0xFFFFE003, lr  }
0x1b: {  	s9 =	sadd.s32 $0xFFFFFEF7, lr;
	s5 =	simm.s32 $0xFFFFFFFF;
	p2 =	slt.u32 s8, $0xFFFFF086  }
0x1c: {  	p1 =	slt.u32 s9, $0xF7A;
	s5 =	simm.s32 @!p2 $0x0  }
0x1d: {  	s5 =	simm.s32 @p1 $0x1;
	p0 =	seq.s32 s7, s2  }
0x1e: {  	s7 =	smul.u32 @!p0 $0xF7A, s2;
	p2 =	seq.s32 @!p0 s5, $0x0  }
0x1f: {  	s9 =	smul.u32 $0xF7A, s1;
	s8 =	simm.s32 @!p0 $0x1BF5;
	p2 =	por !p2, p0  }
0x20: {  	[sflag:s8] =	ssyncset.s32 @!p0 $0xFFFFF086;
	s6 =	sadd.s32 @!p0 s3, s7;
	s7 =	simm.s32 @!p0 $0x108  }
0x21: {  	s3 =	sadd.s32 s3, s9;
	s6 =	sadd.s32 @!p0 $0x88, s6;
	s7 =	simm.s32 @p2 $0x1082  }
0x22: {  	[simem:s7], [sflag:s8] =	dma.local @!p0 [hbm:s6], $0xF7A  }
0x23: {  	s9 =	sor.u32 $0xD0000000, s2;
	s6 =	simm.s32 $0x108;
	_ =	swait.ge @!p0 [sflag:s8], $0x0  }
0x24: {  	s3 =	sadd.s32 $0x88, s3;
	s6 =	simm.s32 @!p1 $0x1082;
	[sflag:s4] =	ssyncset.s32 $0xFFFFF086  }
0x25: {  	[simem:s6], [sflag:s4] =	dma.local [hbm:s3], $0xF7A  }
0x26: {  	[smem:$0x3F9F] =	sst s1;
	(tag) =	ssettag s2;
	_ =	strace s9  }
0x27: {  	s1 =	sld [smem:$0x3FAF]  }
0x28: {  	s2 =	sld [smem:$0x3FB0]  }
0x29: {  	s4 =	sld [smem:$0x3FB2]  }
0x2a: {  	p0 =	seq.s32 s5, $0x0;
	s5 =	sld [smem:$0x3FB3]  }
0x2b: {  	s6 =	sld [smem:$0x3FB4]  }
0x2c: {  	s7 =	sld [smem:$0x3FB5]  }
0x2d: {  	s3 =	simm.s32 $0x108;
	s8 =	sld [smem:$0x3FB6]  }
0x2e: {  	s3 =	simm.s32 @!p0 $0x1082;
	s9 =	sld [smem:$0x3FB7]  }
0x2f: {  	lr =	sadd.s32 s0, s3;
	s0 =	sld [smem:$0x3FAE]  }
0x30: {  	s3 =	sld [smem:$0x3FB1]  }
0x31: {  	[smem:$0x3FBA] =	sst s10  }
0x32: {  	s10 =	sld [smem:$0x3FB8];
	_ =	sdelay $0x3  }
0x33: {  	p0 =	seq.s32 s10, $0x1;
	s10 =	sld [smem:$0x3FBA];
	_ =	sdelay $0x3  }
0x34: {  	[smem:$0x3FBA] =	sst s10  }
0x35: {  	s10 =	sld [smem:$0x3FB9];
	_ =	sdelay $0x3  }
0x36: {  	p1 =	seq.s32 s10, $0x1;
	s10 =	sld [smem:$0x3FBA];
	_ =	sdelay $0x3  }
0x37: {  	[smem:$0x3FBA] =	sst s10  }
0x38: {  	s10 =	sld [smem:$0x3FBB]  }
0x39: {  	_ = 	snop;
	(pc) =	sbr.ind lr, $3  }
0x3a: {  	_ = 	snop  }
0x3b: {  	_ = 	snop  }
0x3c: {  	p2 =	seq.s32 s10, $0x1;
	s10 =	sld [smem:$0x3FBA]  }
0x3d: {  	_ =	shalt  }
0x3e: {  	_ =	shalt  }
0x3f: {  	_ =	shalt  }
0x40: {  	_ =	shalt  }
0x41: {  	_ =	shalt  }
0x42: {  	_ =	shalt  }
0x43: {  	_ =	shalt  }
0x44: {  	_ =	shalt  }
0x45: {  	_ =	shalt  }
0x46: {  	_ =	shalt  }
0x47: {  	_ =	shalt  }
0x48: {  	_ =	shalt  }
0x49: {  	_ =	shalt  }
0x4a: {  	_ =	shalt  }
0x4b: {  	_ =	shalt  }
0x4c: {  	_ =	shalt  }
0x4d: {  	_ =	shalt  }
0x4e: {  	_ =	shalt  }
0x4f: {  	_ =	shalt  }
0x50: {  	_ =	shalt  }
0x51: {  	_ =	shalt  }
0x52: {  	_ =	shalt  }
0x53: {  	_ =	shalt  }
0x54: {  	_ =	shalt  }
0x55: {  	_ =	shalt  }
0x56: {  	_ =	shalt  }
0x57: {  	_ =	shalt  }
0x58: {  	_ =	shalt  }
0x59: {  	_ =	shalt  }
0x5a: {  	_ =	shalt  }
0x5b: {  	_ =	shalt  }
0x5c: {  	_ =	shalt  }
0x5d: {  	_ =	shalt  }
0x5e: {  	_ =	shalt  }
0x5f: {  	_ =	shalt  }
0x60: {  	_ =	shalt  }
0x61: {  	_ =	shalt  }
0x62: {  	_ =	shalt  }
0x63: {  	_ =	shalt  }
0x64: {  	_ =	shalt  }
0x65: {  	_ =	shalt  }
0x66: {  	_ =	shalt  }
0x67: {  	_ =	shalt  }
0x68: {  	_ =	shalt  }
0x69: {  	_ =	shalt  }
0x6a: {  	_ =	shalt  }
0x6b: {  	_ =	shalt  }
0x6c: {  	_ =	shalt  }
0x6d: {  	_ =	shalt  }
0x6e: {  	_ =	shalt  }
0x6f: {  	_ =	shalt  }
0x70: {  	_ =	shalt  }
0x71: {  	_ =	shalt  }
0x72: {  	_ =	shalt  }
0x73: {  	_ =	shalt  }
0x74: {  	_ =	shalt  }
0x75: {  	_ =	shalt  }
0x76: {  	_ =	shalt  }
0x77: {  	_ =	shalt  }
0x78: {  	_ =	shalt  }
0x79: {  	_ =	shalt  }
0x7a: {  	_ =	shalt  }
0x7b: {  	_ =	shalt  }
0x7c: {  	_ =	shalt  }
0x7d: {  	_ =	shalt  }
0x7e: {  	_ =	shalt  }
0x7f: {  	_ =	shalt  }
0x80: {  	_ =	shalt  }
0x81: {  	_ =	shalt  }
0x82: {  	_ =	shalt  }
0x83: {  	_ =	shalt  }
0x84: {  	_ =	shalt  }
0x85: {  	_ =	shalt  }
0x86: {  	_ =	shalt  }
0x87: {  	_ =	shalt  }
.Lfunc_end0:
.L_simem_size_0:
called_computation_lowered:
.L_overlay_start_0:
0x88: {  	s2 =	sld [smem:$0x3FD9]  }
0x89: {  	s3 =	sld [smem:$0x3FFE];
	_ =	sdelay $0x1  }
0x8a: {  	s1 =	srdreg.scid  }
0x8b: {  	s0 =	sand.u32 $0x1, s1  }
0x8c: {  	s17 =	sshll.u32 s0, $0xA;
	s2 =	sadd.s32 s3, s2  }
0x8d: {  	s2 =	sadd.s32 s2, s17  }
0x8e: {  	[smem:$0x3FC6] =	sst s2  }
0x8f: {  	_ = 	snop  }
0x90: {  	s2 =	sld [smem:$0x3FC8]  }
0x91: {  	s18 =	sld [smem:$0x3FD0];
	(tm) =	ssettm $0x1  }
0x92: {  	s4 =	sld [smem:$0x3FFB];
	_ =	sdelay $0x3  }
0x93: {  	_ =	strace s4  }
0x94: {  	s4 =	sld [smem:$0x3FFC];
	_ =	sdelay $0x3  }
0x95: {  	_ =	strace s4  }
0x96: {  	s4 =	sld [smem:$0x3FFD];
	_ =	sdelay $0x3  }
0x97: {  	_ =	strace s4  }
0x98: {  	_ =	strace $0x8FFFFFFF  }
0x99: {  	s19 =	sld [smem:$0x3FDB];
	_ =	sdelay $0x1  }
0x9a: {  	s5 =	simm.s32 $_scs_section_size  }
0x9b: {  	s6 =	simm.s32 $_size__tile_overlayer_lowered;
	s7 =	simm.s32 $_tile_overlayer_lowered  }
0x9c: {  	s22 =	simm.s32 $0x1BFF;
	s21 =	sshll.u32 s7, $0x1;
	s4 =	sadd.s32 s5, s19  }
0x9d: {  	s8 =	simm.s32 $0x0;
	s20 =	sshll.u32 s6, $0x1;
	s6 =	sadd.s32 s21, s4  }
0x9e: {  	[timem:s8], [sflag:s22] =	dma.local [hbm:s6], s20  }
0x9f: {  	_ =	swait.ge [sflag:s22], s20  }
0xa0: {  	s5 =	ssub.s32 $0x0, s20;
	[sflag:s22] =	ssyncset.done $0x0  }
0xa1: {  	[sflag:s22] =	ssyncadd.s32 s5;
	_ =	sdelay $0x1  }
0xa2: {  	s23 =	simm.s32 $0x1B8B  }
0xa3: {  	_ =	swait.ge [sflag:s23], $0x1  }
0xa4: {  	[sflag:s23] =	ssyncset.done $0x0  }
0xa5: {  	s25 =	simm.s32 $0x1B8E;
	s24 =	sld [smem:$0x3FFE];
	[sflag:s23] =	ssyncadd.s32 $0xFFFFFFFF  }
0xa6: {  	s26 =	simm.s32 $execute0_lowered;
	[smem:$0x3FD2] =	sst s25  }
0xa7: {  	s6 =	sshll.u32 s26, $0x1;
	_ =	strace $0x80000046;
	[dreg:$0x1] =	wrdreg $0xFFFFFFFF  }
0xa8: {  	s28 =	simm.s32 $_size_execute0_lowered;
	s4 =	sadd.s32 s4, s6;
	[dreg:$0x0] =	wrdreg $0x0  }
0xa9: {  	s6 =	sshll.u32 s28, $0x1;
	[dreg:$0x2] =	wrdreg s4  }
0xaa: {  	[dreg:$0x3] =	wrdreg s6  }
0xab: {  	[dreg:$0x4] =	wrdreg $0xC0  }
0xac: {  	_ =	task [dreg:s8], $0x5FFFF  }
0xad: {  	[dreg:$0x1] =	wrdreg $0xFFFFFFFF  }
0xae: {  	[dreg:$0x0] =	wrdreg $0x60  }
0xaf: {  	[dreg:$0x2] =	wrdreg s24  }
0xb0: {  	[dreg:$0x3] =	wrdreg s2  }
0xb1: {  	[dreg:$0x4] =	wrdreg s18  }
0xb2: {  	[dreg:$0x5] =	wrdreg $0x10800  }
0xb3: {  	[dreg:$0x6] =	wrdreg $0x9  }
0xb4: {  	_ =	task.clear_ibuf [dreg:s8], $0x7FFFF;
	_ =	strace $0x90000046  }
0xb5: {  	s29 =	simm.s32 $0x9;
	_ =	strace $0x80000048  }
0xb6: {  	_ =	swait.ge [sflag:s29], $0x1  }
0xb7: {  	[sflag:s29] =	ssyncadd.s32 $0xFFFFFFFF  }
0xb8: {  	_ =	strace $0x90000048  }
0xb9: {  	_ =	sfence  }
0xba: {  	s30 =	sld [smem:$0x0];
	_ =	sdelay $0x2  }
0xbb: {  	s31 =	sshll.u32 s1, $0xD;
	s1 =	sshrl.u32 s1, $0x2  }
0xbc: {  	s3 =	sand.u32 $0x4000, s31;
	s1 =	sadd.s32 s1, s30  }
0xbd: {  	s0 =	sor.u32 s3, s0;
	s1 =	sshll.u32 s1, $0x11  }
0xbe: {  	s0 =	sor.u32 s1, s0  }
0xbf: {  	s0 =	sadd.s32 $0x8F2B, s0  }
0xc0: {  	[sflag:s0] =	ssyncadd.remote.s32 $0x1  }
0xc1: {  	_ =	sfence.sel $0xFFFF  }
0xc2: {  	[dreg:$0x0] =	wrdreg $0xFFFFFFFF;
	(pc) =	sbr.abs _section_cstart, $3  }
0xc3: {  	[dreg:$0x1] =	wrdreg $0xFFFFFFFF  }
0xc4: {  	_ =	task.clear_ibuf [dreg:s8], $0x2FFFF;
	_ =	strace $0x9FFFFFFF  }
0xc5: {  	(tm) =	ssettm $0x7FFFFFFF  }
tec
execute0_lowered:
.L_overlay_start_1:
0x0: {  	(tag) =	ssettag $0x1  }
0x1: {  	s0 =	rddreg [dreg:$0x0]  }
0x2: {  	s1 =	rddreg [dreg:$0x1]  }
0x3: {  	s2 =	srdreg.scid;
	s9 =	rddreg [dreg:$0x2]  }
0x4: {  	s7 =	stileid.u32;
	s6 =	rddreg [dreg:$0x3];
	s4 =	simm.s32 $0x0  }
0x5: {  	s13 =	simm.s32 $0x1;
	s14 =	simm.s32 $0x1;
	s15 =	simm.s32 $0x1  }
0x6: {  	s16 =	simm.s32 $0x1;
	s17 =	simm.s32 $0x1;
	s19 =	simm.s32 $0x1  }
0x7: {  	s18 =	simm.s32 $0x1;
	s20 =	simm.s32 $0x1;
	s31 =	simm.s32 $0x1  }
0x8: {  	s2 =	sand.u32 $0x1, s2;
	s5 =	sshll.u32 s7, $0xA;
	[smem:$0x7FF] =	sst s4  }
0x9: {  	s26 =	sadd.s32 $0xFFFFFFFF, s7;
	s28 =	sadd.s32 $0xFFFFFFFE, s7;
	s29 =	sshll.u32 s7, $0x7  }
0xa: {  	s30 =	sadd.s32 $0xFFFFFFFD, s7;
	s3 =	sshll.u32 s2, $0xE;
	s2 =	ssub.s32 $0x2, s2  }
0xb: {  	s12 =	sadd.s32 $0x300, s1;
	_ =	strace $0x80000047;
	s25 =	sshrl.u32 s2, $0x1  }
0xc: {  	p0 =	slt.u32 s26, $0x7;
	s8 =	sor.u32 s5, s3;
	s11 =	ssub.s32 s2, s25  }
0xd: {  	s3 =	sshrl.u32 s8, $0x3;
	s10 =	sshll.u32 s8, $0x7;
	s11 =	smax.u32 s11, $0x1  }
0xe: {  	s0 =	sadd.s32 s3, s0;
	s9 =	sadd.s32 s9, s10;
	[dreg:$0x8] =	wrdreg s11  }
0xf: {  	s13 =	simm.s32 @!p0 $0x0;
	s0 =	sadd.s32 $0x400, s0;
	[dreg:$0x7] =	wrdreg s9  }
0x10: {  	p0 =	slt.u32 s28, $0x6;
	s21 =	sadd.s32 $0x2000, s9;
	[dreg:$0x5] =	wrdreg s0  }
0x11: {  	s5 =	sadd.s32 $0xFFFFFFFB, s7;
	s22 =	sadd.s32 $0x3000, s9;
	[dreg:$0xa] =	wrdreg s21  }
0x12: {  	s14 =	simm.s32 @!p0 $0x0;
	s23 =	sadd.s32 $0x4000, s9;
	[dreg:$0xb] =	wrdreg s22  }
0x13: {  	p0 =	slt.u32 s30, $0x5;
	s24 =	sadd.s32 $0x5000, s9;
	[dreg:$0xc] =	wrdreg s23  }
0x14: {  	s2 =	simm.s32 $0x1;
	s25 =	sadd.s32 $0x6000, s9;
	[dreg:$0xd] =	wrdreg s24  }
0x15: {  	s8 =	sadd.s32 $0x100, s1;
	s26 =	sadd.s32 $0x7000, s9;
	[dreg:$0xe] =	wrdreg s25  }
0x16: {  	s3 =	sand.u32 $0xC, s7;
	s28 =	sadd.s32 $0x8000, s9;
	[dreg:$0xf] =	wrdreg s26  }
0x17: {  	s15 =	simm.s32 @!p0 $0x0;
	s30 =	sadd.s32 $0xA000, s9;
	[dreg:$0x10] =	wrdreg s28  }
0x18: {  	s10 =	sadd.s32 $0x200, s1;
	s0 =	sadd.s32 s29, s6;
	[dreg:$0x12] =	wrdreg s30  }
0x19: {  	p0 =	seq.s32 s3, $0x4;
	s29 =	sadd.s32 $0x9000, s9;
	[dreg:$0x6] =	wrdreg s0  }
0x1a: {  	s3 =	simm.s32 $0x1;
	s21 =	sadd.s32 $0xC000, s9;
	[dreg:$0x11] =	wrdreg s29  }
0x1b: {  	s16 =	simm.s32 @!p0 $0x0;
	s22 =	sadd.s32 $0xD000, s9;
	[dreg:$0x14] =	wrdreg s21  }
0x1c: {  	p0 =	slt.u32 s5, $0x3;
	s23 =	sadd.s32 $0xE000, s9;
	[dreg:$0x15] =	wrdreg s22  }
0x1d: {  	s6 =	sand.u32 $0xE, s7;
	s24 =	sadd.s32 $0xF000, s9;
	[dreg:$0x16] =	wrdreg s23  }
0x1e: {  	s5 =	simm.s32 $0x1;
	s25 =	sadd.s32 $0x10000, s9;
	[dreg:$0x17] =	wrdreg s24  }
0x1f: {  	s26 =	sadd.s32 $0x11000, s9;
	s28 =	sadd.s32 $0x12000, s9;
	[dreg:$0x18] =	wrdreg s25  }
0x20: {  	s30 =	sadd.s32 $0x14000, s9;
	s17 =	simm.s32 @!p0 $0x0;
	[dreg:$0x19] =	wrdreg s26  }
0x21: {  	p0 =	seq.s32 s6, $0x6;
	s6 =	simm.s32 $0x1;
	[dreg:$0x1a] =	wrdreg s28  }
0x22: {  	s0 =	simm.s32 $0x1;
	s29 =	sadd.s32 $0x13000, s9;
	[dreg:$0x1c] =	wrdreg s30  }
0x23: {  	s21 =	sadd.s32 $0x16000, s9;
	s22 =	sadd.s32 $0x17000, s9;
	[dreg:$0x1b] =	wrdreg s29  }
0x24: {  	s23 =	sadd.s32 $0x18000, s9;
	s24 =	sadd.s32 $0x19000, s9;
	[dreg:$0x1e] =	wrdreg s21  }
0x25: {  	s25 =	sadd.s32 $0x1A000, s9;
	s26 =	sadd.s32 $0x1B000, s9;
	[dreg:$0x1f] =	wrdreg s22  }
0x26: {  	s28 =	sadd.s32 $0x1C000, s9;
	s30 =	sadd.s32 $0x1E000, s9;
	[smem:$0x7F6] =	sst s23  }
0x27: {  	s19 =	simm.s32 @!p0 $0x0;
	p0 =	seq.s32 s7, $0x7;
	[smem:$0x7F7] =	sst s24  }
0x28: {  	[smem:$0x7F8] =	sst s25;
	s18 =	simm.s32 @!p0 $0x0;
	p0 =	sgt.u32 s7, $0x8  }
0x29: {  	[smem:$0x7F9] =	sst s26;
	s20 =	simm.s32 @!p0 $0x0;
	p0 =	sgt.u32 s7, $0x9  }
0x2a: {  	[smem:$0x7FA] =	sst s28;
	s6 =	simm.s32 @!p0 $0x0;
	p0 =	sgt.u32 s7, $0xA  }
0x2b: {  	s29 =	sadd.s32 $0x1D000, s9;
	s31 =	simm.s32 @!p0 $0x0;
	p0 =	sgt.u32 s7, $0xB  }
0x2c: {  	v17 =	vlaneseq.u32;
	v14 =	vimm.s32 $0x0;
	vm0 =	vmmov $0xffff;
	[smem:$0x7FC] =	sst s30;
	s5 =	simm.s32 @!p0 $0x0;
	p0 =	sgt.u32 s7, $0xC  }
0x2d: {  	v15 =	vand.u32 $0x7, v17;
	v16 =	vshrl.u32 v17, $0x3;
	v17 =	vor.u32 $0x8, v17;
	[smem:$0x7FB] =	sst s29;
	s2 =	simm.s32 @!p0 $0x0;
	p0 =	sgt.u32 s7, $0xD  }
0x2e: {  	v16 =	vmul.u32 $0x8, v16;
	v0 =	vmov s13;
	v1 =	vmov s14;
	s3 =	simm.s32 @!p0 $0x0;
	p0 =	seq.s32 s7, $0xF;
	s7 =	sadd.s32 $0x1000, s9  }
0x2f: {  	v2 =	vmov s15;
	v3 =	vmov s16;
	v8 =	vmov s6;
	s6 =	simm.s32 $0x0;
	[dreg:$0x9] =	wrdreg s7;
	s7 =	sadd.s32 $0xB000, s9  }
0x30: {  	v4 =	vmov s17;
	v5 =	vmov s19;
	v9 =	vmov s31;
	s31 =	simm.s32 $0x1;
	[dreg:$0x13] =	wrdreg s7;
	s7 =	sadd.s32 $0x15000, s9  }
0x31: {  	v6 =	vmov s18;
	v7 =	vmov s20;
	v10 =	vmov s5;
	s0 =	simm.s32 @!p0 $0x0;
	s9 =	sadd.s32 $0x1F000, s9;
	[dreg:$0x1d] =	wrdreg s7  }
0x32: {  	s5 =	simm.s32 $0x4;
	v11 =	vmov s2;
	v12 =	vmov s3;
	s3 =	simm.s32 $0x2;
	v13 =	vmov s0;
	[smem:$0x7FD] =	sst s9  }
.LBB2_1:
0x33: {  	s11 =	rddreg [dreg:$0x5];
	s30 =	simm.s32 $0x7  }
0x34: {  	[tilespmem:s4], [sflag:$0x7] =	stream.linear.gather [hbm4b:s11+s4], $0x400, $0x38;
	[tilespmem:$0x1A190] =	vst v63  }
0x35: {  	_ =	swait.ge [sflag:s30], $0x400  }
0x36: {  	[sflag:s30] =	ssyncset.done $0x0  }
0x37: {  	[sflag:s30] =	ssyncadd.s32 $0xFFFFFC00  }
0x38: {  	[tilespmem:$0x1480] =	vst v14  }
0x39: {  	[tilespmem:$0x1D00] =	vst v14  }
0x3a: {  	s14 =	simm.s32 $0x10;
	s15 =	simm.s32 $0x0;
	s11 =	simm.s32 $0x0;
	v18 =	vld [tilespmem:s4+$0x0]  }
.LBB2_2:
0x3b: {  	p0 =	sne.s32 s14, $0x3F0;
	_ =	sdelay $0x3  }
0x3c: {  	v18 =	vadd.s32 $0xFFFFFFFF, v18  }
0x3d: {  	v19 =	vsub.s32 $0x0, v18  }
.Ltmp0:
0x3e: {  	v18 =	vmin.u32 v18, v19;
	(pc) =	sbr.rel @p0 .LBB2_2-.Ltmp0, $4  }
0x3f: {  	vm1 =	vlt.s32 v18, $0x1  }
0x40: {  	s16 =	sand.u32 $0x3F0, s11;
	s11 =	smov.u32 s14;
	v18 =	vnsel vm1, $0x1, v18  }
0x41: {  	s15 =	sadd.s32 $0x10, s15;
	[tilespmem:s16+$0x1490] =	vst v18  }
0x42: {  	s14 =	sadd.s32 $0x10, s14;
	v18 =	vld [tilespmem:s15+$0x0]  }
0x43: {  	_ =	sdelay $0x3  }
0x44: {  	v18 =	vadd.s32 $0xFFFFFFFF, v18  }
0x45: {  	v19 =	vsub.s32 $0x0, v18  }
0x46: {  	v18 =	vmin.u32 v18, v19  }
0x47: {  	vm1 =	vlt.s32 v18, $0x1  }
0x48: {  	s11 =	sand.u32 $0x3F0, s11;
	v18 =	vnsel vm1, $0x1, v18  }
0x49: {  	s30 =	simm.s32 $0x0;
	[tilespmem:s11+$0x1490] =	vst v18  }
0x4a: {  	s11 =	sand.u32 $0x7F0, s30;
	[tilespmem:$0x1890] =	vst v14  }
0x4b: {  	s14 =	simm.s32 $0x148F;
	s16 =	simm.s32 $0x10;
	s15 =	smov.u32 s11;
	v18 =	vld [tilespmem:s11+$0x1490]  }
.LBB2_4:
0x4c: {  	p0 =	sne.s32 s16, $0x400;
	v19 =	vld [tilespmem:s14+$0x0];
	_ =	sdelay $0x1  }
.Ltmp1:
0x4d: {  	(pc) =	sbr.rel @p0 .LBB2_4-.Ltmp1, $3  }
0x4e: {  	_ =	sdelay $0x1  }
0x4f: {  	s17 =	sand.u32 $0x7F0, s16;
	v19 =	vadd.s32 v18, v19  }
0x50: {  	s16 =	sadd.s32 $0x10, s16;
	s14 =	sadd.s32 $0x10, s14;
	v18 =	vld [tilespmem:s17+$0x1490];
	[tilespmem:s15+$0x1D10] =	vst v19;
	s15 =	smov.u32 s17  }
0x51: {  	v19 =	vld [tilespmem:s14+$0x0];
	_ =	sdelay $0x4  }
0x52: {  	v18 =	vadd.s32 v18, v19  }
0x53: {  	[tilespmem:s15+$0x1D10] =	vst v18  }
0x54: {  	s14 =	simm.s32 $0x1D0E;
	s15 =	simm.s32 $0x10;
	v18 =	vld [tilespmem:s11+$0x1D10]  }
.LBB2_6:
0x55: {  	p0 =	sne.s32 s15, $0x400;
	v19 =	vld [tilespmem:s14+$0x0];
	_ =	sdelay $0x1  }
.Ltmp2:
0x56: {  	(pc) =	sbr.rel @p0 .LBB2_6-.Ltmp2, $3  }
0x57: {  	_ =	sdelay $0x1  }
0x58: {  	s16 =	sand.u32 $0x7F0, s15;
	v19 =	vadd.s32 v18, v19  }
0x59: {  	s15 =	sadd.s32 $0x10, s15;
	s14 =	sadd.s32 $0x10, s14;
	v18 =	vld [tilespmem:s16+$0x1D10];
	[tilespmem:s11+$0x1490] =	vst v19;
	s11 =	smov.u32 s16  }
0x5a: {  	v19 =	vld [tilespmem:s14+$0x0];
	_ =	sdelay $0x4  }
0x5b: {  	s30 =	simm.s32 $0x0;
	v18 =	vadd.s32 v18, v19  }
0x5c: {  	[tilespmem:s11+$0x1490] =	vst v18;
	s11 =	sand.u32 $0x7F0, s30  }
0x5d: {  	s14 =	simm.s32 $0x148C;
	s16 =	simm.s32 $0x10;
	v18 =	vld [tilespmem:s11+$0x1490];
	s15 =	smov.u32 s11  }
.LBB2_8:
0x5e: {  	p0 =	sne.s32 s16, $0x400;
	v19 =	vld [tilespmem:s14+$0x0];
	_ =	sdelay $0x1  }
.Ltmp3:
0x5f: {  	(pc) =	sbr.rel @p0 .LBB2_8-.Ltmp3, $3  }
0x60: {  	_ =	sdelay $0x1  }
0x61: {  	s17 =	sand.u32 $0x7F0, s16;
	v19 =	vadd.s32 v18, v19  }
0x62: {  	s16 =	sadd.s32 $0x10, s16;
	s14 =	sadd.s32 $0x10, s14;
	v18 =	vld [tilespmem:s17+$0x1490];
	[tilespmem:s15+$0x1D10] =	vst v19;
	s15 =	smov.u32 s17  }
0x63: {  	v19 =	vld [tilespmem:s14+$0x0];
	_ =	sdelay $0x4  }
0x64: {  	v18 =	vadd.s32 v18, v19  }
0x65: {  	[tilespmem:s15+$0x1D10] =	vst v18  }
0x66: {  	s14 =	simm.s32 $0x1D08;
	s15 =	simm.s32 $0x10;
	v18 =	vld [tilespmem:s11+$0x1D10]  }
.LBB2_10:
0x67: {  	p0 =	sne.s32 s15, $0x400;
	v19 =	vld [tilespmem:s14+$0x0];
	_ =	sdelay $0x1  }
.Ltmp4:
0x68: {  	(pc) =	sbr.rel @p0 .LBB2_10-.Ltmp4, $3  }
0x69: {  	_ =	sdelay $0x1  }
0x6a: {  	s16 =	sand.u32 $0x7F0, s15;
	v19 =	vadd.s32 v18, v19  }
0x6b: {  	s15 =	sadd.s32 $0x10, s15;
	s14 =	sadd.s32 $0x10, s14;
	v18 =	vld [tilespmem:s16+$0x1D10];
	[tilespmem:s11+$0x1490] =	vst v19;
	s11 =	smov.u32 s16  }
0x6c: {  	v19 =	vld [tilespmem:s14+$0x0];
	_ =	sdelay $0x4  }
0x6d: {  	v18 =	vadd.s32 v18, v19  }
0x6e: {  	s30 =	simm.s32 $0x0;
	[tilespmem:s11+$0x1490] =	vst v18;
	s11 =	simm.s32 $0x1480  }
0x6f: {  	s15 =	simm.s32 $0x10;
	s14 =	sand.u32 $0x7F0, s30;
	v18 =	vld [tilespmem:s11+$0x0]  }
.LBB2_12:
0x70: {  	p0 =	sne.s32 s15, $0x400;
	v19 =	vld [tilespmem:s14+$0x1490];
	_ =	sdelay $0x2  }
.Ltmp5:
0x71: {  	(pc) =	sbr.rel @p0 .LBB2_12-.Ltmp5, $4  }
0x72: {  	_ = 	snop  }
0x73: {  	v18 =	vadd.s32 v19, v18  }
0x74: {  	s11 =	sadd.s32 $0x10, s11;
	[tilespmem:s14+$0x1490] =	vst v18  }
0x75: {  	s14 =	sand.u32 $0x7F0, s15;
	s15 =	sadd.s32 $0x10, s15;
	v18 =	vld [tilespmem:s11+$0x0]  }
0x76: {  	v19 =	vld [tilespmem:s14+$0x1490];
	_ =	sdelay $0x4  }
0x77: {  	v18 =	vadd.s32 v19, v18  }
0x78: {  	[tilespmem:s14+$0x1490] =	vst v18  }
0x79: {  	v18 =	vld [tilespmem:$0x1890];
	_ =	sdelay $0x3  }
0x7a: {  	[smem:$0x7F5] =	sst s6  }
0x7b: {  	s11 =	rddreg [dreg:$0x6];
	s26 =	simm.s32 $0x800;
	s28 =	simm.s32 $0x7;
	[tilespmem:$0x800] =	vst v18  }
0x7c: {  	[spmem:s11] =	stream.linear.scatter [tilespmem:s26], [sflag:$0x7], $0x80, $0x38;
	[tilespmem:$0x1A190] =	vst v63  }
0x7d: {  	_ =	swait.ge [sflag:s28], $0x80  }
0x7e: {  	[sflag:s28] =	ssyncset.done $0x0  }
0x7f: {  	[sflag:s28] =	ssyncadd.s32 $0xFFFFFF80  }
0x80: {  	[bflag:$0x0] =	sbarrier.arrive $0xFFFF  }
0x81: {  	s15 =	simm.s32 $0x880;
	s29 =	rddreg [dreg:$0x3]  }
0x82: {  	[tilespmem:s15], [sflag:$0x7] =	stream.linear.gather [spmem:s29], $0x800, $0x38;
	[tilespmem:$0x1A190] =	vst v63  }
0x83: {  	_ =	swait.ge [sflag:s28], $0x800  }
0x84: {  	[sflag:s28] =	ssyncset.done $0x0  }
0x85: {  	[sflag:s28] =	ssyncadd.s32 $0xFFFFF800  }
0x86: {  	v18 =	vld [tilespmem:$0x880]  }
0x87: {  	v19 =	vld [tilespmem:$0x900]  }
0x88: {  	v20 =	vld [tilespmem:$0x980]  }
0x89: {  	v21 =	vld [tilespmem:$0xA00]  }
0x8a: {  	v22 =	vld [tilespmem:$0xA80]  }
0x8b: {  	v23 =	vld [tilespmem:$0xB00]  }
0x8c: {  	v24 =	vld [tilespmem:$0xB80]  }
0x8d: {  	v25 =	vld [tilespmem:$0xC80];
	v18 =	vmul.u32 v0, v18;
	v19 =	vmul.u32 v1, v19  }
0x8e: {  	v26 =	vld [tilespmem:$0xD00];
	v20 =	vmul.u32 v2, v20  }
0x8f: {  	v55 =	vld [tilespmem:$0xD80];
	v18 =	vadd.s32 v18, v19;
	v19 =	vmul.u32 v3, v21  }
0x90: {  	v56 =	vld [tilespmem:$0xE00];
	v18 =	vadd.s32 v20, v18;
	v20 =	vmul.u32 v4, v22  }
0x91: {  	v57 =	vld [tilespmem:$0xE80];
	v18 =	vadd.s32 v19, v18;
	v19 =	vmul.u32 v5, v23  }
0x92: {  	s30 =	simm.s32 $0x0;
	v58 =	vld [tilespmem:$0xF00];
	v18 =	vadd.s32 v20, v18;
	v20 =	vmul.u32 v6, v24  }
0x93: {  	v59 =	vld [tilespmem:s30+$0x0];
	v18 =	vadd.s32 v19, v18;
	v19 =	vmul.u32 v7, v25  }
0x94: {  	v60 =	vld [tilespmem:$0xF80];
	v18 =	vadd.s32 v20, v18;
	v20 =	vmul.u32 v8, v26  }
0x95: {  	v18 =	vadd.s32 v19, v18;
	v19 =	vmul.u32 v9, v55  }
0x96: {  	s11 =	sand.u32 $0x3F0, s30;
	v18 =	vadd.s32 v20, v18;
	v20 =	vmul.u32 v10, v56  }
0x97: {  	v61 =	vld [tilespmem:s11+$0x1490];
	v18 =	vadd.s32 v19, v18;
	v19 =	vmul.u32 v11, v57  }
0x98: {  	v62 =	vadd.s32 $0xFFFFFFFF, v59;
	v18 =	vadd.s32 v20, v18;
	v20 =	vmul.u32 v12, v58  }
0x99: {  	v63 =	vsub.s32 $0x0, v62;
	v18 =	vadd.s32 v19, v18;
	v19 =	vmul.u32 v13, v60  }
0x9a: {  	v18 =	vadd.s32 v20, v18;
	v20 =	vmin.u32 v62, v63  }
0x9b: {  	v18 =	vadd.s32 v19, v18;
	vm1 =	vlt.s32 v20, $0x1  }
0x9c: {  	v19 =	vnsel vm1, $0x1, v20;
	v20 =	vadd.s32 v61, v18  }
0x9d: {  	v19 =	vmul.u32 v20, v19;
	_ =	sdelay $0x1  }
0x9e: {  	s11 =	simm.s32 $0x400;
	v19 =	vadd.s32 $0x1, v19  }
0x9f: {  	s14 =	simm.s32 $0x10;
	[tilespmem:s11+$0x0] =	vst v19  }
0xa0: {  	s16 =	simm.s32 $0x10;
	s15 =	simm.s32 $0x20;
	v19 =	vld [tilespmem:s14+$0x0]  }
.LBB2_14:
0xa1: {  	p0 =	sne.s32 s15, $0x3F0;
	_ =	sdelay $0x1  }
0xa2: {  	s17 =	sand.u32 $0x3F0, s14;
	s14 =	smov.u32 s15  }
0xa3: {  	v20 =	vld [tilespmem:s17+$0x1490]  }
0xa4: {  	v19 =	vadd.s32 $0xFFFFFFFF, v19  }
0xa5: {  	v21 =	vsub.s32 $0x0, v19  }
0xa6: {  	v19 =	vmin.u32 v19, v21  }
0xa7: {  	vm1 =	vlt.s32 v19, $0x1  }
0xa8: {  	v19 =	vnsel vm1, $0x1, v19;
	v20 =	vadd.s32 v20, v18  }
.Ltmp6:
0xa9: {  	v19 =	vmul.u32 v20, v19;
	(pc) =	sbr.rel @p0 .LBB2_14-.Ltmp6, $4  }
0xaa: {  	_ = 	snop  }
0xab: {  	s11 =	sadd.s32 $0x10, s11;
	v19 =	vadd.s32 $0x1, v19  }
0xac: {  	s16 =	sadd.s32 $0x10, s16;
	[tilespmem:s11+$0x0] =	vst v19  }
0xad: {  	s15 =	sadd.s32 $0x10, s15;
	v19 =	vld [tilespmem:s16+$0x0]  }
0xae: {  	_ =	sdelay $0x1  }
0xaf: {  	s14 =	sand.u32 $0x3F0, s14  }
0xb0: {  	v20 =	vld [tilespmem:s14+$0x1490]  }
0xb1: {  	v19 =	vadd.s32 $0xFFFFFFFF, v19  }
0xb2: {  	v21 =	vsub.s32 $0x0, v19  }
0xb3: {  	v19 =	vmin.u32 v19, v21  }
0xb4: {  	vm1 =	vlt.s32 v19, $0x1  }
0xb5: {  	v18 =	vadd.s32 v20, v18;
	v19 =	vnsel vm1, $0x1, v19  }
0xb6: {  	v18 =	vmul.u32 v18, v19;
	_ =	sdelay $0x1  }
0xb7: {  	s11 =	sadd.s32 $0x10, s11;
	v18 =	vadd.s32 $0x1, v18  }
0xb8: {  	[tilespmem:s11+$0x0] =	vst v18  }
0xb9: {  	v18 =	vld [tilespmem:$0x400];
	_ =	sdelay $0x4  }
0xba: {  	v19 =	vshll.u32 v18, $0x3  }
0xbb: {  	v18 =	vand.u32 $0x7, v18;
	v19 =	vand.u32 $0xFFFFFFC0, v19  }
0xbc: {  	v18 =	vor.u32 v18, v19  }
0xbd: {  	v19 =	vperm.xlane v18, v15;
	_ =	sdelay $0x1  }
0xbe: {  	v19 =	vadd.s32 v16, v19;
	_ =	sdelay $0x3  }
0xbf: {  	s0 =	simm.s32 $0x2190  }
0xc0: {  	[tilespmem:s0], [sflag:$0x1] =	stream.indirect_vreg.gather [hbm4b:s1+s4], $0x80, v19, vm0, $0xb8;
	[tilespmem:$0x1A190] =	vst v63  }
0xc1: {  	s6 =	simm.s32 $0x2990;
	v18 =	vperm.xlane v18, v17  }
0xc2: {  	[tilespmem:s6], [sflag:$0x1] =	stream.indirect_vreg.gather [hbm4b:s8+s4], $0x80, v19, vm0, $0xb8;
	[tilespmem:$0x1A190] =	vst v63  }
0xc3: {  	s22 =	simm.s32 $0x3190;
	v18 =	vadd.s32 v16, v18  }
0xc4: {  	[tilespmem:s22], [sflag:$0x1] =	stream.indirect_vreg.gather [hbm4b:s10+s4], $0x80, v19, vm0, $0xb8;
	[tilespmem:$0x1A190] =	vst v63  }
0xc5: {  	s23 =	simm.s32 $0x3990  }
0xc6: {  	[tilespmem:s23], [sflag:$0x1] =	stream.indirect_vreg.gather [hbm4b:s12+s4], $0x80, v19, vm0, $0xb8;
	[tilespmem:$0x1A190] =	vst v63  }
0xc7: {  	s24 =	simm.s32 $0x4190  }
0xc8: {  	[tilespmem:s24], [sflag:$0x1] =	stream.indirect_vreg.gather [hbm4b:s1+s4], $0x80, v18, vm0, $0xb8;
	[tilespmem:$0x1A190] =	vst v63  }
0xc9: {  	s25 =	simm.s32 $0x4990  }
0xca: {  	[tilespmem:s25], [sflag:$0x1] =	stream.indirect_vreg.gather [hbm4b:s8+s4], $0x80, v18, vm0, $0xb8;
	[tilespmem:$0x1A190] =	vst v63  }
0xcb: {  	s26 =	simm.s32 $0x5190  }
0xcc: {  	[tilespmem:s26], [sflag:$0x1] =	stream.indirect_vreg.gather [hbm4b:s10+s4], $0x80, v18, vm0, $0xb8;
	[tilespmem:$0x1A190] =	vst v63  }
0xcd: {  	s28 =	simm.s32 $0x5990  }
0xce: {  	[tilespmem:s28], [sflag:$0x1] =	stream.indirect_vreg.gather [hbm4b:s12+s4], $0x80, v18, vm0, $0xb8;
	[tilespmem:$0x1A190] =	vst v63  }
0xcf: {  	v18 =	vld [tilespmem:$0x410];
	_ =	sdelay $0x4  }
0xd0: {  	v19 =	vshll.u32 v18, $0x3  }
0xd1: {  	v18 =	vand.u32 $0x7, v18;
	v19 =	vand.u32 $0xFFFFFFC0, v19  }
0xd2: {  	v18 =	vor.u32 v18, v19  }
0xd3: {  	v19 =	vperm.xlane v18, v15;
	_ =	sdelay $0x1  }
0xd4: {  	v19 =	vadd.s32 v16, v19;
	_ =	sdelay $0x3  }
0xd5: {  	s29 =	simm.s32 $0x6190  }
0xd6: {  	[tilespmem:s29], [sflag:$0x1] =	stream.indirect_vreg.gather [hbm4b:s1+s4], $0x80, v19, vm0, $0xb8;
	[tilespmem:$0x1A190] =	vst v63  }
0xd7: {  	s30 =	simm.s32 $0x6990;
	v18 =	vperm.xlane v18, v17  }
0xd8: {  	[tilespmem:s30], [sflag:$0x1] =	stream.indirect_vreg.gather [hbm4b:s8+s4], $0x80, v19, vm0, $0xb8;
	[tilespmem:$0x1A190] =	vst v63  }
0xd9: {  	s0 =	simm.s32 $0x7190;
	v18 =	vadd.s32 v16, v18  }
0xda: {  	[tilespmem:s0], [sflag:$0x1] =	stream.indirect_vreg.gather [hbm4b:s10+s4], $0x80, v19, vm0, $0xb8;
	[tilespmem:$0x1A190] =	vst v63  }
0xdb: {  	s7 =	simm.s32 $0x7990  }
0xdc: {  	[tilespmem:s7], [sflag:$0x1] =	stream.indirect_vreg.gather [hbm4b:s12+s4], $0x80, v19, vm0, $0xb8;
	[tilespmem:$0x1A190] =	vst v63  }
0xdd: {  	s11 =	simm.s32 $0x8190  }
0xde: {  	[tilespmem:s11], [sflag:$0x1] =	stream.indirect_vreg.gather [hbm4b:s1+s4], $0x80, v18, vm0, $0xb8;
	[tilespmem:$0x1A190] =	vst v63  }
0xdf: {  	s13 =	simm.s32 $0x8990  }
0xe0: {  	[tilespmem:s13], [sflag:$0x1] =	stream.indirect_vreg.gather [hbm4b:s8+s4], $0x80, v18, vm0, $0xb8;
	[tilespmem:$0x1A190] =	vst v63  }
0xe1: {  	s14 =	simm.s32 $0x9190  }
0xe2: {  	[tilespmem:s14], [sflag:$0x1] =	stream.indirect_vreg.gather [hbm4b:s10+s4], $0x80, v18, vm0, $0xb8;
	[tilespmem:$0x1A190] =	vst v63  }
0xe3: {  	s15 =	simm.s32 $0x9990  }
0xe4: {  	[tilespmem:s15], [sflag:$0x1] =	stream.indirect_vreg.gather [hbm4b:s12+s4], $0x80, v18, vm0, $0xb8;
	[tilespmem:$0x1A190] =	vst v63  }
0xe5: {  	v18 =	vld [tilespmem:$0x420];
	_ =	sdelay $0x4  }
0xe6: {  	v19 =	vshll.u32 v18, $0x3  }
0xe7: {  	v18 =	vand.u32 $0x7, v18;
	v19 =	vand.u32 $0xFFFFFFC0, v19  }
0xe8: {  	v18 =	vor.u32 v18, v19  }
0xe9: {  	v19 =	vperm.xlane v18, v15;
	_ =	sdelay $0x1  }
0xea: {  	v19 =	vadd.s32 v16, v19;
	_ =	sdelay $0x3  }
0xeb: {  	s16 =	simm.s32 $0xA190  }
0xec: {  	[tilespmem:s16], [sflag:$0x2] =	stream.indirect_vreg.gather [hbm4b:s1+s4], $0x80, v19, vm0, $0xb8;
	[tilespmem:$0x1A190] =	vst v63  }
0xed: {  	s17 =	simm.s32 $0xA990;
	v18 =	vperm.xlane v18, v17  }
0xee: {  	[tilespmem:s17], [sflag:$0x2] =	stream.indirect_vreg.gather [hbm4b:s8+s4], $0x80, v19, vm0, $0xb8;
	[tilespmem:$0x1A190] =	vst v63  }
0xef: {  	s20 =	simm.s32 $0xB190;
	v18 =	vadd.s32 v16, v18  }
0xf0: {  	[tilespmem:s20], [sflag:$0x2] =	stream.indirect_vreg.gather [hbm4b:s10+s4], $0x80, v19, vm0, $0xb8;
	[tilespmem:$0x1A190] =	vst v63  }
0xf1: {  	s21 =	simm.s32 $0xB990  }
0xf2: {  	[tilespmem:s21], [sflag:$0x2] =	stream.indirect_vreg.gather [hbm4b:s12+s4], $0x80, v19, vm0, $0xb8;
	[tilespmem:$0x1A190] =	vst v63  }
0xf3: {  	s22 =	simm.s32 $0xC190  }
0xf4: {  	[tilespmem:s22], [sflag:$0x2] =	stream.indirect_vreg.gather [hbm4b:s1+s4], $0x80, v18, vm0, $0xb8;
	[tilespmem:$0x1A190] =	vst v63  }
0xf5: {  	s0 =	simm.s32 $0xC990  }
0xf6: {  	[tilespmem:s0], [sflag:$0x2] =	stream.indirect_vreg.gather [hbm4b:s8+s4], $0x80, v18, vm0, $0xb8;
	[tilespmem:$0x1A190] =	vst v63  }
0xf7: {  	s7 =	simm.s32 $0xD190  }
0xf8: {  	[tilespmem:s7], [sflag:$0x2] =	stream.indirect_vreg.gather [hbm4b:s10+s4], $0x80, v18, vm0, $0xb8;
	[tilespmem:$0x1A190] =	vst v63  }
0xf9: {  	s11 =	simm.s32 $0xD990  }
0xfa: {  	[tilespmem:s11], [sflag:$0x2] =	stream.indirect_vreg.gather [hbm4b:s12+s4], $0x80, v18, vm0, $0xb8;
	[tilespmem:$0x1A190] =	vst v63  }
0xfb: {  	v18 =	vld [tilespmem:$0x430];
	_ =	sdelay $0x4  }
0xfc: {  	v19 =	vshll.u32 v18, $0x3  }
0xfd: {  	v18 =	vand.u32 $0x7, v18;
	v19 =	vand.u32 $0xFFFFFFC0, v19  }
0xfe: {  	v18 =	vor.u32 v18, v19  }
0xff: {  	v19 =	vperm.xlane v18, v15;
	_ =	sdelay $0x1  }
0x100: {  	v19 =	vadd.s32 v16, v19;
	_ =	sdelay $0x3  }
0x101: {  	s13 =	simm.s32 $0xE190  }
0x102: {  	[tilespmem:s13], [sflag:$0x2] =	stream.indirect_vreg.gather [hbm4b:s1+s4], $0x80, v19, vm0, $0xb8;
	[tilespmem:$0x1A190] =	vst v63  }
0x103: {  	s15 =	simm.s32 $0xE990;
	v18 =	vperm.xlane v18, v17  }
0x104: {  	[tilespmem:s15], [sflag:$0x2] =	stream.indirect_vreg.gather [hbm4b:s8+s4], $0x80, v19, vm0, $0xb8;
	[tilespmem:$0x1A190] =	vst v63  }
0x105: {  	s16 =	simm.s32 $0xF190;
	v18 =	vadd.s32 v16, v18  }
0x106: {  	[tilespmem:s16], [sflag:$0x2] =	stream.indirect_vreg.gather [hbm4b:s10+s4], $0x80, v19, vm0, $0xb8;
	[tilespmem:$0x1A190] =	vst v63  }
0x107: {  	s17 =	simm.s32 $0xF990  }
0x108: {  	[tilespmem:s17], [sflag:$0x2] =	stream.indirect_vreg.gather [hbm4b:s12+s4], $0x80, v19, vm0, $0xb8;
	[tilespmem:$0x1A190] =	vst v63  }
0x109: {  	s21 =	simm.s32 $0x10190  }
0x10a: {  	[tilespmem:s21], [sflag:$0x2] =	stream.indirect_vreg.gather [hbm4b:s1+s4], $0x80, v18, vm0, $0xb8;
	[tilespmem:$0x1A190] =	vst v63  }
0x10b: {  	s0 =	simm.s32 $0x10990  }
0x10c: {  	[tilespmem:s0], [sflag:$0x2] =	stream.indirect_vreg.gather [hbm4b:s8+s4], $0x80, v18, vm0, $0xb8;
	[tilespmem:$0x1A190] =	vst v63  }
0x10d: {  	s7 =	simm.s32 $0x11190  }
0x10e: {  	[tilespmem:s7], [sflag:$0x2] =	stream.indirect_vreg.gather [hbm4b:s10+s4], $0x80, v18, vm0, $0xb8;
	[tilespmem:$0x1A190] =	vst v63  }
0x10f: {  	s11 =	simm.s32 $0x11990  }
0x110: {  	[tilespmem:s11], [sflag:$0x2] =	stream.indirect_vreg.gather [hbm4b:s12+s4], $0x80, v18, vm0, $0xb8;
	[tilespmem:$0x1A190] =	vst v63  }
0x111: {  	_ =	swait.ge [sflag:s31], $0x8000  }
0x112: {  	[sflag:s31] =	ssyncset.done $0x0  }
0x113: {  	[sflag:s31] =	ssyncadd.s32 $0xFFFF8000  }
0x114: {  	v18 =	vld [tilespmem:$0x440];
	_ =	sdelay $0x4  }
0x115: {  	v19 =	vshll.u32 v18, $0x3  }
0x116: {  	v18 =	vand.u32 $0x7, v18;
	v19 =	vand.u32 $0xFFFFFFC0, v19  }
0x117: {  	v18 =	vor.u32 v18, v19  }
0x118: {  	v19 =	vperm.xlane v18, v15;
	_ =	sdelay $0x1  }
0x119: {  	v19 =	vadd.s32 v16, v19;
	_ =	sdelay $0x3  }
0x11a: {  	s13 =	simm.s32 $0x12190  }
0x11b: {  	[tilespmem:s13], [sflag:$0x3] =	stream.indirect_vreg.gather [hbm4b:s1+s4], $0x80, v19, vm0, $0xb8;
	[tilespmem:$0x1A190] =	vst v63  }
0x11c: {  	s15 =	simm.s32 $0x12990;
	v18 =	vperm.xlane v18, v17  }
0x11d: {  	[tilespmem:s15], [sflag:$0x3] =	stream.indirect_vreg.gather [hbm4b:s8+s4], $0x80, v19, vm0, $0xb8;
	[tilespmem:$0x1A190] =	vst v63  }
0x11e: {  	s17 =	simm.s32 $0x13190;
	v18 =	vadd.s32 v16, v18  }
0x11f: {  	[tilespmem:s17], [sflag:$0x3] =	stream.indirect_vreg.gather [hbm4b:s10+s4], $0x80, v19, vm0, $0xb8;
	[tilespmem:$0x1A190] =	vst v63  }
0x120: {  	s21 =	simm.s32 $0x13990  }
0x121: {  	[tilespmem:s21], [sflag:$0x3] =	stream.indirect_vreg.gather [hbm4b:s12+s4], $0x80, v19, vm0, $0xb8;
	[tilespmem:$0x1A190] =	vst v63  }
0x122: {  	s6 =	simm.s32 $0x14190  }
0x123: {  	[tilespmem:s6], [sflag:$0x3] =	stream.indirect_vreg.gather [hbm4b:s1+s4], $0x80, v18, vm0, $0xb8;
	[tilespmem:$0x1A190] =	vst v63  }
0x124: {  	s7 =	simm.s32 $0x14990  }
0x125: {  	[tilespmem:s7], [sflag:$0x3] =	stream.indirect_vreg.gather [hbm4b:s8+s4], $0x80, v18, vm0, $0xb8;
	[tilespmem:$0x1A190] =	vst v63  }
0x126: {  	s11 =	simm.s32 $0x15190  }
0x127: {  	[tilespmem:s11], [sflag:$0x3] =	stream.indirect_vreg.gather [hbm4b:s10+s4], $0x80, v18, vm0, $0xb8;
	[tilespmem:$0x1A190] =	vst v63  }
0x128: {  	s13 =	simm.s32 $0x15990  }
0x129: {  	[tilespmem:s13], [sflag:$0x3] =	stream.indirect_vreg.gather [hbm4b:s12+s4], $0x80, v18, vm0, $0xb8;
	[tilespmem:$0x1A190] =	vst v63  }
0x12a: {  	v18 =	vld [tilespmem:$0x450];
	_ =	sdelay $0x4  }
0x12b: {  	v19 =	vshll.u32 v18, $0x3  }
0x12c: {  	v18 =	vand.u32 $0x7, v18;
	v19 =	vand.u32 $0xFFFFFFC0, v19  }
0x12d: {  	v18 =	vor.u32 v18, v19  }
0x12e: {  	v19 =	vperm.xlane v18, v15;
	_ =	sdelay $0x1  }
0x12f: {  	v19 =	vadd.s32 v16, v19;
	_ =	sdelay $0x3  }
0x130: {  	s17 =	simm.s32 $0x16190  }
0x131: {  	[tilespmem:s17], [sflag:$0x3] =	stream.indirect_vreg.gather [hbm4b:s1+s4], $0x80, v19, vm0, $0xb8;
	[tilespmem:$0x1A190] =	vst v63  }
0x132: {  	s21 =	simm.s32 $0x16990;
	v18 =	vperm.xlane v18, v17  }
0x133: {  	[tilespmem:s21], [sflag:$0x3] =	stream.indirect_vreg.gather [hbm4b:s8+s4], $0x80, v19, vm0, $0xb8;
	[tilespmem:$0x1A190] =	vst v63  }
0x134: {  	s6 =	simm.s32 $0x17190;
	v18 =	vadd.s32 v16, v18  }
0x135: {  	[tilespmem:s6], [sflag:$0x3] =	stream.indirect_vreg.gather [hbm4b:s10+s4], $0x80, v19, vm0, $0xb8;
	[tilespmem:$0x1A190] =	vst v63  }
0x136: {  	s7 =	simm.s32 $0x17990  }
0x137: {  	[tilespmem:s7], [sflag:$0x3] =	stream.indirect_vreg.gather [hbm4b:s12+s4], $0x80, v19, vm0, $0xb8;
	[tilespmem:$0x1A190] =	vst v63  }
0x138: {  	s11 =	simm.s32 $0x18190  }
0x139: {  	[tilespmem:s11], [sflag:$0x3] =	stream.indirect_vreg.gather [hbm4b:s1+s4], $0x80, v18, vm0, $0xb8;
	[tilespmem:$0x1A190] =	vst v63  }
0x13a: {  	s13 =	simm.s32 $0x18990  }
0x13b: {  	[tilespmem:s13], [sflag:$0x3] =	stream.indirect_vreg.gather [hbm4b:s8+s4], $0x80, v18, vm0, $0xb8;
	[tilespmem:$0x1A190] =	vst v63  }
0x13c: {  	s17 =	simm.s32 $0x19190  }
0x13d: {  	[tilespmem:s17], [sflag:$0x3] =	stream.indirect_vreg.gather [hbm4b:s10+s4], $0x80, v18, vm0, $0xb8;
	[tilespmem:$0x1A190] =	vst v63  }
0x13e: {  	s21 =	simm.s32 $0x19990  }
0x13f: {  	[tilespmem:s21], [sflag:$0x3] =	stream.indirect_vreg.gather [hbm4b:s12+s4], $0x80, v18, vm0, $0xb8;
	[tilespmem:$0x1A190] =	vst v63  }
0x140: {  	s6 =	rddreg [dreg:$0x7];
	s7 =	simm.s32 $0x2190  }
0x141: {  	[hbm4b:s6+s4] =	stream.linear.scatter [tilespmem:s7], [sflag:$0x4], $0x8000, $0x38;
	[tilespmem:$0x1A190] =	vst v63  }
0x142: {  	_ =	swait.ge [sflag:s3], $0x8000  }
0x143: {  	[sflag:s3] =	ssyncset.done $0x0  }
0x144: {  	[sflag:s3] =	ssyncadd.s32 $0xFFFF8000  }
0x145: {  	_ =	swait.ge [sflag:s5], $0x8000  }
0x146: {  	[sflag:s5] =	ssyncset.done $0x0  }
0x147: {  	[sflag:s5] =	ssyncadd.s32 $0xFFFF8000  }
0x148: {  	v18 =	vld [tilespmem:$0x460];
	_ =	sdelay $0x4  }
0x149: {  	v19 =	vshll.u32 v18, $0x3  }
0x14a: {  	v18 =	vand.u32 $0x7, v18;
	v19 =	vand.u32 $0xFFFFFFC0, v19  }
0x14b: {  	v18 =	vor.u32 v18, v19  }
0x14c: {  	v19 =	vperm.xlane v18, v15;
	_ =	sdelay $0x1  }
0x14d: {  	v19 =	vadd.s32 v16, v19;
	_ =	sdelay $0x4  }
0x14e: {  	[tilespmem:s7], [sflag:$0x1] =	stream.indirect_vreg.gather [hbm4b:s1+s4], $0x80, v19, vm0, $0xb8;
	[tilespmem:$0x1A190] =	vst v63  }
0x14f: {  	s17 =	simm.s32 $0x2990;
	v18 =	vperm.xlane v18, v17  }
0x150: {  	[tilespmem:s17], [sflag:$0x1] =	stream.indirect_vreg.gather [hbm4b:s8+s4], $0x80, v19, vm0, $0xb8;
	[tilespmem:$0x1A190] =	vst v63  }
0x151: {  	s9 =	simm.s32 $0x3190;
	v18 =	vadd.s32 v16, v18  }
0x152: {  	[tilespmem:s9], [sflag:$0x1] =	stream.indirect_vreg.gather [hbm4b:s10+s4], $0x80, v19, vm0, $0xb8;
	[tilespmem:$0x1A190] =	vst v63  }
0x153: {  	s18 =	simm.s32 $0x3990  }
0x154: {  	[tilespmem:s18], [sflag:$0x1] =	stream.indirect_vreg.gather [hbm4b:s12+s4], $0x80, v19, vm0, $0xb8;
	[tilespmem:$0x1A190] =	vst v63  }
0x155: {  	s19 =	simm.s32 $0x4190  }
0x156: {  	[tilespmem:s19], [sflag:$0x1] =	stream.indirect_vreg.gather [hbm4b:s1+s4], $0x80, v18, vm0, $0xb8;
	[tilespmem:$0x1A190] =	vst v63  }
0x157: {  	s23 =	simm.s32 $0x4990  }
0x158: {  	[tilespmem:s23], [sflag:$0x1] =	stream.indirect_vreg.gather [hbm4b:s8+s4], $0x80, v18, vm0, $0xb8;
	[tilespmem:$0x1A190] =	vst v63  }
0x159: {  	s24 =	simm.s32 $0x5190  }
0x15a: {  	[tilespmem:s24], [sflag:$0x1] =	stream.indirect_vreg.gather [hbm4b:s10+s4], $0x80, v18, vm0, $0xb8;
	[tilespmem:$0x1A190] =	vst v63  }
0x15b: {  	s21 =	simm.s32 $0x5990  }
0x15c: {  	[tilespmem:s21], [sflag:$0x1] =	stream.indirect_vreg.gather [hbm4b:s12+s4], $0x80, v18, vm0, $0xb8;
	[tilespmem:$0x1A190] =	vst v63  }
0x15d: {  	v18 =	vld [tilespmem:$0x470];
	_ =	sdelay $0x4  }
0x15e: {  	v19 =	vshll.u32 v18, $0x3  }
0x15f: {  	v18 =	vand.u32 $0x7, v18;
	v19 =	vand.u32 $0xFFFFFFC0, v19  }
0x160: {  	v18 =	vor.u32 v18, v19  }
0x161: {  	v19 =	vperm.xlane v18, v15;
	_ =	sdelay $0x1  }
0x162: {  	v19 =	vadd.s32 v16, v19;
	_ =	sdelay $0x3  }
0x163: {  	s13 =	simm.s32 $0x6190  }
0x164: {  	[tilespmem:s13], [sflag:$0x1] =	stream.indirect_vreg.gather [hbm4b:s1+s4], $0x80, v19, vm0, $0xb8;
	[tilespmem:$0x1A190] =	vst v63  }
0x165: {  	s2 =	simm.s32 $0x6990;
	v18 =	vperm.xlane v18, v17  }
0x166: {  	[tilespmem:s2], [sflag:$0x1] =	stream.indirect_vreg.gather [hbm4b:s8+s4], $0x80, v19, vm0, $0xb8;
	[tilespmem:$0x1A190] =	vst v63  }
0x167: {  	s25 =	simm.s32 $0x7190;
	v18 =	vadd.s32 v16, v18  }
0x168: {  	[tilespmem:s25], [sflag:$0x1] =	stream.indirect_vreg.gather [hbm4b:s10+s4], $0x80, v19, vm0, $0xb8;
	[tilespmem:$0x1A190] =	vst v63  }
0x169: {  	s26 =	simm.s32 $0x7990  }
0x16a: {  	[tilespmem:s26], [sflag:$0x1] =	stream.indirect_vreg.gather [hbm4b:s12+s4], $0x80, v19, vm0, $0xb8;
	[tilespmem:$0x1A190] =	vst v63  }
0x16b: {  	s28 =	simm.s32 $0x8190  }
0x16c: {  	[tilespmem:s28], [sflag:$0x1] =	stream.indirect_vreg.gather [hbm4b:s1+s4], $0x80, v18, vm0, $0xb8;
	[tilespmem:$0x1A190] =	vst v63  }
0x16d: {  	s29 =	simm.s32 $0x8990  }
0x16e: {  	[tilespmem:s29], [sflag:$0x1] =	stream.indirect_vreg.gather [hbm4b:s8+s4], $0x80, v18, vm0, $0xb8;
	[tilespmem:$0x1A190] =	vst v63  }
0x16f: {  	s30 =	simm.s32 $0x9190  }
0x170: {  	[tilespmem:s30], [sflag:$0x1] =	stream.indirect_vreg.gather [hbm4b:s10+s4], $0x80, v18, vm0, $0xb8;
	[tilespmem:$0x1A190] =	vst v63  }
0x171: {  	s7 =	simm.s32 $0x9990  }
0x172: {  	[tilespmem:s7], [sflag:$0x1] =	stream.indirect_vreg.gather [hbm4b:s12+s4], $0x80, v18, vm0, $0xb8;
	[tilespmem:$0x1A190] =	vst v63  }
0x173: {  	s14 =	simm.s32 $0xA190;
	s6 =	simm.s32 $0x3;
	s9 =	rddreg [dreg:$0x9]  }
0x174: {  	[hbm4b:s9+s4] =	stream.linear.scatter [tilespmem:s14], [sflag:$0x5], $0x8000, $0x38;
	[tilespmem:$0x1A190] =	vst v63  }
0x175: {  	_ =	swait.ge [sflag:s6], $0x8000  }
0x176: {  	[sflag:s6] =	ssyncset.done $0x0  }
0x177: {  	s2 =	simm.s32 $0x5;
	[sflag:s6] =	ssyncadd.s32 $0xFFFF8000  }
0x178: {  	_ =	swait.ge [sflag:s2], $0x8000  }
0x179: {  	[sflag:s2] =	ssyncset.done $0x0  }
0x17a: {  	[sflag:s2] =	ssyncadd.s32 $0xFFFF8000  }
0x17b: {  	v18 =	vld [tilespmem:$0x480];
	_ =	sdelay $0x4  }
0x17c: {  	v19 =	vshll.u32 v18, $0x3  }
0x17d: {  	v18 =	vand.u32 $0x7, v18;
	v19 =	vand.u32 $0xFFFFFFC0, v19  }
0x17e: {  	v18 =	vor.u32 v18, v19  }
0x17f: {  	v19 =	vperm.xlane v18, v15;
	_ =	sdelay $0x1  }
0x180: {  	v19 =	vadd.s32 v16, v19;
	_ =	sdelay $0x4  }
0x181: {  	[tilespmem:s14], [sflag:$0x2] =	stream.indirect_vreg.gather [hbm4b:s1+s4], $0x80, v19, vm0, $0xb8;
	[tilespmem:$0x1A190] =	vst v63  }
0x182: {  	s26 =	simm.s32 $0xA990;
	v18 =	vperm.xlane v18, v17  }
0x183: {  	[tilespmem:s26], [sflag:$0x2] =	stream.indirect_vreg.gather [hbm4b:s8+s4], $0x80, v19, vm0, $0xb8;
	[tilespmem:$0x1A190] =	vst v63  }
0x184: {  	s30 =	simm.s32 $0xB190;
	v18 =	vadd.s32 v16, v18  }
0x185: {  	[tilespmem:s30], [sflag:$0x2] =	stream.indirect_vreg.gather [hbm4b:s10+s4], $0x80, v19, vm0, $0xb8;
	[tilespmem:$0x1A190] =	vst v63  }
0x186: {  	s29 =	simm.s32 $0xB990  }
0x187: {  	[tilespmem:s29], [sflag:$0x2] =	stream.indirect_vreg.gather [hbm4b:s12+s4], $0x80, v19, vm0, $0xb8;
	[tilespmem:$0x1A190] =	vst v63  }
0x188: {  	s9 =	simm.s32 $0xC190  }
0x189: {  	[tilespmem:s9], [sflag:$0x2] =	stream.indirect_vreg.gather [hbm4b:s1+s4], $0x80, v18, vm0, $0xb8;
	[tilespmem:$0x1A190] =	vst v63  }
0x18a: {  	s18 =	simm.s32 $0xC990  }
0x18b: {  	[tilespmem:s18], [sflag:$0x2] =	stream.indirect_vreg.gather [hbm4b:s8+s4], $0x80, v18, vm0, $0xb8;
	[tilespmem:$0x1A190] =	vst v63  }
0x18c: {  	s19 =	simm.s32 $0xD190  }
0x18d: {  	[tilespmem:s19], [sflag:$0x2] =	stream.indirect_vreg.gather [hbm4b:s10+s4], $0x80, v18, vm0, $0xb8;
	[tilespmem:$0x1A190] =	vst v63  }
0x18e: {  	s28 =	simm.s32 $0xD990  }
0x18f: {  	[tilespmem:s28], [sflag:$0x2] =	stream.indirect_vreg.gather [hbm4b:s12+s4], $0x80, v18, vm0, $0xb8;
	[tilespmem:$0x1A190] =	vst v63  }
0x190: {  	v18 =	vld [tilespmem:$0x490];
	_ =	sdelay $0x4  }
0x191: {  	v19 =	vshll.u32 v18, $0x3  }
0x192: {  	v18 =	vand.u32 $0x7, v18;
	v19 =	vand.u32 $0xFFFFFFC0, v19  }
0x193: {  	v18 =	vor.u32 v18, v19  }
0x194: {  	v19 =	vperm.xlane v18, v15;
	_ =	sdelay $0x1  }
0x195: {  	v19 =	vadd.s32 v16, v19;
	_ =	sdelay $0x3  }
0x196: {  	s20 =	simm.s32 $0xE190  }
0x197: {  	[tilespmem:s20], [sflag:$0x2] =	stream.indirect_vreg.gather [hbm4b:s1+s4], $0x80, v19, vm0, $0xb8;
	[tilespmem:$0x1A190] =	vst v63  }
0x198: {  	s22 =	simm.s32 $0xE990;
	v18 =	vperm.xlane v18, v17  }
0x199: {  	[tilespmem:s22], [sflag:$0x2] =	stream.indirect_vreg.gather [hbm4b:s8+s4], $0x80, v19, vm0, $0xb8;
	[tilespmem:$0x1A190] =	vst v63  }
0x19a: {  	v18 =	vadd.s32 v16, v18;
	s20 =	simm.s32 $0xF190  }
0x19b: {  	[tilespmem:s20], [sflag:$0x2] =	stream.indirect_vreg.gather [hbm4b:s10+s4], $0x80, v19, vm0, $0xb8;
	[tilespmem:$0x1A190] =	vst v63  }
0x19c: {  	s22 =	simm.s32 $0xF990  }
0x19d: {  	[tilespmem:s22], [sflag:$0x2] =	stream.indirect_vreg.gather [hbm4b:s12+s4], $0x80, v19, vm0, $0xb8;
	[tilespmem:$0x1A190] =	vst v63  }
0x19e: {  	s23 =	simm.s32 $0x10190  }
0x19f: {  	[tilespmem:s23], [sflag:$0x2] =	stream.indirect_vreg.gather [hbm4b:s1+s4], $0x80, v18, vm0, $0xb8;
	[tilespmem:$0x1A190] =	vst v63  }
0x1a0: {  	s24 =	simm.s32 $0x10990  }
0x1a1: {  	[tilespmem:s24], [sflag:$0x2] =	stream.indirect_vreg.gather [hbm4b:s8+s4], $0x80, v18, vm0, $0xb8;
	[tilespmem:$0x1A190] =	vst v63  }
0x1a2: {  	s25 =	simm.s32 $0x11190  }
0x1a3: {  	[tilespmem:s25], [sflag:$0x2] =	stream.indirect_vreg.gather [hbm4b:s10+s4], $0x80, v18, vm0, $0xb8;
	[tilespmem:$0x1A190] =	vst v63  }
0x1a4: {  	s16 =	simm.s32 $0x11990  }
0x1a5: {  	[tilespmem:s16], [sflag:$0x2] =	stream.indirect_vreg.gather [hbm4b:s12+s4], $0x80, v18, vm0, $0xb8;
	[tilespmem:$0x1A190] =	vst v63  }
0x1a6: {  	s0 =	simm.s32 $0x12190;
	s16 =	rddreg [dreg:$0xa]  }
0x1a7: {  	[hbm4b:s16+s4] =	stream.linear.scatter [tilespmem:s0], [sflag:$0x6], $0x8000, $0x38;
	[tilespmem:$0x1A190] =	vst v63  }
0x1a8: {  	_ =	swait.ge [sflag:s31], $0x8000  }
0x1a9: {  	[sflag:s31] =	ssyncset.done $0x0  }
0x1aa: {  	s16 =	simm.s32 $0x6;
	[sflag:s31] =	ssyncadd.s32 $0xFFFF8000  }
0x1ab: {  	_ =	swait.ge [sflag:s16], $0x8000  }
0x1ac: {  	[sflag:s16] =	ssyncset.done $0x0  }
0x1ad: {  	[sflag:s16] =	ssyncadd.s32 $0xFFFF8000  }
0x1ae: {  	v18 =	vld [tilespmem:$0x4A0];
	_ =	sdelay $0x4  }
0x1af: {  	v19 =	vshll.u32 v18, $0x3  }
0x1b0: {  	v18 =	vand.u32 $0x7, v18;
	v19 =	vand.u32 $0xFFFFFFC0, v19  }
0x1b1: {  	v18 =	vor.u32 v18, v19  }
0x1b2: {  	v19 =	vperm.xlane v18, v15;
	_ =	sdelay $0x1  }
0x1b3: {  	v19 =	vadd.s32 v16, v19;
	_ =	sdelay $0x4  }
0x1b4: {  	[tilespmem:s0], [sflag:$0x3] =	stream.indirect_vreg.gather [hbm4b:s1+s4], $0x80, v19, vm0, $0xb8;
	[tilespmem:$0x1A190] =	vst v63  }
0x1b5: {  	s15 =	simm.s32 $0x12990;
	v18 =	vperm.xlane v18, v17  }
0x1b6: {  	[tilespmem:s15], [sflag:$0x3] =	stream.indirect_vreg.gather [hbm4b:s8+s4], $0x80, v19, vm0, $0xb8;
	[tilespmem:$0x1A190] =	vst v63  }
0x1b7: {  	s14 =	simm.s32 $0x13190;
	v18 =	vadd.s32 v16, v18  }
0x1b8: {  	[tilespmem:s14], [sflag:$0x3] =	stream.indirect_vreg.gather [hbm4b:s10+s4], $0x80, v19, vm0, $0xb8;
	[tilespmem:$0x1A190] =	vst v63  }
0x1b9: {  	s15 =	simm.s32 $0x13990  }
0x1ba: {  	[tilespmem:s15], [sflag:$0x3] =	stream.indirect_vreg.gather [hbm4b:s12+s4], $0x80, v19, vm0, $0xb8;
	[tilespmem:$0x1A190] =	vst v63  }
0x1bb: {  	s11 =	simm.s32 $0x14190  }
0x1bc: {  	[tilespmem:s11], [sflag:$0x3] =	stream.indirect_vreg.gather [hbm4b:s1+s4], $0x80, v18, vm0, $0xb8;
	[tilespmem:$0x1A190] =	vst v63  }
0x1bd: {  	s11 =	simm.s32 $0x14990  }
0x1be: {  	[tilespmem:s11], [sflag:$0x3] =	stream.indirect_vreg.gather [hbm4b:s8+s4], $0x80, v18, vm0, $0xb8;
	[tilespmem:$0x1A190] =	vst v63  }
0x1bf: {  	s11 =	simm.s32 $0x15190  }
0x1c0: {  	[tilespmem:s11], [sflag:$0x3] =	stream.indirect_vreg.gather [hbm4b:s10+s4], $0x80, v18, vm0, $0xb8;
	[tilespmem:$0x1A190] =	vst v63  }
0x1c1: {  	s11 =	simm.s32 $0x15990  }
0x1c2: {  	[tilespmem:s11], [sflag:$0x3] =	stream.indirect_vreg.gather [hbm4b:s12+s4], $0x80, v18, vm0, $0xb8;
	[tilespmem:$0x1A190] =	vst v63  }
0x1c3: {  	v18 =	vld [tilespmem:$0x4B0];
	_ =	sdelay $0x4  }
0x1c4: {  	v19 =	vshll.u32 v18, $0x3  }
0x1c5: {  	v18 =	vand.u32 $0x7, v18;
	v19 =	vand.u32 $0xFFFFFFC0, v19  }
0x1c6: {  	v18 =	vor.u32 v18, v19  }
0x1c7: {  	v19 =	vperm.xlane v18, v15;
	_ =	sdelay $0x1  }
0x1c8: {  	v19 =	vadd.s32 v16, v19;
	_ =	sdelay $0x3  }
0x1c9: {  	s11 =	simm.s32 $0x16190  }
0x1ca: {  	[tilespmem:s11], [sflag:$0x3] =	stream.indirect_vreg.gather [hbm4b:s1+s4], $0x80, v19, vm0, $0xb8;
	[tilespmem:$0x1A190] =	vst v63  }
0x1cb: {  	v18 =	vperm.xlane v18, v17;
	s11 =	simm.s32 $0x16990  }
0x1cc: {  	[tilespmem:s11], [sflag:$0x3] =	stream.indirect_vreg.gather [hbm4b:s8+s4], $0x80, v19, vm0, $0xb8;
	[tilespmem:$0x1A190] =	vst v63  }
0x1cd: {  	v18 =	vadd.s32 v16, v18;
	s11 =	simm.s32 $0x17190  }
0x1ce: {  	[tilespmem:s11], [sflag:$0x3] =	stream.indirect_vreg.gather [hbm4b:s10+s4], $0x80, v19, vm0, $0xb8;
	[tilespmem:$0x1A190] =	vst v63  }
0x1cf: {  	s11 =	simm.s32 $0x17990  }
0x1d0: {  	[tilespmem:s11], [sflag:$0x3] =	stream.indirect_vreg.gather [hbm4b:s12+s4], $0x80, v19, vm0, $0xb8;
	[tilespmem:$0x1A190] =	vst v63  }
0x1d1: {  	s11 =	simm.s32 $0x18190  }
0x1d2: {  	[tilespmem:s11], [sflag:$0x3] =	stream.indirect_vreg.gather [hbm4b:s1+s4], $0x80, v18, vm0, $0xb8;
	[tilespmem:$0x1A190] =	vst v63  }
0x1d3: {  	s11 =	simm.s32 $0x18990  }
0x1d4: {  	[tilespmem:s11], [sflag:$0x3] =	stream.indirect_vreg.gather [hbm4b:s8+s4], $0x80, v18, vm0, $0xb8;
	[tilespmem:$0x1A190] =	vst v63  }
0x1d5: {  	s11 =	simm.s32 $0x19190  }
0x1d6: {  	[tilespmem:s11], [sflag:$0x3] =	stream.indirect_vreg.gather [hbm4b:s10+s4], $0x80, v18, vm0, $0xb8;
	[tilespmem:$0x1A190] =	vst v63  }
0x1d7: {  	s11 =	simm.s32 $0x19990  }
0x1d8: {  	[tilespmem:s11], [sflag:$0x3] =	stream.indirect_vreg.gather [hbm4b:s12+s4], $0x80, v18, vm0, $0xb8;
	[tilespmem:$0x1A190] =	vst v63  }
0x1d9: {  	s0 =	simm.s32 $0x2190;
	s11 =	rddreg [dreg:$0xb]  }
0x1da: {  	[hbm4b:s11+s4] =	stream.linear.scatter [tilespmem:s0], [sflag:$0x4], $0x8000, $0x38;
	[tilespmem:$0x1A190] =	vst v63  }
0x1db: {  	_ =	swait.ge [sflag:s3], $0x8000  }
0x1dc: {  	[sflag:s3] =	ssyncset.done $0x0  }
0x1dd: {  	[sflag:s3] =	ssyncadd.s32 $0xFFFF8000  }
0x1de: {  	_ =	swait.ge [sflag:s5], $0x8000  }
0x1df: {  	[sflag:s5] =	ssyncset.done $0x0  }
0x1e0: {  	[sflag:s5] =	ssyncadd.s32 $0xFFFF8000  }
0x1e1: {  	v18 =	vld [tilespmem:$0x4C0];
	_ =	sdelay $0x4  }
0x1e2: {  	v19 =	vshll.u32 v18, $0x3  }
0x1e3: {  	v18 =	vand.u32 $0x7, v18;
	v19 =	vand.u32 $0xFFFFFFC0, v19  }
0x1e4: {  	v18 =	vor.u32 v18, v19  }
0x1e5: {  	v19 =	vperm.xlane v18, v15;
	_ =	sdelay $0x1  }
0x1e6: {  	v19 =	vadd.s32 v16, v19;
	_ =	sdelay $0x4  }
0x1e7: {  	[tilespmem:s0], [sflag:$0x1] =	stream.indirect_vreg.gather [hbm4b:s1+s4], $0x80, v19, vm0, $0xb8;
	[tilespmem:$0x1A190] =	vst v63  }
0x1e8: {  	v18 =	vperm.xlane v18, v17  }
0x1e9: {  	[tilespmem:s17], [sflag:$0x1] =	stream.indirect_vreg.gather [hbm4b:s8+s4], $0x80, v19, vm0, $0xb8;
	[tilespmem:$0x1A190] =	vst v63  }
0x1ea: {  	s11 =	simm.s32 $0x3190;
	v18 =	vadd.s32 v16, v18  }
0x1eb: {  	[tilespmem:s11], [sflag:$0x1] =	stream.indirect_vreg.gather [hbm4b:s10+s4], $0x80, v19, vm0, $0xb8;
	[tilespmem:$0x1A190] =	vst v63  }
0x1ec: {  	s17 =	simm.s32 $0x3990  }
0x1ed: {  	[tilespmem:s17], [sflag:$0x1] =	stream.indirect_vreg.gather [hbm4b:s12+s4], $0x80, v19, vm0, $0xb8;
	[tilespmem:$0x1A190] =	vst v63  }
0x1ee: {  	s11 =	simm.s32 $0x4190  }
0x1ef: {  	[tilespmem:s11], [sflag:$0x1] =	stream.indirect_vreg.gather [hbm4b:s1+s4], $0x80, v18, vm0, $0xb8;
	[tilespmem:$0x1A190] =	vst v63  }
0x1f0: {  	s17 =	simm.s32 $0x4990  }
0x1f1: {  	[tilespmem:s17], [sflag:$0x1] =	stream.indirect_vreg.gather [hbm4b:s8+s4], $0x80, v18, vm0, $0xb8;
	[tilespmem:$0x1A190] =	vst v63  }
0x1f2: {  	s11 =	simm.s32 $0x5190  }
0x1f3: {  	[tilespmem:s11], [sflag:$0x1] =	stream.indirect_vreg.gather [hbm4b:s10+s4], $0x80, v18, vm0, $0xb8;
	[tilespmem:$0x1A190] =	vst v63  }
0x1f4: {  	_ = 	snop  }
0x1f5: {  	[tilespmem:s21], [sflag:$0x1] =	stream.indirect_vreg.gather [hbm4b:s12+s4], $0x80, v18, vm0, $0xb8;
	[tilespmem:$0x1A190] =	vst v63  }
0x1f6: {  	v18 =	vld [tilespmem:$0x4D0];
	_ =	sdelay $0x4  }
0x1f7: {  	v19 =	vshll.u32 v18, $0x3  }
0x1f8: {  	v18 =	vand.u32 $0x7, v18;
	v19 =	vand.u32 $0xFFFFFFC0, v19  }
0x1f9: {  	v18 =	vor.u32 v18, v19  }
0x1fa: {  	v19 =	vperm.xlane v18, v15;
	_ =	sdelay $0x1  }
0x1fb: {  	v19 =	vadd.s32 v16, v19;
	_ =	sdelay $0x4  }
0x1fc: {  	[tilespmem:s13], [sflag:$0x1] =	stream.indirect_vreg.gather [hbm4b:s1+s4], $0x80, v19, vm0, $0xb8;
	[tilespmem:$0x1A190] =	vst v63  }
0x1fd: {  	v18 =	vperm.xlane v18, v17;
	s13 =	simm.s32 $0x6990  }
0x1fe: {  	[tilespmem:s13], [sflag:$0x1] =	stream.indirect_vreg.gather [hbm4b:s8+s4], $0x80, v19, vm0, $0xb8;
	[tilespmem:$0x1A190] =	vst v63  }
0x1ff: {  	s21 =	simm.s32 $0x7190;
	v18 =	vadd.s32 v16, v18  }
0x200: {  	[tilespmem:s21], [sflag:$0x1] =	stream.indirect_vreg.gather [hbm4b:s10+s4], $0x80, v19, vm0, $0xb8;
	[tilespmem:$0x1A190] =	vst v63  }
0x201: {  	s17 =	simm.s32 $0x7990  }
0x202: {  	[tilespmem:s17], [sflag:$0x1] =	stream.indirect_vreg.gather [hbm4b:s12+s4], $0x80, v19, vm0, $0xb8;
	[tilespmem:$0x1A190] =	vst v63  }
0x203: {  	s11 =	simm.s32 $0x8190  }
0x204: {  	[tilespmem:s11], [sflag:$0x1] =	stream.indirect_vreg.gather [hbm4b:s1+s4], $0x80, v18, vm0, $0xb8;
	[tilespmem:$0x1A190] =	vst v63  }
0x205: {  	s13 =	simm.s32 $0x8990  }
0x206: {  	[tilespmem:s13], [sflag:$0x1] =	stream.indirect_vreg.gather [hbm4b:s8+s4], $0x80, v18, vm0, $0xb8;
	[tilespmem:$0x1A190] =	vst v63  }
0x207: {  	s17 =	simm.s32 $0x9190  }
0x208: {  	[tilespmem:s17], [sflag:$0x1] =	stream.indirect_vreg.gather [hbm4b:s10+s4], $0x80, v18, vm0, $0xb8;
	[tilespmem:$0x1A190] =	vst v63  }
0x209: {  	_ = 	snop  }
0x20a: {  	[tilespmem:s7], [sflag:$0x1] =	stream.indirect_vreg.gather [hbm4b:s12+s4], $0x80, v18, vm0, $0xb8;
	[tilespmem:$0x1A190] =	vst v63  }
0x20b: {  	s17 =	simm.s32 $0xA190;
	s7 =	rddreg [dreg:$0xc]  }
0x20c: {  	[hbm4b:s7+s4] =	stream.linear.scatter [tilespmem:s17], [sflag:$0x5], $0x8000, $0x38;
	[tilespmem:$0x1A190] =	vst v63  }
0x20d: {  	_ =	swait.ge [sflag:s6], $0x8000  }
0x20e: {  	[sflag:s6] =	ssyncset.done $0x0  }
0x20f: {  	[sflag:s6] =	ssyncadd.s32 $0xFFFF8000  }
0x210: {  	_ =	swait.ge [sflag:s2], $0x8000  }
0x211: {  	[sflag:s2] =	ssyncset.done $0x0  }
0x212: {  	[sflag:s2] =	ssyncadd.s32 $0xFFFF8000  }
0x213: {  	v18 =	vld [tilespmem:$0x4E0];
	_ =	sdelay $0x4  }
0x214: {  	v19 =	vshll.u32 v18, $0x3  }
0x215: {  	v18 =	vand.u32 $0x7, v18;
	v19 =	vand.u32 $0xFFFFFFC0, v19  }
0x216: {  	v18 =	vor.u32 v18, v19  }
0x217: {  	v19 =	vperm.xlane v18, v15;
	_ =	sdelay $0x1  }
0x218: {  	v19 =	vadd.s32 v16, v19;
	_ =	sdelay $0x4  }
0x219: {  	[tilespmem:s17], [sflag:$0x2] =	stream.indirect_vreg.gather [hbm4b:s1+s4], $0x80, v19, vm0, $0xb8;
	[tilespmem:$0x1A190] =	vst v63  }
0x21a: {  	v18 =	vperm.xlane v18, v17  }
0x21b: {  	[tilespmem:s26], [sflag:$0x2] =	stream.indirect_vreg.gather [hbm4b:s8+s4], $0x80, v19, vm0, $0xb8;
	[tilespmem:$0x1A190] =	vst v63  }
0x21c: {  	v18 =	vadd.s32 v16, v18  }
0x21d: {  	[tilespmem:s30], [sflag:$0x2] =	stream.indirect_vreg.gather [hbm4b:s10+s4], $0x80, v19, vm0, $0xb8;
	[tilespmem:$0x1A190] =	vst v63  }
0x21e: {  	_ = 	snop  }
0x21f: {  	[tilespmem:s29], [sflag:$0x2] =	stream.indirect_vreg.gather [hbm4b:s12+s4], $0x80, v19, vm0, $0xb8;
	[tilespmem:$0x1A190] =	vst v63  }
0x220: {  	_ = 	snop  }
0x221: {  	[tilespmem:s9], [sflag:$0x2] =	stream.indirect_vreg.gather [hbm4b:s1+s4], $0x80, v18, vm0, $0xb8;
	[tilespmem:$0x1A190] =	vst v63  }
0x222: {  	_ = 	snop  }
0x223: {  	[tilespmem:s18], [sflag:$0x2] =	stream.indirect_vreg.gather [hbm4b:s8+s4], $0x80, v18, vm0, $0xb8;
	[tilespmem:$0x1A190] =	vst v63  }
0x224: {  	_ = 	snop  }
0x225: {  	[tilespmem:s19], [sflag:$0x2] =	stream.indirect_vreg.gather [hbm4b:s10+s4], $0x80, v18, vm0, $0xb8;
	[tilespmem:$0x1A190] =	vst v63  }
0x226: {  	_ = 	snop  }
0x227: {  	[tilespmem:s28], [sflag:$0x2] =	stream.indirect_vreg.gather [hbm4b:s12+s4], $0x80, v18, vm0, $0xb8;
	[tilespmem:$0x1A190] =	vst v63  }
0x228: {  	v18 =	vld [tilespmem:$0x4F0];
	_ =	sdelay $0x4  }
0x229: {  	v19 =	vshll.u32 v18, $0x3  }
0x22a: {  	v18 =	vand.u32 $0x7, v18;
	v19 =	vand.u32 $0xFFFFFFC0, v19  }
0x22b: {  	v18 =	vor.u32 v18, v19  }
0x22c: {  	v19 =	vperm.xlane v18, v15;
	_ =	sdelay $0x1  }
0x22d: {  	v19 =	vadd.s32 v16, v19;
	_ =	sdelay $0x3  }
0x22e: {  	s26 =	simm.s32 $0xE190  }
0x22f: {  	[tilespmem:s26], [sflag:$0x2] =	stream.indirect_vreg.gather [hbm4b:s1+s4], $0x80, v19, vm0, $0xb8;
	[tilespmem:$0x1A190] =	vst v63  }
0x230: {  	s17 =	simm.s32 $0xE990;
	v18 =	vperm.xlane v18, v17  }
0x231: {  	[tilespmem:s17], [sflag:$0x2] =	stream.indirect_vreg.gather [hbm4b:s8+s4], $0x80, v19, vm0, $0xb8;
	[tilespmem:$0x1A190] =	vst v63  }
0x232: {  	v18 =	vadd.s32 v16, v18  }
0x233: {  	[tilespmem:s20], [sflag:$0x2] =	stream.indirect_vreg.gather [hbm4b:s10+s4], $0x80, v19, vm0, $0xb8;
	[tilespmem:$0x1A190] =	vst v63  }
0x234: {  	_ = 	snop  }
0x235: {  	[tilespmem:s22], [sflag:$0x2] =	stream.indirect_vreg.gather [hbm4b:s12+s4], $0x80, v19, vm0, $0xb8;
	[tilespmem:$0x1A190] =	vst v63  }
0x236: {  	_ = 	snop  }
0x237: {  	[tilespmem:s23], [sflag:$0x2] =	stream.indirect_vreg.gather [hbm4b:s1+s4], $0x80, v18, vm0, $0xb8;
	[tilespmem:$0x1A190] =	vst v63  }
0x238: {  	_ = 	snop  }
0x239: {  	[tilespmem:s24], [sflag:$0x2] =	stream.indirect_vreg.gather [hbm4b:s8+s4], $0x80, v18, vm0, $0xb8;
	[tilespmem:$0x1A190] =	vst v63  }
0x23a: {  	_ = 	snop  }
0x23b: {  	[tilespmem:s25], [sflag:$0x2] =	stream.indirect_vreg.gather [hbm4b:s10+s4], $0x80, v18, vm0, $0xb8;
	[tilespmem:$0x1A190] =	vst v63  }
0x23c: {  	s30 =	simm.s32 $0x11990  }
0x23d: {  	[tilespmem:s30], [sflag:$0x2] =	stream.indirect_vreg.gather [hbm4b:s12+s4], $0x80, v18, vm0, $0xb8;
	[tilespmem:$0x1A190] =	vst v63  }
0x23e: {  	s9 =	rddreg [dreg:$0xd];
	s18 =	simm.s32 $0x12190  }
0x23f: {  	[hbm4b:s9+s4] =	stream.linear.scatter [tilespmem:s18], [sflag:$0x6], $0x8000, $0x38;
	[tilespmem:$0x1A190] =	vst v63  }
0x240: {  	_ =	swait.ge [sflag:s31], $0x8000  }
0x241: {  	[sflag:s31] =	ssyncset.done $0x0  }
0x242: {  	[sflag:s31] =	ssyncadd.s32 $0xFFFF8000  }
0x243: {  	_ =	swait.ge [sflag:s16], $0x8000  }
0x244: {  	[sflag:s16] =	ssyncset.done $0x0  }
0x245: {  	[sflag:s16] =	ssyncadd.s32 $0xFFFF8000  }
0x246: {  	v18 =	vld [tilespmem:$0x500];
	_ =	sdelay $0x4  }
0x247: {  	v19 =	vshll.u32 v18, $0x3  }
0x248: {  	v18 =	vand.u32 $0x7, v18;
	v19 =	vand.u32 $0xFFFFFFC0, v19  }
0x249: {  	v18 =	vor.u32 v18, v19  }
0x24a: {  	v19 =	vperm.xlane v18, v15;
	_ =	sdelay $0x1  }
0x24b: {  	v19 =	vadd.s32 v16, v19;
	_ =	sdelay $0x4  }
0x24c: {  	[tilespmem:s18], [sflag:$0x3] =	stream.indirect_vreg.gather [hbm4b:s1+s4], $0x80, v19, vm0, $0xb8;
	[tilespmem:$0x1A190] =	vst v63  }
0x24d: {  	s19 =	simm.s32 $0x12990;
	v18 =	vperm.xlane v18, v17  }
0x24e: {  	[tilespmem:s19], [sflag:$0x3] =	stream.indirect_vreg.gather [hbm4b:s8+s4], $0x80, v19, vm0, $0xb8;
	[tilespmem:$0x1A190] =	vst v63  }
0x24f: {  	v18 =	vadd.s32 v16, v18  }
0x250: {  	[tilespmem:s14], [sflag:$0x3] =	stream.indirect_vreg.gather [hbm4b:s10+s4], $0x80, v19, vm0, $0xb8;
	[tilespmem:$0x1A190] =	vst v63  }
0x251: {  	_ = 	snop  }
0x252: {  	[tilespmem:s15], [sflag:$0x3] =	stream.indirect_vreg.gather [hbm4b:s12+s4], $0x80, v19, vm0, $0xb8;
	[tilespmem:$0x1A190] =	vst v63  }
0x253: {  	s15 =	simm.s32 $0x14190  }
0x254: {  	[tilespmem:s15], [sflag:$0x3] =	stream.indirect_vreg.gather [hbm4b:s1+s4], $0x80, v18, vm0, $0xb8;
	[tilespmem:$0x1A190] =	vst v63  }
0x255: {  	s25 =	simm.s32 $0x14990  }
0x256: {  	[tilespmem:s25], [sflag:$0x3] =	stream.indirect_vreg.gather [hbm4b:s8+s4], $0x80, v18, vm0, $0xb8;
	[tilespmem:$0x1A190] =	vst v63  }
0x257: {  	s28 =	simm.s32 $0x15190  }
0x258: {  	[tilespmem:s28], [sflag:$0x3] =	stream.indirect_vreg.gather [hbm4b:s10+s4], $0x80, v18, vm0, $0xb8;
	[tilespmem:$0x1A190] =	vst v63  }
0x259: {  	s20 =	simm.s32 $0x15990  }
0x25a: {  	[tilespmem:s20], [sflag:$0x3] =	stream.indirect_vreg.gather [hbm4b:s12+s4], $0x80, v18, vm0, $0xb8;
	[tilespmem:$0x1A190] =	vst v63  }
0x25b: {  	v18 =	vld [tilespmem:$0x510];
	_ =	sdelay $0x4  }
0x25c: {  	v19 =	vshll.u32 v18, $0x3  }
0x25d: {  	v18 =	vand.u32 $0x7, v18;
	v19 =	vand.u32 $0xFFFFFFC0, v19  }
0x25e: {  	v18 =	vor.u32 v18, v19  }
0x25f: {  	v19 =	vperm.xlane v18, v15;
	_ =	sdelay $0x1  }
0x260: {  	v19 =	vadd.s32 v16, v19;
	_ =	sdelay $0x3  }
0x261: {  	s22 =	simm.s32 $0x16190  }
0x262: {  	[tilespmem:s22], [sflag:$0x3] =	stream.indirect_vreg.gather [hbm4b:s1+s4], $0x80, v19, vm0, $0xb8;
	[tilespmem:$0x1A190] =	vst v63  }
0x263: {  	s23 =	simm.s32 $0x16990;
	v18 =	vperm.xlane v18, v17  }
0x264: {  	[tilespmem:s23], [sflag:$0x3] =	stream.indirect_vreg.gather [hbm4b:s8+s4], $0x80, v19, vm0, $0xb8;
	[tilespmem:$0x1A190] =	vst v63  }
0x265: {  	s30 =	simm.s32 $0x17190;
	v18 =	vadd.s32 v16, v18  }
0x266: {  	[tilespmem:s30], [sflag:$0x3] =	stream.indirect_vreg.gather [hbm4b:s10+s4], $0x80, v19, vm0, $0xb8;
	[tilespmem:$0x1A190] =	vst v63  }
0x267: {  	s24 =	simm.s32 $0x17990  }
0x268: {  	[tilespmem:s24], [sflag:$0x3] =	stream.indirect_vreg.gather [hbm4b:s12+s4], $0x80, v19, vm0, $0xb8;
	[tilespmem:$0x1A190] =	vst v63  }
0x269: {  	s29 =	simm.s32 $0x18190  }
0x26a: {  	[tilespmem:s29], [sflag:$0x3] =	stream.indirect_vreg.gather [hbm4b:s1+s4], $0x80, v18, vm0, $0xb8;
	[tilespmem:$0x1A190] =	vst v63  }
0x26b: {  	s14 =	simm.s32 $0x18990  }
0x26c: {  	[tilespmem:s14], [sflag:$0x3] =	stream.indirect_vreg.gather [hbm4b:s8+s4], $0x80, v18, vm0, $0xb8;
	[tilespmem:$0x1A190] =	vst v63  }
0x26d: {  	s18 =	simm.s32 $0x19190  }
0x26e: {  	[tilespmem:s18], [sflag:$0x3] =	stream.indirect_vreg.gather [hbm4b:s10+s4], $0x80, v18, vm0, $0xb8;
	[tilespmem:$0x1A190] =	vst v63  }
0x26f: {  	s19 =	simm.s32 $0x19990  }
0x270: {  	[tilespmem:s19], [sflag:$0x3] =	stream.indirect_vreg.gather [hbm4b:s12+s4], $0x80, v18, vm0, $0xb8;
	[tilespmem:$0x1A190] =	vst v63  }
0x271: {  	s9 =	simm.s32 $0x2190;
	s7 =	rddreg [dreg:$0xe]  }
0x272: {  	[hbm4b:s7+s4] =	stream.linear.scatter [tilespmem:s9], [sflag:$0x4], $0x8000, $0x38;
	[tilespmem:$0x1A190] =	vst v63  }
0x273: {  	_ =	swait.ge [sflag:s3], $0x8000  }
0x274: {  	[sflag:s3] =	ssyncset.done $0x0  }
0x275: {  	[sflag:s3] =	ssyncadd.s32 $0xFFFF8000  }
0x276: {  	_ =	swait.ge [sflag:s5], $0x8000  }
0x277: {  	[sflag:s5] =	ssyncset.done $0x0  }
0x278: {  	[sflag:s5] =	ssyncadd.s32 $0xFFFF8000  }
0x279: {  	v18 =	vld [tilespmem:$0x520];
	_ =	sdelay $0x4  }
0x27a: {  	v19 =	vshll.u32 v18, $0x3  }
0x27b: {  	v18 =	vand.u32 $0x7, v18;
	v19 =	vand.u32 $0xFFFFFFC0, v19  }
0x27c: {  	v18 =	vor.u32 v18, v19  }
0x27d: {  	v19 =	vperm.xlane v18, v15;
	_ =	sdelay $0x1  }
0x27e: {  	v19 =	vadd.s32 v16, v19;
	_ =	sdelay $0x4  }
0x27f: {  	[tilespmem:s9], [sflag:$0x1] =	stream.indirect_vreg.gather [hbm4b:s1+s4], $0x80, v19, vm0, $0xb8;
	[tilespmem:$0x1A190] =	vst v63  }
0x280: {  	s11 =	simm.s32 $0x2990;
	v18 =	vperm.xlane v18, v17  }
0x281: {  	[tilespmem:s11], [sflag:$0x1] =	stream.indirect_vreg.gather [hbm4b:s8+s4], $0x80, v19, vm0, $0xb8;
	[tilespmem:$0x1A190] =	vst v63  }
0x282: {  	s20 =	simm.s32 $0x3190;
	v18 =	vadd.s32 v16, v18  }
0x283: {  	[tilespmem:s20], [sflag:$0x1] =	stream.indirect_vreg.gather [hbm4b:s10+s4], $0x80, v19, vm0, $0xb8;
	[tilespmem:$0x1A190] =	vst v63  }
0x284: {  	s22 =	simm.s32 $0x3990  }
0x285: {  	[tilespmem:s22], [sflag:$0x1] =	stream.indirect_vreg.gather [hbm4b:s12+s4], $0x80, v19, vm0, $0xb8;
	[tilespmem:$0x1A190] =	vst v63  }
0x286: {  	s23 =	simm.s32 $0x4190  }
0x287: {  	[tilespmem:s23], [sflag:$0x1] =	stream.indirect_vreg.gather [hbm4b:s1+s4], $0x80, v18, vm0, $0xb8;
	[tilespmem:$0x1A190] =	vst v63  }
0x288: {  	s24 =	simm.s32 $0x4990  }
0x289: {  	[tilespmem:s24], [sflag:$0x1] =	stream.indirect_vreg.gather [hbm4b:s8+s4], $0x80, v18, vm0, $0xb8;
	[tilespmem:$0x1A190] =	vst v63  }
0x28a: {  	s29 =	simm.s32 $0x5190  }
0x28b: {  	[tilespmem:s29], [sflag:$0x1] =	stream.indirect_vreg.gather [hbm4b:s10+s4], $0x80, v18, vm0, $0xb8;
	[tilespmem:$0x1A190] =	vst v63  }
0x28c: {  	s9 =	simm.s32 $0x5990  }
0x28d: {  	[tilespmem:s9], [sflag:$0x1] =	stream.indirect_vreg.gather [hbm4b:s12+s4], $0x80, v18, vm0, $0xb8;
	[tilespmem:$0x1A190] =	vst v63  }
0x28e: {  	v18 =	vld [tilespmem:$0x530];
	_ =	sdelay $0x4  }
0x28f: {  	v19 =	vshll.u32 v18, $0x3  }
0x290: {  	v18 =	vand.u32 $0x7, v18;
	v19 =	vand.u32 $0xFFFFFFC0, v19  }
0x291: {  	v18 =	vor.u32 v18, v19  }
0x292: {  	v19 =	vperm.xlane v18, v15;
	_ =	sdelay $0x1  }
0x293: {  	v19 =	vadd.s32 v16, v19;
	_ =	sdelay $0x3  }
0x294: {  	s11 =	simm.s32 $0x6190  }
0x295: {  	[tilespmem:s11], [sflag:$0x1] =	stream.indirect_vreg.gather [hbm4b:s1+s4], $0x80, v19, vm0, $0xb8;
	[tilespmem:$0x1A190] =	vst v63  }
0x296: {  	s20 =	simm.s32 $0x6990;
	v18 =	vperm.xlane v18, v17  }
0x297: {  	[tilespmem:s20], [sflag:$0x1] =	stream.indirect_vreg.gather [hbm4b:s8+s4], $0x80, v19, vm0, $0xb8;
	[tilespmem:$0x1A190] =	vst v63  }
0x298: {  	v18 =	vadd.s32 v16, v18  }
0x299: {  	[tilespmem:s21], [sflag:$0x1] =	stream.indirect_vreg.gather [hbm4b:s10+s4], $0x80, v19, vm0, $0xb8;
	[tilespmem:$0x1A190] =	vst v63  }
0x29a: {  	s22 =	simm.s32 $0x7990  }
0x29b: {  	[tilespmem:s22], [sflag:$0x1] =	stream.indirect_vreg.gather [hbm4b:s12+s4], $0x80, v19, vm0, $0xb8;
	[tilespmem:$0x1A190] =	vst v63  }
0x29c: {  	s23 =	simm.s32 $0x8190  }
0x29d: {  	[tilespmem:s23], [sflag:$0x1] =	stream.indirect_vreg.gather [hbm4b:s1+s4], $0x80, v18, vm0, $0xb8;
	[tilespmem:$0x1A190] =	vst v63  }
0x29e: {  	s24 =	simm.s32 $0x8990  }
0x29f: {  	[tilespmem:s24], [sflag:$0x1] =	stream.indirect_vreg.gather [hbm4b:s8+s4], $0x80, v18, vm0, $0xb8;
	[tilespmem:$0x1A190] =	vst v63  }
0x2a0: {  	s13 =	simm.s32 $0x9190  }
0x2a1: {  	[tilespmem:s13], [sflag:$0x1] =	stream.indirect_vreg.gather [hbm4b:s10+s4], $0x80, v18, vm0, $0xb8;
	[tilespmem:$0x1A190] =	vst v63  }
0x2a2: {  	s29 =	simm.s32 $0x9990  }
0x2a3: {  	[tilespmem:s29], [sflag:$0x1] =	stream.indirect_vreg.gather [hbm4b:s12+s4], $0x80, v18, vm0, $0xb8;
	[tilespmem:$0x1A190] =	vst v63  }
0x2a4: {  	s7 =	rddreg [dreg:$0xf];
	s9 =	simm.s32 $0xA190  }
0x2a5: {  	[hbm4b:s7+s4] =	stream.linear.scatter [tilespmem:s9], [sflag:$0x5], $0x8000, $0x38;
	[tilespmem:$0x1A190] =	vst v63  }
0x2a6: {  	_ =	swait.ge [sflag:s6], $0x8000  }
0x2a7: {  	[sflag:s6] =	ssyncset.done $0x0  }
0x2a8: {  	[sflag:s6] =	ssyncadd.s32 $0xFFFF8000  }
0x2a9: {  	_ =	swait.ge [sflag:s2], $0x8000  }
0x2aa: {  	[sflag:s2] =	ssyncset.done $0x0  }
0x2ab: {  	[sflag:s2] =	ssyncadd.s32 $0xFFFF8000  }
0x2ac: {  	v18 =	vld [tilespmem:$0x540];
	_ =	sdelay $0x4  }
0x2ad: {  	v19 =	vshll.u32 v18, $0x3  }
0x2ae: {  	v18 =	vand.u32 $0x7, v18;
	v19 =	vand.u32 $0xFFFFFFC0, v19  }
0x2af: {  	v18 =	vor.u32 v18, v19  }
0x2b0: {  	v19 =	vperm.xlane v18, v15;
	_ =	sdelay $0x1  }
0x2b1: {  	v19 =	vadd.s32 v16, v19;
	_ =	sdelay $0x4  }
0x2b2: {  	[tilespmem:s9], [sflag:$0x2] =	stream.indirect_vreg.gather [hbm4b:s1+s4], $0x80, v19, vm0, $0xb8;
	[tilespmem:$0x1A190] =	vst v63  }
0x2b3: {  	s29 =	simm.s32 $0xA990;
	v18 =	vperm.xlane v18, v17  }
0x2b4: {  	[tilespmem:s29], [sflag:$0x2] =	stream.indirect_vreg.gather [hbm4b:s8+s4], $0x80, v19, vm0, $0xb8;
	[tilespmem:$0x1A190] =	vst v63  }
0x2b5: {  	s20 =	simm.s32 $0xB190;
	v18 =	vadd.s32 v16, v18  }
0x2b6: {  	[tilespmem:s20], [sflag:$0x2] =	stream.indirect_vreg.gather [hbm4b:s10+s4], $0x80, v19, vm0, $0xb8;
	[tilespmem:$0x1A190] =	vst v63  }
0x2b7: {  	s0 =	simm.s32 $0xB990  }
0x2b8: {  	[tilespmem:s0], [sflag:$0x2] =	stream.indirect_vreg.gather [hbm4b:s12+s4], $0x80, v19, vm0, $0xb8;
	[tilespmem:$0x1A190] =	vst v63  }
0x2b9: {  	s9 =	simm.s32 $0xC190  }
0x2ba: {  	[tilespmem:s9], [sflag:$0x2] =	stream.indirect_vreg.gather [hbm4b:s1+s4], $0x80, v18, vm0, $0xb8;
	[tilespmem:$0x1A190] =	vst v63  }
0x2bb: {  	s21 =	simm.s32 $0xC990  }
0x2bc: {  	[tilespmem:s21], [sflag:$0x2] =	stream.indirect_vreg.gather [hbm4b:s8+s4], $0x80, v18, vm0, $0xb8;
	[tilespmem:$0x1A190] =	vst v63  }
0x2bd: {  	s11 =	simm.s32 $0xD190  }
0x2be: {  	[tilespmem:s11], [sflag:$0x2] =	stream.indirect_vreg.gather [hbm4b:s10+s4], $0x80, v18, vm0, $0xb8;
	[tilespmem:$0x1A190] =	vst v63  }
0x2bf: {  	s7 =	simm.s32 $0xD990  }
0x2c0: {  	[tilespmem:s7], [sflag:$0x2] =	stream.indirect_vreg.gather [hbm4b:s12+s4], $0x80, v18, vm0, $0xb8;
	[tilespmem:$0x1A190] =	vst v63  }
0x2c1: {  	v18 =	vld [tilespmem:$0x550];
	_ =	sdelay $0x4  }
0x2c2: {  	v19 =	vshll.u32 v18, $0x3  }
0x2c3: {  	v18 =	vand.u32 $0x7, v18;
	v19 =	vand.u32 $0xFFFFFFC0, v19  }
0x2c4: {  	v18 =	vor.u32 v18, v19  }
0x2c5: {  	v19 =	vperm.xlane v18, v15;
	_ =	sdelay $0x1  }
0x2c6: {  	v19 =	vadd.s32 v16, v19;
	_ =	sdelay $0x4  }
0x2c7: {  	[tilespmem:s26], [sflag:$0x2] =	stream.indirect_vreg.gather [hbm4b:s1+s4], $0x80, v19, vm0, $0xb8;
	[tilespmem:$0x1A190] =	vst v63  }
0x2c8: {  	v18 =	vperm.xlane v18, v17  }
0x2c9: {  	[tilespmem:s17], [sflag:$0x2] =	stream.indirect_vreg.gather [hbm4b:s8+s4], $0x80, v19, vm0, $0xb8;
	[tilespmem:$0x1A190] =	vst v63  }
0x2ca: {  	v18 =	vadd.s32 v16, v18;
	s17 =	simm.s32 $0xF190  }
0x2cb: {  	[tilespmem:s17], [sflag:$0x2] =	stream.indirect_vreg.gather [hbm4b:s10+s4], $0x80, v19, vm0, $0xb8;
	[tilespmem:$0x1A190] =	vst v63  }
0x2cc: {  	s22 =	simm.s32 $0xF990  }
0x2cd: {  	[tilespmem:s22], [sflag:$0x2] =	stream.indirect_vreg.gather [hbm4b:s12+s4], $0x80, v19, vm0, $0xb8;
	[tilespmem:$0x1A190] =	vst v63  }
0x2ce: {  	s23 =	simm.s32 $0x10190  }
0x2cf: {  	[tilespmem:s23], [sflag:$0x2] =	stream.indirect_vreg.gather [hbm4b:s1+s4], $0x80, v18, vm0, $0xb8;
	[tilespmem:$0x1A190] =	vst v63  }
0x2d0: {  	s24 =	simm.s32 $0x10990  }
0x2d1: {  	[tilespmem:s24], [sflag:$0x2] =	stream.indirect_vreg.gather [hbm4b:s8+s4], $0x80, v18, vm0, $0xb8;
	[tilespmem:$0x1A190] =	vst v63  }
0x2d2: {  	s26 =	simm.s32 $0x11190  }
0x2d3: {  	[tilespmem:s26], [sflag:$0x2] =	stream.indirect_vreg.gather [hbm4b:s10+s4], $0x80, v18, vm0, $0xb8;
	[tilespmem:$0x1A190] =	vst v63  }
0x2d4: {  	s13 =	simm.s32 $0x11990  }
0x2d5: {  	[tilespmem:s13], [sflag:$0x2] =	stream.indirect_vreg.gather [hbm4b:s12+s4], $0x80, v18, vm0, $0xb8;
	[tilespmem:$0x1A190] =	vst v63  }
0x2d6: {  	s0 =	rddreg [dreg:$0x10];
	s13 =	simm.s32 $0x12190  }
0x2d7: {  	[hbm4b:s0+s4] =	stream.linear.scatter [tilespmem:s13], [sflag:$0x6], $0x8000, $0x38;
	[tilespmem:$0x1A190] =	vst v63  }
0x2d8: {  	_ =	swait.ge [sflag:s31], $0x8000  }
0x2d9: {  	[sflag:s31] =	ssyncset.done $0x0  }
0x2da: {  	[sflag:s31] =	ssyncadd.s32 $0xFFFF8000  }
0x2db: {  	_ =	swait.ge [sflag:s16], $0x8000  }
0x2dc: {  	[sflag:s16] =	ssyncset.done $0x0  }
0x2dd: {  	[sflag:s16] =	ssyncadd.s32 $0xFFFF8000  }
0x2de: {  	v18 =	vld [tilespmem:$0x560];
	_ =	sdelay $0x4  }
0x2df: {  	v19 =	vshll.u32 v18, $0x3  }
0x2e0: {  	v18 =	vand.u32 $0x7, v18;
	v19 =	vand.u32 $0xFFFFFFC0, v19  }
0x2e1: {  	v18 =	vor.u32 v18, v19  }
0x2e2: {  	v19 =	vperm.xlane v18, v15;
	_ =	sdelay $0x1  }
0x2e3: {  	v19 =	vadd.s32 v16, v19;
	_ =	sdelay $0x4  }
0x2e4: {  	[tilespmem:s13], [sflag:$0x3] =	stream.indirect_vreg.gather [hbm4b:s1+s4], $0x80, v19, vm0, $0xb8;
	[tilespmem:$0x1A190] =	vst v63  }
0x2e5: {  	v18 =	vperm.xlane v18, v17;
	s13 =	simm.s32 $0x12990  }
0x2e6: {  	[tilespmem:s13], [sflag:$0x3] =	stream.indirect_vreg.gather [hbm4b:s8+s4], $0x80, v19, vm0, $0xb8;
	[tilespmem:$0x1A190] =	vst v63  }
0x2e7: {  	s11 =	simm.s32 $0x13190;
	v18 =	vadd.s32 v16, v18  }
0x2e8: {  	[tilespmem:s11], [sflag:$0x3] =	stream.indirect_vreg.gather [hbm4b:s10+s4], $0x80, v19, vm0, $0xb8;
	[tilespmem:$0x1A190] =	vst v63  }
0x2e9: {  	s13 =	simm.s32 $0x13990  }
0x2ea: {  	[tilespmem:s13], [sflag:$0x3] =	stream.indirect_vreg.gather [hbm4b:s12+s4], $0x80, v19, vm0, $0xb8;
	[tilespmem:$0x1A190] =	vst v63  }
0x2eb: {  	_ = 	snop  }
0x2ec: {  	[tilespmem:s15], [sflag:$0x3] =	stream.indirect_vreg.gather [hbm4b:s1+s4], $0x80, v18, vm0, $0xb8;
	[tilespmem:$0x1A190] =	vst v63  }
0x2ed: {  	_ = 	snop  }
0x2ee: {  	[tilespmem:s25], [sflag:$0x3] =	stream.indirect_vreg.gather [hbm4b:s8+s4], $0x80, v18, vm0, $0xb8;
	[tilespmem:$0x1A190] =	vst v63  }
0x2ef: {  	_ = 	snop  }
0x2f0: {  	[tilespmem:s28], [sflag:$0x3] =	stream.indirect_vreg.gather [hbm4b:s10+s4], $0x80, v18, vm0, $0xb8;
	[tilespmem:$0x1A190] =	vst v63  }
0x2f1: {  	s13 =	simm.s32 $0x15990  }
0x2f2: {  	[tilespmem:s13], [sflag:$0x3] =	stream.indirect_vreg.gather [hbm4b:s12+s4], $0x80, v18, vm0, $0xb8;
	[tilespmem:$0x1A190] =	vst v63  }
0x2f3: {  	v18 =	vld [tilespmem:$0x570];
	_ =	sdelay $0x4  }
0x2f4: {  	v19 =	vshll.u32 v18, $0x3  }
0x2f5: {  	v18 =	vand.u32 $0x7, v18;
	v19 =	vand.u32 $0xFFFFFFC0, v19  }
0x2f6: {  	v18 =	vor.u32 v18, v19  }
0x2f7: {  	v19 =	vperm.xlane v18, v15;
	_ =	sdelay $0x1  }
0x2f8: {  	v19 =	vadd.s32 v16, v19;
	_ =	sdelay $0x3  }
0x2f9: {  	s28 =	simm.s32 $0x16190  }
0x2fa: {  	[tilespmem:s28], [sflag:$0x3] =	stream.indirect_vreg.gather [hbm4b:s1+s4], $0x80, v19, vm0, $0xb8;
	[tilespmem:$0x1A190] =	vst v63  }
0x2fb: {  	s11 =	simm.s32 $0x16990;
	v18 =	vperm.xlane v18, v17  }
0x2fc: {  	[tilespmem:s11], [sflag:$0x3] =	stream.indirect_vreg.gather [hbm4b:s8+s4], $0x80, v19, vm0, $0xb8;
	[tilespmem:$0x1A190] =	vst v63  }
0x2fd: {  	v18 =	vadd.s32 v16, v18  }
0x2fe: {  	[tilespmem:s30], [sflag:$0x3] =	stream.indirect_vreg.gather [hbm4b:s10+s4], $0x80, v19, vm0, $0xb8;
	[tilespmem:$0x1A190] =	vst v63  }
0x2ff: {  	s15 =	simm.s32 $0x17990  }
0x300: {  	[tilespmem:s15], [sflag:$0x3] =	stream.indirect_vreg.gather [hbm4b:s12+s4], $0x80, v19, vm0, $0xb8;
	[tilespmem:$0x1A190] =	vst v63  }
0x301: {  	s25 =	simm.s32 $0x18190  }
0x302: {  	[tilespmem:s25], [sflag:$0x3] =	stream.indirect_vreg.gather [hbm4b:s1+s4], $0x80, v18, vm0, $0xb8;
	[tilespmem:$0x1A190] =	vst v63  }
0x303: {  	_ = 	snop  }
0x304: {  	[tilespmem:s14], [sflag:$0x3] =	stream.indirect_vreg.gather [hbm4b:s8+s4], $0x80, v18, vm0, $0xb8;
	[tilespmem:$0x1A190] =	vst v63  }
0x305: {  	_ = 	snop  }
0x306: {  	[tilespmem:s18], [sflag:$0x3] =	stream.indirect_vreg.gather [hbm4b:s10+s4], $0x80, v18, vm0, $0xb8;
	[tilespmem:$0x1A190] =	vst v63  }
0x307: {  	_ = 	snop  }
0x308: {  	[tilespmem:s19], [sflag:$0x3] =	stream.indirect_vreg.gather [hbm4b:s12+s4], $0x80, v18, vm0, $0xb8;
	[tilespmem:$0x1A190] =	vst v63  }
0x309: {  	s30 =	simm.s32 $0x2190;
	s28 =	rddreg [dreg:$0x11]  }
0x30a: {  	[hbm4b:s28+s4] =	stream.linear.scatter [tilespmem:s30], [sflag:$0x4], $0x8000, $0x38;
	[tilespmem:$0x1A190] =	vst v63  }
0x30b: {  	_ =	swait.ge [sflag:s3], $0x8000  }
0x30c: {  	[sflag:s3] =	ssyncset.done $0x0  }
0x30d: {  	[sflag:s3] =	ssyncadd.s32 $0xFFFF8000  }
0x30e: {  	_ =	swait.ge [sflag:s5], $0x8000  }
0x30f: {  	[sflag:s5] =	ssyncset.done $0x0  }
0x310: {  	[sflag:s5] =	ssyncadd.s32 $0xFFFF8000  }
0x311: {  	v18 =	vld [tilespmem:$0x580];
	_ =	sdelay $0x4  }
0x312: {  	v19 =	vshll.u32 v18, $0x3  }
0x313: {  	v18 =	vand.u32 $0x7, v18;
	v19 =	vand.u32 $0xFFFFFFC0, v19  }
0x314: {  	v18 =	vor.u32 v18, v19  }
0x315: {  	v19 =	vperm.xlane v18, v15;
	_ =	sdelay $0x1  }
0x316: {  	v19 =	vadd.s32 v16, v19;
	_ =	sdelay $0x4  }
0x317: {  	[tilespmem:s30], [sflag:$0x1] =	stream.indirect_vreg.gather [hbm4b:s1+s4], $0x80, v19, vm0, $0xb8;
	[tilespmem:$0x1A190] =	vst v63  }
0x318: {  	s11 =	simm.s32 $0x2990;
	v18 =	vperm.xlane v18, v17  }
0x319: {  	[tilespmem:s11], [sflag:$0x1] =	stream.indirect_vreg.gather [hbm4b:s8+s4], $0x80, v19, vm0, $0xb8;
	[tilespmem:$0x1A190] =	vst v63  }
0x31a: {  	s19 =	simm.s32 $0x3190;
	v18 =	vadd.s32 v16, v18  }
0x31b: {  	[tilespmem:s19], [sflag:$0x1] =	stream.indirect_vreg.gather [hbm4b:s10+s4], $0x80, v19, vm0, $0xb8;
	[tilespmem:$0x1A190] =	vst v63  }
0x31c: {  	s25 =	simm.s32 $0x3990  }
0x31d: {  	[tilespmem:s25], [sflag:$0x1] =	stream.indirect_vreg.gather [hbm4b:s12+s4], $0x80, v19, vm0, $0xb8;
	[tilespmem:$0x1A190] =	vst v63  }
0x31e: {  	s28 =	simm.s32 $0x4190  }
0x31f: {  	[tilespmem:s28], [sflag:$0x1] =	stream.indirect_vreg.gather [hbm4b:s1+s4], $0x80, v18, vm0, $0xb8;
	[tilespmem:$0x1A190] =	vst v63  }
0x320: {  	s14 =	simm.s32 $0x4990  }
0x321: {  	[tilespmem:s14], [sflag:$0x1] =	stream.indirect_vreg.gather [hbm4b:s8+s4], $0x80, v18, vm0, $0xb8;
	[tilespmem:$0x1A190] =	vst v63  }
0x322: {  	s15 =	simm.s32 $0x5190  }
0x323: {  	[tilespmem:s15], [sflag:$0x1] =	stream.indirect_vreg.gather [hbm4b:s10+s4], $0x80, v18, vm0, $0xb8;
	[tilespmem:$0x1A190] =	vst v63  }
0x324: {  	s18 =	simm.s32 $0x5990  }
0x325: {  	[tilespmem:s18], [sflag:$0x1] =	stream.indirect_vreg.gather [hbm4b:s12+s4], $0x80, v18, vm0, $0xb8;
	[tilespmem:$0x1A190] =	vst v63  }
0x326: {  	v18 =	vld [tilespmem:$0x590];
	_ =	sdelay $0x4  }
0x327: {  	v19 =	vshll.u32 v18, $0x3  }
0x328: {  	v18 =	vand.u32 $0x7, v18;
	v19 =	vand.u32 $0xFFFFFFC0, v19  }
0x329: {  	v18 =	vor.u32 v18, v19  }
0x32a: {  	v19 =	vperm.xlane v18, v15;
	_ =	sdelay $0x1  }
0x32b: {  	v19 =	vadd.s32 v16, v19;
	_ =	sdelay $0x3  }
0x32c: {  	s14 =	simm.s32 $0x6190  }
0x32d: {  	[tilespmem:s14], [sflag:$0x1] =	stream.indirect_vreg.gather [hbm4b:s1+s4], $0x80, v19, vm0, $0xb8;
	[tilespmem:$0x1A190] =	vst v63  }
0x32e: {  	s30 =	simm.s32 $0x6990;
	v18 =	vperm.xlane v18, v17  }
0x32f: {  	[tilespmem:s30], [sflag:$0x1] =	stream.indirect_vreg.gather [hbm4b:s8+s4], $0x80, v19, vm0, $0xb8;
	[tilespmem:$0x1A190] =	vst v63  }
0x330: {  	s11 =	simm.s32 $0x7190;
	v18 =	vadd.s32 v16, v18  }
0x331: {  	[tilespmem:s11], [sflag:$0x1] =	stream.indirect_vreg.gather [hbm4b:s10+s4], $0x80, v19, vm0, $0xb8;
	[tilespmem:$0x1A190] =	vst v63  }
0x332: {  	s15 =	simm.s32 $0x7990  }
0x333: {  	[tilespmem:s15], [sflag:$0x1] =	stream.indirect_vreg.gather [hbm4b:s12+s4], $0x80, v19, vm0, $0xb8;
	[tilespmem:$0x1A190] =	vst v63  }
0x334: {  	s18 =	simm.s32 $0x8190  }
0x335: {  	[tilespmem:s18], [sflag:$0x1] =	stream.indirect_vreg.gather [hbm4b:s1+s4], $0x80, v18, vm0, $0xb8;
	[tilespmem:$0x1A190] =	vst v63  }
0x336: {  	s30 =	simm.s32 $0x8990  }
0x337: {  	[tilespmem:s30], [sflag:$0x1] =	stream.indirect_vreg.gather [hbm4b:s8+s4], $0x80, v18, vm0, $0xb8;
	[tilespmem:$0x1A190] =	vst v63  }
0x338: {  	s11 =	simm.s32 $0x9190  }
0x339: {  	[tilespmem:s11], [sflag:$0x1] =	stream.indirect_vreg.gather [hbm4b:s10+s4], $0x80, v18, vm0, $0xb8;
	[tilespmem:$0x1A190] =	vst v63  }
0x33a: {  	s30 =	simm.s32 $0x9990  }
0x33b: {  	[tilespmem:s30], [sflag:$0x1] =	stream.indirect_vreg.gather [hbm4b:s12+s4], $0x80, v18, vm0, $0xb8;
	[tilespmem:$0x1A190] =	vst v63  }
0x33c: {  	s15 =	rddreg [dreg:$0x12];
	s18 =	simm.s32 $0xA190  }
0x33d: {  	[hbm4b:s15+s4] =	stream.linear.scatter [tilespmem:s18], [sflag:$0x5], $0x8000, $0x38;
	[tilespmem:$0x1A190] =	vst v63  }
0x33e: {  	_ =	swait.ge [sflag:s6], $0x8000  }
0x33f: {  	[sflag:s6] =	ssyncset.done $0x0  }
0x340: {  	[sflag:s6] =	ssyncadd.s32 $0xFFFF8000  }
0x341: {  	_ =	swait.ge [sflag:s2], $0x8000  }
0x342: {  	[sflag:s2] =	ssyncset.done $0x0  }
0x343: {  	[sflag:s2] =	ssyncadd.s32 $0xFFFF8000  }
0x344: {  	v18 =	vld [tilespmem:$0x5A0];
	_ =	sdelay $0x4  }
0x345: {  	v19 =	vshll.u32 v18, $0x3  }
0x346: {  	v18 =	vand.u32 $0x7, v18;
	v19 =	vand.u32 $0xFFFFFFC0, v19  }
0x347: {  	v18 =	vor.u32 v18, v19  }
0x348: {  	v19 =	vperm.xlane v18, v15;
	_ =	sdelay $0x1  }
0x349: {  	v19 =	vadd.s32 v16, v19;
	_ =	sdelay $0x4  }
0x34a: {  	[tilespmem:s18], [sflag:$0x2] =	stream.indirect_vreg.gather [hbm4b:s1+s4], $0x80, v19, vm0, $0xb8;
	[tilespmem:$0x1A190] =	vst v63  }
0x34b: {  	v18 =	vperm.xlane v18, v17  }
0x34c: {  	[tilespmem:s29], [sflag:$0x2] =	stream.indirect_vreg.gather [hbm4b:s8+s4], $0x80, v19, vm0, $0xb8;
	[tilespmem:$0x1A190] =	vst v63  }
0x34d: {  	v18 =	vadd.s32 v16, v18  }
0x34e: {  	[tilespmem:s20], [sflag:$0x2] =	stream.indirect_vreg.gather [hbm4b:s10+s4], $0x80, v19, vm0, $0xb8;
	[tilespmem:$0x1A190] =	vst v63  }
0x34f: {  	s0 =	simm.s32 $0xB990  }
0x350: {  	[tilespmem:s0], [sflag:$0x2] =	stream.indirect_vreg.gather [hbm4b:s12+s4], $0x80, v19, vm0, $0xb8;
	[tilespmem:$0x1A190] =	vst v63  }
0x351: {  	_ = 	snop  }
0x352: {  	[tilespmem:s9], [sflag:$0x2] =	stream.indirect_vreg.gather [hbm4b:s1+s4], $0x80, v18, vm0, $0xb8;
	[tilespmem:$0x1A190] =	vst v63  }
0x353: {  	_ = 	snop  }
0x354: {  	[tilespmem:s21], [sflag:$0x2] =	stream.indirect_vreg.gather [hbm4b:s8+s4], $0x80, v18, vm0, $0xb8;
	[tilespmem:$0x1A190] =	vst v63  }
0x355: {  	s9 =	simm.s32 $0xD190  }
0x356: {  	[tilespmem:s9], [sflag:$0x2] =	stream.indirect_vreg.gather [hbm4b:s10+s4], $0x80, v18, vm0, $0xb8;
	[tilespmem:$0x1A190] =	vst v63  }
0x357: {  	_ = 	snop  }
0x358: {  	[tilespmem:s7], [sflag:$0x2] =	stream.indirect_vreg.gather [hbm4b:s12+s4], $0x80, v18, vm0, $0xb8;
	[tilespmem:$0x1A190] =	vst v63  }
0x359: {  	v18 =	vld [tilespmem:$0x5B0];
	_ =	sdelay $0x4  }
0x35a: {  	v19 =	vshll.u32 v18, $0x3  }
0x35b: {  	v18 =	vand.u32 $0x7, v18;
	v19 =	vand.u32 $0xFFFFFFC0, v19  }
0x35c: {  	v18 =	vor.u32 v18, v19  }
0x35d: {  	v19 =	vperm.xlane v18, v15;
	_ =	sdelay $0x1  }
0x35e: {  	v19 =	vadd.s32 v16, v19;
	_ =	sdelay $0x3  }
0x35f: {  	s15 =	simm.s32 $0xE190  }
0x360: {  	[tilespmem:s15], [sflag:$0x2] =	stream.indirect_vreg.gather [hbm4b:s1+s4], $0x80, v19, vm0, $0xb8;
	[tilespmem:$0x1A190] =	vst v63  }
0x361: {  	s18 =	simm.s32 $0xE990;
	v18 =	vperm.xlane v18, v17  }
0x362: {  	[tilespmem:s18], [sflag:$0x2] =	stream.indirect_vreg.gather [hbm4b:s8+s4], $0x80, v19, vm0, $0xb8;
	[tilespmem:$0x1A190] =	vst v63  }
0x363: {  	v18 =	vadd.s32 v16, v18  }
0x364: {  	[tilespmem:s17], [sflag:$0x2] =	stream.indirect_vreg.gather [hbm4b:s10+s4], $0x80, v19, vm0, $0xb8;
	[tilespmem:$0x1A190] =	vst v63  }
0x365: {  	_ = 	snop  }
0x366: {  	[tilespmem:s22], [sflag:$0x2] =	stream.indirect_vreg.gather [hbm4b:s12+s4], $0x80, v19, vm0, $0xb8;
	[tilespmem:$0x1A190] =	vst v63  }
0x367: {  	_ = 	snop  }
0x368: {  	[tilespmem:s23], [sflag:$0x2] =	stream.indirect_vreg.gather [hbm4b:s1+s4], $0x80, v18, vm0, $0xb8;
	[tilespmem:$0x1A190] =	vst v63  }
0x369: {  	_ = 	snop  }
0x36a: {  	[tilespmem:s24], [sflag:$0x2] =	stream.indirect_vreg.gather [hbm4b:s8+s4], $0x80, v18, vm0, $0xb8;
	[tilespmem:$0x1A190] =	vst v63  }
0x36b: {  	_ = 	snop  }
0x36c: {  	[tilespmem:s26], [sflag:$0x2] =	stream.indirect_vreg.gather [hbm4b:s10+s4], $0x80, v18, vm0, $0xb8;
	[tilespmem:$0x1A190] =	vst v63  }
0x36d: {  	s26 =	simm.s32 $0x11990  }
0x36e: {  	[tilespmem:s26], [sflag:$0x2] =	stream.indirect_vreg.gather [hbm4b:s12+s4], $0x80, v18, vm0, $0xb8;
	[tilespmem:$0x1A190] =	vst v63  }
0x36f: {  	s7 =	rddreg [dreg:$0x13];
	s17 =	simm.s32 $0x12190  }
0x370: {  	[hbm4b:s7+s4] =	stream.linear.scatter [tilespmem:s17], [sflag:$0x6], $0x8000, $0x38;
	[tilespmem:$0x1A190] =	vst v63  }
0x371: {  	_ =	swait.ge [sflag:s31], $0x8000  }
0x372: {  	[sflag:s31] =	ssyncset.done $0x0  }
0x373: {  	[sflag:s31] =	ssyncadd.s32 $0xFFFF8000  }
0x374: {  	_ =	swait.ge [sflag:s16], $0x8000  }
0x375: {  	[sflag:s16] =	ssyncset.done $0x0  }
0x376: {  	[sflag:s16] =	ssyncadd.s32 $0xFFFF8000  }
0x377: {  	v18 =	vld [tilespmem:$0x5C0];
	_ =	sdelay $0x4  }
0x378: {  	v19 =	vshll.u32 v18, $0x3  }
0x379: {  	v18 =	vand.u32 $0x7, v18;
	v19 =	vand.u32 $0xFFFFFFC0, v19  }
0x37a: {  	v18 =	vor.u32 v18, v19  }
0x37b: {  	v19 =	vperm.xlane v18, v15;
	_ =	sdelay $0x1  }
0x37c: {  	v19 =	vadd.s32 v16, v19;
	_ =	sdelay $0x4  }
0x37d: {  	[tilespmem:s17], [sflag:$0x3] =	stream.indirect_vreg.gather [hbm4b:s1+s4], $0x80, v19, vm0, $0xb8;
	[tilespmem:$0x1A190] =	vst v63  }
0x37e: {  	s20 =	simm.s32 $0x12990;
	v18 =	vperm.xlane v18, v17  }
0x37f: {  	[tilespmem:s20], [sflag:$0x3] =	stream.indirect_vreg.gather [hbm4b:s8+s4], $0x80, v19, vm0, $0xb8;
	[tilespmem:$0x1A190] =	vst v63  }
0x380: {  	s7 =	simm.s32 $0x13190;
	v18 =	vadd.s32 v16, v18  }
0x381: {  	[tilespmem:s7], [sflag:$0x3] =	stream.indirect_vreg.gather [hbm4b:s10+s4], $0x80, v19, vm0, $0xb8;
	[tilespmem:$0x1A190] =	vst v63  }
0x382: {  	s17 =	simm.s32 $0x13990  }
0x383: {  	[tilespmem:s17], [sflag:$0x3] =	stream.indirect_vreg.gather [hbm4b:s12+s4], $0x80, v19, vm0, $0xb8;
	[tilespmem:$0x1A190] =	vst v63  }
0x384: {  	s26 =	simm.s32 $0x14190  }
0x385: {  	[tilespmem:s26], [sflag:$0x3] =	stream.indirect_vreg.gather [hbm4b:s1+s4], $0x80, v18, vm0, $0xb8;
	[tilespmem:$0x1A190] =	vst v63  }
0x386: {  	s26 =	simm.s32 $0x14990  }
0x387: {  	[tilespmem:s26], [sflag:$0x3] =	stream.indirect_vreg.gather [hbm4b:s8+s4], $0x80, v18, vm0, $0xb8;
	[tilespmem:$0x1A190] =	vst v63  }
0x388: {  	s26 =	simm.s32 $0x15190  }
0x389: {  	[tilespmem:s26], [sflag:$0x3] =	stream.indirect_vreg.gather [hbm4b:s10+s4], $0x80, v18, vm0, $0xb8;
	[tilespmem:$0x1A190] =	vst v63  }
0x38a: {  	_ = 	snop  }
0x38b: {  	[tilespmem:s13], [sflag:$0x3] =	stream.indirect_vreg.gather [hbm4b:s12+s4], $0x80, v18, vm0, $0xb8;
	[tilespmem:$0x1A190] =	vst v63  }
0x38c: {  	v18 =	vld [tilespmem:$0x5D0];
	_ =	sdelay $0x4  }
0x38d: {  	v19 =	vshll.u32 v18, $0x3  }
0x38e: {  	v18 =	vand.u32 $0x7, v18;
	v19 =	vand.u32 $0xFFFFFFC0, v19  }
0x38f: {  	v18 =	vor.u32 v18, v19  }
0x390: {  	v19 =	vperm.xlane v18, v15;
	_ =	sdelay $0x1  }
0x391: {  	v19 =	vadd.s32 v16, v19;
	_ =	sdelay $0x3  }
0x392: {  	s13 =	simm.s32 $0x16190  }
0x393: {  	[tilespmem:s13], [sflag:$0x3] =	stream.indirect_vreg.gather [hbm4b:s1+s4], $0x80, v19, vm0, $0xb8;
	[tilespmem:$0x1A190] =	vst v63  }
0x394: {  	s26 =	simm.s32 $0x16990;
	v18 =	vperm.xlane v18, v17  }
0x395: {  	[tilespmem:s26], [sflag:$0x3] =	stream.indirect_vreg.gather [hbm4b:s8+s4], $0x80, v19, vm0, $0xb8;
	[tilespmem:$0x1A190] =	vst v63  }
0x396: {  	v18 =	vadd.s32 v16, v18;
	s13 =	simm.s32 $0x17190  }
0x397: {  	[tilespmem:s13], [sflag:$0x3] =	stream.indirect_vreg.gather [hbm4b:s10+s4], $0x80, v19, vm0, $0xb8;
	[tilespmem:$0x1A190] =	vst v63  }
0x398: {  	s26 =	simm.s32 $0x17990  }
0x399: {  	[tilespmem:s26], [sflag:$0x3] =	stream.indirect_vreg.gather [hbm4b:s12+s4], $0x80, v19, vm0, $0xb8;
	[tilespmem:$0x1A190] =	vst v63  }
0x39a: {  	s13 =	simm.s32 $0x18190  }
0x39b: {  	[tilespmem:s13], [sflag:$0x3] =	stream.indirect_vreg.gather [hbm4b:s1+s4], $0x80, v18, vm0, $0xb8;
	[tilespmem:$0x1A190] =	vst v63  }
0x39c: {  	s26 =	simm.s32 $0x18990  }
0x39d: {  	[tilespmem:s26], [sflag:$0x3] =	stream.indirect_vreg.gather [hbm4b:s8+s4], $0x80, v18, vm0, $0xb8;
	[tilespmem:$0x1A190] =	vst v63  }
0x39e: {  	s13 =	simm.s32 $0x19190  }
0x39f: {  	[tilespmem:s13], [sflag:$0x3] =	stream.indirect_vreg.gather [hbm4b:s10+s4], $0x80, v18, vm0, $0xb8;
	[tilespmem:$0x1A190] =	vst v63  }
0x3a0: {  	s26 =	simm.s32 $0x19990  }
0x3a1: {  	[tilespmem:s26], [sflag:$0x3] =	stream.indirect_vreg.gather [hbm4b:s12+s4], $0x80, v18, vm0, $0xb8;
	[tilespmem:$0x1A190] =	vst v63  }
0x3a2: {  	s13 =	rddreg [dreg:$0x14];
	s26 =	simm.s32 $0x2190  }
0x3a3: {  	[hbm4b:s13+s4] =	stream.linear.scatter [tilespmem:s26], [sflag:$0x4], $0x8000, $0x38;
	[tilespmem:$0x1A190] =	vst v63  }
0x3a4: {  	_ =	swait.ge [sflag:s3], $0x8000  }
0x3a5: {  	[sflag:s3] =	ssyncset.done $0x0  }
0x3a6: {  	[sflag:s3] =	ssyncadd.s32 $0xFFFF8000  }
0x3a7: {  	_ =	swait.ge [sflag:s5], $0x8000  }
0x3a8: {  	[sflag:s5] =	ssyncset.done $0x0  }
0x3a9: {  	[sflag:s5] =	ssyncadd.s32 $0xFFFF8000  }
0x3aa: {  	v18 =	vld [tilespmem:$0x5E0];
	_ =	sdelay $0x4  }
0x3ab: {  	v19 =	vshll.u32 v18, $0x3  }
0x3ac: {  	v18 =	vand.u32 $0x7, v18;
	v19 =	vand.u32 $0xFFFFFFC0, v19  }
0x3ad: {  	v18 =	vor.u32 v18, v19  }
0x3ae: {  	v19 =	vperm.xlane v18, v15;
	_ =	sdelay $0x1  }
0x3af: {  	v19 =	vadd.s32 v16, v19;
	_ =	sdelay $0x4  }
0x3b0: {  	[tilespmem:s26], [sflag:$0x1] =	stream.indirect_vreg.gather [hbm4b:s1+s4], $0x80, v19, vm0, $0xb8;
	[tilespmem:$0x1A190] =	vst v63  }
0x3b1: {  	s13 =	simm.s32 $0x2990;
	v18 =	vperm.xlane v18, v17  }
0x3b2: {  	[tilespmem:s13], [sflag:$0x1] =	stream.indirect_vreg.gather [hbm4b:s8+s4], $0x80, v19, vm0, $0xb8;
	[tilespmem:$0x1A190] =	vst v63  }
0x3b3: {  	v18 =	vadd.s32 v16, v18  }
0x3b4: {  	[tilespmem:s19], [sflag:$0x1] =	stream.indirect_vreg.gather [hbm4b:s10+s4], $0x80, v19, vm0, $0xb8;
	[tilespmem:$0x1A190] =	vst v63  }
0x3b5: {  	_ = 	snop  }
0x3b6: {  	[tilespmem:s25], [sflag:$0x1] =	stream.indirect_vreg.gather [hbm4b:s12+s4], $0x80, v19, vm0, $0xb8;
	[tilespmem:$0x1A190] =	vst v63  }
0x3b7: {  	_ = 	snop  }
0x3b8: {  	[tilespmem:s28], [sflag:$0x1] =	stream.indirect_vreg.gather [hbm4b:s1+s4], $0x80, v18, vm0, $0xb8;
	[tilespmem:$0x1A190] =	vst v63  }
0x3b9: {  	s25 =	simm.s32 $0x4990  }
0x3ba: {  	[tilespmem:s25], [sflag:$0x1] =	stream.indirect_vreg.gather [hbm4b:s8+s4], $0x80, v18, vm0, $0xb8;
	[tilespmem:$0x1A190] =	vst v63  }
0x3bb: {  	s26 =	simm.s32 $0x5190  }
0x3bc: {  	[tilespmem:s26], [sflag:$0x1] =	stream.indirect_vreg.gather [hbm4b:s10+s4], $0x80, v18, vm0, $0xb8;
	[tilespmem:$0x1A190] =	vst v63  }
0x3bd: {  	s28 =	simm.s32 $0x5990  }
0x3be: {  	[tilespmem:s28], [sflag:$0x1] =	stream.indirect_vreg.gather [hbm4b:s12+s4], $0x80, v18, vm0, $0xb8;
	[tilespmem:$0x1A190] =	vst v63  }
0x3bf: {  	v18 =	vld [tilespmem:$0x5F0];
	_ =	sdelay $0x4  }
0x3c0: {  	v19 =	vshll.u32 v18, $0x3  }
0x3c1: {  	v18 =	vand.u32 $0x7, v18;
	v19 =	vand.u32 $0xFFFFFFC0, v19  }
0x3c2: {  	v18 =	vor.u32 v18, v19  }
0x3c3: {  	v19 =	vperm.xlane v18, v15;
	_ =	sdelay $0x1  }
0x3c4: {  	v19 =	vadd.s32 v16, v19;
	_ =	sdelay $0x4  }
0x3c5: {  	[tilespmem:s14], [sflag:$0x1] =	stream.indirect_vreg.gather [hbm4b:s1+s4], $0x80, v19, vm0, $0xb8;
	[tilespmem:$0x1A190] =	vst v63  }
0x3c6: {  	s13 =	simm.s32 $0x6990;
	v18 =	vperm.xlane v18, v17  }
0x3c7: {  	[tilespmem:s13], [sflag:$0x1] =	stream.indirect_vreg.gather [hbm4b:s8+s4], $0x80, v19, vm0, $0xb8;
	[tilespmem:$0x1A190] =	vst v63  }
0x3c8: {  	v18 =	vadd.s32 v16, v18;
	s14 =	simm.s32 $0x7190  }
0x3c9: {  	[tilespmem:s14], [sflag:$0x1] =	stream.indirect_vreg.gather [hbm4b:s10+s4], $0x80, v19, vm0, $0xb8;
	[tilespmem:$0x1A190] =	vst v63  }
0x3ca: {  	s19 =	simm.s32 $0x7990  }
0x3cb: {  	[tilespmem:s19], [sflag:$0x1] =	stream.indirect_vreg.gather [hbm4b:s12+s4], $0x80, v19, vm0, $0xb8;
	[tilespmem:$0x1A190] =	vst v63  }
0x3cc: {  	s25 =	simm.s32 $0x8190  }
0x3cd: {  	[tilespmem:s25], [sflag:$0x1] =	stream.indirect_vreg.gather [hbm4b:s1+s4], $0x80, v18, vm0, $0xb8;
	[tilespmem:$0x1A190] =	vst v63  }
0x3ce: {  	s26 =	simm.s32 $0x8990  }
0x3cf: {  	[tilespmem:s26], [sflag:$0x1] =	stream.indirect_vreg.gather [hbm4b:s8+s4], $0x80, v18, vm0, $0xb8;
	[tilespmem:$0x1A190] =	vst v63  }
0x3d0: {  	s28 =	simm.s32 $0x9190  }
0x3d1: {  	[tilespmem:s28], [sflag:$0x1] =	stream.indirect_vreg.gather [hbm4b:s10+s4], $0x80, v18, vm0, $0xb8;
	[tilespmem:$0x1A190] =	vst v63  }
0x3d2: {  	_ = 	snop  }
0x3d3: {  	[tilespmem:s30], [sflag:$0x1] =	stream.indirect_vreg.gather [hbm4b:s12+s4], $0x80, v18, vm0, $0xb8;
	[tilespmem:$0x1A190] =	vst v63  }
0x3d4: {  	s13 =	simm.s32 $0xA190;
	s30 =	rddreg [dreg:$0x15]  }
0x3d5: {  	[hbm4b:s30+s4] =	stream.linear.scatter [tilespmem:s13], [sflag:$0x5], $0x8000, $0x38;
	[tilespmem:$0x1A190] =	vst v63  }
0x3d6: {  	_ =	swait.ge [sflag:s6], $0x8000  }
0x3d7: {  	[sflag:s6] =	ssyncset.done $0x0  }
0x3d8: {  	[sflag:s6] =	ssyncadd.s32 $0xFFFF8000  }
0x3d9: {  	_ =	swait.ge [sflag:s2], $0x8000  }
0x3da: {  	[sflag:s2] =	ssyncset.done $0x0  }
0x3db: {  	[sflag:s2] =	ssyncadd.s32 $0xFFFF8000  }
0x3dc: {  	v18 =	vld [tilespmem:$0x600];
	_ =	sdelay $0x4  }
0x3dd: {  	v19 =	vshll.u32 v18, $0x3  }
0x3de: {  	v18 =	vand.u32 $0x7, v18;
	v19 =	vand.u32 $0xFFFFFFC0, v19  }
0x3df: {  	v18 =	vor.u32 v18, v19  }
0x3e0: {  	v19 =	vperm.xlane v18, v15;
	_ =	sdelay $0x1  }
0x3e1: {  	v19 =	vadd.s32 v16, v19;
	_ =	sdelay $0x4  }
0x3e2: {  	[tilespmem:s13], [sflag:$0x2] =	stream.indirect_vreg.gather [hbm4b:s1+s4], $0x80, v19, vm0, $0xb8;
	[tilespmem:$0x1A190] =	vst v63  }
0x3e3: {  	s29 =	simm.s32 $0xA990;
	v18 =	vperm.xlane v18, v17  }
0x3e4: {  	[tilespmem:s29], [sflag:$0x2] =	stream.indirect_vreg.gather [hbm4b:s8+s4], $0x80, v19, vm0, $0xb8;
	[tilespmem:$0x1A190] =	vst v63  }
0x3e5: {  	s25 =	simm.s32 $0xB190;
	v18 =	vadd.s32 v16, v18  }
0x3e6: {  	[tilespmem:s25], [sflag:$0x2] =	stream.indirect_vreg.gather [hbm4b:s10+s4], $0x80, v19, vm0, $0xb8;
	[tilespmem:$0x1A190] =	vst v63  }
0x3e7: {  	_ = 	snop  }
0x3e8: {  	[tilespmem:s0], [sflag:$0x2] =	stream.indirect_vreg.gather [hbm4b:s12+s4], $0x80, v19, vm0, $0xb8;
	[tilespmem:$0x1A190] =	vst v63  }
0x3e9: {  	s26 =	simm.s32 $0xC190  }
0x3ea: {  	[tilespmem:s26], [sflag:$0x2] =	stream.indirect_vreg.gather [hbm4b:s1+s4], $0x80, v18, vm0, $0xb8;
	[tilespmem:$0x1A190] =	vst v63  }
0x3eb: {  	s21 =	simm.s32 $0xC990  }
0x3ec: {  	[tilespmem:s21], [sflag:$0x2] =	stream.indirect_vreg.gather [hbm4b:s8+s4], $0x80, v18, vm0, $0xb8;
	[tilespmem:$0x1A190] =	vst v63  }
0x3ed: {  	_ = 	snop  }
0x3ee: {  	[tilespmem:s9], [sflag:$0x2] =	stream.indirect_vreg.gather [hbm4b:s10+s4], $0x80, v18, vm0, $0xb8;
	[tilespmem:$0x1A190] =	vst v63  }
0x3ef: {  	s28 =	simm.s32 $0xD990  }
0x3f0: {  	[tilespmem:s28], [sflag:$0x2] =	stream.indirect_vreg.gather [hbm4b:s12+s4], $0x80, v18, vm0, $0xb8;
	[tilespmem:$0x1A190] =	vst v63  }
0x3f1: {  	v18 =	vld [tilespmem:$0x610];
	_ =	sdelay $0x4  }
0x3f2: {  	v19 =	vshll.u32 v18, $0x3  }
0x3f3: {  	v18 =	vand.u32 $0x7, v18;
	v19 =	vand.u32 $0xFFFFFFC0, v19  }
0x3f4: {  	v18 =	vor.u32 v18, v19  }
0x3f5: {  	v19 =	vperm.xlane v18, v15;
	_ =	sdelay $0x1  }
0x3f6: {  	v19 =	vadd.s32 v16, v19;
	_ =	sdelay $0x4  }
0x3f7: {  	[tilespmem:s15], [sflag:$0x2] =	stream.indirect_vreg.gather [hbm4b:s1+s4], $0x80, v19, vm0, $0xb8;
	[tilespmem:$0x1A190] =	vst v63  }
0x3f8: {  	v18 =	vperm.xlane v18, v17  }
0x3f9: {  	[tilespmem:s18], [sflag:$0x2] =	stream.indirect_vreg.gather [hbm4b:s8+s4], $0x80, v19, vm0, $0xb8;
	[tilespmem:$0x1A190] =	vst v63  }
0x3fa: {  	v18 =	vadd.s32 v16, v18;
	s18 =	simm.s32 $0xF190  }
0x3fb: {  	[tilespmem:s18], [sflag:$0x2] =	stream.indirect_vreg.gather [hbm4b:s10+s4], $0x80, v19, vm0, $0xb8;
	[tilespmem:$0x1A190] =	vst v63  }
0x3fc: {  	s22 =	simm.s32 $0xF990  }
0x3fd: {  	[tilespmem:s22], [sflag:$0x2] =	stream.indirect_vreg.gather [hbm4b:s12+s4], $0x80, v19, vm0, $0xb8;
	[tilespmem:$0x1A190] =	vst v63  }
0x3fe: {  	s23 =	simm.s32 $0x10190  }
0x3ff: {  	[tilespmem:s23], [sflag:$0x2] =	stream.indirect_vreg.gather [hbm4b:s1+s4], $0x80, v18, vm0, $0xb8;
	[tilespmem:$0x1A190] =	vst v63  }
0x400: {  	s24 =	simm.s32 $0x10990  }
0x401: {  	[tilespmem:s24], [sflag:$0x2] =	stream.indirect_vreg.gather [hbm4b:s8+s4], $0x80, v18, vm0, $0xb8;
	[tilespmem:$0x1A190] =	vst v63  }
0x402: {  	s29 =	simm.s32 $0x11190  }
0x403: {  	[tilespmem:s29], [sflag:$0x2] =	stream.indirect_vreg.gather [hbm4b:s10+s4], $0x80, v18, vm0, $0xb8;
	[tilespmem:$0x1A190] =	vst v63  }
0x404: {  	s14 =	simm.s32 $0x11990  }
0x405: {  	[tilespmem:s14], [sflag:$0x2] =	stream.indirect_vreg.gather [hbm4b:s12+s4], $0x80, v18, vm0, $0xb8;
	[tilespmem:$0x1A190] =	vst v63  }
0x406: {  	s19 =	simm.s32 $0x12190;
	s15 =	rddreg [dreg:$0x16]  }
0x407: {  	[hbm4b:s15+s4] =	stream.linear.scatter [tilespmem:s19], [sflag:$0x6], $0x8000, $0x38;
	[tilespmem:$0x1A190] =	vst v63  }
0x408: {  	_ =	swait.ge [sflag:s31], $0x8000  }
0x409: {  	[sflag:s31] =	ssyncset.done $0x0  }
0x40a: {  	[sflag:s31] =	ssyncadd.s32 $0xFFFF8000  }
0x40b: {  	_ =	swait.ge [sflag:s16], $0x8000  }
0x40c: {  	[sflag:s16] =	ssyncset.done $0x0  }
0x40d: {  	[sflag:s16] =	ssyncadd.s32 $0xFFFF8000  }
0x40e: {  	v18 =	vld [tilespmem:$0x620];
	_ =	sdelay $0x4  }
0x40f: {  	v19 =	vshll.u32 v18, $0x3  }
0x410: {  	v18 =	vand.u32 $0x7, v18;
	v19 =	vand.u32 $0xFFFFFFC0, v19  }
0x411: {  	v18 =	vor.u32 v18, v19  }
0x412: {  	v19 =	vperm.xlane v18, v15;
	_ =	sdelay $0x1  }
0x413: {  	v19 =	vadd.s32 v16, v19;
	_ =	sdelay $0x4  }
0x414: {  	[tilespmem:s19], [sflag:$0x3] =	stream.indirect_vreg.gather [hbm4b:s1+s4], $0x80, v19, vm0, $0xb8;
	[tilespmem:$0x1A190] =	vst v63  }
0x415: {  	s20 =	simm.s32 $0x12990;
	v18 =	vperm.xlane v18, v17  }
0x416: {  	[tilespmem:s20], [sflag:$0x3] =	stream.indirect_vreg.gather [hbm4b:s8+s4], $0x80, v19, vm0, $0xb8;
	[tilespmem:$0x1A190] =	vst v63  }
0x417: {  	v18 =	vadd.s32 v16, v18  }
0x418: {  	[tilespmem:s7], [sflag:$0x3] =	stream.indirect_vreg.gather [hbm4b:s10+s4], $0x80, v19, vm0, $0xb8;
	[tilespmem:$0x1A190] =	vst v63  }
0x419: {  	_ = 	snop  }
0x41a: {  	[tilespmem:s17], [sflag:$0x3] =	stream.indirect_vreg.gather [hbm4b:s12+s4], $0x80, v19, vm0, $0xb8;
	[tilespmem:$0x1A190] =	vst v63  }
0x41b: {  	s17 =	simm.s32 $0x14190  }
0x41c: {  	[tilespmem:s17], [sflag:$0x3] =	stream.indirect_vreg.gather [hbm4b:s1+s4], $0x80, v18, vm0, $0xb8;
	[tilespmem:$0x1A190] =	vst v63  }
0x41d: {  	s20 =	simm.s32 $0x14990  }
0x41e: {  	[tilespmem:s20], [sflag:$0x3] =	stream.indirect_vreg.gather [hbm4b:s8+s4], $0x80, v18, vm0, $0xb8;
	[tilespmem:$0x1A190] =	vst v63  }
0x41f: {  	s21 =	simm.s32 $0x15190  }
0x420: {  	[tilespmem:s21], [sflag:$0x3] =	stream.indirect_vreg.gather [hbm4b:s10+s4], $0x80, v18, vm0, $0xb8;
	[tilespmem:$0x1A190] =	vst v63  }
0x421: {  	s22 =	simm.s32 $0x15990  }
0x422: {  	[tilespmem:s22], [sflag:$0x3] =	stream.indirect_vreg.gather [hbm4b:s12+s4], $0x80, v18, vm0, $0xb8;
	[tilespmem:$0x1A190] =	vst v63  }
0x423: {  	v18 =	vld [tilespmem:$0x630];
	_ =	sdelay $0x4  }
0x424: {  	v19 =	vshll.u32 v18, $0x3  }
0x425: {  	v18 =	vand.u32 $0x7, v18;
	v19 =	vand.u32 $0xFFFFFFC0, v19  }
0x426: {  	v18 =	vor.u32 v18, v19  }
0x427: {  	v19 =	vperm.xlane v18, v15;
	_ =	sdelay $0x1  }
0x428: {  	v19 =	vadd.s32 v16, v19;
	_ =	sdelay $0x3  }
0x429: {  	s23 =	simm.s32 $0x16190  }
0x42a: {  	[tilespmem:s23], [sflag:$0x3] =	stream.indirect_vreg.gather [hbm4b:s1+s4], $0x80, v19, vm0, $0xb8;
	[tilespmem:$0x1A190] =	vst v63  }
0x42b: {  	s24 =	simm.s32 $0x16990;
	v18 =	vperm.xlane v18, v17  }
0x42c: {  	[tilespmem:s24], [sflag:$0x3] =	stream.indirect_vreg.gather [hbm4b:s8+s4], $0x80, v19, vm0, $0xb8;
	[tilespmem:$0x1A190] =	vst v63  }
0x42d: {  	s15 =	simm.s32 $0x17190;
	v18 =	vadd.s32 v16, v18  }
0x42e: {  	[tilespmem:s15], [sflag:$0x3] =	stream.indirect_vreg.gather [hbm4b:s10+s4], $0x80, v19, vm0, $0xb8;
	[tilespmem:$0x1A190] =	vst v63  }
0x42f: {  	s19 =	simm.s32 $0x17990  }
0x430: {  	[tilespmem:s19], [sflag:$0x3] =	stream.indirect_vreg.gather [hbm4b:s12+s4], $0x80, v19, vm0, $0xb8;
	[tilespmem:$0x1A190] =	vst v63  }
0x431: {  	s21 =	simm.s32 $0x18190  }
0x432: {  	[tilespmem:s21], [sflag:$0x3] =	stream.indirect_vreg.gather [hbm4b:s1+s4], $0x80, v18, vm0, $0xb8;
	[tilespmem:$0x1A190] =	vst v63  }
0x433: {  	s22 =	simm.s32 $0x18990  }
0x434: {  	[tilespmem:s22], [sflag:$0x3] =	stream.indirect_vreg.gather [hbm4b:s8+s4], $0x80, v18, vm0, $0xb8;
	[tilespmem:$0x1A190] =	vst v63  }
0x435: {  	s23 =	simm.s32 $0x19190  }
0x436: {  	[tilespmem:s23], [sflag:$0x3] =	stream.indirect_vreg.gather [hbm4b:s10+s4], $0x80, v18, vm0, $0xb8;
	[tilespmem:$0x1A190] =	vst v63  }
0x437: {  	s30 =	simm.s32 $0x19990  }
0x438: {  	[tilespmem:s30], [sflag:$0x3] =	stream.indirect_vreg.gather [hbm4b:s12+s4], $0x80, v18, vm0, $0xb8;
	[tilespmem:$0x1A190] =	vst v63  }
0x439: {  	s9 =	simm.s32 $0x2190;
	s7 =	rddreg [dreg:$0x17]  }
0x43a: {  	[hbm4b:s7+s4] =	stream.linear.scatter [tilespmem:s9], [sflag:$0x4], $0x8000, $0x38;
	[tilespmem:$0x1A190] =	vst v63  }
0x43b: {  	_ =	swait.ge [sflag:s3], $0x8000  }
0x43c: {  	[sflag:s3] =	ssyncset.done $0x0  }
0x43d: {  	[sflag:s3] =	ssyncadd.s32 $0xFFFF8000  }
0x43e: {  	_ =	swait.ge [sflag:s5], $0x8000  }
0x43f: {  	[sflag:s5] =	ssyncset.done $0x0  }
0x440: {  	[sflag:s5] =	ssyncadd.s32 $0xFFFF8000  }
0x441: {  	v18 =	vld [tilespmem:$0x640];
	_ =	sdelay $0x4  }
0x442: {  	v19 =	vshll.u32 v18, $0x3  }
0x443: {  	v18 =	vand.u32 $0x7, v18;
	v19 =	vand.u32 $0xFFFFFFC0, v19  }
0x444: {  	v18 =	vor.u32 v18, v19  }
0x445: {  	v19 =	vperm.xlane v18, v15;
	_ =	sdelay $0x1  }
0x446: {  	v19 =	vadd.s32 v16, v19;
	_ =	sdelay $0x4  }
0x447: {  	[tilespmem:s9], [sflag:$0x1] =	stream.indirect_vreg.gather [hbm4b:s1+s4], $0x80, v19, vm0, $0xb8;
	[tilespmem:$0x1A190] =	vst v63  }
0x448: {  	s14 =	simm.s32 $0x2990;
	v18 =	vperm.xlane v18, v17  }
0x449: {  	[tilespmem:s14], [sflag:$0x1] =	stream.indirect_vreg.gather [hbm4b:s8+s4], $0x80, v19, vm0, $0xb8;
	[tilespmem:$0x1A190] =	vst v63  }
0x44a: {  	s20 =	simm.s32 $0x3190;
	v18 =	vadd.s32 v16, v18  }
0x44b: {  	[tilespmem:s20], [sflag:$0x1] =	stream.indirect_vreg.gather [hbm4b:s10+s4], $0x80, v19, vm0, $0xb8;
	[tilespmem:$0x1A190] =	vst v63  }
0x44c: {  	s24 =	simm.s32 $0x3990  }
0x44d: {  	[tilespmem:s24], [sflag:$0x1] =	stream.indirect_vreg.gather [hbm4b:s12+s4], $0x80, v19, vm0, $0xb8;
	[tilespmem:$0x1A190] =	vst v63  }
0x44e: {  	s30 =	simm.s32 $0x4190  }
0x44f: {  	[tilespmem:s30], [sflag:$0x1] =	stream.indirect_vreg.gather [hbm4b:s1+s4], $0x80, v18, vm0, $0xb8;
	[tilespmem:$0x1A190] =	vst v63  }
0x450: {  	s7 =	simm.s32 $0x4990  }
0x451: {  	[tilespmem:s7], [sflag:$0x1] =	stream.indirect_vreg.gather [hbm4b:s8+s4], $0x80, v18, vm0, $0xb8;
	[tilespmem:$0x1A190] =	vst v63  }
0x452: {  	s9 =	simm.s32 $0x5190  }
0x453: {  	[tilespmem:s9], [sflag:$0x1] =	stream.indirect_vreg.gather [hbm4b:s10+s4], $0x80, v18, vm0, $0xb8;
	[tilespmem:$0x1A190] =	vst v63  }
0x454: {  	s20 =	simm.s32 $0x5990  }
0x455: {  	[tilespmem:s20], [sflag:$0x1] =	stream.indirect_vreg.gather [hbm4b:s12+s4], $0x80, v18, vm0, $0xb8;
	[tilespmem:$0x1A190] =	vst v63  }
0x456: {  	v18 =	vld [tilespmem:$0x650];
	_ =	sdelay $0x4  }
0x457: {  	v19 =	vshll.u32 v18, $0x3  }
0x458: {  	v18 =	vand.u32 $0x7, v18;
	v19 =	vand.u32 $0xFFFFFFC0, v19  }
0x459: {  	v18 =	vor.u32 v18, v19  }
0x45a: {  	v19 =	vperm.xlane v18, v15;
	_ =	sdelay $0x1  }
0x45b: {  	v19 =	vadd.s32 v16, v19;
	_ =	sdelay $0x3  }
0x45c: {  	s30 =	simm.s32 $0x6190  }
0x45d: {  	[tilespmem:s30], [sflag:$0x1] =	stream.indirect_vreg.gather [hbm4b:s1+s4], $0x80, v19, vm0, $0xb8;
	[tilespmem:$0x1A190] =	vst v63  }
0x45e: {  	s11 =	simm.s32 $0x6990;
	v18 =	vperm.xlane v18, v17  }
0x45f: {  	[tilespmem:s11], [sflag:$0x1] =	stream.indirect_vreg.gather [hbm4b:s8+s4], $0x80, v19, vm0, $0xb8;
	[tilespmem:$0x1A190] =	vst v63  }
0x460: {  	s24 =	simm.s32 $0x7190;
	v18 =	vadd.s32 v16, v18  }
0x461: {  	[tilespmem:s24], [sflag:$0x1] =	stream.indirect_vreg.gather [hbm4b:s10+s4], $0x80, v19, vm0, $0xb8;
	[tilespmem:$0x1A190] =	vst v63  }
0x462: {  	s7 =	simm.s32 $0x7990  }
0x463: {  	[tilespmem:s7], [sflag:$0x1] =	stream.indirect_vreg.gather [hbm4b:s12+s4], $0x80, v19, vm0, $0xb8;
	[tilespmem:$0x1A190] =	vst v63  }
0x464: {  	s9 =	simm.s32 $0x8190  }
0x465: {  	[tilespmem:s9], [sflag:$0x1] =	stream.indirect_vreg.gather [hbm4b:s1+s4], $0x80, v18, vm0, $0xb8;
	[tilespmem:$0x1A190] =	vst v63  }
0x466: {  	s11 =	simm.s32 $0x8990  }
0x467: {  	[tilespmem:s11], [sflag:$0x1] =	stream.indirect_vreg.gather [hbm4b:s8+s4], $0x80, v18, vm0, $0xb8;
	[tilespmem:$0x1A190] =	vst v63  }
0x468: {  	s24 =	simm.s32 $0x9190  }
0x469: {  	[tilespmem:s24], [sflag:$0x1] =	stream.indirect_vreg.gather [hbm4b:s10+s4], $0x80, v18, vm0, $0xb8;
	[tilespmem:$0x1A190] =	vst v63  }
0x46a: {  	s24 =	simm.s32 $0x9990  }
0x46b: {  	[tilespmem:s24], [sflag:$0x1] =	stream.indirect_vreg.gather [hbm4b:s12+s4], $0x80, v18, vm0, $0xb8;
	[tilespmem:$0x1A190] =	vst v63  }
0x46c: {  	s7 =	rddreg [dreg:$0x18];
	s9 =	simm.s32 $0xA190  }
0x46d: {  	[hbm4b:s7+s4] =	stream.linear.scatter [tilespmem:s9], [sflag:$0x5], $0x8000, $0x38;
	[tilespmem:$0x1A190] =	vst v63  }
0x46e: {  	_ =	swait.ge [sflag:s6], $0x8000  }
0x46f: {  	[sflag:s6] =	ssyncset.done $0x0  }
0x470: {  	[sflag:s6] =	ssyncadd.s32 $0xFFFF8000  }
0x471: {  	_ =	swait.ge [sflag:s2], $0x8000  }
0x472: {  	[sflag:s2] =	ssyncset.done $0x0  }
0x473: {  	[sflag:s2] =	ssyncadd.s32 $0xFFFF8000  }
0x474: {  	v18 =	vld [tilespmem:$0x660];
	_ =	sdelay $0x4  }
0x475: {  	v19 =	vshll.u32 v18, $0x3  }
0x476: {  	v18 =	vand.u32 $0x7, v18;
	v19 =	vand.u32 $0xFFFFFFC0, v19  }
0x477: {  	v18 =	vor.u32 v18, v19  }
0x478: {  	v19 =	vperm.xlane v18, v15;
	_ =	sdelay $0x1  }
0x479: {  	v19 =	vadd.s32 v16, v19;
	_ =	sdelay $0x4  }
0x47a: {  	[tilespmem:s9], [sflag:$0x2] =	stream.indirect_vreg.gather [hbm4b:s1+s4], $0x80, v19, vm0, $0xb8;
	[tilespmem:$0x1A190] =	vst v63  }
0x47b: {  	s13 =	simm.s32 $0xA990;
	v18 =	vperm.xlane v18, v17  }
0x47c: {  	[tilespmem:s13], [sflag:$0x2] =	stream.indirect_vreg.gather [hbm4b:s8+s4], $0x80, v19, vm0, $0xb8;
	[tilespmem:$0x1A190] =	vst v63  }
0x47d: {  	v18 =	vadd.s32 v16, v18  }
0x47e: {  	[tilespmem:s25], [sflag:$0x2] =	stream.indirect_vreg.gather [hbm4b:s10+s4], $0x80, v19, vm0, $0xb8;
	[tilespmem:$0x1A190] =	vst v63  }
0x47f: {  	s7 =	simm.s32 $0xB990  }
0x480: {  	[tilespmem:s7], [sflag:$0x2] =	stream.indirect_vreg.gather [hbm4b:s12+s4], $0x80, v19, vm0, $0xb8;
	[tilespmem:$0x1A190] =	vst v63  }
0x481: {  	_ = 	snop  }
0x482: {  	[tilespmem:s26], [sflag:$0x2] =	stream.indirect_vreg.gather [hbm4b:s1+s4], $0x80, v18, vm0, $0xb8;
	[tilespmem:$0x1A190] =	vst v63  }
0x483: {  	s9 =	simm.s32 $0xC990  }
0x484: {  	[tilespmem:s9], [sflag:$0x2] =	stream.indirect_vreg.gather [hbm4b:s8+s4], $0x80, v18, vm0, $0xb8;
	[tilespmem:$0x1A190] =	vst v63  }
0x485: {  	s13 =	simm.s32 $0xD190  }
0x486: {  	[tilespmem:s13], [sflag:$0x2] =	stream.indirect_vreg.gather [hbm4b:s10+s4], $0x80, v18, vm0, $0xb8;
	[tilespmem:$0x1A190] =	vst v63  }
0x487: {  	_ = 	snop  }
0x488: {  	[tilespmem:s28], [sflag:$0x2] =	stream.indirect_vreg.gather [hbm4b:s12+s4], $0x80, v18, vm0, $0xb8;
	[tilespmem:$0x1A190] =	vst v63  }
0x489: {  	v18 =	vld [tilespmem:$0x670];
	_ =	sdelay $0x4  }
0x48a: {  	v19 =	vshll.u32 v18, $0x3  }
0x48b: {  	v18 =	vand.u32 $0x7, v18;
	v19 =	vand.u32 $0xFFFFFFC0, v19  }
0x48c: {  	v18 =	vor.u32 v18, v19  }
0x48d: {  	v19 =	vperm.xlane v18, v15;
	_ =	sdelay $0x1  }
0x48e: {  	v19 =	vadd.s32 v16, v19;
	_ =	sdelay $0x3  }
0x48f: {  	s25 =	simm.s32 $0xE190  }
0x490: {  	[tilespmem:s25], [sflag:$0x2] =	stream.indirect_vreg.gather [hbm4b:s1+s4], $0x80, v19, vm0, $0xb8;
	[tilespmem:$0x1A190] =	vst v63  }
0x491: {  	s26 =	simm.s32 $0xE990;
	v18 =	vperm.xlane v18, v17  }
0x492: {  	[tilespmem:s26], [sflag:$0x2] =	stream.indirect_vreg.gather [hbm4b:s8+s4], $0x80, v19, vm0, $0xb8;
	[tilespmem:$0x1A190] =	vst v63  }
0x493: {  	v18 =	vadd.s32 v16, v18  }
0x494: {  	[tilespmem:s18], [sflag:$0x2] =	stream.indirect_vreg.gather [hbm4b:s10+s4], $0x80, v19, vm0, $0xb8;
	[tilespmem:$0x1A190] =	vst v63  }
0x495: {  	s13 =	simm.s32 $0xF990  }
0x496: {  	[tilespmem:s13], [sflag:$0x2] =	stream.indirect_vreg.gather [hbm4b:s12+s4], $0x80, v19, vm0, $0xb8;
	[tilespmem:$0x1A190] =	vst v63  }
0x497: {  	s18 =	simm.s32 $0x10190  }
0x498: {  	[tilespmem:s18], [sflag:$0x2] =	stream.indirect_vreg.gather [hbm4b:s1+s4], $0x80, v18, vm0, $0xb8;
	[tilespmem:$0x1A190] =	vst v63  }
0x499: {  	s28 =	simm.s32 $0x10990  }
0x49a: {  	[tilespmem:s28], [sflag:$0x2] =	stream.indirect_vreg.gather [hbm4b:s8+s4], $0x80, v18, vm0, $0xb8;
	[tilespmem:$0x1A190] =	vst v63  }
0x49b: {  	_ = 	snop  }
0x49c: {  	[tilespmem:s29], [sflag:$0x2] =	stream.indirect_vreg.gather [hbm4b:s10+s4], $0x80, v18, vm0, $0xb8;
	[tilespmem:$0x1A190] =	vst v63  }
0x49d: {  	s11 =	simm.s32 $0x11990  }
0x49e: {  	[tilespmem:s11], [sflag:$0x2] =	stream.indirect_vreg.gather [hbm4b:s12+s4], $0x80, v18, vm0, $0xb8;
	[tilespmem:$0x1A190] =	vst v63  }
0x49f: {  	s18 =	rddreg [dreg:$0x19];
	s28 =	simm.s32 $0x12190  }
0x4a0: {  	[hbm4b:s18+s4] =	stream.linear.scatter [tilespmem:s28], [sflag:$0x6], $0x8000, $0x38;
	[tilespmem:$0x1A190] =	vst v63  }
0x4a1: {  	_ =	swait.ge [sflag:s31], $0x8000  }
0x4a2: {  	[sflag:s31] =	ssyncset.done $0x0  }
0x4a3: {  	[sflag:s31] =	ssyncadd.s32 $0xFFFF8000  }
0x4a4: {  	_ =	swait.ge [sflag:s16], $0x8000  }
0x4a5: {  	[sflag:s16] =	ssyncset.done $0x0  }
0x4a6: {  	[sflag:s16] =	ssyncadd.s32 $0xFFFF8000  }
0x4a7: {  	v18 =	vld [tilespmem:$0x680];
	_ =	sdelay $0x4  }
0x4a8: {  	v19 =	vshll.u32 v18, $0x3  }
0x4a9: {  	v18 =	vand.u32 $0x7, v18;
	v19 =	vand.u32 $0xFFFFFFC0, v19  }
0x4aa: {  	v18 =	vor.u32 v18, v19  }
0x4ab: {  	v19 =	vperm.xlane v18, v15;
	_ =	sdelay $0x1  }
0x4ac: {  	v19 =	vadd.s32 v16, v19;
	_ =	sdelay $0x4  }
0x4ad: {  	[tilespmem:s28], [sflag:$0x3] =	stream.indirect_vreg.gather [hbm4b:s1+s4], $0x80, v19, vm0, $0xb8;
	[tilespmem:$0x1A190] =	vst v63  }
0x4ae: {  	v18 =	vperm.xlane v18, v17;
	s28 =	simm.s32 $0x12990  }
0x4af: {  	[tilespmem:s28], [sflag:$0x3] =	stream.indirect_vreg.gather [hbm4b:s8+s4], $0x80, v19, vm0, $0xb8;
	[tilespmem:$0x1A190] =	vst v63  }
0x4b0: {  	s18 =	simm.s32 $0x13190;
	v18 =	vadd.s32 v16, v18  }
0x4b1: {  	[tilespmem:s18], [sflag:$0x3] =	stream.indirect_vreg.gather [hbm4b:s10+s4], $0x80, v19, vm0, $0xb8;
	[tilespmem:$0x1A190] =	vst v63  }
0x4b2: {  	s11 =	simm.s32 $0x13990  }
0x4b3: {  	[tilespmem:s11], [sflag:$0x3] =	stream.indirect_vreg.gather [hbm4b:s12+s4], $0x80, v19, vm0, $0xb8;
	[tilespmem:$0x1A190] =	vst v63  }
0x4b4: {  	_ = 	snop  }
0x4b5: {  	[tilespmem:s17], [sflag:$0x3] =	stream.indirect_vreg.gather [hbm4b:s1+s4], $0x80, v18, vm0, $0xb8;
	[tilespmem:$0x1A190] =	vst v63  }
0x4b6: {  	s17 =	simm.s32 $0x14990  }
0x4b7: {  	[tilespmem:s17], [sflag:$0x3] =	stream.indirect_vreg.gather [hbm4b:s8+s4], $0x80, v18, vm0, $0xb8;
	[tilespmem:$0x1A190] =	vst v63  }
0x4b8: {  	s18 =	simm.s32 $0x15190  }
0x4b9: {  	[tilespmem:s18], [sflag:$0x3] =	stream.indirect_vreg.gather [hbm4b:s10+s4], $0x80, v18, vm0, $0xb8;
	[tilespmem:$0x1A190] =	vst v63  }
0x4ba: {  	s0 =	simm.s32 $0x15990  }
0x4bb: {  	[tilespmem:s0], [sflag:$0x3] =	stream.indirect_vreg.gather [hbm4b:s12+s4], $0x80, v18, vm0, $0xb8;
	[tilespmem:$0x1A190] =	vst v63  }
0x4bc: {  	v18 =	vld [tilespmem:$0x690];
	_ =	sdelay $0x4  }
0x4bd: {  	v19 =	vshll.u32 v18, $0x3  }
0x4be: {  	v18 =	vand.u32 $0x7, v18;
	v19 =	vand.u32 $0xFFFFFFC0, v19  }
0x4bf: {  	v18 =	vor.u32 v18, v19  }
0x4c0: {  	v19 =	vperm.xlane v18, v15;
	_ =	sdelay $0x1  }
0x4c1: {  	v19 =	vadd.s32 v16, v19;
	_ =	sdelay $0x3  }
0x4c2: {  	s17 =	simm.s32 $0x16190  }
0x4c3: {  	[tilespmem:s17], [sflag:$0x3] =	stream.indirect_vreg.gather [hbm4b:s1+s4], $0x80, v19, vm0, $0xb8;
	[tilespmem:$0x1A190] =	vst v63  }
0x4c4: {  	s18 =	simm.s32 $0x16990;
	v18 =	vperm.xlane v18, v17  }
0x4c5: {  	[tilespmem:s18], [sflag:$0x3] =	stream.indirect_vreg.gather [hbm4b:s8+s4], $0x80, v19, vm0, $0xb8;
	[tilespmem:$0x1A190] =	vst v63  }
0x4c6: {  	v18 =	vadd.s32 v16, v18  }
0x4c7: {  	[tilespmem:s15], [sflag:$0x3] =	stream.indirect_vreg.gather [hbm4b:s10+s4], $0x80, v19, vm0, $0xb8;
	[tilespmem:$0x1A190] =	vst v63  }
0x4c8: {  	_ = 	snop  }
0x4c9: {  	[tilespmem:s19], [sflag:$0x3] =	stream.indirect_vreg.gather [hbm4b:s12+s4], $0x80, v19, vm0, $0xb8;
	[tilespmem:$0x1A190] =	vst v63  }
0x4ca: {  	_ = 	snop  }
0x4cb: {  	[tilespmem:s21], [sflag:$0x3] =	stream.indirect_vreg.gather [hbm4b:s1+s4], $0x80, v18, vm0, $0xb8;
	[tilespmem:$0x1A190] =	vst v63  }
0x4cc: {  	_ = 	snop  }
0x4cd: {  	[tilespmem:s22], [sflag:$0x3] =	stream.indirect_vreg.gather [hbm4b:s8+s4], $0x80, v18, vm0, $0xb8;
	[tilespmem:$0x1A190] =	vst v63  }
0x4ce: {  	_ = 	snop  }
0x4cf: {  	[tilespmem:s23], [sflag:$0x3] =	stream.indirect_vreg.gather [hbm4b:s10+s4], $0x80, v18, vm0, $0xb8;
	[tilespmem:$0x1A190] =	vst v63  }
0x4d0: {  	s21 =	simm.s32 $0x19990  }
0x4d1: {  	[tilespmem:s21], [sflag:$0x3] =	stream.indirect_vreg.gather [hbm4b:s12+s4], $0x80, v18, vm0, $0xb8;
	[tilespmem:$0x1A190] =	vst v63  }
0x4d2: {  	s22 =	rddreg [dreg:$0x1a];
	s23 =	simm.s32 $0x2190  }
0x4d3: {  	[hbm4b:s22+s4] =	stream.linear.scatter [tilespmem:s23], [sflag:$0x4], $0x8000, $0x38;
	[tilespmem:$0x1A190] =	vst v63  }
0x4d4: {  	_ =	swait.ge [sflag:s3], $0x8000  }
0x4d5: {  	[sflag:s3] =	ssyncset.done $0x0  }
0x4d6: {  	[sflag:s3] =	ssyncadd.s32 $0xFFFF8000  }
0x4d7: {  	_ =	swait.ge [sflag:s5], $0x8000  }
0x4d8: {  	[sflag:s5] =	ssyncset.done $0x0  }
0x4d9: {  	[sflag:s5] =	ssyncadd.s32 $0xFFFF8000  }
0x4da: {  	v18 =	vld [tilespmem:$0x6A0];
	_ =	sdelay $0x4  }
0x4db: {  	v19 =	vshll.u32 v18, $0x3  }
0x4dc: {  	v18 =	vand.u32 $0x7, v18;
	v19 =	vand.u32 $0xFFFFFFC0, v19  }
0x4dd: {  	v18 =	vor.u32 v18, v19  }
0x4de: {  	v19 =	vperm.xlane v18, v15;
	_ =	sdelay $0x1  }
0x4df: {  	v19 =	vadd.s32 v16, v19;
	_ =	sdelay $0x4  }
0x4e0: {  	[tilespmem:s23], [sflag:$0x1] =	stream.indirect_vreg.gather [hbm4b:s1+s4], $0x80, v19, vm0, $0xb8;
	[tilespmem:$0x1A190] =	vst v63  }
0x4e1: {  	v18 =	vperm.xlane v18, v17  }
0x4e2: {  	[tilespmem:s14], [sflag:$0x1] =	stream.indirect_vreg.gather [hbm4b:s8+s4], $0x80, v19, vm0, $0xb8;
	[tilespmem:$0x1A190] =	vst v63  }
0x4e3: {  	s15 =	simm.s32 $0x3190;
	v18 =	vadd.s32 v16, v18  }
0x4e4: {  	[tilespmem:s15], [sflag:$0x1] =	stream.indirect_vreg.gather [hbm4b:s10+s4], $0x80, v19, vm0, $0xb8;
	[tilespmem:$0x1A190] =	vst v63  }
0x4e5: {  	s19 =	simm.s32 $0x3990  }
0x4e6: {  	[tilespmem:s19], [sflag:$0x1] =	stream.indirect_vreg.gather [hbm4b:s12+s4], $0x80, v19, vm0, $0xb8;
	[tilespmem:$0x1A190] =	vst v63  }
0x4e7: {  	s21 =	simm.s32 $0x4190  }
0x4e8: {  	[tilespmem:s21], [sflag:$0x1] =	stream.indirect_vreg.gather [hbm4b:s1+s4], $0x80, v18, vm0, $0xb8;
	[tilespmem:$0x1A190] =	vst v63  }
0x4e9: {  	s22 =	simm.s32 $0x4990  }
0x4ea: {  	[tilespmem:s22], [sflag:$0x1] =	stream.indirect_vreg.gather [hbm4b:s8+s4], $0x80, v18, vm0, $0xb8;
	[tilespmem:$0x1A190] =	vst v63  }
0x4eb: {  	s23 =	simm.s32 $0x5190  }
0x4ec: {  	[tilespmem:s23], [sflag:$0x1] =	stream.indirect_vreg.gather [hbm4b:s10+s4], $0x80, v18, vm0, $0xb8;
	[tilespmem:$0x1A190] =	vst v63  }
0x4ed: {  	_ = 	snop  }
0x4ee: {  	[tilespmem:s20], [sflag:$0x1] =	stream.indirect_vreg.gather [hbm4b:s12+s4], $0x80, v18, vm0, $0xb8;
	[tilespmem:$0x1A190] =	vst v63  }
0x4ef: {  	v18 =	vld [tilespmem:$0x6B0];
	_ =	sdelay $0x4  }
0x4f0: {  	v19 =	vshll.u32 v18, $0x3  }
0x4f1: {  	v18 =	vand.u32 $0x7, v18;
	v19 =	vand.u32 $0xFFFFFFC0, v19  }
0x4f2: {  	v18 =	vor.u32 v18, v19  }
0x4f3: {  	v19 =	vperm.xlane v18, v15;
	_ =	sdelay $0x1  }
0x4f4: {  	v19 =	vadd.s32 v16, v19;
	_ =	sdelay $0x4  }
0x4f5: {  	[tilespmem:s30], [sflag:$0x1] =	stream.indirect_vreg.gather [hbm4b:s1+s4], $0x80, v19, vm0, $0xb8;
	[tilespmem:$0x1A190] =	vst v63  }
0x4f6: {  	v18 =	vperm.xlane v18, v17;
	s30 =	simm.s32 $0x6990  }
0x4f7: {  	[tilespmem:s30], [sflag:$0x1] =	stream.indirect_vreg.gather [hbm4b:s8+s4], $0x80, v19, vm0, $0xb8;
	[tilespmem:$0x1A190] =	vst v63  }
0x4f8: {  	s14 =	simm.s32 $0x7190;
	v18 =	vadd.s32 v16, v18  }
0x4f9: {  	[tilespmem:s14], [sflag:$0x1] =	stream.indirect_vreg.gather [hbm4b:s10+s4], $0x80, v19, vm0, $0xb8;
	[tilespmem:$0x1A190] =	vst v63  }
0x4fa: {  	s15 =	simm.s32 $0x7990  }
0x4fb: {  	[tilespmem:s15], [sflag:$0x1] =	stream.indirect_vreg.gather [hbm4b:s12+s4], $0x80, v19, vm0, $0xb8;
	[tilespmem:$0x1A190] =	vst v63  }
0x4fc: {  	s19 =	simm.s32 $0x8190  }
0x4fd: {  	[tilespmem:s19], [sflag:$0x1] =	stream.indirect_vreg.gather [hbm4b:s1+s4], $0x80, v18, vm0, $0xb8;
	[tilespmem:$0x1A190] =	vst v63  }
0x4fe: {  	s20 =	simm.s32 $0x8990  }
0x4ff: {  	[tilespmem:s20], [sflag:$0x1] =	stream.indirect_vreg.gather [hbm4b:s8+s4], $0x80, v18, vm0, $0xb8;
	[tilespmem:$0x1A190] =	vst v63  }
0x500: {  	s21 =	simm.s32 $0x9190  }
0x501: {  	[tilespmem:s21], [sflag:$0x1] =	stream.indirect_vreg.gather [hbm4b:s10+s4], $0x80, v18, vm0, $0xb8;
	[tilespmem:$0x1A190] =	vst v63  }
0x502: {  	_ = 	snop  }
0x503: {  	[tilespmem:s24], [sflag:$0x1] =	stream.indirect_vreg.gather [hbm4b:s12+s4], $0x80, v18, vm0, $0xb8;
	[tilespmem:$0x1A190] =	vst v63  }
0x504: {  	s22 =	rddreg [dreg:$0x1b];
	s23 =	simm.s32 $0xA190  }
0x505: {  	[hbm4b:s22+s4] =	stream.linear.scatter [tilespmem:s23], [sflag:$0x5], $0x8000, $0x38;
	[tilespmem:$0x1A190] =	vst v63  }
0x506: {  	_ =	swait.ge [sflag:s6], $0x8000  }
0x507: {  	[sflag:s6] =	ssyncset.done $0x0  }
0x508: {  	[sflag:s6] =	ssyncadd.s32 $0xFFFF8000  }
0x509: {  	_ =	swait.ge [sflag:s2], $0x8000  }
0x50a: {  	[sflag:s2] =	ssyncset.done $0x0  }
0x50b: {  	[sflag:s2] =	ssyncadd.s32 $0xFFFF8000  }
0x50c: {  	v18 =	vld [tilespmem:$0x6C0];
	_ =	sdelay $0x4  }
0x50d: {  	v19 =	vshll.u32 v18, $0x3  }
0x50e: {  	v18 =	vand.u32 $0x7, v18;
	v19 =	vand.u32 $0xFFFFFFC0, v19  }
0x50f: {  	v18 =	vor.u32 v18, v19  }
0x510: {  	v19 =	vperm.xlane v18, v15;
	_ =	sdelay $0x1  }
0x511: {  	v19 =	vadd.s32 v16, v19;
	_ =	sdelay $0x4  }
0x512: {  	[tilespmem:s23], [sflag:$0x2] =	stream.indirect_vreg.gather [hbm4b:s1+s4], $0x80, v19, vm0, $0xb8;
	[tilespmem:$0x1A190] =	vst v63  }
0x513: {  	v18 =	vperm.xlane v18, v17;
	s23 =	simm.s32 $0xA990  }
0x514: {  	[tilespmem:s23], [sflag:$0x2] =	stream.indirect_vreg.gather [hbm4b:s8+s4], $0x80, v19, vm0, $0xb8;
	[tilespmem:$0x1A190] =	vst v63  }
0x515: {  	s14 =	simm.s32 $0xB190;
	v18 =	vadd.s32 v16, v18  }
0x516: {  	[tilespmem:s14], [sflag:$0x2] =	stream.indirect_vreg.gather [hbm4b:s10+s4], $0x80, v19, vm0, $0xb8;
	[tilespmem:$0x1A190] =	vst v63  }
0x517: {  	_ = 	snop  }
0x518: {  	[tilespmem:s7], [sflag:$0x2] =	stream.indirect_vreg.gather [hbm4b:s12+s4], $0x80, v19, vm0, $0xb8;
	[tilespmem:$0x1A190] =	vst v63  }
0x519: {  	s7 =	simm.s32 $0xC190  }
0x51a: {  	[tilespmem:s7], [sflag:$0x2] =	stream.indirect_vreg.gather [hbm4b:s1+s4], $0x80, v18, vm0, $0xb8;
	[tilespmem:$0x1A190] =	vst v63  }
0x51b: {  	_ = 	snop  }
0x51c: {  	[tilespmem:s9], [sflag:$0x2] =	stream.indirect_vreg.gather [hbm4b:s8+s4], $0x80, v18, vm0, $0xb8;
	[tilespmem:$0x1A190] =	vst v63  }
0x51d: {  	s24 =	simm.s32 $0xD190  }
0x51e: {  	[tilespmem:s24], [sflag:$0x2] =	stream.indirect_vreg.gather [hbm4b:s10+s4], $0x80, v18, vm0, $0xb8;
	[tilespmem:$0x1A190] =	vst v63  }
0x51f: {  	s22 =	simm.s32 $0xD990  }
0x520: {  	[tilespmem:s22], [sflag:$0x2] =	stream.indirect_vreg.gather [hbm4b:s12+s4], $0x80, v18, vm0, $0xb8;
	[tilespmem:$0x1A190] =	vst v63  }
0x521: {  	v18 =	vld [tilespmem:$0x6D0];
	_ =	sdelay $0x4  }
0x522: {  	v19 =	vshll.u32 v18, $0x3  }
0x523: {  	v18 =	vand.u32 $0x7, v18;
	v19 =	vand.u32 $0xFFFFFFC0, v19  }
0x524: {  	v18 =	vor.u32 v18, v19  }
0x525: {  	v19 =	vperm.xlane v18, v15;
	_ =	sdelay $0x1  }
0x526: {  	v19 =	vadd.s32 v16, v19;
	_ =	sdelay $0x4  }
0x527: {  	[tilespmem:s25], [sflag:$0x2] =	stream.indirect_vreg.gather [hbm4b:s1+s4], $0x80, v19, vm0, $0xb8;
	[tilespmem:$0x1A190] =	vst v63  }
0x528: {  	v18 =	vperm.xlane v18, v17  }
0x529: {  	[tilespmem:s26], [sflag:$0x2] =	stream.indirect_vreg.gather [hbm4b:s8+s4], $0x80, v19, vm0, $0xb8;
	[tilespmem:$0x1A190] =	vst v63  }
0x52a: {  	s20 =	simm.s32 $0xF190;
	v18 =	vadd.s32 v16, v18  }
0x52b: {  	[tilespmem:s20], [sflag:$0x2] =	stream.indirect_vreg.gather [hbm4b:s10+s4], $0x80, v19, vm0, $0xb8;
	[tilespmem:$0x1A190] =	vst v63  }
0x52c: {  	_ = 	snop  }
0x52d: {  	[tilespmem:s13], [sflag:$0x2] =	stream.indirect_vreg.gather [hbm4b:s12+s4], $0x80, v19, vm0, $0xb8;
	[tilespmem:$0x1A190] =	vst v63  }
0x52e: {  	s30 =	simm.s32 $0x10190  }
0x52f: {  	[tilespmem:s30], [sflag:$0x2] =	stream.indirect_vreg.gather [hbm4b:s1+s4], $0x80, v18, vm0, $0xb8;
	[tilespmem:$0x1A190] =	vst v63  }
0x530: {  	s11 =	simm.s32 $0x10990  }
0x531: {  	[tilespmem:s11], [sflag:$0x2] =	stream.indirect_vreg.gather [hbm4b:s8+s4], $0x80, v18, vm0, $0xb8;
	[tilespmem:$0x1A190] =	vst v63  }
0x532: {  	s21 =	simm.s32 $0x11190  }
0x533: {  	[tilespmem:s21], [sflag:$0x2] =	stream.indirect_vreg.gather [hbm4b:s10+s4], $0x80, v18, vm0, $0xb8;
	[tilespmem:$0x1A190] =	vst v63  }
0x534: {  	s29 =	simm.s32 $0x11990  }
0x535: {  	[tilespmem:s29], [sflag:$0x2] =	stream.indirect_vreg.gather [hbm4b:s12+s4], $0x80, v18, vm0, $0xb8;
	[tilespmem:$0x1A190] =	vst v63  }
0x536: {  	s15 =	simm.s32 $0x12190;
	s13 =	rddreg [dreg:$0x1c]  }
0x537: {  	[hbm4b:s13+s4] =	stream.linear.scatter [tilespmem:s15], [sflag:$0x6], $0x8000, $0x38;
	[tilespmem:$0x1A190] =	vst v63  }
0x538: {  	_ =	swait.ge [sflag:s31], $0x8000  }
0x539: {  	[sflag:s31] =	ssyncset.done $0x0  }
0x53a: {  	[sflag:s31] =	ssyncadd.s32 $0xFFFF8000  }
0x53b: {  	_ =	swait.ge [sflag:s16], $0x8000  }
0x53c: {  	[sflag:s16] =	ssyncset.done $0x0  }
0x53d: {  	[sflag:s16] =	ssyncadd.s32 $0xFFFF8000  }
0x53e: {  	v18 =	vld [tilespmem:$0x6E0];
	_ =	sdelay $0x4  }
0x53f: {  	v19 =	vshll.u32 v18, $0x3  }
0x540: {  	v18 =	vand.u32 $0x7, v18;
	v19 =	vand.u32 $0xFFFFFFC0, v19  }
0x541: {  	v18 =	vor.u32 v18, v19  }
0x542: {  	v19 =	vperm.xlane v18, v15;
	_ =	sdelay $0x1  }
0x543: {  	v19 =	vadd.s32 v16, v19;
	_ =	sdelay $0x4  }
0x544: {  	[tilespmem:s15], [sflag:$0x3] =	stream.indirect_vreg.gather [hbm4b:s1+s4], $0x80, v19, vm0, $0xb8;
	[tilespmem:$0x1A190] =	vst v63  }
0x545: {  	v18 =	vperm.xlane v18, v17  }
0x546: {  	[tilespmem:s28], [sflag:$0x3] =	stream.indirect_vreg.gather [hbm4b:s8+s4], $0x80, v19, vm0, $0xb8;
	[tilespmem:$0x1A190] =	vst v63  }
0x547: {  	v18 =	vadd.s32 v16, v18;
	s28 =	simm.s32 $0x13190  }
0x548: {  	[tilespmem:s28], [sflag:$0x3] =	stream.indirect_vreg.gather [hbm4b:s10+s4], $0x80, v19, vm0, $0xb8;
	[tilespmem:$0x1A190] =	vst v63  }
0x549: {  	s19 =	simm.s32 $0x13990  }
0x54a: {  	[tilespmem:s19], [sflag:$0x3] =	stream.indirect_vreg.gather [hbm4b:s12+s4], $0x80, v19, vm0, $0xb8;
	[tilespmem:$0x1A190] =	vst v63  }
0x54b: {  	s24 =	simm.s32 $0x14190  }
0x54c: {  	[tilespmem:s24], [sflag:$0x3] =	stream.indirect_vreg.gather [hbm4b:s1+s4], $0x80, v18, vm0, $0xb8;
	[tilespmem:$0x1A190] =	vst v63  }
0x54d: {  	s15 =	simm.s32 $0x14990  }
0x54e: {  	[tilespmem:s15], [sflag:$0x3] =	stream.indirect_vreg.gather [hbm4b:s8+s4], $0x80, v18, vm0, $0xb8;
	[tilespmem:$0x1A190] =	vst v63  }
0x54f: {  	s19 =	simm.s32 $0x15190  }
0x550: {  	[tilespmem:s19], [sflag:$0x3] =	stream.indirect_vreg.gather [hbm4b:s10+s4], $0x80, v18, vm0, $0xb8;
	[tilespmem:$0x1A190] =	vst v63  }
0x551: {  	_ = 	snop  }
0x552: {  	[tilespmem:s0], [sflag:$0x3] =	stream.indirect_vreg.gather [hbm4b:s12+s4], $0x80, v18, vm0, $0xb8;
	[tilespmem:$0x1A190] =	vst v63  }
0x553: {  	v18 =	vld [tilespmem:$0x6F0];
	_ =	sdelay $0x4  }
0x554: {  	v19 =	vshll.u32 v18, $0x3  }
0x555: {  	v18 =	vand.u32 $0x7, v18;
	v19 =	vand.u32 $0xFFFFFFC0, v19  }
0x556: {  	v18 =	vor.u32 v18, v19  }
0x557: {  	v19 =	vperm.xlane v18, v15;
	_ =	sdelay $0x1  }
0x558: {  	v19 =	vadd.s32 v16, v19;
	_ =	sdelay $0x4  }
0x559: {  	[tilespmem:s17], [sflag:$0x3] =	stream.indirect_vreg.gather [hbm4b:s1+s4], $0x80, v19, vm0, $0xb8;
	[tilespmem:$0x1A190] =	vst v63  }
0x55a: {  	v18 =	vperm.xlane v18, v17  }
0x55b: {  	[tilespmem:s18], [sflag:$0x3] =	stream.indirect_vreg.gather [hbm4b:s8+s4], $0x80, v19, vm0, $0xb8;
	[tilespmem:$0x1A190] =	vst v63  }
0x55c: {  	v18 =	vadd.s32 v16, v18;
	s17 =	simm.s32 $0x17190  }
0x55d: {  	[tilespmem:s17], [sflag:$0x3] =	stream.indirect_vreg.gather [hbm4b:s10+s4], $0x80, v19, vm0, $0xb8;
	[tilespmem:$0x1A190] =	vst v63  }
0x55e: {  	s18 =	simm.s32 $0x17990  }
0x55f: {  	[tilespmem:s18], [sflag:$0x3] =	stream.indirect_vreg.gather [hbm4b:s12+s4], $0x80, v19, vm0, $0xb8;
	[tilespmem:$0x1A190] =	vst v63  }
0x560: {  	s24 =	simm.s32 $0x18190  }
0x561: {  	[tilespmem:s24], [sflag:$0x3] =	stream.indirect_vreg.gather [hbm4b:s1+s4], $0x80, v18, vm0, $0xb8;
	[tilespmem:$0x1A190] =	vst v63  }
0x562: {  	s26 =	simm.s32 $0x18990  }
0x563: {  	[tilespmem:s26], [sflag:$0x3] =	stream.indirect_vreg.gather [hbm4b:s8+s4], $0x80, v18, vm0, $0xb8;
	[tilespmem:$0x1A190] =	vst v63  }
0x564: {  	s29 =	simm.s32 $0x19190  }
0x565: {  	[tilespmem:s29], [sflag:$0x3] =	stream.indirect_vreg.gather [hbm4b:s10+s4], $0x80, v18, vm0, $0xb8;
	[tilespmem:$0x1A190] =	vst v63  }
0x566: {  	s25 =	simm.s32 $0x19990  }
0x567: {  	[tilespmem:s25], [sflag:$0x3] =	stream.indirect_vreg.gather [hbm4b:s12+s4], $0x80, v18, vm0, $0xb8;
	[tilespmem:$0x1A190] =	vst v63  }
0x568: {  	s30 =	rddreg [dreg:$0x1d];
	s0 =	simm.s32 $0x2190  }
0x569: {  	[hbm4b:s30+s4] =	stream.linear.scatter [tilespmem:s0], [sflag:$0x4], $0x8000, $0x38;
	[tilespmem:$0x1A190] =	vst v63  }
0x56a: {  	_ =	swait.ge [sflag:s3], $0x8000  }
0x56b: {  	[sflag:s3] =	ssyncset.done $0x0  }
0x56c: {  	[sflag:s3] =	ssyncadd.s32 $0xFFFF8000  }
0x56d: {  	_ =	swait.ge [sflag:s5], $0x8000  }
0x56e: {  	[sflag:s5] =	ssyncset.done $0x0  }
0x56f: {  	[sflag:s5] =	ssyncadd.s32 $0xFFFF8000  }
0x570: {  	v18 =	vld [tilespmem:$0x700];
	_ =	sdelay $0x4  }
0x571: {  	v19 =	vshll.u32 v18, $0x3  }
0x572: {  	v18 =	vand.u32 $0x7, v18;
	v19 =	vand.u32 $0xFFFFFFC0, v19  }
0x573: {  	v18 =	vor.u32 v18, v19  }
0x574: {  	v19 =	vperm.xlane v18, v15;
	_ =	sdelay $0x1  }
0x575: {  	v19 =	vadd.s32 v16, v19;
	_ =	sdelay $0x4  }
0x576: {  	[tilespmem:s0], [sflag:$0x1] =	stream.indirect_vreg.gather [hbm4b:s1+s4], $0x80, v19, vm0, $0xb8;
	[tilespmem:$0x1A190] =	vst v63  }
0x577: {  	s25 =	simm.s32 $0x2990;
	v18 =	vperm.xlane v18, v17  }
0x578: {  	[tilespmem:s25], [sflag:$0x1] =	stream.indirect_vreg.gather [hbm4b:s8+s4], $0x80, v19, vm0, $0xb8;
	[tilespmem:$0x1A190] =	vst v63  }
0x579: {  	s9 =	simm.s32 $0x3190;
	v18 =	vadd.s32 v16, v18  }
0x57a: {  	[tilespmem:s9], [sflag:$0x1] =	stream.indirect_vreg.gather [hbm4b:s10+s4], $0x80, v19, vm0, $0xb8;
	[tilespmem:$0x1A190] =	vst v63  }
0x57b: {  	s11 =	simm.s32 $0x3990  }
0x57c: {  	[tilespmem:s11], [sflag:$0x1] =	stream.indirect_vreg.gather [hbm4b:s12+s4], $0x80, v19, vm0, $0xb8;
	[tilespmem:$0x1A190] =	vst v63  }
0x57d: {  	s13 =	simm.s32 $0x4190  }
0x57e: {  	[tilespmem:s13], [sflag:$0x1] =	stream.indirect_vreg.gather [hbm4b:s1+s4], $0x80, v18, vm0, $0xb8;
	[tilespmem:$0x1A190] =	vst v63  }
0x57f: {  	s30 =	simm.s32 $0x4990  }
0x580: {  	[tilespmem:s30], [sflag:$0x1] =	stream.indirect_vreg.gather [hbm4b:s8+s4], $0x80, v18, vm0, $0xb8;
	[tilespmem:$0x1A190] =	vst v63  }
0x581: {  	s9 =	simm.s32 $0x5190  }
0x582: {  	[tilespmem:s9], [sflag:$0x1] =	stream.indirect_vreg.gather [hbm4b:s10+s4], $0x80, v18, vm0, $0xb8;
	[tilespmem:$0x1A190] =	vst v63  }
0x583: {  	s30 =	simm.s32 $0x5990  }
0x584: {  	[tilespmem:s30], [sflag:$0x1] =	stream.indirect_vreg.gather [hbm4b:s12+s4], $0x80, v18, vm0, $0xb8;
	[tilespmem:$0x1A190] =	vst v63  }
0x585: {  	v18 =	vld [tilespmem:$0x710];
	_ =	sdelay $0x4  }
0x586: {  	v19 =	vshll.u32 v18, $0x3  }
0x587: {  	v18 =	vand.u32 $0x7, v18;
	v19 =	vand.u32 $0xFFFFFFC0, v19  }
0x588: {  	v18 =	vor.u32 v18, v19  }
0x589: {  	v19 =	vperm.xlane v18, v15;
	_ =	sdelay $0x1  }
0x58a: {  	v19 =	vadd.s32 v16, v19;
	_ =	sdelay $0x3  }
0x58b: {  	s11 =	simm.s32 $0x6190  }
0x58c: {  	[tilespmem:s11], [sflag:$0x1] =	stream.indirect_vreg.gather [hbm4b:s1+s4], $0x80, v19, vm0, $0xb8;
	[tilespmem:$0x1A190] =	vst v63  }
0x58d: {  	s13 =	simm.s32 $0x6990;
	v18 =	vperm.xlane v18, v17  }
0x58e: {  	[tilespmem:s13], [sflag:$0x1] =	stream.indirect_vreg.gather [hbm4b:s8+s4], $0x80, v19, vm0, $0xb8;
	[tilespmem:$0x1A190] =	vst v63  }
0x58f: {  	s9 =	simm.s32 $0x7190;
	v18 =	vadd.s32 v16, v18  }
0x590: {  	[tilespmem:s9], [sflag:$0x1] =	stream.indirect_vreg.gather [hbm4b:s10+s4], $0x80, v19, vm0, $0xb8;
	[tilespmem:$0x1A190] =	vst v63  }
0x591: {  	s11 =	simm.s32 $0x7990  }
0x592: {  	[tilespmem:s11], [sflag:$0x1] =	stream.indirect_vreg.gather [hbm4b:s12+s4], $0x80, v19, vm0, $0xb8;
	[tilespmem:$0x1A190] =	vst v63  }
0x593: {  	s13 =	simm.s32 $0x8190  }
0x594: {  	[tilespmem:s13], [sflag:$0x1] =	stream.indirect_vreg.gather [hbm4b:s1+s4], $0x80, v18, vm0, $0xb8;
	[tilespmem:$0x1A190] =	vst v63  }
0x595: {  	s9 =	simm.s32 $0x8990  }
0x596: {  	[tilespmem:s9], [sflag:$0x1] =	stream.indirect_vreg.gather [hbm4b:s8+s4], $0x80, v18, vm0, $0xb8;
	[tilespmem:$0x1A190] =	vst v63  }
0x597: {  	s11 =	simm.s32 $0x9190  }
0x598: {  	[tilespmem:s11], [sflag:$0x1] =	stream.indirect_vreg.gather [hbm4b:s10+s4], $0x80, v18, vm0, $0xb8;
	[tilespmem:$0x1A190] =	vst v63  }
0x599: {  	s13 =	simm.s32 $0x9990  }
0x59a: {  	[tilespmem:s13], [sflag:$0x1] =	stream.indirect_vreg.gather [hbm4b:s12+s4], $0x80, v18, vm0, $0xb8;
	[tilespmem:$0x1A190] =	vst v63  }
0x59b: {  	s0 =	rddreg [dreg:$0x1e];
	s9 =	simm.s32 $0xA190  }
0x59c: {  	[hbm4b:s0+s4] =	stream.linear.scatter [tilespmem:s9], [sflag:$0x5], $0x8000, $0x38;
	[tilespmem:$0x1A190] =	vst v63  }
0x59d: {  	_ =	swait.ge [sflag:s6], $0x8000  }
0x59e: {  	[sflag:s6] =	ssyncset.done $0x0  }
0x59f: {  	[sflag:s6] =	ssyncadd.s32 $0xFFFF8000  }
0x5a0: {  	_ =	swait.ge [sflag:s2], $0x8000  }
0x5a1: {  	[sflag:s2] =	ssyncset.done $0x0  }
0x5a2: {  	[sflag:s2] =	ssyncadd.s32 $0xFFFF8000  }
0x5a3: {  	v18 =	vld [tilespmem:$0x720];
	_ =	sdelay $0x4  }
0x5a4: {  	v19 =	vshll.u32 v18, $0x3  }
0x5a5: {  	v18 =	vand.u32 $0x7, v18;
	v19 =	vand.u32 $0xFFFFFFC0, v19  }
0x5a6: {  	v18 =	vor.u32 v18, v19  }
0x5a7: {  	v19 =	vperm.xlane v18, v15;
	_ =	sdelay $0x1  }
0x5a8: {  	v19 =	vadd.s32 v16, v19;
	_ =	sdelay $0x4  }
0x5a9: {  	[tilespmem:s9], [sflag:$0x2] =	stream.indirect_vreg.gather [hbm4b:s1+s4], $0x80, v19, vm0, $0xb8;
	[tilespmem:$0x1A190] =	vst v63  }
0x5aa: {  	v18 =	vperm.xlane v18, v17  }
0x5ab: {  	[tilespmem:s23], [sflag:$0x2] =	stream.indirect_vreg.gather [hbm4b:s8+s4], $0x80, v19, vm0, $0xb8;
	[tilespmem:$0x1A190] =	vst v63  }
0x5ac: {  	v18 =	vadd.s32 v16, v18  }
0x5ad: {  	[tilespmem:s14], [sflag:$0x2] =	stream.indirect_vreg.gather [hbm4b:s10+s4], $0x80, v19, vm0, $0xb8;
	[tilespmem:$0x1A190] =	vst v63  }
0x5ae: {  	s9 =	simm.s32 $0xB990  }
0x5af: {  	[tilespmem:s9], [sflag:$0x2] =	stream.indirect_vreg.gather [hbm4b:s12+s4], $0x80, v19, vm0, $0xb8;
	[tilespmem:$0x1A190] =	vst v63  }
0x5b0: {  	_ = 	snop  }
0x5b1: {  	[tilespmem:s7], [sflag:$0x2] =	stream.indirect_vreg.gather [hbm4b:s1+s4], $0x80, v18, vm0, $0xb8;
	[tilespmem:$0x1A190] =	vst v63  }
0x5b2: {  	s7 =	simm.s32 $0xC990  }
0x5b3: {  	[tilespmem:s7], [sflag:$0x2] =	stream.indirect_vreg.gather [hbm4b:s8+s4], $0x80, v18, vm0, $0xb8;
	[tilespmem:$0x1A190] =	vst v63  }
0x5b4: {  	s23 =	simm.s32 $0xD190  }
0x5b5: {  	[tilespmem:s23], [sflag:$0x2] =	stream.indirect_vreg.gather [hbm4b:s10+s4], $0x80, v18, vm0, $0xb8;
	[tilespmem:$0x1A190] =	vst v63  }
0x5b6: {  	_ = 	snop  }
0x5b7: {  	[tilespmem:s22], [sflag:$0x2] =	stream.indirect_vreg.gather [hbm4b:s12+s4], $0x80, v18, vm0, $0xb8;
	[tilespmem:$0x1A190] =	vst v63  }
0x5b8: {  	v18 =	vld [tilespmem:$0x730];
	_ =	sdelay $0x4  }
0x5b9: {  	v19 =	vshll.u32 v18, $0x3  }
0x5ba: {  	v18 =	vand.u32 $0x7, v18;
	v19 =	vand.u32 $0xFFFFFFC0, v19  }
0x5bb: {  	v18 =	vor.u32 v18, v19  }
0x5bc: {  	v19 =	vperm.xlane v18, v15;
	_ =	sdelay $0x1  }
0x5bd: {  	v19 =	vadd.s32 v16, v19;
	_ =	sdelay $0x3  }
0x5be: {  	s22 =	simm.s32 $0xE190  }
0x5bf: {  	[tilespmem:s22], [sflag:$0x2] =	stream.indirect_vreg.gather [hbm4b:s1+s4], $0x80, v19, vm0, $0xb8;
	[tilespmem:$0x1A190] =	vst v63  }
0x5c0: {  	s14 =	simm.s32 $0xE990;
	v18 =	vperm.xlane v18, v17  }
0x5c1: {  	[tilespmem:s14], [sflag:$0x2] =	stream.indirect_vreg.gather [hbm4b:s8+s4], $0x80, v19, vm0, $0xb8;
	[tilespmem:$0x1A190] =	vst v63  }
0x5c2: {  	v18 =	vadd.s32 v16, v18  }
0x5c3: {  	[tilespmem:s20], [sflag:$0x2] =	stream.indirect_vreg.gather [hbm4b:s10+s4], $0x80, v19, vm0, $0xb8;
	[tilespmem:$0x1A190] =	vst v63  }
0x5c4: {  	s13 =	simm.s32 $0xF990  }
0x5c5: {  	[tilespmem:s13], [sflag:$0x2] =	stream.indirect_vreg.gather [hbm4b:s12+s4], $0x80, v19, vm0, $0xb8;
	[tilespmem:$0x1A190] =	vst v63  }
0x5c6: {  	s20 =	simm.s32 $0x10190  }
0x5c7: {  	[tilespmem:s20], [sflag:$0x2] =	stream.indirect_vreg.gather [hbm4b:s1+s4], $0x80, v18, vm0, $0xb8;
	[tilespmem:$0x1A190] =	vst v63  }
0x5c8: {  	s11 =	simm.s32 $0x10990  }
0x5c9: {  	[tilespmem:s11], [sflag:$0x2] =	stream.indirect_vreg.gather [hbm4b:s8+s4], $0x80, v18, vm0, $0xb8;
	[tilespmem:$0x1A190] =	vst v63  }
0x5ca: {  	_ = 	snop  }
0x5cb: {  	[tilespmem:s21], [sflag:$0x2] =	stream.indirect_vreg.gather [hbm4b:s10+s4], $0x80, v18, vm0, $0xb8;
	[tilespmem:$0x1A190] =	vst v63  }
0x5cc: {  	s21 =	simm.s32 $0x11990  }
0x5cd: {  	[tilespmem:s21], [sflag:$0x2] =	stream.indirect_vreg.gather [hbm4b:s12+s4], $0x80, v18, vm0, $0xb8;
	[tilespmem:$0x1A190] =	vst v63  }
0x5ce: {  	s0 =	rddreg [dreg:$0x1f];
	s21 =	simm.s32 $0x12190  }
0x5cf: {  	[hbm4b:s0+s4] =	stream.linear.scatter [tilespmem:s21], [sflag:$0x6], $0x8000, $0x38;
	[tilespmem:$0x1A190] =	vst v63  }
0x5d0: {  	_ =	swait.ge [sflag:s31], $0x8000  }
0x5d1: {  	[sflag:s31] =	ssyncset.done $0x0  }
0x5d2: {  	[sflag:s31] =	ssyncadd.s32 $0xFFFF8000  }
0x5d3: {  	_ =	swait.ge [sflag:s16], $0x8000  }
0x5d4: {  	[sflag:s16] =	ssyncset.done $0x0  }
0x5d5: {  	[sflag:s16] =	ssyncadd.s32 $0xFFFF8000  }
0x5d6: {  	v18 =	vld [tilespmem:$0x740];
	_ =	sdelay $0x4  }
0x5d7: {  	v19 =	vshll.u32 v18, $0x3  }
0x5d8: {  	v18 =	vand.u32 $0x7, v18;
	v19 =	vand.u32 $0xFFFFFFC0, v19  }
0x5d9: {  	v18 =	vor.u32 v18, v19  }
0x5da: {  	v19 =	vperm.xlane v18, v15;
	_ =	sdelay $0x1  }
0x5db: {  	v19 =	vadd.s32 v16, v19;
	_ =	sdelay $0x4  }
0x5dc: {  	[tilespmem:s21], [sflag:$0x3] =	stream.indirect_vreg.gather [hbm4b:s1+s4], $0x80, v19, vm0, $0xb8;
	[tilespmem:$0x1A190] =	vst v63  }
0x5dd: {  	s11 =	simm.s32 $0x12990;
	v18 =	vperm.xlane v18, v17  }
0x5de: {  	[tilespmem:s11], [sflag:$0x3] =	stream.indirect_vreg.gather [hbm4b:s8+s4], $0x80, v19, vm0, $0xb8;
	[tilespmem:$0x1A190] =	vst v63  }
0x5df: {  	v18 =	vadd.s32 v16, v18  }
0x5e0: {  	[tilespmem:s28], [sflag:$0x3] =	stream.indirect_vreg.gather [hbm4b:s10+s4], $0x80, v19, vm0, $0xb8;
	[tilespmem:$0x1A190] =	vst v63  }
0x5e1: {  	s11 =	simm.s32 $0x13990  }
0x5e2: {  	[tilespmem:s11], [sflag:$0x3] =	stream.indirect_vreg.gather [hbm4b:s12+s4], $0x80, v19, vm0, $0xb8;
	[tilespmem:$0x1A190] =	vst v63  }
0x5e3: {  	s11 =	simm.s32 $0x14190  }
0x5e4: {  	[tilespmem:s11], [sflag:$0x3] =	stream.indirect_vreg.gather [hbm4b:s1+s4], $0x80, v18, vm0, $0xb8;
	[tilespmem:$0x1A190] =	vst v63  }
0x5e5: {  	_ = 	snop  }
0x5e6: {  	[tilespmem:s15], [sflag:$0x3] =	stream.indirect_vreg.gather [hbm4b:s8+s4], $0x80, v18, vm0, $0xb8;
	[tilespmem:$0x1A190] =	vst v63  }
0x5e7: {  	_ = 	snop  }
0x5e8: {  	[tilespmem:s19], [sflag:$0x3] =	stream.indirect_vreg.gather [hbm4b:s10+s4], $0x80, v18, vm0, $0xb8;
	[tilespmem:$0x1A190] =	vst v63  }
0x5e9: {  	s11 =	simm.s32 $0x15990  }
0x5ea: {  	[tilespmem:s11], [sflag:$0x3] =	stream.indirect_vreg.gather [hbm4b:s12+s4], $0x80, v18, vm0, $0xb8;
	[tilespmem:$0x1A190] =	vst v63  }
0x5eb: {  	v18 =	vld [tilespmem:$0x750];
	_ =	sdelay $0x4  }
0x5ec: {  	v19 =	vshll.u32 v18, $0x3  }
0x5ed: {  	v18 =	vand.u32 $0x7, v18;
	v19 =	vand.u32 $0xFFFFFFC0, v19  }
0x5ee: {  	v18 =	vor.u32 v18, v19  }
0x5ef: {  	v19 =	vperm.xlane v18, v15;
	_ =	sdelay $0x1  }
0x5f0: {  	v19 =	vadd.s32 v16, v19;
	_ =	sdelay $0x3  }
0x5f1: {  	s15 =	simm.s32 $0x16190  }
0x5f2: {  	[tilespmem:s15], [sflag:$0x3] =	stream.indirect_vreg.gather [hbm4b:s1+s4], $0x80, v19, vm0, $0xb8;
	[tilespmem:$0x1A190] =	vst v63  }
0x5f3: {  	s19 =	simm.s32 $0x16990;
	v18 =	vperm.xlane v18, v17  }
0x5f4: {  	[tilespmem:s19], [sflag:$0x3] =	stream.indirect_vreg.gather [hbm4b:s8+s4], $0x80, v19, vm0, $0xb8;
	[tilespmem:$0x1A190] =	vst v63  }
0x5f5: {  	v18 =	vadd.s32 v16, v18  }
0x5f6: {  	[tilespmem:s17], [sflag:$0x3] =	stream.indirect_vreg.gather [hbm4b:s10+s4], $0x80, v19, vm0, $0xb8;
	[tilespmem:$0x1A190] =	vst v63  }
0x5f7: {  	_ = 	snop  }
0x5f8: {  	[tilespmem:s18], [sflag:$0x3] =	stream.indirect_vreg.gather [hbm4b:s12+s4], $0x80, v19, vm0, $0xb8;
	[tilespmem:$0x1A190] =	vst v63  }
0x5f9: {  	_ = 	snop  }
0x5fa: {  	[tilespmem:s24], [sflag:$0x3] =	stream.indirect_vreg.gather [hbm4b:s1+s4], $0x80, v18, vm0, $0xb8;
	[tilespmem:$0x1A190] =	vst v63  }
0x5fb: {  	_ = 	snop  }
0x5fc: {  	[tilespmem:s26], [sflag:$0x3] =	stream.indirect_vreg.gather [hbm4b:s8+s4], $0x80, v18, vm0, $0xb8;
	[tilespmem:$0x1A190] =	vst v63  }
0x5fd: {  	_ = 	snop  }
0x5fe: {  	[tilespmem:s29], [sflag:$0x3] =	stream.indirect_vreg.gather [hbm4b:s10+s4], $0x80, v18, vm0, $0xb8;
	[tilespmem:$0x1A190] =	vst v63  }
0x5ff: {  	s0 =	sld [smem:$0x7F6];
	s29 =	simm.s32 $0x19990  }
0x600: {  	[tilespmem:s29], [sflag:$0x3] =	stream.indirect_vreg.gather [hbm4b:s12+s4], $0x80, v18, vm0, $0xb8;
	[tilespmem:$0x1A190] =	vst v63  }
0x601: {  	s15 =	simm.s32 $0x2190  }
0x602: {  	[hbm4b:s0+s4] =	stream.linear.scatter [tilespmem:s15], [sflag:$0x4], $0x8000, $0x38;
	[tilespmem:$0x1A190] =	vst v63  }
0x603: {  	_ =	swait.ge [sflag:s3], $0x8000  }
0x604: {  	[sflag:s3] =	ssyncset.done $0x0  }
0x605: {  	[sflag:s3] =	ssyncadd.s32 $0xFFFF8000  }
0x606: {  	_ =	swait.ge [sflag:s5], $0x8000  }
0x607: {  	[sflag:s5] =	ssyncset.done $0x0  }
0x608: {  	[sflag:s5] =	ssyncadd.s32 $0xFFFF8000  }
0x609: {  	v18 =	vld [tilespmem:$0x760];
	_ =	sdelay $0x4  }
0x60a: {  	v19 =	vshll.u32 v18, $0x3  }
0x60b: {  	v18 =	vand.u32 $0x7, v18;
	v19 =	vand.u32 $0xFFFFFFC0, v19  }
0x60c: {  	v18 =	vor.u32 v18, v19  }
0x60d: {  	v19 =	vperm.xlane v18, v15;
	_ =	sdelay $0x1  }
0x60e: {  	v19 =	vadd.s32 v16, v19;
	_ =	sdelay $0x4  }
0x60f: {  	[tilespmem:s15], [sflag:$0x1] =	stream.indirect_vreg.gather [hbm4b:s1+s4], $0x80, v19, vm0, $0xb8;
	[tilespmem:$0x1A190] =	vst v63  }
0x610: {  	v18 =	vperm.xlane v18, v17  }
0x611: {  	[tilespmem:s25], [sflag:$0x1] =	stream.indirect_vreg.gather [hbm4b:s8+s4], $0x80, v19, vm0, $0xb8;
	[tilespmem:$0x1A190] =	vst v63  }
0x612: {  	s29 =	simm.s32 $0x3190;
	v18 =	vadd.s32 v16, v18  }
0x613: {  	[tilespmem:s29], [sflag:$0x1] =	stream.indirect_vreg.gather [hbm4b:s10+s4], $0x80, v19, vm0, $0xb8;
	[tilespmem:$0x1A190] =	vst v63  }
0x614: {  	s0 =	simm.s32 $0x3990  }
0x615: {  	[tilespmem:s0], [sflag:$0x1] =	stream.indirect_vreg.gather [hbm4b:s12+s4], $0x80, v19, vm0, $0xb8;
	[tilespmem:$0x1A190] =	vst v63  }
0x616: {  	s29 =	simm.s32 $0x4190  }
0x617: {  	[tilespmem:s29], [sflag:$0x1] =	stream.indirect_vreg.gather [hbm4b:s1+s4], $0x80, v18, vm0, $0xb8;
	[tilespmem:$0x1A190] =	vst v63  }
0x618: {  	s0 =	simm.s32 $0x4990  }
0x619: {  	[tilespmem:s0], [sflag:$0x1] =	stream.indirect_vreg.gather [hbm4b:s8+s4], $0x80, v18, vm0, $0xb8;
	[tilespmem:$0x1A190] =	vst v63  }
0x61a: {  	s29 =	simm.s32 $0x5190  }
0x61b: {  	[tilespmem:s29], [sflag:$0x1] =	stream.indirect_vreg.gather [hbm4b:s10+s4], $0x80, v18, vm0, $0xb8;
	[tilespmem:$0x1A190] =	vst v63  }
0x61c: {  	_ = 	snop  }
0x61d: {  	[tilespmem:s30], [sflag:$0x1] =	stream.indirect_vreg.gather [hbm4b:s12+s4], $0x80, v18, vm0, $0xb8;
	[tilespmem:$0x1A190] =	vst v63  }
0x61e: {  	v18 =	vld [tilespmem:$0x770];
	_ =	sdelay $0x4  }
0x61f: {  	v19 =	vshll.u32 v18, $0x3  }
0x620: {  	v18 =	vand.u32 $0x7, v18;
	v19 =	vand.u32 $0xFFFFFFC0, v19  }
0x621: {  	v18 =	vor.u32 v18, v19  }
0x622: {  	v19 =	vperm.xlane v18, v15;
	_ =	sdelay $0x1  }
0x623: {  	v19 =	vadd.s32 v16, v19;
	_ =	sdelay $0x3  }
0x624: {  	s30 =	simm.s32 $0x6190  }
0x625: {  	[tilespmem:s30], [sflag:$0x1] =	stream.indirect_vreg.gather [hbm4b:s1+s4], $0x80, v19, vm0, $0xb8;
	[tilespmem:$0x1A190] =	vst v63  }
0x626: {  	s0 =	simm.s32 $0x6990;
	v18 =	vperm.xlane v18, v17  }
0x627: {  	[tilespmem:s0], [sflag:$0x1] =	stream.indirect_vreg.gather [hbm4b:s8+s4], $0x80, v19, vm0, $0xb8;
	[tilespmem:$0x1A190] =	vst v63  }
0x628: {  	v18 =	vadd.s32 v16, v18;
	s0 =	simm.s32 $0x7190  }
0x629: {  	[tilespmem:s0], [sflag:$0x1] =	stream.indirect_vreg.gather [hbm4b:s10+s4], $0x80, v19, vm0, $0xb8;
	[tilespmem:$0x1A190] =	vst v63  }
0x62a: {  	s0 =	simm.s32 $0x7990  }
0x62b: {  	[tilespmem:s0], [sflag:$0x1] =	stream.indirect_vreg.gather [hbm4b:s12+s4], $0x80, v19, vm0, $0xb8;
	[tilespmem:$0x1A190] =	vst v63  }
0x62c: {  	s0 =	simm.s32 $0x8190  }
0x62d: {  	[tilespmem:s0], [sflag:$0x1] =	stream.indirect_vreg.gather [hbm4b:s1+s4], $0x80, v18, vm0, $0xb8;
	[tilespmem:$0x1A190] =	vst v63  }
0x62e: {  	s0 =	simm.s32 $0x8990  }
0x62f: {  	[tilespmem:s0], [sflag:$0x1] =	stream.indirect_vreg.gather [hbm4b:s8+s4], $0x80, v18, vm0, $0xb8;
	[tilespmem:$0x1A190] =	vst v63  }
0x630: {  	s0 =	simm.s32 $0x9190  }
0x631: {  	[tilespmem:s0], [sflag:$0x1] =	stream.indirect_vreg.gather [hbm4b:s10+s4], $0x80, v18, vm0, $0xb8;
	[tilespmem:$0x1A190] =	vst v63  }
0x632: {  	s11 =	simm.s32 $0x9990  }
0x633: {  	[tilespmem:s11], [sflag:$0x1] =	stream.indirect_vreg.gather [hbm4b:s12+s4], $0x80, v18, vm0, $0xb8;
	[tilespmem:$0x1A190] =	vst v63  }
0x634: {  	s11 =	sld [smem:$0x7F7];
	_ =	sdelay $0x1  }
0x635: {  	s0 =	simm.s32 $0xA190  }
0x636: {  	[hbm4b:s11+s4] =	stream.linear.scatter [tilespmem:s0], [sflag:$0x5], $0x8000, $0x38;
	[tilespmem:$0x1A190] =	vst v63  }
0x637: {  	_ =	swait.ge [sflag:s6], $0x8000  }
0x638: {  	[sflag:s6] =	ssyncset.done $0x0  }
0x639: {  	[sflag:s6] =	ssyncadd.s32 $0xFFFF8000  }
0x63a: {  	_ =	swait.ge [sflag:s2], $0x8000  }
0x63b: {  	[sflag:s2] =	ssyncset.done $0x0  }
0x63c: {  	[sflag:s2] =	ssyncadd.s32 $0xFFFF8000  }
0x63d: {  	v18 =	vld [tilespmem:$0x780];
	_ =	sdelay $0x4  }
0x63e: {  	v19 =	vshll.u32 v18, $0x3  }
0x63f: {  	v18 =	vand.u32 $0x7, v18;
	v19 =	vand.u32 $0xFFFFFFC0, v19  }
0x640: {  	v18 =	vor.u32 v18, v19  }
0x641: {  	v19 =	vperm.xlane v18, v15;
	_ =	sdelay $0x1  }
0x642: {  	v19 =	vadd.s32 v16, v19;
	_ =	sdelay $0x4  }
0x643: {  	[tilespmem:s0], [sflag:$0x2] =	stream.indirect_vreg.gather [hbm4b:s1+s4], $0x80, v19, vm0, $0xb8;
	[tilespmem:$0x1A190] =	vst v63  }
0x644: {  	s11 =	simm.s32 $0xA990;
	v18 =	vperm.xlane v18, v17  }
0x645: {  	[tilespmem:s11], [sflag:$0x2] =	stream.indirect_vreg.gather [hbm4b:s8+s4], $0x80, v19, vm0, $0xb8;
	[tilespmem:$0x1A190] =	vst v63  }
0x646: {  	v18 =	vadd.s32 v16, v18;
	s11 =	simm.s32 $0xB190  }
0x647: {  	[tilespmem:s11], [sflag:$0x2] =	stream.indirect_vreg.gather [hbm4b:s10+s4], $0x80, v19, vm0, $0xb8;
	[tilespmem:$0x1A190] =	vst v63  }
0x648: {  	_ = 	snop  }
0x649: {  	[tilespmem:s9], [sflag:$0x2] =	stream.indirect_vreg.gather [hbm4b:s12+s4], $0x80, v19, vm0, $0xb8;
	[tilespmem:$0x1A190] =	vst v63  }
0x64a: {  	s11 =	simm.s32 $0xC190  }
0x64b: {  	[tilespmem:s11], [sflag:$0x2] =	stream.indirect_vreg.gather [hbm4b:s1+s4], $0x80, v18, vm0, $0xb8;
	[tilespmem:$0x1A190] =	vst v63  }
0x64c: {  	_ = 	snop  }
0x64d: {  	[tilespmem:s7], [sflag:$0x2] =	stream.indirect_vreg.gather [hbm4b:s8+s4], $0x80, v18, vm0, $0xb8;
	[tilespmem:$0x1A190] =	vst v63  }
0x64e: {  	_ = 	snop  }
0x64f: {  	[tilespmem:s23], [sflag:$0x2] =	stream.indirect_vreg.gather [hbm4b:s10+s4], $0x80, v18, vm0, $0xb8;
	[tilespmem:$0x1A190] =	vst v63  }
0x650: {  	s11 =	simm.s32 $0xD990  }
0x651: {  	[tilespmem:s11], [sflag:$0x2] =	stream.indirect_vreg.gather [hbm4b:s12+s4], $0x80, v18, vm0, $0xb8;
	[tilespmem:$0x1A190] =	vst v63  }
0x652: {  	v18 =	vld [tilespmem:$0x790];
	_ =	sdelay $0x4  }
0x653: {  	v19 =	vshll.u32 v18, $0x3  }
0x654: {  	v18 =	vand.u32 $0x7, v18;
	v19 =	vand.u32 $0xFFFFFFC0, v19  }
0x655: {  	v18 =	vor.u32 v18, v19  }
0x656: {  	v19 =	vperm.xlane v18, v15;
	_ =	sdelay $0x1  }
0x657: {  	v19 =	vadd.s32 v16, v19;
	_ =	sdelay $0x4  }
0x658: {  	[tilespmem:s22], [sflag:$0x2] =	stream.indirect_vreg.gather [hbm4b:s1+s4], $0x80, v19, vm0, $0xb8;
	[tilespmem:$0x1A190] =	vst v63  }
0x659: {  	v18 =	vperm.xlane v18, v17  }
0x65a: {  	[tilespmem:s14], [sflag:$0x2] =	stream.indirect_vreg.gather [hbm4b:s8+s4], $0x80, v19, vm0, $0xb8;
	[tilespmem:$0x1A190] =	vst v63  }
0x65b: {  	v18 =	vadd.s32 v16, v18;
	s22 =	simm.s32 $0xF190  }
0x65c: {  	[tilespmem:s22], [sflag:$0x2] =	stream.indirect_vreg.gather [hbm4b:s10+s4], $0x80, v19, vm0, $0xb8;
	[tilespmem:$0x1A190] =	vst v63  }
0x65d: {  	_ = 	snop  }
0x65e: {  	[tilespmem:s13], [sflag:$0x2] =	stream.indirect_vreg.gather [hbm4b:s12+s4], $0x80, v19, vm0, $0xb8;
	[tilespmem:$0x1A190] =	vst v63  }
0x65f: {  	_ = 	snop  }
0x660: {  	[tilespmem:s20], [sflag:$0x2] =	stream.indirect_vreg.gather [hbm4b:s1+s4], $0x80, v18, vm0, $0xb8;
	[tilespmem:$0x1A190] =	vst v63  }
0x661: {  	s22 =	simm.s32 $0x10990  }
0x662: {  	[tilespmem:s22], [sflag:$0x2] =	stream.indirect_vreg.gather [hbm4b:s8+s4], $0x80, v18, vm0, $0xb8;
	[tilespmem:$0x1A190] =	vst v63  }
0x663: {  	s11 =	simm.s32 $0x11190  }
0x664: {  	[tilespmem:s11], [sflag:$0x2] =	stream.indirect_vreg.gather [hbm4b:s10+s4], $0x80, v18, vm0, $0xb8;
	[tilespmem:$0x1A190] =	vst v63  }
0x665: {  	s11 =	simm.s32 $0x11990  }
0x666: {  	[tilespmem:s11], [sflag:$0x2] =	stream.indirect_vreg.gather [hbm4b:s12+s4], $0x80, v18, vm0, $0xb8;
	[tilespmem:$0x1A190] =	vst v63  }
0x667: {  	s11 =	sld [smem:$0x7F8];
	_ =	sdelay $0x1  }
0x668: {  	s21 =	simm.s32 $0x12190  }
0x669: {  	[hbm4b:s11+s4] =	stream.linear.scatter [tilespmem:s21], [sflag:$0x6], $0x8000, $0x38;
	[tilespmem:$0x1A190] =	vst v63  }
0x66a: {  	_ =	swait.ge [sflag:s31], $0x8000  }
0x66b: {  	[sflag:s31] =	ssyncset.done $0x0  }
0x66c: {  	[sflag:s31] =	ssyncadd.s32 $0xFFFF8000  }
0x66d: {  	_ =	swait.ge [sflag:s16], $0x8000  }
0x66e: {  	[sflag:s16] =	ssyncset.done $0x0  }
0x66f: {  	[sflag:s16] =	ssyncadd.s32 $0xFFFF8000  }
0x670: {  	v18 =	vld [tilespmem:$0x7A0];
	_ =	sdelay $0x4  }
0x671: {  	v19 =	vshll.u32 v18, $0x3  }
0x672: {  	v18 =	vand.u32 $0x7, v18;
	v19 =	vand.u32 $0xFFFFFFC0, v19  }
0x673: {  	v18 =	vor.u32 v18, v19  }
0x674: {  	v19 =	vperm.xlane v18, v15;
	_ =	sdelay $0x1  }
0x675: {  	v19 =	vadd.s32 v16, v19;
	_ =	sdelay $0x4  }
0x676: {  	[tilespmem:s21], [sflag:$0x3] =	stream.indirect_vreg.gather [hbm4b:s1+s4], $0x80, v19, vm0, $0xb8;
	[tilespmem:$0x1A190] =	vst v63  }
0x677: {  	s11 =	simm.s32 $0x12990;
	v18 =	vperm.xlane v18, v17  }
0x678: {  	[tilespmem:s11], [sflag:$0x3] =	stream.indirect_vreg.gather [hbm4b:s8+s4], $0x80, v19, vm0, $0xb8;
	[tilespmem:$0x1A190] =	vst v63  }
0x679: {  	s28 =	simm.s32 $0x13190;
	v18 =	vadd.s32 v16, v18  }
0x67a: {  	[tilespmem:s28], [sflag:$0x3] =	stream.indirect_vreg.gather [hbm4b:s10+s4], $0x80, v19, vm0, $0xb8;
	[tilespmem:$0x1A190] =	vst v63  }
0x67b: {  	s28 =	simm.s32 $0x13990  }
0x67c: {  	[tilespmem:s28], [sflag:$0x3] =	stream.indirect_vreg.gather [hbm4b:s12+s4], $0x80, v19, vm0, $0xb8;
	[tilespmem:$0x1A190] =	vst v63  }
0x67d: {  	s28 =	simm.s32 $0x14190  }
0x67e: {  	[tilespmem:s28], [sflag:$0x3] =	stream.indirect_vreg.gather [hbm4b:s1+s4], $0x80, v18, vm0, $0xb8;
	[tilespmem:$0x1A190] =	vst v63  }
0x67f: {  	s28 =	simm.s32 $0x14990  }
0x680: {  	[tilespmem:s28], [sflag:$0x3] =	stream.indirect_vreg.gather [hbm4b:s8+s4], $0x80, v18, vm0, $0xb8;
	[tilespmem:$0x1A190] =	vst v63  }
0x681: {  	s28 =	simm.s32 $0x15190  }
0x682: {  	[tilespmem:s28], [sflag:$0x3] =	stream.indirect_vreg.gather [hbm4b:s10+s4], $0x80, v18, vm0, $0xb8;
	[tilespmem:$0x1A190] =	vst v63  }
0x683: {  	s28 =	simm.s32 $0x15990  }
0x684: {  	[tilespmem:s28], [sflag:$0x3] =	stream.indirect_vreg.gather [hbm4b:s12+s4], $0x80, v18, vm0, $0xb8;
	[tilespmem:$0x1A190] =	vst v63  }
0x685: {  	v18 =	vld [tilespmem:$0x7B0];
	_ =	sdelay $0x4  }
0x686: {  	v19 =	vshll.u32 v18, $0x3  }
0x687: {  	v18 =	vand.u32 $0x7, v18;
	v19 =	vand.u32 $0xFFFFFFC0, v19  }
0x688: {  	v18 =	vor.u32 v18, v19  }
0x689: {  	v19 =	vperm.xlane v18, v15;
	_ =	sdelay $0x1  }
0x68a: {  	v19 =	vadd.s32 v16, v19;
	_ =	sdelay $0x3  }
0x68b: {  	s28 =	simm.s32 $0x16190  }
0x68c: {  	[tilespmem:s28], [sflag:$0x3] =	stream.indirect_vreg.gather [hbm4b:s1+s4], $0x80, v19, vm0, $0xb8;
	[tilespmem:$0x1A190] =	vst v63  }
0x68d: {  	v18 =	vperm.xlane v18, v17;
	s28 =	simm.s32 $0x16990  }
0x68e: {  	[tilespmem:s28], [sflag:$0x3] =	stream.indirect_vreg.gather [hbm4b:s8+s4], $0x80, v19, vm0, $0xb8;
	[tilespmem:$0x1A190] =	vst v63  }
0x68f: {  	s17 =	simm.s32 $0x17190;
	v18 =	vadd.s32 v16, v18  }
0x690: {  	[tilespmem:s17], [sflag:$0x3] =	stream.indirect_vreg.gather [hbm4b:s10+s4], $0x80, v19, vm0, $0xb8;
	[tilespmem:$0x1A190] =	vst v63  }
0x691: {  	s18 =	simm.s32 $0x17990  }
0x692: {  	[tilespmem:s18], [sflag:$0x3] =	stream.indirect_vreg.gather [hbm4b:s12+s4], $0x80, v19, vm0, $0xb8;
	[tilespmem:$0x1A190] =	vst v63  }
0x693: {  	s19 =	simm.s32 $0x18190  }
0x694: {  	[tilespmem:s19], [sflag:$0x3] =	stream.indirect_vreg.gather [hbm4b:s1+s4], $0x80, v18, vm0, $0xb8;
	[tilespmem:$0x1A190] =	vst v63  }
0x695: {  	s24 =	simm.s32 $0x18990  }
0x696: {  	[tilespmem:s24], [sflag:$0x3] =	stream.indirect_vreg.gather [hbm4b:s8+s4], $0x80, v18, vm0, $0xb8;
	[tilespmem:$0x1A190] =	vst v63  }
0x697: {  	s26 =	simm.s32 $0x19190  }
0x698: {  	[tilespmem:s26], [sflag:$0x3] =	stream.indirect_vreg.gather [hbm4b:s10+s4], $0x80, v18, vm0, $0xb8;
	[tilespmem:$0x1A190] =	vst v63  }
0x699: {  	s17 =	simm.s32 $0x19990;
	s18 =	sld [smem:$0x7F9]  }
0x69a: {  	[tilespmem:s17], [sflag:$0x3] =	stream.indirect_vreg.gather [hbm4b:s12+s4], $0x80, v18, vm0, $0xb8;
	[tilespmem:$0x1A190] =	vst v63  }
0x69b: {  	s15 =	simm.s32 $0x2190  }
0x69c: {  	[hbm4b:s18+s4] =	stream.linear.scatter [tilespmem:s15], [sflag:$0x4], $0x8000, $0x38;
	[tilespmem:$0x1A190] =	vst v63  }
0x69d: {  	_ =	swait.ge [sflag:s3], $0x8000  }
0x69e: {  	[sflag:s3] =	ssyncset.done $0x0  }
0x69f: {  	[sflag:s3] =	ssyncadd.s32 $0xFFFF8000  }
0x6a0: {  	_ =	swait.ge [sflag:s5], $0x8000  }
0x6a1: {  	[sflag:s5] =	ssyncset.done $0x0  }
0x6a2: {  	[sflag:s5] =	ssyncadd.s32 $0xFFFF8000  }
0x6a3: {  	v18 =	vld [tilespmem:$0x7C0];
	_ =	sdelay $0x4  }
0x6a4: {  	v19 =	vshll.u32 v18, $0x3  }
0x6a5: {  	v18 =	vand.u32 $0x7, v18;
	v19 =	vand.u32 $0xFFFFFFC0, v19  }
0x6a6: {  	v18 =	vor.u32 v18, v19  }
0x6a7: {  	v19 =	vperm.xlane v18, v15;
	_ =	sdelay $0x1  }
0x6a8: {  	v19 =	vadd.s32 v16, v19;
	_ =	sdelay $0x4  }
0x6a9: {  	[tilespmem:s15], [sflag:$0x1] =	stream.indirect_vreg.gather [hbm4b:s1+s4], $0x80, v19, vm0, $0xb8;
	[tilespmem:$0x1A190] =	vst v63  }
0x6aa: {  	s25 =	simm.s32 $0x2990;
	v18 =	vperm.xlane v18, v17  }
0x6ab: {  	[tilespmem:s25], [sflag:$0x1] =	stream.indirect_vreg.gather [hbm4b:s8+s4], $0x80, v19, vm0, $0xb8;
	[tilespmem:$0x1A190] =	vst v63  }
0x6ac: {  	s19 =	simm.s32 $0x3190;
	v18 =	vadd.s32 v16, v18  }
0x6ad: {  	[tilespmem:s19], [sflag:$0x1] =	stream.indirect_vreg.gather [hbm4b:s10+s4], $0x80, v19, vm0, $0xb8;
	[tilespmem:$0x1A190] =	vst v63  }
0x6ae: {  	s24 =	simm.s32 $0x3990  }
0x6af: {  	[tilespmem:s24], [sflag:$0x1] =	stream.indirect_vreg.gather [hbm4b:s12+s4], $0x80, v19, vm0, $0xb8;
	[tilespmem:$0x1A190] =	vst v63  }
0x6b0: {  	s25 =	simm.s32 $0x4190  }
0x6b1: {  	[tilespmem:s25], [sflag:$0x1] =	stream.indirect_vreg.gather [hbm4b:s1+s4], $0x80, v18, vm0, $0xb8;
	[tilespmem:$0x1A190] =	vst v63  }
0x6b2: {  	s26 =	simm.s32 $0x4990  }
0x6b3: {  	[tilespmem:s26], [sflag:$0x1] =	stream.indirect_vreg.gather [hbm4b:s8+s4], $0x80, v18, vm0, $0xb8;
	[tilespmem:$0x1A190] =	vst v63  }
0x6b4: {  	s28 =	simm.s32 $0x5190  }
0x6b5: {  	[tilespmem:s28], [sflag:$0x1] =	stream.indirect_vreg.gather [hbm4b:s10+s4], $0x80, v18, vm0, $0xb8;
	[tilespmem:$0x1A190] =	vst v63  }
0x6b6: {  	s29 =	simm.s32 $0x5990  }
0x6b7: {  	[tilespmem:s29], [sflag:$0x1] =	stream.indirect_vreg.gather [hbm4b:s12+s4], $0x80, v18, vm0, $0xb8;
	[tilespmem:$0x1A190] =	vst v63  }
0x6b8: {  	v18 =	vld [tilespmem:$0x7D0];
	_ =	sdelay $0x4  }
0x6b9: {  	v19 =	vshll.u32 v18, $0x3  }
0x6ba: {  	v18 =	vand.u32 $0x7, v18;
	v19 =	vand.u32 $0xFFFFFFC0, v19  }
0x6bb: {  	v18 =	vor.u32 v18, v19  }
0x6bc: {  	v19 =	vperm.xlane v18, v15;
	_ =	sdelay $0x1  }
0x6bd: {  	v19 =	vadd.s32 v16, v19;
	_ =	sdelay $0x3  }
0x6be: {  	s30 =	simm.s32 $0x6190  }
0x6bf: {  	[tilespmem:s30], [sflag:$0x1] =	stream.indirect_vreg.gather [hbm4b:s1+s4], $0x80, v19, vm0, $0xb8;
	[tilespmem:$0x1A190] =	vst v63  }
0x6c0: {  	v18 =	vperm.xlane v18, v17;
	s30 =	simm.s32 $0x6990  }
0x6c1: {  	[tilespmem:s30], [sflag:$0x1] =	stream.indirect_vreg.gather [hbm4b:s8+s4], $0x80, v19, vm0, $0xb8;
	[tilespmem:$0x1A190] =	vst v63  }
0x6c2: {  	s17 =	simm.s32 $0x7190;
	v18 =	vadd.s32 v16, v18  }
0x6c3: {  	[tilespmem:s17], [sflag:$0x1] =	stream.indirect_vreg.gather [hbm4b:s10+s4], $0x80, v19, vm0, $0xb8;
	[tilespmem:$0x1A190] =	vst v63  }
0x6c4: {  	s18 =	simm.s32 $0x7990  }
0x6c5: {  	[tilespmem:s18], [sflag:$0x1] =	stream.indirect_vreg.gather [hbm4b:s12+s4], $0x80, v19, vm0, $0xb8;
	[tilespmem:$0x1A190] =	vst v63  }
0x6c6: {  	s19 =	simm.s32 $0x8190  }
0x6c7: {  	[tilespmem:s19], [sflag:$0x1] =	stream.indirect_vreg.gather [hbm4b:s1+s4], $0x80, v18, vm0, $0xb8;
	[tilespmem:$0x1A190] =	vst v63  }
0x6c8: {  	s24 =	simm.s32 $0x8990  }
0x6c9: {  	[tilespmem:s24], [sflag:$0x1] =	stream.indirect_vreg.gather [hbm4b:s8+s4], $0x80, v18, vm0, $0xb8;
	[tilespmem:$0x1A190] =	vst v63  }
0x6ca: {  	s25 =	simm.s32 $0x9190  }
0x6cb: {  	[tilespmem:s25], [sflag:$0x1] =	stream.indirect_vreg.gather [hbm4b:s10+s4], $0x80, v18, vm0, $0xb8;
	[tilespmem:$0x1A190] =	vst v63  }
0x6cc: {  	s26 =	simm.s32 $0x9990;
	s28 =	sld [smem:$0x7FA]  }
0x6cd: {  	[tilespmem:s26], [sflag:$0x1] =	stream.indirect_vreg.gather [hbm4b:s12+s4], $0x80, v18, vm0, $0xb8;
	[tilespmem:$0x1A190] =	vst v63  }
0x6ce: {  	s0 =	simm.s32 $0xA190  }
0x6cf: {  	[hbm4b:s28+s4] =	stream.linear.scatter [tilespmem:s0], [sflag:$0x5], $0x8000, $0x38;
	[tilespmem:$0x1A190] =	vst v63  }
0x6d0: {  	_ =	swait.ge [sflag:s6], $0x8000  }
0x6d1: {  	[sflag:s6] =	ssyncset.done $0x0  }
0x6d2: {  	[sflag:s6] =	ssyncadd.s32 $0xFFFF8000  }
0x6d3: {  	_ =	swait.ge [sflag:s2], $0x8000  }
0x6d4: {  	[sflag:s2] =	ssyncset.done $0x0  }
0x6d5: {  	[sflag:s2] =	ssyncadd.s32 $0xFFFF8000  }
0x6d6: {  	v18 =	vld [tilespmem:$0x7E0];
	_ =	sdelay $0x4  }
0x6d7: {  	v19 =	vshll.u32 v18, $0x3  }
0x6d8: {  	v18 =	vand.u32 $0x7, v18;
	v19 =	vand.u32 $0xFFFFFFC0, v19  }
0x6d9: {  	v18 =	vor.u32 v18, v19  }
0x6da: {  	v19 =	vperm.xlane v18, v15;
	_ =	sdelay $0x1  }
0x6db: {  	v19 =	vadd.s32 v16, v19;
	_ =	sdelay $0x4  }
0x6dc: {  	[tilespmem:s0], [sflag:$0x2] =	stream.indirect_vreg.gather [hbm4b:s1+s4], $0x80, v19, vm0, $0xb8;
	[tilespmem:$0x1A190] =	vst v63  }
0x6dd: {  	s29 =	simm.s32 $0xA990;
	v18 =	vperm.xlane v18, v17  }
0x6de: {  	[tilespmem:s29], [sflag:$0x2] =	stream.indirect_vreg.gather [hbm4b:s8+s4], $0x80, v19, vm0, $0xb8;
	[tilespmem:$0x1A190] =	vst v63  }
0x6df: {  	s30 =	simm.s32 $0xB190;
	v18 =	vadd.s32 v16, v18  }
0x6e0: {  	[tilespmem:s30], [sflag:$0x2] =	stream.indirect_vreg.gather [hbm4b:s10+s4], $0x80, v19, vm0, $0xb8;
	[tilespmem:$0x1A190] =	vst v63  }
0x6e1: {  	s9 =	simm.s32 $0xB990  }
0x6e2: {  	[tilespmem:s9], [sflag:$0x2] =	stream.indirect_vreg.gather [hbm4b:s12+s4], $0x80, v19, vm0, $0xb8;
	[tilespmem:$0x1A190] =	vst v63  }
0x6e3: {  	s11 =	simm.s32 $0xC190  }
0x6e4: {  	[tilespmem:s11], [sflag:$0x2] =	stream.indirect_vreg.gather [hbm4b:s1+s4], $0x80, v18, vm0, $0xb8;
	[tilespmem:$0x1A190] =	vst v63  }
0x6e5: {  	s17 =	simm.s32 $0xC990  }
0x6e6: {  	[tilespmem:s17], [sflag:$0x2] =	stream.indirect_vreg.gather [hbm4b:s8+s4], $0x80, v18, vm0, $0xb8;
	[tilespmem:$0x1A190] =	vst v63  }
0x6e7: {  	s23 =	simm.s32 $0xD190  }
0x6e8: {  	[tilespmem:s23], [sflag:$0x2] =	stream.indirect_vreg.gather [hbm4b:s10+s4], $0x80, v18, vm0, $0xb8;
	[tilespmem:$0x1A190] =	vst v63  }
0x6e9: {  	s18 =	simm.s32 $0xD990  }
0x6ea: {  	[tilespmem:s18], [sflag:$0x2] =	stream.indirect_vreg.gather [hbm4b:s12+s4], $0x80, v18, vm0, $0xb8;
	[tilespmem:$0x1A190] =	vst v63  }
0x6eb: {  	v18 =	vld [tilespmem:$0x7F0];
	_ =	sdelay $0x4  }
0x6ec: {  	v19 =	vshll.u32 v18, $0x3  }
0x6ed: {  	v18 =	vand.u32 $0x7, v18;
	v19 =	vand.u32 $0xFFFFFFC0, v19  }
0x6ee: {  	v18 =	vor.u32 v18, v19  }
0x6ef: {  	v19 =	vperm.xlane v18, v15;
	_ =	sdelay $0x1  }
0x6f0: {  	v19 =	vadd.s32 v16, v19;
	_ =	sdelay $0x3  }
0x6f1: {  	s7 =	simm.s32 $0xE190  }
0x6f2: {  	[tilespmem:s7], [sflag:$0x2] =	stream.indirect_vreg.gather [hbm4b:s1+s4], $0x80, v19, vm0, $0xb8;
	[tilespmem:$0x1A190] =	vst v63  }
0x6f3: {  	s14 =	simm.s32 $0xE990;
	v18 =	vperm.xlane v18, v17  }
0x6f4: {  	[tilespmem:s14], [sflag:$0x2] =	stream.indirect_vreg.gather [hbm4b:s8+s4], $0x80, v19, vm0, $0xb8;
	[tilespmem:$0x1A190] =	vst v63  }
0x6f5: {  	s19 =	simm.s32 $0xF190;
	v18 =	vadd.s32 v16, v18  }
0x6f6: {  	[tilespmem:s19], [sflag:$0x2] =	stream.indirect_vreg.gather [hbm4b:s10+s4], $0x80, v19, vm0, $0xb8;
	[tilespmem:$0x1A190] =	vst v63  }
0x6f7: {  	s13 =	simm.s32 $0xF990  }
0x6f8: {  	[tilespmem:s13], [sflag:$0x2] =	stream.indirect_vreg.gather [hbm4b:s12+s4], $0x80, v19, vm0, $0xb8;
	[tilespmem:$0x1A190] =	vst v63  }
0x6f9: {  	s20 =	simm.s32 $0x10190  }
0x6fa: {  	[tilespmem:s20], [sflag:$0x2] =	stream.indirect_vreg.gather [hbm4b:s1+s4], $0x80, v18, vm0, $0xb8;
	[tilespmem:$0x1A190] =	vst v63  }
0x6fb: {  	s22 =	simm.s32 $0x10990  }
0x6fc: {  	[tilespmem:s22], [sflag:$0x2] =	stream.indirect_vreg.gather [hbm4b:s8+s4], $0x80, v18, vm0, $0xb8;
	[tilespmem:$0x1A190] =	vst v63  }
0x6fd: {  	s23 =	simm.s32 $0x11190  }
0x6fe: {  	[tilespmem:s23], [sflag:$0x2] =	stream.indirect_vreg.gather [hbm4b:s10+s4], $0x80, v18, vm0, $0xb8;
	[tilespmem:$0x1A190] =	vst v63  }
0x6ff: {  	s24 =	simm.s32 $0x11990;
	s25 =	sld [smem:$0x7FB]  }
0x700: {  	[tilespmem:s24], [sflag:$0x2] =	stream.indirect_vreg.gather [hbm4b:s12+s4], $0x80, v18, vm0, $0xb8;
	[tilespmem:$0x1A190] =	vst v63  }
0x701: {  	_ = 	snop  }
0x702: {  	[hbm4b:s25+s4] =	stream.linear.scatter [tilespmem:s21], [sflag:$0x6], $0x8000, $0x38;
	[tilespmem:$0x1A190] =	vst v63  }
0x703: {  	_ =	swait.ge [sflag:s31], $0x8000  }
0x704: {  	s26 =	sld [smem:$0x7FC]  }
0x705: {  	[sflag:s31] =	ssyncset.done $0x0  }
0x706: {  	[sflag:s31] =	ssyncadd.s32 $0xFFFF8000  }
0x707: {  	[hbm4b:s26+s4] =	stream.linear.scatter [tilespmem:s15], [sflag:$0x4], $0x8000, $0x38;
	[tilespmem:$0x1A190] =	vst v63  }
0x708: {  	_ =	swait.ge [sflag:s3], $0x8000  }
0x709: {  	s28 =	sld [smem:$0x7FD]  }
0x70a: {  	[sflag:s3] =	ssyncset.done $0x0  }
0x70b: {  	[sflag:s3] =	ssyncadd.s32 $0xFFFF8000  }
0x70c: {  	[hbm4b:s28+s4] =	stream.linear.scatter [tilespmem:s0], [sflag:$0x5], $0x8000, $0x38;
	[tilespmem:$0x1A190] =	vst v63  }
0x70d: {  	_ =	swait.ge [sflag:s16], $0x8000  }
0x70e: {  	[sflag:s16] =	ssyncset.done $0x0  }
0x70f: {  	[sflag:s16] =	ssyncadd.s32 $0xFFFF8000  }
0x710: {  	_ =	swait.ge [sflag:s5], $0x8000  }
0x711: {  	[sflag:s5] =	ssyncset.done $0x0  }
0x712: {  	[sflag:s5] =	ssyncadd.s32 $0xFFFF8000  }
0x713: {  	_ =	swait.ge [sflag:s2], $0x8000  }
0x714: {  	s29 =	sld [smem:$0x7F5];
	_ =	sdelay $0x2  }
0x715: {  	s30 =	rddreg [dreg:$0x8];
	s6 =	sadd.s32 $0x1, s29  }
0x716: {  	p0 =	sne.s32 s6, s30  }
.Ltmp7:
0x717: {  	_ = 	snop;
	(pc) =	sbr.rel @p0 .LBB2_1-.Ltmp7, $3  }
0x718: {  	_ =	sdelay $0x1  }
0x719: {  	[sflag:s2] =	ssyncset.done $0x0  }
0x71a: {  	[sflag:s2] =	ssyncadd.s32 $0xFFFF8000  }
0x71b: {  	_ =	sfence.sel $0x180000  }
0x71c: {  	[bflag:$0x0] =	sbarrier.arrive $0xFFFF  }
0x71d: {  	_ =	strace $0x90000047  }
0x71e: {  	s0 =	stileid.u32;
	[bflag:$0x2] =	sbarrier.arrive $0xFFFF  }
0x71f: {  	p0 =	sne.s32 s0, $0x0;
	s0 =	rddreg [dreg:$0x4]  }
0x720: {  	s0 =	sadd.s32 @!p0 $0x100000, s0  }
0x721: {  	[sflag:s0] =	ssyncadd.tile.s32 @!p0 $0x1;
	_ =	shalt  }
.Lfunc_end2:
_tile_overlayer_lowered:
.L_overlay_start_2:
0x722: {  	(tag) =	ssettag $0x2  }
0x723: {  	s0 =	rddreg [dreg:$0x0];
	s2 =	stileid.u32  }
0x724: {  	s1 =	rddreg [dreg:$0x1];
	p0 =	sne.s32 s2, $0x0  }
0x725: {  	s3 =	rddreg [dreg:$0x2];
	[bflag:$0x3] =	sbarrier.arrive $0xFFFF;
	s2 =	simm.s32 @!p0 $0x1C07  }
0x726: {  	[timem:s3], [sflag:s2] =	dma.local @!p0 [hbm:s0], s1  }
0x727: {  	s0 =	simm.s32 @!p0 $0x7  }
0x728: {  	_ =	swait.ge @!p0 [sflag:s0], s1  }
0x729: {  	s1 =	ssub.s32 @!p0 $0x0, s1;
	[sflag:s0] =	ssyncset.done @!p0 $0x0  }
0x72a: {  	[sflag:s0] =	ssyncadd.s32 @!p0 s1  }
0x72b: {  	[bflag:$0x3] =	sbarrier.arrive $0xFFFF  }
0x72c: {  	_ =	shalt  }

</sc_bundles>
